<compile_context>
chip_gen: v7x
topology: tpu7x:2x2x1
jax: 0.10.2.dev20260603
libtpu: 0.0.44.dev20260713+nightly
codegen_flags: <defaults>
</compile_context>

<pallas_src>
import functools

import jax
import jax.numpy as jnp
from jax import lax
from jax.experimental import pallas as pl
from jax.experimental.pallas import tpu as pltpu
from jax.experimental.pallas import tpu_sc as plsc

N = 10000
D = 128
E = 320000

NC = 2
NS = 16
L = 16
NW = NC * NS

CHUNK = 128
ITERS = 79
EPT = ITERS * CHUNK
E_PAD = NW * EPT

ROWS_PER_TILE = N // NS
ZROWS = 25

_MESH = plsc.VectorSubcoreMesh(
    core_axis_name="c", subcore_axis_name="s", num_cores=NC, num_subcores=NS
)


def _fast_rsqrt(v):
  i = plsc.bitcast(v, jnp.int32)
  i = jnp.int32(0x5F3759DF) - lax.shift_right_logical(i, 1)
  y = plsc.bitcast(i, jnp.float32)
  for _ in range(3):
    y = y * (1.5 - 0.5 * v * y * y)
  return y


EPS_A = E_PAD // NS
DROWS = 640
DCH = DROWS // CHUNK


@functools.partial(
    pl.kernel,
    out_type=jax.ShapeDtypeStruct((E_PAD,), jnp.float32),
    mesh=_MESH,
    compiler_params=pltpu.CompilerParams(needs_layout_passes=False, use_tc_tiling_on_sc=False),
    scratch_types=[
        pltpu.VMEM((EPS_A,), jnp.int32),
        pltpu.VMEM((EPS_A,), jnp.float32),
        pltpu.VMEM((DROWS * L,), jnp.float32),
        pltpu.VMEM((DROWS, L), jnp.float32),
        pltpu.VMEM((DCH, CHUNK), jnp.int32),
        pltpu.VMEM((EPT,), jnp.int32),
        pltpu.VMEM((EPT,), jnp.int32),
        pltpu.VMEM((EPT,), jnp.float32),
        pltpu.VMEM((EPT,), jnp.float32),
        pltpu.VMEM_SHARED((DROWS, L), jnp.float32),
    ],
)
def _prep_kernel(src_hbm, dst_hbm, ew_hbm, w_hbm,
                 dst_a, ew_a, deg_v, deg2, iot, src_d, dst_d, ew_d, w_d,
                 deg_sh):
  cid = lax.axis_index("c")
  sid = lax.axis_index("s")
  wid = cid * NS + sid

  def zero_body(i, _):
    deg_v[pl.ds(i * L, L)] = jnp.zeros((L,), jnp.float32)
    deg2[i] = jnp.zeros((L,), jnp.float32)
    return 0
  lax.fori_loop(0, DROWS, zero_body, 0)
  for k in range(DCH):
    for j in range(CHUNK // L):
      iot[k, pl.ds(j * L, L)] = lax.iota(jnp.int32, L) + (k * CHUNK + j * L)

  @pl.when(sid == 0)
  def _():
    pltpu.sync_copy(deg2, deg_sh)
  plsc.subcore_barrier()

  pltpu.sync_copy(dst_hbm.at[pl.ds(sid * EPS_A, EPS_A)], dst_a)
  pltpu.sync_copy(ew_hbm.at[pl.ds(sid * EPS_A, EPS_A)], ew_a)

  def deg_body(v, _):
    d = dst_a[pl.ds(v * L, L)]
    e = ew_a[pl.ds(v * L, L)]
    plsc.addupdate_scatter(deg_v, [d], e)
    return 0
  lax.fori_loop(0, EPS_A // L, deg_body, 0)

  def pack_body(i, _):
    deg2[i] = deg_v[pl.ds(i * L, L)]
    return 0
  lax.fori_loop(0, DROWS, pack_body, 0)
  for k in range(DCH):
    pltpu.sync_copy(deg2.at[pl.ds(k * CHUNK, CHUNK)],
                    deg_sh.at[iot.at[k]], add=True)
  plsc.subcore_barrier()

  pltpu.sync_copy(deg_sh, deg2)

  def isd_body(i, _):
    v = deg2[i] + 1e-12
    deg_v[pl.ds(i * L, L)] = _fast_rsqrt(v)
    return 0
  lax.fori_loop(0, DROWS, isd_body, 0)

  base = wid * EPT
  pltpu.sync_copy(src_hbm.at[pl.ds(base, EPT)], src_d)
  pltpu.sync_copy(dst_hbm.at[pl.ds(base, EPT)], dst_d)
  pltpu.sync_copy(ew_hbm.at[pl.ds(base, EPT)], ew_d)

  def w_body(j, _):
    s = src_d[pl.ds(j * L, L)]
    d = dst_d[pl.ds(j * L, L)]
    e = ew_d[pl.ds(j * L, L)]
    ws = plsc.load_gather(deg_v, [s])
    wd = plsc.load_gather(deg_v, [d])
    w_d[pl.ds(j * L, L)] = ws * e * wd
    return 0
  lax.fori_loop(0, EPT // L, w_body, 0)

  pltpu.sync_copy(w_d, w_hbm.at[pl.ds(base, EPT)])


@functools.partial(
    pl.kernel,
    out_type=jax.ShapeDtypeStruct((NC, N, D), jnp.float32),
    mesh=_MESH,
    compiler_params=pltpu.CompilerParams(needs_layout_passes=False, use_tc_tiling_on_sc=False),
    scratch_types=[
        pltpu.VMEM((2, CHUNK), jnp.int32),
        pltpu.VMEM((2 * CHUNK,), jnp.float32),
        pltpu.VMEM((ITERS, CHUNK), jnp.int32),
        pltpu.VMEM((CHUNK, D), jnp.float32),
        pltpu.VMEM((CHUNK, D), jnp.float32),
        pltpu.VMEM((ZROWS, D), jnp.float32),
        pltpu.VMEM_SHARED((N, D), jnp.float32),
        pltpu.SemaphoreType.DMA,
        pltpu.SemaphoreType.DMA,
        pltpu.SemaphoreType.DMA,
        pltpu.SemaphoreType.DMA,
        pltpu.SemaphoreType.DMA,
        pltpu.SemaphoreType.DMA,
    ],
)
def _hop_kernel(h_hbm, src_hbm, dst3_hbm, w_hbm, part_hbm,
                src2, w2, dst_v, rows0, rows1, zbuf, acc,
                gsem0, gsem1, ssem0, ssem1, esem0, esem1):
  cid = lax.axis_index("c")
  sid = lax.axis_index("s")
  wid = cid * NS + sid
  rows = (rows0, rows1)
  gsem = (gsem0, gsem1)
  ssem = (ssem0, ssem1)
  esem = (esem0, esem1)

  def zb_body(r, _):
    for k in range(D // L):
      zbuf[r, pl.ds(k * L, L)] = jnp.zeros((L,), jnp.float32)
    return 0
  lax.fori_loop(0, ZROWS, zb_body, 0)
  for k in range(ROWS_PER_TILE // ZROWS):
    pltpu.sync_copy(zbuf, acc.at[pl.ds(sid * ROWS_PER_TILE + k * ZROWS, ZROWS)])
  plsc.subcore_barrier()

  base = wid * EPT
  pltpu.sync_copy(dst3_hbm.at[wid], dst_v)

  def fetch_edges_sync(g, slot):
    pltpu.sync_copy(src_hbm.at[pl.ds(base + g * CHUNK, CHUNK)], src2.at[slot])
    pltpu.sync_copy(w_hbm.at[pl.ds(base + g * CHUNK, CHUNK)],
                    w2.at[pl.ds(slot * CHUNK, CHUNK)])

  def fetch_edges(g, slot):
    pltpu.async_copy(src_hbm.at[pl.ds(base + g * CHUNK, CHUNK)],
                     src2.at[slot], esem[slot])
    pltpu.async_copy(w_hbm.at[pl.ds(base + g * CHUNK, CHUNK)],
                     w2.at[pl.ds(slot * CHUNK, CHUNK)], esem[slot])

  def wait_edges(slot):
    pltpu.make_async_copy(src_hbm.at[pl.ds(0, CHUNK)], src2.at[slot],
                          esem[slot]).wait()
    pltpu.make_async_copy(w_hbm.at[pl.ds(0, CHUNK)],
                          w2.at[pl.ds(slot * CHUNK, CHUNK)],
                          esem[slot]).wait()

  def issue_gather(b):
    pltpu.async_copy(h_hbm.at[src2.at[b]], rows[b], gsem[b])

  def wait_gather(b):
    pltpu.make_async_copy(h_hbm.at[src2.at[b]], rows[b], gsem[b]).wait()

  def issue_scatter(b, g):
    pltpu.async_copy(rows[b], acc.at[dst_v.at[g]], ssem[b], add=True)

  def wait_scatter(b):
    pltpu.make_async_copy(rows[b], acc.at[dst_v.at[0]], ssem[b]).wait()

  def scale(b):
    rb = rows[b]

    def scale_body(e, _):
      wv = plsc.load_gather(
          w2, [jnp.broadcast_to(b * CHUNK + e, (L,))])
      for k in range(D // L):
        rb[e, pl.ds(k * L, L)] = rb[e, pl.ds(k * L, L)] * wv
      return 0
    lax.fori_loop(0, CHUNK, scale_body, 0)

  def zrows_body(r, _):
    for k in range(D // L):
      rows1[r, pl.ds(k * L, L)] = jnp.zeros((L,), jnp.float32)
    return 0
  lax.fori_loop(0, CHUNK, zrows_body, 0)
  fetch_edges_sync(0, 0)
  issue_gather(0)
  fetch_edges(1, 1)
  issue_scatter(1, 0)

  LOOPK = (ITERS - 3) // 2

  def pipe_body(k, _):
    wait_scatter(1)
    wait_edges(1)
    issue_gather(1)
    wait_gather(0)
    scale(0)
    fetch_edges(2 * k + 2, 0)
    issue_scatter(0, 2 * k)

    wait_scatter(0)
    wait_edges(0)
    issue_gather(0)
    wait_gather(1)
    scale(1)
    fetch_edges(2 * k + 3, 1)
    issue_scatter(1, 2 * k + 1)
    return 0

  lax.fori_loop(0, LOOPK, pipe_body, 0)

  wait_scatter(1)
  wait_edges(1)
  issue_gather(1)
  wait_gather(0)
  scale(0)
  fetch_edges(ITERS - 1, 0)
  issue_scatter(0, ITERS - 3)
  wait_scatter(0)
  wait_edges(0)
  issue_gather(0)
  wait_gather(1)
  scale(1)
  issue_scatter(1, ITERS - 2)
  wait_gather(0)
  scale(0)
  issue_scatter(0, ITERS - 1)
  wait_scatter(0)
  wait_scatter(1)

  plsc.subcore_barrier()
  pltpu.sync_copy(acc.at[pl.ds(sid * ROWS_PER_TILE, ROWS_PER_TILE)],
                  part_hbm.at[cid, pl.ds(sid * ROWS_PER_TILE, ROWS_PER_TILE)])


def _mlp_body(x_ref, w1_ref, b1_ref, g1_ref, be1_ref,
              w2_ref, b2_ref, g2_ref, be2_ref, o_ref):
  def layer(h, w, b, g, be):
    h = jnp.dot(h, w[...], preferred_element_type=jnp.float32) + b[...][None, :]
    mean = jnp.mean(h, axis=0, keepdims=True)
    var = jnp.mean((h - mean) * (h - mean), axis=0, keepdims=True)
    h = (h - mean) * lax.rsqrt(var + 1e-5) * g[...][None, :] + be[...][None, :]
    return jnp.maximum(h, 0.0)

  h = layer(x_ref[...], w1_ref, b1_ref, g1_ref, be1_ref)
  o_ref[...] = layer(h, w2_ref, b2_ref, g2_ref, be2_ref)


_mlp_call = pl.pallas_call(
    _mlp_body,
    out_shape=jax.ShapeDtypeStruct((N, D), jnp.float32),
)


def _combine_body(p_ref, o_ref):
  o_ref[...] = p_ref[0] + p_ref[1]


_combine_call = pl.pallas_call(
    _combine_body,
    out_shape=jax.ShapeDtypeStruct((N, D), jnp.float32),
)


def kernel(x, edge_index, edge_weight, W1, b1, g1, be1, W2, b2, g2, be2):
  src = edge_index[0]
  dst = edge_index[1]
  pad = E_PAD - E
  src_p = jnp.concatenate([src, jnp.zeros((pad,), jnp.int32)])
  dst_p = jnp.concatenate([dst, jnp.zeros((pad,), jnp.int32)])
  ew_p = jnp.concatenate([edge_weight, jnp.zeros((pad,), jnp.float32)])
  dst3 = dst_p.reshape(NW, ITERS, CHUNK)

  w = _prep_kernel(src_p, dst_p, ew_p)
  h = _mlp_call(x, W1, b1, g1, be1, W2, b2, g2, be2)

  p1 = _hop_kernel(h, src_p, dst3, w)
  h1 = _combine_call(p1)
  p2 = _hop_kernel(h1, src_p, dst3, w)
  return _combine_call(p2)

# --- scband reference (transcript-rebuilt; emitter-appended) ---
"""Pipeline reference for scband-post-mlp-43473658970710 (READ-ONLY COPY).

The authoritative reference and input builder live on the scoring server;
editing this copy changes nothing except your own understanding.
"""

import jax, jax.numpy as jnp
import numpy as np

N = 10000
E = 320000
D = 128
HOPS = 2


def _mlp_layer(h, W, b, gamma, beta):
    # Linear -> BatchNorm (batch stats, as in training-mode reset params) -> ReLU
    h = h @ W + b
    mean = jnp.mean(h, axis=0)
    var = jnp.var(h, axis=0)
    h = (h - mean) / jnp.sqrt(var + 1e-5) * gamma + beta
    return jax.nn.relu(h)


def setup_inputs(seed: int = 0) -> dict:
    key = jax.random.key(seed)
    ks = jax.random.split(key, 8)
    x = jax.random.normal(ks[0], (N, D), dtype=jnp.float32)
    edge_index = jax.random.randint(ks[1], (2, E), 0, N, dtype=jnp.int32)
    edge_weight = jax.random.uniform(ks[2], (E,), dtype=jnp.float32)
    s = 1.0 / np.sqrt(D)
    W1 = jax.random.normal(ks[3], (D, D), dtype=jnp.float32) * s
    b1 = jnp.zeros((D,), dtype=jnp.float32)
    g1 = jnp.ones((D,), dtype=jnp.float32)
    be1 = jnp.zeros((D,), dtype=jnp.float32)
    W2 = jax.random.normal(ks[4], (D, D), dtype=jnp.float32) * s
    b2 = jnp.zeros((D,), dtype=jnp.float32)
    g2 = jnp.ones((D,), dtype=jnp.float32)
    be2 = jnp.zeros((D,), dtype=jnp.float32)
    return {"x": x, "edge_index": edge_index, "edge_weight": edge_weight,
            "W1": W1, "b1": b1, "g1": g1, "be1": be1,
            "W2": W2, "b2": b2, "g2": g2, "be2": be2}


def reference(x, edge_index, edge_weight, W1, b1, g1, be1, W2, b2, g2, be2):
    # PostMLP: MLP (2 layers, plain_last=False so norm+act on last layer too)
    h = _mlp_layer(x, W1, b1, g1, be1)
    h = _mlp_layer(h, W2, b2, g2, be2)
    # dropout_prop = 0.0 -> identity
    # conv: K-hop symmetric-normalized weighted adjacency propagation (AdjConv-style)
    src = edge_index[0]
    dst = edge_index[1]
    deg = jax.ops.segment_sum(edge_weight, dst, num_segments=N)
    inv_sqrt_deg = jax.lax.rsqrt(deg + 1e-12)
    w = inv_sqrt_deg[src] * edge_weight * inv_sqrt_deg[dst]
    for _ in range(HOPS):
        msgs = h[src] * w[:, None]
        h = jax.ops.segment_sum(msgs, dst, num_segments=N)
    return h

if __name__ == "__main__":
    import jax
    _d = setup_inputs()
    print(jax.jit(kernel)(*tuple(_d.values())))

</pallas_src>

<mosaic_0001>
#map = affine_map<(d0, d1) -> (0, 0)>
#map1 = affine_map<(d0, d1) -> (0)>
#map2 = affine_map<(d0, d1) -> (0, 0, 0)>
module attributes {stable_mosaic.version = 14 : i64} {
  func.func @_hop_kernel(%arg0: i32, %arg1: i32, %arg2: memref<10000x128xf32, #tpu.memory_space<hbm>>, %arg3: memref<323584xi32, #tpu.memory_space<hbm>>, %arg4: memref<32x79x128xi32, #tpu.memory_space<hbm>>, %arg5: memref<323584xf32, #tpu.memory_space<hbm>>, %arg6: memref<2x10000x128xf32, #tpu.memory_space<hbm>>, %arg7: memref<2x128xi32, #tpu.memory_space<vmem>>, %arg8: memref<256xf32, #tpu.memory_space<vmem>>, %arg9: memref<79x128xi32, #tpu.memory_space<vmem>>, %arg10: memref<128x128xf32, #tpu.memory_space<vmem>>, %arg11: memref<128x128xf32, #tpu.memory_space<vmem>>, %arg12: memref<25x128xf32, #tpu.memory_space<vmem>>, %arg13: memref<10000x128xf32, #tpu.memory_space<vmem_shared>>, %arg14: memref<!tpu.dma_semaphore, #tpu.memory_space<semaphore_mem>>, %arg15: memref<!tpu.dma_semaphore, #tpu.memory_space<semaphore_mem>>, %arg16: memref<!tpu.dma_semaphore, #tpu.memory_space<semaphore_mem>>, %arg17: memref<!tpu.dma_semaphore, #tpu.memory_space<semaphore_mem>>, %arg18: memref<!tpu.dma_semaphore, #tpu.memory_space<semaphore_mem>>, %arg19: memref<!tpu.dma_semaphore, #tpu.memory_space<semaphore_mem>>) attributes {dimension_semantics = [#tpu.dimension_semantics<core_parallel>, #tpu.dimension_semantics<subcore_parallel>], iteration_bounds = array<i64: 2, 16>, scalar_prefetch = 0 : i64, scratch_operands = 13 : i64, tpu.core_type = #tpu.core_type<sc_vector_subcore>, window_params = [{transform_indices = #map}, {transform_indices = #map1}, {transform_indices = #map2}, {transform_indices = #map1}, {transform_indices = #map2}]} {
    %mul3A = arith.constant 16 : i32
    %mul3A_0 = arith.muli %arg0, %mul3A : i32
    %add3A = arith.addi %mul3A_0, %arg1 : i32
    %scan3A = arith.constant 0 : i32
    %scan3A_1 = arith.constant 0 : i32
    %scan3A_2 = arith.constant 25 : i32
    %scan3A_3 = arith.addi %scan3A_1, %scan3A_2 : i32
    %scan3A_4 = arith.constant 1 : i32
    %scan3A_5 = scf.for %scan3A_325 = %scan3A_1 to %scan3A_3 step %scan3A_4 iter_args(%scan3A_326 = %scan3A) -> (i32)  : i32 {
      %broadcast_in_dim3A = arith.constant 0.000000e+00 : f32
      %broadcast_in_dim3A_327 = vector.broadcast %broadcast_in_dim3A : f32 to vector<16xf32>
      %swap3A = arith.index_cast %scan3A_325 : i32 to index
      %swap3A_328 = arith.constant 0 : index
      %swap3A_329 = tpu.vector_load %arg12[%swap3A, %swap3A_328] {strides = array<i32>} : memref<25x128xf32, #tpu.memory_space<vmem>>, vector<16xf32>,
      tpu.vector_store %arg12[%swap3A, %swap3A_328], %broadcast_in_dim3A_327 {strides = array<i32>} : memref<25x128xf32, #tpu.memory_space<vmem>>, vector<16xf32>,
      %broadcast_in_dim3A_330 = arith.constant 0.000000e+00 : f32
      %broadcast_in_dim3A_331 = vector.broadcast %broadcast_in_dim3A_330 : f32 to vector<16xf32>
      %swap3A_332 = arith.index_cast %scan3A_325 : i32 to index
      %swap3A_333 = arith.constant 16 : index
      %swap3A_334 = tpu.vector_load %arg12[%swap3A_332, %swap3A_333] {strides = array<i32>} : memref<25x128xf32, #tpu.memory_space<vmem>>, vector<16xf32>,
      tpu.vector_store %arg12[%swap3A_332, %swap3A_333], %broadcast_in_dim3A_331 {strides = array<i32>} : memref<25x128xf32, #tpu.memory_space<vmem>>, vector<16xf32>,
      %broadcast_in_dim3A_335 = arith.constant 0.000000e+00 : f32
      %broadcast_in_dim3A_336 = vector.broadcast %broadcast_in_dim3A_335 : f32 to vector<16xf32>
      %swap3A_337 = arith.index_cast %scan3A_325 : i32 to index
      %swap3A_338 = arith.constant 32 : index
      %swap3A_339 = tpu.vector_load %arg12[%swap3A_337, %swap3A_338] {strides = array<i32>} : memref<25x128xf32, #tpu.memory_space<vmem>>, vector<16xf32>,
      tpu.vector_store %arg12[%swap3A_337, %swap3A_338], %broadcast_in_dim3A_336 {strides = array<i32>} : memref<25x128xf32, #tpu.memory_space<vmem>>, vector<16xf32>,
      %broadcast_in_dim3A_340 = arith.constant 0.000000e+00 : f32
      %broadcast_in_dim3A_341 = vector.broadcast %broadcast_in_dim3A_340 : f32 to vector<16xf32>
      %swap3A_342 = arith.index_cast %scan3A_325 : i32 to index
      %swap3A_343 = arith.constant 48 : index
      %swap3A_344 = tpu.vector_load %arg12[%swap3A_342, %swap3A_343] {strides = array<i32>} : memref<25x128xf32, #tpu.memory_space<vmem>>, vector<16xf32>,
      tpu.vector_store %arg12[%swap3A_342, %swap3A_343], %broadcast_in_dim3A_341 {strides = array<i32>} : memref<25x128xf32, #tpu.memory_space<vmem>>, vector<16xf32>,
      %broadcast_in_dim3A_345 = arith.constant 0.000000e+00 : f32
      %broadcast_in_dim3A_346 = vector.broadcast %broadcast_in_dim3A_345 : f32 to vector<16xf32>
      %swap3A_347 = arith.index_cast %scan3A_325 : i32 to index
      %swap3A_348 = arith.constant 64 : index
      %swap3A_349 = tpu.vector_load %arg12[%swap3A_347, %swap3A_348] {strides = array<i32>} : memref<25x128xf32, #tpu.memory_space<vmem>>, vector<16xf32>,
      tpu.vector_store %arg12[%swap3A_347, %swap3A_348], %broadcast_in_dim3A_346 {strides = array<i32>} : memref<25x128xf32, #tpu.memory_space<vmem>>, vector<16xf32>,
      %broadcast_in_dim3A_350 = arith.constant 0.000000e+00 : f32
      %broadcast_in_dim3A_351 = vector.broadcast %broadcast_in_dim3A_350 : f32 to vector<16xf32>
      %swap3A_352 = arith.index_cast %scan3A_325 : i32 to index
      %swap3A_353 = arith.constant 80 : index
      %swap3A_354 = tpu.vector_load %arg12[%swap3A_352, %swap3A_353] {strides = array<i32>} : memref<25x128xf32, #tpu.memory_space<vmem>>, vector<16xf32>,
      tpu.vector_store %arg12[%swap3A_352, %swap3A_353], %broadcast_in_dim3A_351 {strides = array<i32>} : memref<25x128xf32, #tpu.memory_space<vmem>>, vector<16xf32>,
      %broadcast_in_dim3A_355 = arith.constant 0.000000e+00 : f32
      %broadcast_in_dim3A_356 = vector.broadcast %broadcast_in_dim3A_355 : f32 to vector<16xf32>
      %swap3A_357 = arith.index_cast %scan3A_325 : i32 to index
      %swap3A_358 = arith.constant 96 : index
      %swap3A_359 = tpu.vector_load %arg12[%swap3A_357, %swap3A_358] {strides = array<i32>} : memref<25x128xf32, #tpu.memory_space<vmem>>, vector<16xf32>,
      tpu.vector_store %arg12[%swap3A_357, %swap3A_358], %broadcast_in_dim3A_356 {strides = array<i32>} : memref<25x128xf32, #tpu.memory_space<vmem>>, vector<16xf32>,
      %broadcast_in_dim3A_360 = arith.constant 0.000000e+00 : f32
      %broadcast_in_dim3A_361 = vector.broadcast %broadcast_in_dim3A_360 : f32 to vector<16xf32>
      %swap3A_362 = arith.index_cast %scan3A_325 : i32 to index
      %swap3A_363 = arith.constant 112 : index
      %swap3A_364 = tpu.vector_load %arg12[%swap3A_362, %swap3A_363] {strides = array<i32>} : memref<25x128xf32, #tpu.memory_space<vmem>>, vector<16xf32>,
      tpu.vector_store %arg12[%swap3A_362, %swap3A_363], %broadcast_in_dim3A_361 {strides = array<i32>} : memref<25x128xf32, #tpu.memory_space<vmem>>, vector<16xf32>,
      %scan3A_365 = arith.constant 0 : i32
      scf.yield %scan3A_365 : i32
    }
    %scan3A_6 = arith.constant 25 : i32
    %mul3A_7 = arith.constant 625 : i32
    %mul3A_8 = arith.muli %arg1, %mul3A_7 : i32
    %add3A_9 = arith.constant 0 : i32
    %add3A_10 = arith.addi %mul3A_8, %add3A_9 : i32
    "tpu.region"() ({
      %run_scoped3A_325 = tpu.sem_alloc : memref<!tpu.dma_semaphore, #tpu.memory_space<semaphore_mem>>
      %dma_start3A_326 = arith.constant 0 : i32
      %dma_start3A_327 = tpu.memref_slice %arg13[%add3A_10, %dma_start3A_326] : memref<10000x128xf32, #tpu.memory_space<vmem_shared>> -> memref<25x128xf32, #tpu.memory_space<vmem_shared>>
      %dma_start3A_328 = arith.constant 0 : i32
      %dma_start3A_329 = tpu.memref_slice %arg13[%add3A_10, %dma_start3A_328] : memref<10000x128xf32, #tpu.memory_space<vmem_shared>> -> memref<25x128xf32, #tpu.memory_space<vmem_shared>>
      tpu.enqueue_dma source(%arg12 : memref<25x128xf32, #tpu.memory_space<vmem>>) target(%dma_start3A_329 : memref<25x128xf32, #tpu.memory_space<vmem_shared>>) target_semaphore(%run_scoped3A_325 : memref<!tpu.dma_semaphore, #tpu.memory_space<semaphore_mem>>)
      %dma_wait3A_330 = arith.constant 0 : i32
      %dma_wait3A_331 = tpu.memref_slice %arg13[%add3A_10, %dma_wait3A_330] : memref<10000x128xf32, #tpu.memory_space<vmem_shared>> -> memref<25x128xf32, #tpu.memory_space<vmem_shared>>
      %dma_wait3A_332 = arith.constant 0 : i32
      %dma_wait3A_333 = tpu.memref_slice %arg13[%add3A_10, %dma_wait3A_332] : memref<10000x128xf32, #tpu.memory_space<vmem_shared>> -> memref<25x128xf32, #tpu.memory_space<vmem_shared>>
      tpu.wait_dma2 semaphore(%run_scoped3A_325 : memref<!tpu.dma_semaphore, #tpu.memory_space<semaphore_mem>>) src(%arg12 : memref<25x128xf32, #tpu.memory_space<vmem>>) dst(%dma_wait3A_333 : memref<25x128xf32, #tpu.memory_space<vmem_shared>>)
      tpu.yield
    }) : () -> ()
    %mul3A_11 = arith.constant 625 : i32
    %mul3A_12 = arith.muli %arg1, %mul3A_11 : i32
    %add3A_13 = arith.constant 25 : i32
    %add3A_14 = arith.addi %mul3A_12, %add3A_13 : i32
    "tpu.region"() ({
      %run_scoped3A_325 = tpu.sem_alloc : memref<!tpu.dma_semaphore, #tpu.memory_space<semaphore_mem>>
      %dma_start3A_326 = arith.constant 0 : i32
      %dma_start3A_327 = tpu.memref_slice %arg13[%add3A_14, %dma_start3A_326] : memref<10000x128xf32, #tpu.memory_space<vmem_shared>> -> memref<25x128xf32, #tpu.memory_space<vmem_shared>>
      %dma_start3A_328 = arith.constant 0 : i32
      %dma_start3A_329 = tpu.memref_slice %arg13[%add3A_14, %dma_start3A_328] : memref<10000x128xf32, #tpu.memory_space<vmem_shared>> -> memref<25x128xf32, #tpu.memory_space<vmem_shared>>
      tpu.enqueue_dma source(%arg12 : memref<25x128xf32, #tpu.memory_space<vmem>>) target(%dma_start3A_329 : memref<25x128xf32, #tpu.memory_space<vmem_shared>>) target_semaphore(%run_scoped3A_325 : memref<!tpu.dma_semaphore, #tpu.memory_space<semaphore_mem>>)
      %dma_wait3A_330 = arith.constant 0 : i32
      %dma_wait3A_331 = tpu.memref_slice %arg13[%add3A_14, %dma_wait3A_330] : memref<10000x128xf32, #tpu.memory_space<vmem_shared>> -> memref<25x128xf32, #tpu.memory_space<vmem_shared>>
      %dma_wait3A_332 = arith.constant 0 : i32
      %dma_wait3A_333 = tpu.memref_slice %arg13[%add3A_14, %dma_wait3A_332] : memref<10000x128xf32, #tpu.memory_space<vmem_shared>> -> memref<25x128xf32, #tpu.memory_space<vmem_shared>>
      tpu.wait_dma2 semaphore(%run_scoped3A_325 : memref<!tpu.dma_semaphore, #tpu.memory_space<semaphore_mem>>) src(%arg12 : memref<25x128xf32, #tpu.memory_space<vmem>>) dst(%dma_wait3A_333 : memref<25x128xf32, #tpu.memory_space<vmem_shared>>)
      tpu.yield
    }) : () -> ()
    %mul3A_15 = arith.constant 625 : i32
    %mul3A_16 = arith.muli %arg1, %mul3A_15 : i32
    %add3A_17 = arith.constant 50 : i32
    %add3A_18 = arith.addi %mul3A_16, %add3A_17 : i32
    "tpu.region"() ({
      %run_scoped3A_325 = tpu.sem_alloc : memref<!tpu.dma_semaphore, #tpu.memory_space<semaphore_mem>>
      %dma_start3A_326 = arith.constant 0 : i32
      %dma_start3A_327 = tpu.memref_slice %arg13[%add3A_18, %dma_start3A_326] : memref<10000x128xf32, #tpu.memory_space<vmem_shared>> -> memref<25x128xf32, #tpu.memory_space<vmem_shared>>
      %dma_start3A_328 = arith.constant 0 : i32
      %dma_start3A_329 = tpu.memref_slice %arg13[%add3A_18, %dma_start3A_328] : memref<10000x128xf32, #tpu.memory_space<vmem_shared>> -> memref<25x128xf32, #tpu.memory_space<vmem_shared>>
      tpu.enqueue_dma source(%arg12 : memref<25x128xf32, #tpu.memory_space<vmem>>) target(%dma_start3A_329 : memref<25x128xf32, #tpu.memory_space<vmem_shared>>) target_semaphore(%run_scoped3A_325 : memref<!tpu.dma_semaphore, #tpu.memory_space<semaphore_mem>>)
      %dma_wait3A_330 = arith.constant 0 : i32
      %dma_wait3A_331 = tpu.memref_slice %arg13[%add3A_18, %dma_wait3A_330] : memref<10000x128xf32, #tpu.memory_space<vmem_shared>> -> memref<25x128xf32, #tpu.memory_space<vmem_shared>>
      %dma_wait3A_332 = arith.constant 0 : i32
      %dma_wait3A_333 = tpu.memref_slice %arg13[%add3A_18, %dma_wait3A_332] : memref<10000x128xf32, #tpu.memory_space<vmem_shared>> -> memref<25x128xf32, #tpu.memory_space<vmem_shared>>
      tpu.wait_dma2 semaphore(%run_scoped3A_325 : memref<!tpu.dma_semaphore, #tpu.memory_space<semaphore_mem>>) src(%arg12 : memref<25x128xf32, #tpu.memory_space<vmem>>) dst(%dma_wait3A_333 : memref<25x128xf32, #tpu.memory_space<vmem_shared>>)
      tpu.yield
    }) : () -> ()
    %mul3A_19 = arith.constant 625 : i32
    %mul3A_20 = arith.muli %arg1, %mul3A_19 : i32
    %add3A_21 = arith.constant 75 : i32
    %add3A_22 = arith.addi %mul3A_20, %add3A_21 : i32
    "tpu.region"() ({
      %run_scoped3A_325 = tpu.sem_alloc : memref<!tpu.dma_semaphore, #tpu.memory_space<semaphore_mem>>
      %dma_start3A_326 = arith.constant 0 : i32
      %dma_start3A_327 = tpu.memref_slice %arg13[%add3A_22, %dma_start3A_326] : memref<10000x128xf32, #tpu.memory_space<vmem_shared>> -> memref<25x128xf32, #tpu.memory_space<vmem_shared>>
      %dma_start3A_328 = arith.constant 0 : i32
      %dma_start3A_329 = tpu.memref_slice %arg13[%add3A_22, %dma_start3A_328] : memref<10000x128xf32, #tpu.memory_space<vmem_shared>> -> memref<25x128xf32, #tpu.memory_space<vmem_shared>>
      tpu.enqueue_dma source(%arg12 : memref<25x128xf32, #tpu.memory_space<vmem>>) target(%dma_start3A_329 : memref<25x128xf32, #tpu.memory_space<vmem_shared>>) target_semaphore(%run_scoped3A_325 : memref<!tpu.dma_semaphore, #tpu.memory_space<semaphore_mem>>)
      %dma_wait3A_330 = arith.constant 0 : i32
      %dma_wait3A_331 = tpu.memref_slice %arg13[%add3A_22, %dma_wait3A_330] : memref<10000x128xf32, #tpu.memory_space<vmem_shared>> -> memref<25x128xf32, #tpu.memory_space<vmem_shared>>
      %dma_wait3A_332 = arith.constant 0 : i32
      %dma_wait3A_333 = tpu.memref_slice %arg13[%add3A_22, %dma_wait3A_332] : memref<10000x128xf32, #tpu.memory_space<vmem_shared>> -> memref<25x128xf32, #tpu.memory_space<vmem_shared>>
      tpu.wait_dma2 semaphore(%run_scoped3A_325 : memref<!tpu.dma_semaphore, #tpu.memory_space<semaphore_mem>>) src(%arg12 : memref<25x128xf32, #tpu.memory_space<vmem>>) dst(%dma_wait3A_333 : memref<25x128xf32, #tpu.memory_space<vmem_shared>>)
      tpu.yield
    }) : () -> ()
    %mul3A_23 = arith.constant 625 : i32
    %mul3A_24 = arith.muli %arg1, %mul3A_23 : i32
    %add3A_25 = arith.constant 100 : i32
    %add3A_26 = arith.addi %mul3A_24, %add3A_25 : i32
    "tpu.region"() ({
      %run_scoped3A_325 = tpu.sem_alloc : memref<!tpu.dma_semaphore, #tpu.memory_space<semaphore_mem>>
      %dma_start3A_326 = arith.constant 0 : i32
      %dma_start3A_327 = tpu.memref_slice %arg13[%add3A_26, %dma_start3A_326] : memref<10000x128xf32, #tpu.memory_space<vmem_shared>> -> memref<25x128xf32, #tpu.memory_space<vmem_shared>>
      %dma_start3A_328 = arith.constant 0 : i32
      %dma_start3A_329 = tpu.memref_slice %arg13[%add3A_26, %dma_start3A_328] : memref<10000x128xf32, #tpu.memory_space<vmem_shared>> -> memref<25x128xf32, #tpu.memory_space<vmem_shared>>
      tpu.enqueue_dma source(%arg12 : memref<25x128xf32, #tpu.memory_space<vmem>>) target(%dma_start3A_329 : memref<25x128xf32, #tpu.memory_space<vmem_shared>>) target_semaphore(%run_scoped3A_325 : memref<!tpu.dma_semaphore, #tpu.memory_space<semaphore_mem>>)
      %dma_wait3A_330 = arith.constant 0 : i32
      %dma_wait3A_331 = tpu.memref_slice %arg13[%add3A_26, %dma_wait3A_330] : memref<10000x128xf32, #tpu.memory_space<vmem_shared>> -> memref<25x128xf32, #tpu.memory_space<vmem_shared>>
      %dma_wait3A_332 = arith.constant 0 : i32
      %dma_wait3A_333 = tpu.memref_slice %arg13[%add3A_26, %dma_wait3A_332] : memref<10000x128xf32, #tpu.memory_space<vmem_shared>> -> memref<25x128xf32, #tpu.memory_space<vmem_shared>>
      tpu.wait_dma2 semaphore(%run_scoped3A_325 : memref<!tpu.dma_semaphore, #tpu.memory_space<semaphore_mem>>) src(%arg12 : memref<25x128xf32, #tpu.memory_space<vmem>>) dst(%dma_wait3A_333 : memref<25x128xf32, #tpu.memory_space<vmem_shared>>)
      tpu.yield
    }) : () -> ()
    %mul3A_27 = arith.constant 625 : i32
    %mul3A_28 = arith.muli %arg1, %mul3A_27 : i32
    %add3A_29 = arith.constant 125 : i32
    %add3A_30 = arith.addi %mul3A_28, %add3A_29 : i32
    "tpu.region"() ({
      %run_scoped3A_325 = tpu.sem_alloc : memref<!tpu.dma_semaphore, #tpu.memory_space<semaphore_mem>>
      %dma_start3A_326 = arith.constant 0 : i32
      %dma_start3A_327 = tpu.memref_slice %arg13[%add3A_30, %dma_start3A_326] : memref<10000x128xf32, #tpu.memory_space<vmem_shared>> -> memref<25x128xf32, #tpu.memory_space<vmem_shared>>
      %dma_start3A_328 = arith.constant 0 : i32
      %dma_start3A_329 = tpu.memref_slice %arg13[%add3A_30, %dma_start3A_328] : memref<10000x128xf32, #tpu.memory_space<vmem_shared>> -> memref<25x128xf32, #tpu.memory_space<vmem_shared>>
      tpu.enqueue_dma source(%arg12 : memref<25x128xf32, #tpu.memory_space<vmem>>) target(%dma_start3A_329 : memref<25x128xf32, #tpu.memory_space<vmem_shared>>) target_semaphore(%run_scoped3A_325 : memref<!tpu.dma_semaphore, #tpu.memory_space<semaphore_mem>>)
      %dma_wait3A_330 = arith.constant 0 : i32
      %dma_wait3A_331 = tpu.memref_slice %arg13[%add3A_30, %dma_wait3A_330] : memref<10000x128xf32, #tpu.memory_space<vmem_shared>> -> memref<25x128xf32, #tpu.memory_space<vmem_shared>>
      %dma_wait3A_332 = arith.constant 0 : i32
      %dma_wait3A_333 = tpu.memref_slice %arg13[%add3A_30, %dma_wait3A_332] : memref<10000x128xf32, #tpu.memory_space<vmem_shared>> -> memref<25x128xf32, #tpu.memory_space<vmem_shared>>
      tpu.wait_dma2 semaphore(%run_scoped3A_325 : memref<!tpu.dma_semaphore, #tpu.memory_space<semaphore_mem>>) src(%arg12 : memref<25x128xf32, #tpu.memory_space<vmem>>) dst(%dma_wait3A_333 : memref<25x128xf32, #tpu.memory_space<vmem_shared>>)
      tpu.yield
    }) : () -> ()
    %mul3A_31 = arith.constant 625 : i32
    %mul3A_32 = arith.muli %arg1, %mul3A_31 : i32
    %add3A_33 = arith.constant 150 : i32
    %add3A_34 = arith.addi %mul3A_32, %add3A_33 : i32
    "tpu.region"() ({
      %run_scoped3A_325 = tpu.sem_alloc : memref<!tpu.dma_semaphore, #tpu.memory_space<semaphore_mem>>
      %dma_start3A_326 = arith.constant 0 : i32
      %dma_start3A_327 = tpu.memref_slice %arg13[%add3A_34, %dma_start3A_326] : memref<10000x128xf32, #tpu.memory_space<vmem_shared>> -> memref<25x128xf32, #tpu.memory_space<vmem_shared>>
      %dma_start3A_328 = arith.constant 0 : i32
      %dma_start3A_329 = tpu.memref_slice %arg13[%add3A_34, %dma_start3A_328] : memref<10000x128xf32, #tpu.memory_space<vmem_shared>> -> memref<25x128xf32, #tpu.memory_space<vmem_shared>>
      tpu.enqueue_dma source(%arg12 : memref<25x128xf32, #tpu.memory_space<vmem>>) target(%dma_start3A_329 : memref<25x128xf32, #tpu.memory_space<vmem_shared>>) target_semaphore(%run_scoped3A_325 : memref<!tpu.dma_semaphore, #tpu.memory_space<semaphore_mem>>)
      %dma_wait3A_330 = arith.constant 0 : i32
      %dma_wait3A_331 = tpu.memref_slice %arg13[%add3A_34, %dma_wait3A_330] : memref<10000x128xf32, #tpu.memory_space<vmem_shared>> -> memref<25x128xf32, #tpu.memory_space<vmem_shared>>
      %dma_wait3A_332 = arith.constant 0 : i32
      %dma_wait3A_333 = tpu.memref_slice %arg13[%add3A_34, %dma_wait3A_332] : memref<10000x128xf32, #tpu.memory_space<vmem_shared>> -> memref<25x128xf32, #tpu.memory_space<vmem_shared>>
      tpu.wait_dma2 semaphore(%run_scoped3A_325 : memref<!tpu.dma_semaphore, #tpu.memory_space<semaphore_mem>>) src(%arg12 : memref<25x128xf32, #tpu.memory_space<vmem>>) dst(%dma_wait3A_333 : memref<25x128xf32, #tpu.memory_space<vmem_shared>>)
      tpu.yield
    }) : () -> ()
    %mul3A_35 = arith.constant 625 : i32
    %mul3A_36 = arith.muli %arg1, %mul3A_35 : i32
    %add3A_37 = arith.constant 175 : i32
    %add3A_38 = arith.addi %mul3A_36, %add3A_37 : i32
    "tpu.region"() ({
      %run_scoped3A_325 = tpu.sem_alloc : memref<!tpu.dma_semaphore, #tpu.memory_space<semaphore_mem>>
      %dma_start3A_326 = arith.constant 0 : i32
      %dma_start3A_327 = tpu.memref_slice %arg13[%add3A_38, %dma_start3A_326] : memref<10000x128xf32, #tpu.memory_space<vmem_shared>> -> memref<25x128xf32, #tpu.memory_space<vmem_shared>>
      %dma_start3A_328 = arith.constant 0 : i32
      %dma_start3A_329 = tpu.memref_slice %arg13[%add3A_38, %dma_start3A_328] : memref<10000x128xf32, #tpu.memory_space<vmem_shared>> -> memref<25x128xf32, #tpu.memory_space<vmem_shared>>
      tpu.enqueue_dma source(%arg12 : memref<25x128xf32, #tpu.memory_space<vmem>>) target(%dma_start3A_329 : memref<25x128xf32, #tpu.memory_space<vmem_shared>>) target_semaphore(%run_scoped3A_325 : memref<!tpu.dma_semaphore, #tpu.memory_space<semaphore_mem>>)
      %dma_wait3A_330 = arith.constant 0 : i32
      %dma_wait3A_331 = tpu.memref_slice %arg13[%add3A_38, %dma_wait3A_330] : memref<10000x128xf32, #tpu.memory_space<vmem_shared>> -> memref<25x128xf32, #tpu.memory_space<vmem_shared>>
      %dma_wait3A_332 = arith.constant 0 : i32
      %dma_wait3A_333 = tpu.memref_slice %arg13[%add3A_38, %dma_wait3A_332] : memref<10000x128xf32, #tpu.memory_space<vmem_shared>> -> memref<25x128xf32, #tpu.memory_space<vmem_shared>>
      tpu.wait_dma2 semaphore(%run_scoped3A_325 : memref<!tpu.dma_semaphore, #tpu.memory_space<semaphore_mem>>) src(%arg12 : memref<25x128xf32, #tpu.memory_space<vmem>>) dst(%dma_wait3A_333 : memref<25x128xf32, #tpu.memory_space<vmem_shared>>)
      tpu.yield
    }) : () -> ()
    %mul3A_39 = arith.constant 625 : i32
    %mul3A_40 = arith.muli %arg1, %mul3A_39 : i32
    %add3A_41 = arith.constant 200 : i32
    %add3A_42 = arith.addi %mul3A_40, %add3A_41 : i32
    "tpu.region"() ({
      %run_scoped3A_325 = tpu.sem_alloc : memref<!tpu.dma_semaphore, #tpu.memory_space<semaphore_mem>>
      %dma_start3A_326 = arith.constant 0 : i32
      %dma_start3A_327 = tpu.memref_slice %arg13[%add3A_42, %dma_start3A_326] : memref<10000x128xf32, #tpu.memory_space<vmem_shared>> -> memref<25x128xf32, #tpu.memory_space<vmem_shared>>
      %dma_start3A_328 = arith.constant 0 : i32
      %dma_start3A_329 = tpu.memref_slice %arg13[%add3A_42, %dma_start3A_328] : memref<10000x128xf32, #tpu.memory_space<vmem_shared>> -> memref<25x128xf32, #tpu.memory_space<vmem_shared>>
      tpu.enqueue_dma source(%arg12 : memref<25x128xf32, #tpu.memory_space<vmem>>) target(%dma_start3A_329 : memref<25x128xf32, #tpu.memory_space<vmem_shared>>) target_semaphore(%run_scoped3A_325 : memref<!tpu.dma_semaphore, #tpu.memory_space<semaphore_mem>>)
      %dma_wait3A_330 = arith.constant 0 : i32
      %dma_wait3A_331 = tpu.memref_slice %arg13[%add3A_42, %dma_wait3A_330] : memref<10000x128xf32, #tpu.memory_space<vmem_shared>> -> memref<25x128xf32, #tpu.memory_space<vmem_shared>>
      %dma_wait3A_332 = arith.constant 0 : i32
      %dma_wait3A_333 = tpu.memref_slice %arg13[%add3A_42, %dma_wait3A_332] : memref<10000x128xf32, #tpu.memory_space<vmem_shared>> -> memref<25x128xf32, #tpu.memory_space<vmem_shared>>
      tpu.wait_dma2 semaphore(%run_scoped3A_325 : memref<!tpu.dma_semaphore, #tpu.memory_space<semaphore_mem>>) src(%arg12 : memref<25x128xf32, #tpu.memory_space<vmem>>) dst(%dma_wait3A_333 : memref<25x128xf32, #tpu.memory_space<vmem_shared>>)
      tpu.yield
    }) : () -> ()
    %mul3A_43 = arith.constant 625 : i32
    %mul3A_44 = arith.muli %arg1, %mul3A_43 : i32
    %add3A_45 = arith.constant 225 : i32
    %add3A_46 = arith.addi %mul3A_44, %add3A_45 : i32
    "tpu.region"() ({
      %run_scoped3A_325 = tpu.sem_alloc : memref<!tpu.dma_semaphore, #tpu.memory_space<semaphore_mem>>
      %dma_start3A_326 = arith.constant 0 : i32
      %dma_start3A_327 = tpu.memref_slice %arg13[%add3A_46, %dma_start3A_326] : memref<10000x128xf32, #tpu.memory_space<vmem_shared>> -> memref<25x128xf32, #tpu.memory_space<vmem_shared>>
      %dma_start3A_328 = arith.constant 0 : i32
      %dma_start3A_329 = tpu.memref_slice %arg13[%add3A_46, %dma_start3A_328] : memref<10000x128xf32, #tpu.memory_space<vmem_shared>> -> memref<25x128xf32, #tpu.memory_space<vmem_shared>>
      tpu.enqueue_dma source(%arg12 : memref<25x128xf32, #tpu.memory_space<vmem>>) target(%dma_start3A_329 : memref<25x128xf32, #tpu.memory_space<vmem_shared>>) target_semaphore(%run_scoped3A_325 : memref<!tpu.dma_semaphore, #tpu.memory_space<semaphore_mem>>)
      %dma_wait3A_330 = arith.constant 0 : i32
      %dma_wait3A_331 = tpu.memref_slice %arg13[%add3A_46, %dma_wait3A_330] : memref<10000x128xf32, #tpu.memory_space<vmem_shared>> -> memref<25x128xf32, #tpu.memory_space<vmem_shared>>
      %dma_wait3A_332 = arith.constant 0 : i32
      %dma_wait3A_333 = tpu.memref_slice %arg13[%add3A_46, %dma_wait3A_332] : memref<10000x128xf32, #tpu.memory_space<vmem_shared>> -> memref<25x128xf32, #tpu.memory_space<vmem_shared>>
      tpu.wait_dma2 semaphore(%run_scoped3A_325 : memref<!tpu.dma_semaphore, #tpu.memory_space<semaphore_mem>>) src(%arg12 : memref<25x128xf32, #tpu.memory_space<vmem>>) dst(%dma_wait3A_333 : memref<25x128xf32, #tpu.memory_space<vmem_shared>>)
      tpu.yield
    }) : () -> ()
    %mul3A_47 = arith.constant 625 : i32
    %mul3A_48 = arith.muli %arg1, %mul3A_47 : i32
    %add3A_49 = arith.constant 250 : i32
    %add3A_50 = arith.addi %mul3A_48, %add3A_49 : i32
    "tpu.region"() ({
      %run_scoped3A_325 = tpu.sem_alloc : memref<!tpu.dma_semaphore, #tpu.memory_space<semaphore_mem>>
      %dma_start3A_326 = arith.constant 0 : i32
      %dma_start3A_327 = tpu.memref_slice %arg13[%add3A_50, %dma_start3A_326] : memref<10000x128xf32, #tpu.memory_space<vmem_shared>> -> memref<25x128xf32, #tpu.memory_space<vmem_shared>>
      %dma_start3A_328 = arith.constant 0 : i32
      %dma_start3A_329 = tpu.memref_slice %arg13[%add3A_50, %dma_start3A_328] : memref<10000x128xf32, #tpu.memory_space<vmem_shared>> -> memref<25x128xf32, #tpu.memory_space<vmem_shared>>
      tpu.enqueue_dma source(%arg12 : memref<25x128xf32, #tpu.memory_space<vmem>>) target(%dma_start3A_329 : memref<25x128xf32, #tpu.memory_space<vmem_shared>>) target_semaphore(%run_scoped3A_325 : memref<!tpu.dma_semaphore, #tpu.memory_space<semaphore_mem>>)
      %dma_wait3A_330 = arith.constant 0 : i32
      %dma_wait3A_331 = tpu.memref_slice %arg13[%add3A_50, %dma_wait3A_330] : memref<10000x128xf32, #tpu.memory_space<vmem_shared>> -> memref<25x128xf32, #tpu.memory_space<vmem_shared>>
      %dma_wait3A_332 = arith.constant 0 : i32
      %dma_wait3A_333 = tpu.memref_slice %arg13[%add3A_50, %dma_wait3A_332] : memref<10000x128xf32, #tpu.memory_space<vmem_shared>> -> memref<25x128xf32, #tpu.memory_space<vmem_shared>>
      tpu.wait_dma2 semaphore(%run_scoped3A_325 : memref<!tpu.dma_semaphore, #tpu.memory_space<semaphore_mem>>) src(%arg12 : memref<25x128xf32, #tpu.memory_space<vmem>>) dst(%dma_wait3A_333 : memref<25x128xf32, #tpu.memory_space<vmem_shared>>)
      tpu.yield
    }) : () -> ()
    %mul3A_51 = arith.constant 625 : i32
    %mul3A_52 = arith.muli %arg1, %mul3A_51 : i32
    %add3A_53 = arith.constant 275 : i32
    %add3A_54 = arith.addi %mul3A_52, %add3A_53 : i32
    "tpu.region"() ({
      %run_scoped3A_325 = tpu.sem_alloc : memref<!tpu.dma_semaphore, #tpu.memory_space<semaphore_mem>>
      %dma_start3A_326 = arith.constant 0 : i32
      %dma_start3A_327 = tpu.memref_slice %arg13[%add3A_54, %dma_start3A_326] : memref<10000x128xf32, #tpu.memory_space<vmem_shared>> -> memref<25x128xf32, #tpu.memory_space<vmem_shared>>
      %dma_start3A_328 = arith.constant 0 : i32
      %dma_start3A_329 = tpu.memref_slice %arg13[%add3A_54, %dma_start3A_328] : memref<10000x128xf32, #tpu.memory_space<vmem_shared>> -> memref<25x128xf32, #tpu.memory_space<vmem_shared>>
      tpu.enqueue_dma source(%arg12 : memref<25x128xf32, #tpu.memory_space<vmem>>) target(%dma_start3A_329 : memref<25x128xf32, #tpu.memory_space<vmem_shared>>) target_semaphore(%run_scoped3A_325 : memref<!tpu.dma_semaphore, #tpu.memory_space<semaphore_mem>>)
      %dma_wait3A_330 = arith.constant 0 : i32
      %dma_wait3A_331 = tpu.memref_slice %arg13[%add3A_54, %dma_wait3A_330] : memref<10000x128xf32, #tpu.memory_space<vmem_shared>> -> memref<25x128xf32, #tpu.memory_space<vmem_shared>>
      %dma_wait3A_332 = arith.constant 0 : i32
      %dma_wait3A_333 = tpu.memref_slice %arg13[%add3A_54, %dma_wait3A_332] : memref<10000x128xf32, #tpu.memory_space<vmem_shared>> -> memref<25x128xf32, #tpu.memory_space<vmem_shared>>
      tpu.wait_dma2 semaphore(%run_scoped3A_325 : memref<!tpu.dma_semaphore, #tpu.memory_space<semaphore_mem>>) src(%arg12 : memref<25x128xf32, #tpu.memory_space<vmem>>) dst(%dma_wait3A_333 : memref<25x128xf32, #tpu.memory_space<vmem_shared>>)
      tpu.yield
    }) : () -> ()
    %mul3A_55 = arith.constant 625 : i32
    %mul3A_56 = arith.muli %arg1, %mul3A_55 : i32
    %add3A_57 = arith.constant 300 : i32
    %add3A_58 = arith.addi %mul3A_56, %add3A_57 : i32
    "tpu.region"() ({
      %run_scoped3A_325 = tpu.sem_alloc : memref<!tpu.dma_semaphore, #tpu.memory_space<semaphore_mem>>
      %dma_start3A_326 = arith.constant 0 : i32
      %dma_start3A_327 = tpu.memref_slice %arg13[%add3A_58, %dma_start3A_326] : memref<10000x128xf32, #tpu.memory_space<vmem_shared>> -> memref<25x128xf32, #tpu.memory_space<vmem_shared>>
      %dma_start3A_328 = arith.constant 0 : i32
      %dma_start3A_329 = tpu.memref_slice %arg13[%add3A_58, %dma_start3A_328] : memref<10000x128xf32, #tpu.memory_space<vmem_shared>> -> memref<25x128xf32, #tpu.memory_space<vmem_shared>>
      tpu.enqueue_dma source(%arg12 : memref<25x128xf32, #tpu.memory_space<vmem>>) target(%dma_start3A_329 : memref<25x128xf32, #tpu.memory_space<vmem_shared>>) target_semaphore(%run_scoped3A_325 : memref<!tpu.dma_semaphore, #tpu.memory_space<semaphore_mem>>)
      %dma_wait3A_330 = arith.constant 0 : i32
      %dma_wait3A_331 = tpu.memref_slice %arg13[%add3A_58, %dma_wait3A_330] : memref<10000x128xf32, #tpu.memory_space<vmem_shared>> -> memref<25x128xf32, #tpu.memory_space<vmem_shared>>
      %dma_wait3A_332 = arith.constant 0 : i32
      %dma_wait3A_333 = tpu.memref_slice %arg13[%add3A_58, %dma_wait3A_332] : memref<10000x128xf32, #tpu.memory_space<vmem_shared>> -> memref<25x128xf32, #tpu.memory_space<vmem_shared>>
      tpu.wait_dma2 semaphore(%run_scoped3A_325 : memref<!tpu.dma_semaphore, #tpu.memory_space<semaphore_mem>>) src(%arg12 : memref<25x128xf32, #tpu.memory_space<vmem>>) dst(%dma_wait3A_333 : memref<25x128xf32, #tpu.memory_space<vmem_shared>>)
      tpu.yield
    }) : () -> ()
    %mul3A_59 = arith.constant 625 : i32
    %mul3A_60 = arith.muli %arg1, %mul3A_59 : i32
    %add3A_61 = arith.constant 325 : i32
    %add3A_62 = arith.addi %mul3A_60, %add3A_61 : i32
    "tpu.region"() ({
      %run_scoped3A_325 = tpu.sem_alloc : memref<!tpu.dma_semaphore, #tpu.memory_space<semaphore_mem>>
      %dma_start3A_326 = arith.constant 0 : i32
      %dma_start3A_327 = tpu.memref_slice %arg13[%add3A_62, %dma_start3A_326] : memref<10000x128xf32, #tpu.memory_space<vmem_shared>> -> memref<25x128xf32, #tpu.memory_space<vmem_shared>>
      %dma_start3A_328 = arith.constant 0 : i32
      %dma_start3A_329 = tpu.memref_slice %arg13[%add3A_62, %dma_start3A_328] : memref<10000x128xf32, #tpu.memory_space<vmem_shared>> -> memref<25x128xf32, #tpu.memory_space<vmem_shared>>
      tpu.enqueue_dma source(%arg12 : memref<25x128xf32, #tpu.memory_space<vmem>>) target(%dma_start3A_329 : memref<25x128xf32, #tpu.memory_space<vmem_shared>>) target_semaphore(%run_scoped3A_325 : memref<!tpu.dma_semaphore, #tpu.memory_space<semaphore_mem>>)
      %dma_wait3A_330 = arith.constant 0 : i32
      %dma_wait3A_331 = tpu.memref_slice %arg13[%add3A_62, %dma_wait3A_330] : memref<10000x128xf32, #tpu.memory_space<vmem_shared>> -> memref<25x128xf32, #tpu.memory_space<vmem_shared>>
      %dma_wait3A_332 = arith.constant 0 : i32
      %dma_wait3A_333 = tpu.memref_slice %arg13[%add3A_62, %dma_wait3A_332] : memref<10000x128xf32, #tpu.memory_space<vmem_shared>> -> memref<25x128xf32, #tpu.memory_space<vmem_shared>>
      tpu.wait_dma2 semaphore(%run_scoped3A_325 : memref<!tpu.dma_semaphore, #tpu.memory_space<semaphore_mem>>) src(%arg12 : memref<25x128xf32, #tpu.memory_space<vmem>>) dst(%dma_wait3A_333 : memref<25x128xf32, #tpu.memory_space<vmem_shared>>)
      tpu.yield
    }) : () -> ()
    %mul3A_63 = arith.constant 625 : i32
    %mul3A_64 = arith.muli %arg1, %mul3A_63 : i32
    %add3A_65 = arith.constant 350 : i32
    %add3A_66 = arith.addi %mul3A_64, %add3A_65 : i32
    "tpu.region"() ({
      %run_scoped3A_325 = tpu.sem_alloc : memref<!tpu.dma_semaphore, #tpu.memory_space<semaphore_mem>>
      %dma_start3A_326 = arith.constant 0 : i32
      %dma_start3A_327 = tpu.memref_slice %arg13[%add3A_66, %dma_start3A_326] : memref<10000x128xf32, #tpu.memory_space<vmem_shared>> -> memref<25x128xf32, #tpu.memory_space<vmem_shared>>
      %dma_start3A_328 = arith.constant 0 : i32
      %dma_start3A_329 = tpu.memref_slice %arg13[%add3A_66, %dma_start3A_328] : memref<10000x128xf32, #tpu.memory_space<vmem_shared>> -> memref<25x128xf32, #tpu.memory_space<vmem_shared>>
      tpu.enqueue_dma source(%arg12 : memref<25x128xf32, #tpu.memory_space<vmem>>) target(%dma_start3A_329 : memref<25x128xf32, #tpu.memory_space<vmem_shared>>) target_semaphore(%run_scoped3A_325 : memref<!tpu.dma_semaphore, #tpu.memory_space<semaphore_mem>>)
      %dma_wait3A_330 = arith.constant 0 : i32
      %dma_wait3A_331 = tpu.memref_slice %arg13[%add3A_66, %dma_wait3A_330] : memref<10000x128xf32, #tpu.memory_space<vmem_shared>> -> memref<25x128xf32, #tpu.memory_space<vmem_shared>>
      %dma_wait3A_332 = arith.constant 0 : i32
      %dma_wait3A_333 = tpu.memref_slice %arg13[%add3A_66, %dma_wait3A_332] : memref<10000x128xf32, #tpu.memory_space<vmem_shared>> -> memref<25x128xf32, #tpu.memory_space<vmem_shared>>
      tpu.wait_dma2 semaphore(%run_scoped3A_325 : memref<!tpu.dma_semaphore, #tpu.memory_space<semaphore_mem>>) src(%arg12 : memref<25x128xf32, #tpu.memory_space<vmem>>) dst(%dma_wait3A_333 : memref<25x128xf32, #tpu.memory_space<vmem_shared>>)
      tpu.yield
    }) : () -> ()
    %mul3A_67 = arith.constant 625 : i32
    %mul3A_68 = arith.muli %arg1, %mul3A_67 : i32
    %add3A_69 = arith.constant 375 : i32
    %add3A_70 = arith.addi %mul3A_68, %add3A_69 : i32
    "tpu.region"() ({
      %run_scoped3A_325 = tpu.sem_alloc : memref<!tpu.dma_semaphore, #tpu.memory_space<semaphore_mem>>
      %dma_start3A_326 = arith.constant 0 : i32
      %dma_start3A_327 = tpu.memref_slice %arg13[%add3A_70, %dma_start3A_326] : memref<10000x128xf32, #tpu.memory_space<vmem_shared>> -> memref<25x128xf32, #tpu.memory_space<vmem_shared>>
      %dma_start3A_328 = arith.constant 0 : i32
      %dma_start3A_329 = tpu.memref_slice %arg13[%add3A_70, %dma_start3A_328] : memref<10000x128xf32, #tpu.memory_space<vmem_shared>> -> memref<25x128xf32, #tpu.memory_space<vmem_shared>>
      tpu.enqueue_dma source(%arg12 : memref<25x128xf32, #tpu.memory_space<vmem>>) target(%dma_start3A_329 : memref<25x128xf32, #tpu.memory_space<vmem_shared>>) target_semaphore(%run_scoped3A_325 : memref<!tpu.dma_semaphore, #tpu.memory_space<semaphore_mem>>)
      %dma_wait3A_330 = arith.constant 0 : i32
      %dma_wait3A_331 = tpu.memref_slice %arg13[%add3A_70, %dma_wait3A_330] : memref<10000x128xf32, #tpu.memory_space<vmem_shared>> -> memref<25x128xf32, #tpu.memory_space<vmem_shared>>
      %dma_wait3A_332 = arith.constant 0 : i32
      %dma_wait3A_333 = tpu.memref_slice %arg13[%add3A_70, %dma_wait3A_332] : memref<10000x128xf32, #tpu.memory_space<vmem_shared>> -> memref<25x128xf32, #tpu.memory_space<vmem_shared>>
      tpu.wait_dma2 semaphore(%run_scoped3A_325 : memref<!tpu.dma_semaphore, #tpu.memory_space<semaphore_mem>>) src(%arg12 : memref<25x128xf32, #tpu.memory_space<vmem>>) dst(%dma_wait3A_333 : memref<25x128xf32, #tpu.memory_space<vmem_shared>>)
      tpu.yield
    }) : () -> ()
    %mul3A_71 = arith.constant 625 : i32
    %mul3A_72 = arith.muli %arg1, %mul3A_71 : i32
    %add3A_73 = arith.constant 400 : i32
    %add3A_74 = arith.addi %mul3A_72, %add3A_73 : i32
    "tpu.region"() ({
      %run_scoped3A_325 = tpu.sem_alloc : memref<!tpu.dma_semaphore, #tpu.memory_space<semaphore_mem>>
      %dma_start3A_326 = arith.constant 0 : i32
      %dma_start3A_327 = tpu.memref_slice %arg13[%add3A_74, %dma_start3A_326] : memref<10000x128xf32, #tpu.memory_space<vmem_shared>> -> memref<25x128xf32, #tpu.memory_space<vmem_shared>>
      %dma_start3A_328 = arith.constant 0 : i32
      %dma_start3A_329 = tpu.memref_slice %arg13[%add3A_74, %dma_start3A_328] : memref<10000x128xf32, #tpu.memory_space<vmem_shared>> -> memref<25x128xf32, #tpu.memory_space<vmem_shared>>
      tpu.enqueue_dma source(%arg12 : memref<25x128xf32, #tpu.memory_space<vmem>>) target(%dma_start3A_329 : memref<25x128xf32, #tpu.memory_space<vmem_shared>>) target_semaphore(%run_scoped3A_325 : memref<!tpu.dma_semaphore, #tpu.memory_space<semaphore_mem>>)
      %dma_wait3A_330 = arith.constant 0 : i32
      %dma_wait3A_331 = tpu.memref_slice %arg13[%add3A_74, %dma_wait3A_330] : memref<10000x128xf32, #tpu.memory_space<vmem_shared>> -> memref<25x128xf32, #tpu.memory_space<vmem_shared>>
      %dma_wait3A_332 = arith.constant 0 : i32
      %dma_wait3A_333 = tpu.memref_slice %arg13[%add3A_74, %dma_wait3A_332] : memref<10000x128xf32, #tpu.memory_space<vmem_shared>> -> memref<25x128xf32, #tpu.memory_space<vmem_shared>>
      tpu.wait_dma2 semaphore(%run_scoped3A_325 : memref<!tpu.dma_semaphore, #tpu.memory_space<semaphore_mem>>) src(%arg12 : memref<25x128xf32, #tpu.memory_space<vmem>>) dst(%dma_wait3A_333 : memref<25x128xf32, #tpu.memory_space<vmem_shared>>)
      tpu.yield
    }) : () -> ()
    %mul3A_75 = arith.constant 625 : i32
    %mul3A_76 = arith.muli %arg1, %mul3A_75 : i32
    %add3A_77 = arith.constant 425 : i32
    %add3A_78 = arith.addi %mul3A_76, %add3A_77 : i32
    "tpu.region"() ({
      %run_scoped3A_325 = tpu.sem_alloc : memref<!tpu.dma_semaphore, #tpu.memory_space<semaphore_mem>>
      %dma_start3A_326 = arith.constant 0 : i32
      %dma_start3A_327 = tpu.memref_slice %arg13[%add3A_78, %dma_start3A_326] : memref<10000x128xf32, #tpu.memory_space<vmem_shared>> -> memref<25x128xf32, #tpu.memory_space<vmem_shared>>
      %dma_start3A_328 = arith.constant 0 : i32
      %dma_start3A_329 = tpu.memref_slice %arg13[%add3A_78, %dma_start3A_328] : memref<10000x128xf32, #tpu.memory_space<vmem_shared>> -> memref<25x128xf32, #tpu.memory_space<vmem_shared>>
      tpu.enqueue_dma source(%arg12 : memref<25x128xf32, #tpu.memory_space<vmem>>) target(%dma_start3A_329 : memref<25x128xf32, #tpu.memory_space<vmem_shared>>) target_semaphore(%run_scoped3A_325 : memref<!tpu.dma_semaphore, #tpu.memory_space<semaphore_mem>>)
      %dma_wait3A_330 = arith.constant 0 : i32
      %dma_wait3A_331 = tpu.memref_slice %arg13[%add3A_78, %dma_wait3A_330] : memref<10000x128xf32, #tpu.memory_space<vmem_shared>> -> memref<25x128xf32, #tpu.memory_space<vmem_shared>>
      %dma_wait3A_332 = arith.constant 0 : i32
      %dma_wait3A_333 = tpu.memref_slice %arg13[%add3A_78, %dma_wait3A_332] : memref<10000x128xf32, #tpu.memory_space<vmem_shared>> -> memref<25x128xf32, #tpu.memory_space<vmem_shared>>
      tpu.wait_dma2 semaphore(%run_scoped3A_325 : memref<!tpu.dma_semaphore, #tpu.memory_space<semaphore_mem>>) src(%arg12 : memref<25x128xf32, #tpu.memory_space<vmem>>) dst(%dma_wait3A_333 : memref<25x128xf32, #tpu.memory_space<vmem_shared>>)
      tpu.yield
    }) : () -> ()
    %mul3A_79 = arith.constant 625 : i32
    %mul3A_80 = arith.muli %arg1, %mul3A_79 : i32
    %add3A_81 = arith.constant 450 : i32
    %add3A_82 = arith.addi %mul3A_80, %add3A_81 : i32
    "tpu.region"() ({
      %run_scoped3A_325 = tpu.sem_alloc : memref<!tpu.dma_semaphore, #tpu.memory_space<semaphore_mem>>
      %dma_start3A_326 = arith.constant 0 : i32
      %dma_start3A_327 = tpu.memref_slice %arg13[%add3A_82, %dma_start3A_326] : memref<10000x128xf32, #tpu.memory_space<vmem_shared>> -> memref<25x128xf32, #tpu.memory_space<vmem_shared>>
      %dma_start3A_328 = arith.constant 0 : i32
      %dma_start3A_329 = tpu.memref_slice %arg13[%add3A_82, %dma_start3A_328] : memref<10000x128xf32, #tpu.memory_space<vmem_shared>> -> memref<25x128xf32, #tpu.memory_space<vmem_shared>>
      tpu.enqueue_dma source(%arg12 : memref<25x128xf32, #tpu.memory_space<vmem>>) target(%dma_start3A_329 : memref<25x128xf32, #tpu.memory_space<vmem_shared>>) target_semaphore(%run_scoped3A_325 : memref<!tpu.dma_semaphore, #tpu.memory_space<semaphore_mem>>)
      %dma_wait3A_330 = arith.constant 0 : i32
      %dma_wait3A_331 = tpu.memref_slice %arg13[%add3A_82, %dma_wait3A_330] : memref<10000x128xf32, #tpu.memory_space<vmem_shared>> -> memref<25x128xf32, #tpu.memory_space<vmem_shared>>
      %dma_wait3A_332 = arith.constant 0 : i32
      %dma_wait3A_333 = tpu.memref_slice %arg13[%add3A_82, %dma_wait3A_332] : memref<10000x128xf32, #tpu.memory_space<vmem_shared>> -> memref<25x128xf32, #tpu.memory_space<vmem_shared>>
      tpu.wait_dma2 semaphore(%run_scoped3A_325 : memref<!tpu.dma_semaphore, #tpu.memory_space<semaphore_mem>>) src(%arg12 : memref<25x128xf32, #tpu.memory_space<vmem>>) dst(%dma_wait3A_333 : memref<25x128xf32, #tpu.memory_space<vmem_shared>>)
      tpu.yield
    }) : () -> ()
    %mul3A_83 = arith.constant 625 : i32
    %mul3A_84 = arith.muli %arg1, %mul3A_83 : i32
    %add3A_85 = arith.constant 475 : i32
    %add3A_86 = arith.addi %mul3A_84, %add3A_85 : i32
    "tpu.region"() ({
      %run_scoped3A_325 = tpu.sem_alloc : memref<!tpu.dma_semaphore, #tpu.memory_space<semaphore_mem>>
      %dma_start3A_326 = arith.constant 0 : i32
      %dma_start3A_327 = tpu.memref_slice %arg13[%add3A_86, %dma_start3A_326] : memref<10000x128xf32, #tpu.memory_space<vmem_shared>> -> memref<25x128xf32, #tpu.memory_space<vmem_shared>>
      %dma_start3A_328 = arith.constant 0 : i32
      %dma_start3A_329 = tpu.memref_slice %arg13[%add3A_86, %dma_start3A_328] : memref<10000x128xf32, #tpu.memory_space<vmem_shared>> -> memref<25x128xf32, #tpu.memory_space<vmem_shared>>
      tpu.enqueue_dma source(%arg12 : memref<25x128xf32, #tpu.memory_space<vmem>>) target(%dma_start3A_329 : memref<25x128xf32, #tpu.memory_space<vmem_shared>>) target_semaphore(%run_scoped3A_325 : memref<!tpu.dma_semaphore, #tpu.memory_space<semaphore_mem>>)
      %dma_wait3A_330 = arith.constant 0 : i32
      %dma_wait3A_331 = tpu.memref_slice %arg13[%add3A_86, %dma_wait3A_330] : memref<10000x128xf32, #tpu.memory_space<vmem_shared>> -> memref<25x128xf32, #tpu.memory_space<vmem_shared>>
      %dma_wait3A_332 = arith.constant 0 : i32
      %dma_wait3A_333 = tpu.memref_slice %arg13[%add3A_86, %dma_wait3A_332] : memref<10000x128xf32, #tpu.memory_space<vmem_shared>> -> memref<25x128xf32, #tpu.memory_space<vmem_shared>>
      tpu.wait_dma2 semaphore(%run_scoped3A_325 : memref<!tpu.dma_semaphore, #tpu.memory_space<semaphore_mem>>) src(%arg12 : memref<25x128xf32, #tpu.memory_space<vmem>>) dst(%dma_wait3A_333 : memref<25x128xf32, #tpu.memory_space<vmem_shared>>)
      tpu.yield
    }) : () -> ()
    %mul3A_87 = arith.constant 625 : i32
    %mul3A_88 = arith.muli %arg1, %mul3A_87 : i32
    %add3A_89 = arith.constant 500 : i32
    %add3A_90 = arith.addi %mul3A_88, %add3A_89 : i32
    "tpu.region"() ({
      %run_scoped3A_325 = tpu.sem_alloc : memref<!tpu.dma_semaphore, #tpu.memory_space<semaphore_mem>>
      %dma_start3A_326 = arith.constant 0 : i32
      %dma_start3A_327 = tpu.memref_slice %arg13[%add3A_90, %dma_start3A_326] : memref<10000x128xf32, #tpu.memory_space<vmem_shared>> -> memref<25x128xf32, #tpu.memory_space<vmem_shared>>
      %dma_start3A_328 = arith.constant 0 : i32
      %dma_start3A_329 = tpu.memref_slice %arg13[%add3A_90, %dma_start3A_328] : memref<10000x128xf32, #tpu.memory_space<vmem_shared>> -> memref<25x128xf32, #tpu.memory_space<vmem_shared>>
      tpu.enqueue_dma source(%arg12 : memref<25x128xf32, #tpu.memory_space<vmem>>) target(%dma_start3A_329 : memref<25x128xf32, #tpu.memory_space<vmem_shared>>) target_semaphore(%run_scoped3A_325 : memref<!tpu.dma_semaphore, #tpu.memory_space<semaphore_mem>>)
      %dma_wait3A_330 = arith.constant 0 : i32
      %dma_wait3A_331 = tpu.memref_slice %arg13[%add3A_90, %dma_wait3A_330] : memref<10000x128xf32, #tpu.memory_space<vmem_shared>> -> memref<25x128xf32, #tpu.memory_space<vmem_shared>>
      %dma_wait3A_332 = arith.constant 0 : i32
      %dma_wait3A_333 = tpu.memref_slice %arg13[%add3A_90, %dma_wait3A_332] : memref<10000x128xf32, #tpu.memory_space<vmem_shared>> -> memref<25x128xf32, #tpu.memory_space<vmem_shared>>
      tpu.wait_dma2 semaphore(%run_scoped3A_325 : memref<!tpu.dma_semaphore, #tpu.memory_space<semaphore_mem>>) src(%arg12 : memref<25x128xf32, #tpu.memory_space<vmem>>) dst(%dma_wait3A_333 : memref<25x128xf32, #tpu.memory_space<vmem_shared>>)
      tpu.yield
    }) : () -> ()
    %mul3A_91 = arith.constant 625 : i32
    %mul3A_92 = arith.muli %arg1, %mul3A_91 : i32
    %add3A_93 = arith.constant 525 : i32
    %add3A_94 = arith.addi %mul3A_92, %add3A_93 : i32
    "tpu.region"() ({
      %run_scoped3A_325 = tpu.sem_alloc : memref<!tpu.dma_semaphore, #tpu.memory_space<semaphore_mem>>
      %dma_start3A_326 = arith.constant 0 : i32
      %dma_start3A_327 = tpu.memref_slice %arg13[%add3A_94, %dma_start3A_326] : memref<10000x128xf32, #tpu.memory_space<vmem_shared>> -> memref<25x128xf32, #tpu.memory_space<vmem_shared>>
      %dma_start3A_328 = arith.constant 0 : i32
      %dma_start3A_329 = tpu.memref_slice %arg13[%add3A_94, %dma_start3A_328] : memref<10000x128xf32, #tpu.memory_space<vmem_shared>> -> memref<25x128xf32, #tpu.memory_space<vmem_shared>>
      tpu.enqueue_dma source(%arg12 : memref<25x128xf32, #tpu.memory_space<vmem>>) target(%dma_start3A_329 : memref<25x128xf32, #tpu.memory_space<vmem_shared>>) target_semaphore(%run_scoped3A_325 : memref<!tpu.dma_semaphore, #tpu.memory_space<semaphore_mem>>)
      %dma_wait3A_330 = arith.constant 0 : i32
      %dma_wait3A_331 = tpu.memref_slice %arg13[%add3A_94, %dma_wait3A_330] : memref<10000x128xf32, #tpu.memory_space<vmem_shared>> -> memref<25x128xf32, #tpu.memory_space<vmem_shared>>
      %dma_wait3A_332 = arith.constant 0 : i32
      %dma_wait3A_333 = tpu.memref_slice %arg13[%add3A_94, %dma_wait3A_332] : memref<10000x128xf32, #tpu.memory_space<vmem_shared>> -> memref<25x128xf32, #tpu.memory_space<vmem_shared>>
      tpu.wait_dma2 semaphore(%run_scoped3A_325 : memref<!tpu.dma_semaphore, #tpu.memory_space<semaphore_mem>>) src(%arg12 : memref<25x128xf32, #tpu.memory_space<vmem>>) dst(%dma_wait3A_333 : memref<25x128xf32, #tpu.memory_space<vmem_shared>>)
      tpu.yield
    }) : () -> ()
    %mul3A_95 = arith.constant 625 : i32
    %mul3A_96 = arith.muli %arg1, %mul3A_95 : i32
    %add3A_97 = arith.constant 550 : i32
    %add3A_98 = arith.addi %mul3A_96, %add3A_97 : i32
    "tpu.region"() ({
      %run_scoped3A_325 = tpu.sem_alloc : memref<!tpu.dma_semaphore, #tpu.memory_space<semaphore_mem>>
      %dma_start3A_326 = arith.constant 0 : i32
      %dma_start3A_327 = tpu.memref_slice %arg13[%add3A_98, %dma_start3A_326] : memref<10000x128xf32, #tpu.memory_space<vmem_shared>> -> memref<25x128xf32, #tpu.memory_space<vmem_shared>>
      %dma_start3A_328 = arith.constant 0 : i32
      %dma_start3A_329 = tpu.memref_slice %arg13[%add3A_98, %dma_start3A_328] : memref<10000x128xf32, #tpu.memory_space<vmem_shared>> -> memref<25x128xf32, #tpu.memory_space<vmem_shared>>
      tpu.enqueue_dma source(%arg12 : memref<25x128xf32, #tpu.memory_space<vmem>>) target(%dma_start3A_329 : memref<25x128xf32, #tpu.memory_space<vmem_shared>>) target_semaphore(%run_scoped3A_325 : memref<!tpu.dma_semaphore, #tpu.memory_space<semaphore_mem>>)
      %dma_wait3A_330 = arith.constant 0 : i32
      %dma_wait3A_331 = tpu.memref_slice %arg13[%add3A_98, %dma_wait3A_330] : memref<10000x128xf32, #tpu.memory_space<vmem_shared>> -> memref<25x128xf32, #tpu.memory_space<vmem_shared>>
      %dma_wait3A_332 = arith.constant 0 : i32
      %dma_wait3A_333 = tpu.memref_slice %arg13[%add3A_98, %dma_wait3A_332] : memref<10000x128xf32, #tpu.memory_space<vmem_shared>> -> memref<25x128xf32, #tpu.memory_space<vmem_shared>>
      tpu.wait_dma2 semaphore(%run_scoped3A_325 : memref<!tpu.dma_semaphore, #tpu.memory_space<semaphore_mem>>) src(%arg12 : memref<25x128xf32, #tpu.memory_space<vmem>>) dst(%dma_wait3A_333 : memref<25x128xf32, #tpu.memory_space<vmem_shared>>)
      tpu.yield
    }) : () -> ()
    %mul3A_99 = arith.constant 625 : i32
    %mul3A_100 = arith.muli %arg1, %mul3A_99 : i32
    %add3A_101 = arith.constant 575 : i32
    %add3A_102 = arith.addi %mul3A_100, %add3A_101 : i32
    "tpu.region"() ({
      %run_scoped3A_325 = tpu.sem_alloc : memref<!tpu.dma_semaphore, #tpu.memory_space<semaphore_mem>>
      %dma_start3A_326 = arith.constant 0 : i32
      %dma_start3A_327 = tpu.memref_slice %arg13[%add3A_102, %dma_start3A_326] : memref<10000x128xf32, #tpu.memory_space<vmem_shared>> -> memref<25x128xf32, #tpu.memory_space<vmem_shared>>
      %dma_start3A_328 = arith.constant 0 : i32
      %dma_start3A_329 = tpu.memref_slice %arg13[%add3A_102, %dma_start3A_328] : memref<10000x128xf32, #tpu.memory_space<vmem_shared>> -> memref<25x128xf32, #tpu.memory_space<vmem_shared>>
      tpu.enqueue_dma source(%arg12 : memref<25x128xf32, #tpu.memory_space<vmem>>) target(%dma_start3A_329 : memref<25x128xf32, #tpu.memory_space<vmem_shared>>) target_semaphore(%run_scoped3A_325 : memref<!tpu.dma_semaphore, #tpu.memory_space<semaphore_mem>>)
      %dma_wait3A_330 = arith.constant 0 : i32
      %dma_wait3A_331 = tpu.memref_slice %arg13[%add3A_102, %dma_wait3A_330] : memref<10000x128xf32, #tpu.memory_space<vmem_shared>> -> memref<25x128xf32, #tpu.memory_space<vmem_shared>>
      %dma_wait3A_332 = arith.constant 0 : i32
      %dma_wait3A_333 = tpu.memref_slice %arg13[%add3A_102, %dma_wait3A_332] : memref<10000x128xf32, #tpu.memory_space<vmem_shared>> -> memref<25x128xf32, #tpu.memory_space<vmem_shared>>
      tpu.wait_dma2 semaphore(%run_scoped3A_325 : memref<!tpu.dma_semaphore, #tpu.memory_space<semaphore_mem>>) src(%arg12 : memref<25x128xf32, #tpu.memory_space<vmem>>) dst(%dma_wait3A_333 : memref<25x128xf32, #tpu.memory_space<vmem_shared>>)
      tpu.yield
    }) : () -> ()
    %mul3A_103 = arith.constant 625 : i32
    %mul3A_104 = arith.muli %arg1, %mul3A_103 : i32
    %add3A_105 = arith.constant 600 : i32
    %add3A_106 = arith.addi %mul3A_104, %add3A_105 : i32
    "tpu.region"() ({
      %run_scoped3A_325 = tpu.sem_alloc : memref<!tpu.dma_semaphore, #tpu.memory_space<semaphore_mem>>
      %dma_start3A_326 = arith.constant 0 : i32
      %dma_start3A_327 = tpu.memref_slice %arg13[%add3A_106, %dma_start3A_326] : memref<10000x128xf32, #tpu.memory_space<vmem_shared>> -> memref<25x128xf32, #tpu.memory_space<vmem_shared>>
      %dma_start3A_328 = arith.constant 0 : i32
      %dma_start3A_329 = tpu.memref_slice %arg13[%add3A_106, %dma_start3A_328] : memref<10000x128xf32, #tpu.memory_space<vmem_shared>> -> memref<25x128xf32, #tpu.memory_space<vmem_shared>>
      tpu.enqueue_dma source(%arg12 : memref<25x128xf32, #tpu.memory_space<vmem>>) target(%dma_start3A_329 : memref<25x128xf32, #tpu.memory_space<vmem_shared>>) target_semaphore(%run_scoped3A_325 : memref<!tpu.dma_semaphore, #tpu.memory_space<semaphore_mem>>)
      %dma_wait3A_330 = arith.constant 0 : i32
      %dma_wait3A_331 = tpu.memref_slice %arg13[%add3A_106, %dma_wait3A_330] : memref<10000x128xf32, #tpu.memory_space<vmem_shared>> -> memref<25x128xf32, #tpu.memory_space<vmem_shared>>
      %dma_wait3A_332 = arith.constant 0 : i32
      %dma_wait3A_333 = tpu.memref_slice %arg13[%add3A_106, %dma_wait3A_332] : memref<10000x128xf32, #tpu.memory_space<vmem_shared>> -> memref<25x128xf32, #tpu.memory_space<vmem_shared>>
      tpu.wait_dma2 semaphore(%run_scoped3A_325 : memref<!tpu.dma_semaphore, #tpu.memory_space<semaphore_mem>>) src(%arg12 : memref<25x128xf32, #tpu.memory_space<vmem>>) dst(%dma_wait3A_333 : memref<25x128xf32, #tpu.memory_space<vmem_shared>>)
      tpu.yield
    }) : () -> ()
    %barrier3A = arith.constant 0 : index
    tpu.barrier barrier_id(%barrier3A)
    %mul3A_107 = arith.constant 10112 : i32
    %mul3A_108 = arith.muli %add3A, %mul3A_107 : i32
    "tpu.region"() ({
      %run_scoped3A_325 = tpu.sem_alloc : memref<!tpu.dma_semaphore, #tpu.memory_space<semaphore_mem>>
      %dma_start3A_326 = arith.constant 0 : i32
      %dma_start3A_327 = arith.constant 0 : i32
      %dma_start3A_328 = tpu.memref_slice %arg4[%add3A, %dma_start3A_326, %dma_start3A_327] : memref<32x79x128xi32, #tpu.memory_space<hbm>> -> memref<1x79x128xi32, #tpu.memory_space<hbm>>
      %dma_start3A_329 = tpu.memref_squeeze %dma_start3A_328 : memref<1x79x128xi32, #tpu.memory_space<hbm>> -> memref<79x128xi32, #tpu.memory_space<hbm>>
      %dma_start3A_330 = arith.constant 0 : i32
      %dma_start3A_331 = arith.constant 0 : i32
      %dma_start3A_332 = tpu.memref_slice %arg4[%add3A, %dma_start3A_330, %dma_start3A_331] : memref<32x79x128xi32, #tpu.memory_space<hbm>> -> memref<1x79x128xi32, #tpu.memory_space<hbm>>
      %dma_start3A_333 = tpu.memref_squeeze %dma_start3A_332 : memref<1x79x128xi32, #tpu.memory_space<hbm>> -> memref<79x128xi32, #tpu.memory_space<hbm>>
      tpu.enqueue_dma source(%dma_start3A_333 : memref<79x128xi32, #tpu.memory_space<hbm>>) target(%arg9 : memref<79x128xi32, #tpu.memory_space<vmem>>) target_semaphore(%run_scoped3A_325 : memref<!tpu.dma_semaphore, #tpu.memory_space<semaphore_mem>>)
      %dma_wait3A_334 = arith.constant 0 : i32
      %dma_wait3A_335 = arith.constant 0 : i32
      %dma_wait3A_336 = tpu.memref_slice %arg4[%add3A, %dma_wait3A_334, %dma_wait3A_335] : memref<32x79x128xi32, #tpu.memory_space<hbm>> -> memref<1x79x128xi32, #tpu.memory_space<hbm>>
      %dma_wait3A_337 = tpu.memref_squeeze %dma_wait3A_336 : memref<1x79x128xi32, #tpu.memory_space<hbm>> -> memref<79x128xi32, #tpu.memory_space<hbm>>
      %dma_wait3A_338 = arith.constant 0 : i32
      %dma_wait3A_339 = arith.constant 0 : i32
      %dma_wait3A_340 = tpu.memref_slice %arg4[%add3A, %dma_wait3A_338, %dma_wait3A_339] : memref<32x79x128xi32, #tpu.memory_space<hbm>> -> memref<1x79x128xi32, #tpu.memory_space<hbm>>
      %dma_wait3A_341 = tpu.memref_squeeze %dma_wait3A_340 : memref<1x79x128xi32, #tpu.memory_space<hbm>> -> memref<79x128xi32, #tpu.memory_space<hbm>>
      tpu.wait_dma2 semaphore(%run_scoped3A_325 : memref<!tpu.dma_semaphore, #tpu.memory_space<semaphore_mem>>) src(%dma_wait3A_341 : memref<79x128xi32, #tpu.memory_space<hbm>>) dst(%arg9 : memref<79x128xi32, #tpu.memory_space<vmem>>)
      tpu.yield
    }) : () -> ()
    %scan3A_109 = arith.constant 0 : i32
    %scan3A_110 = arith.constant 0 : i32
    %scan3A_111 = arith.constant 128 : i32
    %scan3A_112 = arith.addi %scan3A_110, %scan3A_111 : i32
    %scan3A_113 = arith.constant 1 : i32
    %scan3A_114 = scf.for %scan3A_325 = %scan3A_110 to %scan3A_112 step %scan3A_113 iter_args(%scan3A_326 = %scan3A_109) -> (i32)  : i32 {
      %broadcast_in_dim3A = arith.constant 0.000000e+00 : f32
      %broadcast_in_dim3A_327 = vector.broadcast %broadcast_in_dim3A : f32 to vector<16xf32>
      %swap3A = arith.index_cast %scan3A_325 : i32 to index
      %swap3A_328 = arith.constant 0 : index
      %swap3A_329 = tpu.vector_load %arg11[%swap3A, %swap3A_328] {strides = array<i32>} : memref<128x128xf32, #tpu.memory_space<vmem>>, vector<16xf32>,
      tpu.vector_store %arg11[%swap3A, %swap3A_328], %broadcast_in_dim3A_327 {strides = array<i32>} : memref<128x128xf32, #tpu.memory_space<vmem>>, vector<16xf32>,
      %broadcast_in_dim3A_330 = arith.constant 0.000000e+00 : f32
      %broadcast_in_dim3A_331 = vector.broadcast %broadcast_in_dim3A_330 : f32 to vector<16xf32>
      %swap3A_332 = arith.index_cast %scan3A_325 : i32 to index
      %swap3A_333 = arith.constant 16 : index
      %swap3A_334 = tpu.vector_load %arg11[%swap3A_332, %swap3A_333] {strides = array<i32>} : memref<128x128xf32, #tpu.memory_space<vmem>>, vector<16xf32>,
      tpu.vector_store %arg11[%swap3A_332, %swap3A_333], %broadcast_in_dim3A_331 {strides = array<i32>} : memref<128x128xf32, #tpu.memory_space<vmem>>, vector<16xf32>,
      %broadcast_in_dim3A_335 = arith.constant 0.000000e+00 : f32
      %broadcast_in_dim3A_336 = vector.broadcast %broadcast_in_dim3A_335 : f32 to vector<16xf32>
      %swap3A_337 = arith.index_cast %scan3A_325 : i32 to index
      %swap3A_338 = arith.constant 32 : index
      %swap3A_339 = tpu.vector_load %arg11[%swap3A_337, %swap3A_338] {strides = array<i32>} : memref<128x128xf32, #tpu.memory_space<vmem>>, vector<16xf32>,
      tpu.vector_store %arg11[%swap3A_337, %swap3A_338], %broadcast_in_dim3A_336 {strides = array<i32>} : memref<128x128xf32, #tpu.memory_space<vmem>>, vector<16xf32>,
      %broadcast_in_dim3A_340 = arith.constant 0.000000e+00 : f32
      %broadcast_in_dim3A_341 = vector.broadcast %broadcast_in_dim3A_340 : f32 to vector<16xf32>
      %swap3A_342 = arith.index_cast %scan3A_325 : i32 to index
      %swap3A_343 = arith.constant 48 : index
      %swap3A_344 = tpu.vector_load %arg11[%swap3A_342, %swap3A_343] {strides = array<i32>} : memref<128x128xf32, #tpu.memory_space<vmem>>, vector<16xf32>,
      tpu.vector_store %arg11[%swap3A_342, %swap3A_343], %broadcast_in_dim3A_341 {strides = array<i32>} : memref<128x128xf32, #tpu.memory_space<vmem>>, vector<16xf32>,
      %broadcast_in_dim3A_345 = arith.constant 0.000000e+00 : f32
      %broadcast_in_dim3A_346 = vector.broadcast %broadcast_in_dim3A_345 : f32 to vector<16xf32>
      %swap3A_347 = arith.index_cast %scan3A_325 : i32 to index
      %swap3A_348 = arith.constant 64 : index
      %swap3A_349 = tpu.vector_load %arg11[%swap3A_347, %swap3A_348] {strides = array<i32>} : memref<128x128xf32, #tpu.memory_space<vmem>>, vector<16xf32>,
      tpu.vector_store %arg11[%swap3A_347, %swap3A_348], %broadcast_in_dim3A_346 {strides = array<i32>} : memref<128x128xf32, #tpu.memory_space<vmem>>, vector<16xf32>,
      %broadcast_in_dim3A_350 = arith.constant 0.000000e+00 : f32
      %broadcast_in_dim3A_351 = vector.broadcast %broadcast_in_dim3A_350 : f32 to vector<16xf32>
      %swap3A_352 = arith.index_cast %scan3A_325 : i32 to index
      %swap3A_353 = arith.constant 80 : index
      %swap3A_354 = tpu.vector_load %arg11[%swap3A_352, %swap3A_353] {strides = array<i32>} : memref<128x128xf32, #tpu.memory_space<vmem>>, vector<16xf32>,
      tpu.vector_store %arg11[%swap3A_352, %swap3A_353], %broadcast_in_dim3A_351 {strides = array<i32>} : memref<128x128xf32, #tpu.memory_space<vmem>>, vector<16xf32>,
      %broadcast_in_dim3A_355 = arith.constant 0.000000e+00 : f32
      %broadcast_in_dim3A_356 = vector.broadcast %broadcast_in_dim3A_355 : f32 to vector<16xf32>
      %swap3A_357 = arith.index_cast %scan3A_325 : i32 to index
      %swap3A_358 = arith.constant 96 : index
      %swap3A_359 = tpu.vector_load %arg11[%swap3A_357, %swap3A_358] {strides = array<i32>} : memref<128x128xf32, #tpu.memory_space<vmem>>, vector<16xf32>,
      tpu.vector_store %arg11[%swap3A_357, %swap3A_358], %broadcast_in_dim3A_356 {strides = array<i32>} : memref<128x128xf32, #tpu.memory_space<vmem>>, vector<16xf32>,
      %broadcast_in_dim3A_360 = arith.constant 0.000000e+00 : f32
      %broadcast_in_dim3A_361 = vector.broadcast %broadcast_in_dim3A_360 : f32 to vector<16xf32>
      %swap3A_362 = arith.index_cast %scan3A_325 : i32 to index
      %swap3A_363 = arith.constant 112 : index
      %swap3A_364 = tpu.vector_load %arg11[%swap3A_362, %swap3A_363] {strides = array<i32>} : memref<128x128xf32, #tpu.memory_space<vmem>>, vector<16xf32>,
      tpu.vector_store %arg11[%swap3A_362, %swap3A_363], %broadcast_in_dim3A_361 {strides = array<i32>} : memref<128x128xf32, #tpu.memory_space<vmem>>, vector<16xf32>,
      %scan3A_365 = arith.constant 0 : i32
      scf.yield %scan3A_365 : i32
    }
    %scan3A_115 = arith.constant 128 : i32
    %add3A_116 = arith.constant 0 : i32
    %add3A_117 = arith.addi %mul3A_108, %add3A_116 : i32
    %run_scoped3A = arith.constant 0 : i32
    "tpu.region"() ({
      %run_scoped3A_325 = tpu.sem_alloc : memref<!tpu.dma_semaphore, #tpu.memory_space<semaphore_mem>>
      %dma_start3A_326 = arith.constant 0 : i32
      %dma_start3A_327 = tpu.memref_slice %arg7[%run_scoped3A, %dma_start3A_326] : memref<2x128xi32, #tpu.memory_space<vmem>> -> memref<1x128xi32, #tpu.memory_space<vmem>>
      %dma_start3A_328 = tpu.memref_squeeze %dma_start3A_327 : memref<1x128xi32, #tpu.memory_space<vmem>> -> memref<128xi32, #tpu.memory_space<vmem>>
      %dma_start3A_329 = tpu.memref_slice %arg3[%add3A_117] : memref<323584xi32, #tpu.memory_space<hbm>> -> memref<128xi32, #tpu.memory_space<hbm>>
      %dma_start3A_330 = arith.constant 0 : i32
      %dma_start3A_331 = tpu.memref_slice %arg7[%run_scoped3A, %dma_start3A_330] : memref<2x128xi32, #tpu.memory_space<vmem>> -> memref<1x128xi32, #tpu.memory_space<vmem>>
      %dma_start3A_332 = tpu.memref_squeeze %dma_start3A_331 : memref<1x128xi32, #tpu.memory_space<vmem>> -> memref<128xi32, #tpu.memory_space<vmem>>
      %dma_start3A_333 = tpu.memref_slice %arg3[%add3A_117] : memref<323584xi32, #tpu.memory_space<hbm>> -> memref<128xi32, #tpu.memory_space<hbm>>
      tpu.enqueue_dma source(%dma_start3A_333 : memref<128xi32, #tpu.memory_space<hbm>>) target(%dma_start3A_332 : memref<128xi32, #tpu.memory_space<vmem>>) target_semaphore(%run_scoped3A_325 : memref<!tpu.dma_semaphore, #tpu.memory_space<semaphore_mem>>)
      %dma_wait3A_334 = arith.constant 0 : i32
      %dma_wait3A_335 = tpu.memref_slice %arg7[%run_scoped3A, %dma_wait3A_334] : memref<2x128xi32, #tpu.memory_space<vmem>> -> memref<1x128xi32, #tpu.memory_space<vmem>>
      %dma_wait3A_336 = tpu.memref_squeeze %dma_wait3A_335 : memref<1x128xi32, #tpu.memory_space<vmem>> -> memref<128xi32, #tpu.memory_space<vmem>>
      %dma_wait3A_337 = tpu.memref_slice %arg3[%add3A_117] : memref<323584xi32, #tpu.memory_space<hbm>> -> memref<128xi32, #tpu.memory_space<hbm>>
      %dma_wait3A_338 = arith.constant 0 : i32
      %dma_wait3A_339 = tpu.memref_slice %arg7[%run_scoped3A, %dma_wait3A_338] : memref<2x128xi32, #tpu.memory_space<vmem>> -> memref<1x128xi32, #tpu.memory_space<vmem>>
      %dma_wait3A_340 = tpu.memref_squeeze %dma_wait3A_339 : memref<1x128xi32, #tpu.memory_space<vmem>> -> memref<128xi32, #tpu.memory_space<vmem>>
      %dma_wait3A_341 = tpu.memref_slice %arg3[%add3A_117] : memref<323584xi32, #tpu.memory_space<hbm>> -> memref<128xi32, #tpu.memory_space<hbm>>
      tpu.wait_dma2 semaphore(%run_scoped3A_325 : memref<!tpu.dma_semaphore, #tpu.memory_space<semaphore_mem>>) src(%dma_wait3A_341 : memref<128xi32, #tpu.memory_space<hbm>>) dst(%dma_wait3A_340 : memref<128xi32, #tpu.memory_space<vmem>>)
      tpu.yield
    }) : () -> ()
    %add3A_118 = arith.constant 0 : i32
    %add3A_119 = arith.addi %mul3A_108, %add3A_118 : i32
    "tpu.region"() ({
      %run_scoped3A_325 = tpu.sem_alloc : memref<!tpu.dma_semaphore, #tpu.memory_space<semaphore_mem>>
      %dma_start3A_326 = arith.constant 0 : i32
      %dma_start3A_327 = tpu.memref_slice %arg8[%dma_start3A_326] : memref<256xf32, #tpu.memory_space<vmem>> -> memref<128xf32, #tpu.memory_space<vmem>>
      %dma_start3A_328 = tpu.memref_slice %arg5[%add3A_119] : memref<323584xf32, #tpu.memory_space<hbm>> -> memref<128xf32, #tpu.memory_space<hbm>>
      %dma_start3A_329 = arith.constant 0 : i32
      %dma_start3A_330 = tpu.memref_slice %arg8[%dma_start3A_329] : memref<256xf32, #tpu.memory_space<vmem>> -> memref<128xf32, #tpu.memory_space<vmem>>
      %dma_start3A_331 = tpu.memref_slice %arg5[%add3A_119] : memref<323584xf32, #tpu.memory_space<hbm>> -> memref<128xf32, #tpu.memory_space<hbm>>
      tpu.enqueue_dma source(%dma_start3A_331 : memref<128xf32, #tpu.memory_space<hbm>>) target(%dma_start3A_330 : memref<128xf32, #tpu.memory_space<vmem>>) target_semaphore(%run_scoped3A_325 : memref<!tpu.dma_semaphore, #tpu.memory_space<semaphore_mem>>)
      %dma_wait3A_332 = arith.constant 0 : i32
      %dma_wait3A_333 = tpu.memref_slice %arg8[%dma_wait3A_332] : memref<256xf32, #tpu.memory_space<vmem>> -> memref<128xf32, #tpu.memory_space<vmem>>
      %dma_wait3A_334 = tpu.memref_slice %arg5[%add3A_119] : memref<323584xf32, #tpu.memory_space<hbm>> -> memref<128xf32, #tpu.memory_space<hbm>>
      %dma_wait3A_335 = arith.constant 0 : i32
      %dma_wait3A_336 = tpu.memref_slice %arg8[%dma_wait3A_335] : memref<256xf32, #tpu.memory_space<vmem>> -> memref<128xf32, #tpu.memory_space<vmem>>
      %dma_wait3A_337 = tpu.memref_slice %arg5[%add3A_119] : memref<323584xf32, #tpu.memory_space<hbm>> -> memref<128xf32, #tpu.memory_space<hbm>>
      tpu.wait_dma2 semaphore(%run_scoped3A_325 : memref<!tpu.dma_semaphore, #tpu.memory_space<semaphore_mem>>) src(%dma_wait3A_337 : memref<128xf32, #tpu.memory_space<hbm>>) dst(%dma_wait3A_336 : memref<128xf32, #tpu.memory_space<vmem>>)
      tpu.yield
    }) : () -> ()
    %dma_start3A = arith.constant 0 : i32
    %dma_start3A_120 = arith.constant 0 : i32
    %dma_start3A_121 = tpu.memref_slice %arg7[%dma_start3A, %dma_start3A_120] : memref<2x128xi32, #tpu.memory_space<vmem>> -> memref<1x128xi32, #tpu.memory_space<vmem>>
    %dma_start3A_122 = tpu.memref_squeeze %dma_start3A_121 : memref<1x128xi32, #tpu.memory_space<vmem>> -> memref<128xi32, #tpu.memory_space<vmem>>
    %dma_start3A_123 = arith.constant 0 : i32
    %dma_start3A_124 = arith.constant 0 : i32
    %dma_start3A_125 = tpu.memref_slice %arg2[%dma_start3A_123, %dma_start3A_124] : memref<10000x128xf32, #tpu.memory_space<hbm>> -> memref<10000x128xf32, #tpu.memory_space<hbm>>
    tpu.enqueue_indirect_dma source(%dma_start3A_125 : memref<10000x128xf32, #tpu.memory_space<hbm>>) target(%arg10 : memref<128x128xf32, #tpu.memory_space<vmem>>) offsets(%dma_start3A_122 : memref<128xi32, #tpu.memory_space<vmem>>) semaphore(%arg14 : memref<!tpu.dma_semaphore, #tpu.memory_space<semaphore_mem>>)
    %add3A_126 = arith.constant 128 : i32
    %add3A_127 = arith.addi %mul3A_108, %add3A_126 : i32
    %dma_start3A_128 = arith.constant 1 : i32
    %dma_start3A_129 = arith.constant 0 : i32
    %dma_start3A_130 = tpu.memref_slice %arg7[%dma_start3A_128, %dma_start3A_129] : memref<2x128xi32, #tpu.memory_space<vmem>> -> memref<1x128xi32, #tpu.memory_space<vmem>>
    %dma_start3A_131 = tpu.memref_squeeze %dma_start3A_130 : memref<1x128xi32, #tpu.memory_space<vmem>> -> memref<128xi32, #tpu.memory_space<vmem>>
    %dma_start3A_132 = tpu.memref_slice %arg3[%add3A_127] : memref<323584xi32, #tpu.memory_space<hbm>> -> memref<128xi32, #tpu.memory_space<hbm>>
    %dma_start3A_133 = arith.constant 0 : i32
    %dma_start3A_134 = tpu.memref_slice %arg7[%dma_start3A_128, %dma_start3A_133] : memref<2x128xi32, #tpu.memory_space<vmem>> -> memref<1x128xi32, #tpu.memory_space<vmem>>
    %dma_start3A_135 = tpu.memref_squeeze %dma_start3A_134 : memref<1x128xi32, #tpu.memory_space<vmem>> -> memref<128xi32, #tpu.memory_space<vmem>>
    %dma_start3A_136 = tpu.memref_slice %arg3[%add3A_127] : memref<323584xi32, #tpu.memory_space<hbm>> -> memref<128xi32, #tpu.memory_space<hbm>>
    tpu.enqueue_dma source(%dma_start3A_136 : memref<128xi32, #tpu.memory_space<hbm>>) target(%dma_start3A_135 : memref<128xi32, #tpu.memory_space<vmem>>) target_semaphore(%arg19 : memref<!tpu.dma_semaphore, #tpu.memory_space<semaphore_mem>>)
    %add3A_137 = arith.constant 128 : i32
    %add3A_138 = arith.addi %mul3A_108, %add3A_137 : i32
    %dma_start3A_139 = arith.constant 128 : i32
    %dma_start3A_140 = tpu.memref_slice %arg8[%dma_start3A_139] : memref<256xf32, #tpu.memory_space<vmem>> -> memref<128xf32, #tpu.memory_space<vmem>>
    %dma_start3A_141 = tpu.memref_slice %arg5[%add3A_138] : memref<323584xf32, #tpu.memory_space<hbm>> -> memref<128xf32, #tpu.memory_space<hbm>>
    %dma_start3A_142 = arith.constant 128 : i32
    %dma_start3A_143 = tpu.memref_slice %arg8[%dma_start3A_142] : memref<256xf32, #tpu.memory_space<vmem>> -> memref<128xf32, #tpu.memory_space<vmem>>
    %dma_start3A_144 = tpu.memref_slice %arg5[%add3A_138] : memref<323584xf32, #tpu.memory_space<hbm>> -> memref<128xf32, #tpu.memory_space<hbm>>
    tpu.enqueue_dma source(%dma_start3A_144 : memref<128xf32, #tpu.memory_space<hbm>>) target(%dma_start3A_143 : memref<128xf32, #tpu.memory_space<vmem>>) target_semaphore(%arg19 : memref<!tpu.dma_semaphore, #tpu.memory_space<semaphore_mem>>)
    %dma_start3A_145 = arith.constant 0 : i32
    %dma_start3A_146 = arith.constant 0 : i32
    %dma_start3A_147 = tpu.memref_slice %arg9[%dma_start3A_145, %dma_start3A_146] : memref<79x128xi32, #tpu.memory_space<vmem>> -> memref<1x128xi32, #tpu.memory_space<vmem>>
    %dma_start3A_148 = tpu.memref_squeeze %dma_start3A_147 : memref<1x128xi32, #tpu.memory_space<vmem>> -> memref<128xi32, #tpu.memory_space<vmem>>
    %dma_start3A_149 = arith.constant 0 : i32
    %dma_start3A_150 = arith.constant 0 : i32
    %dma_start3A_151 = tpu.memref_slice %arg13[%dma_start3A_149, %dma_start3A_150] : memref<10000x128xf32, #tpu.memory_space<vmem_shared>> -> memref<10000x128xf32, #tpu.memory_space<vmem_shared>>
    tpu.enqueue_indirect_dma source(%arg11 : memref<128x128xf32, #tpu.memory_space<vmem>>) target(%dma_start3A_151 : memref<10000x128xf32, #tpu.memory_space<vmem_shared>>) offsets(%dma_start3A_148 : memref<128xi32, #tpu.memory_space<vmem>>) semaphore(%arg17 : memref<!tpu.dma_semaphore, #tpu.memory_space<semaphore_mem>>) {add = true}
    %scan3A_152 = arith.constant 0 : i32
    %scan3A_153 = arith.constant 0 : i32
    %scan3A_154 = arith.constant 38 : i32
    %scan3A_155 = arith.addi %scan3A_153, %scan3A_154 : i32
    %scan3A_156 = arith.constant 1 : i32
    %scan3A_157 = scf.for %scan3A_325 = %scan3A_153 to %scan3A_155 step %scan3A_156 iter_args(%scan3A_326 = %scan3A_152) -> (i32)  : i32 {
      %dma_wait3A_327 = arith.constant 0 : i32
      %dma_wait3A_328 = arith.constant 0 : i32
      %dma_wait3A_329 = tpu.memref_slice %arg9[%dma_wait3A_327, %dma_wait3A_328] : memref<79x128xi32, #tpu.memory_space<vmem>> -> memref<1x128xi32, #tpu.memory_space<vmem>>
      %dma_wait3A_330 = tpu.memref_squeeze %dma_wait3A_329 : memref<1x128xi32, #tpu.memory_space<vmem>> -> memref<128xi32, #tpu.memory_space<vmem>>
      %dma_wait3A_331 = arith.constant 0 : i32
      %dma_wait3A_332 = arith.constant 0 : i32
      %dma_wait3A_333 = tpu.memref_slice %arg13[%dma_wait3A_331, %dma_wait3A_332] : memref<10000x128xf32, #tpu.memory_space<vmem_shared>> -> memref<10000x128xf32, #tpu.memory_space<vmem_shared>>
      tpu.wait_indirect_dma semaphore(%arg17 : memref<!tpu.dma_semaphore, #tpu.memory_space<semaphore_mem>>) src(%arg11 : memref<128x128xf32, #tpu.memory_space<vmem>>) dst(%dma_wait3A_333 : memref<10000x128xf32, #tpu.memory_space<vmem_shared>>)
      %dma_wait3A_334 = arith.constant 1 : i32
      %dma_wait3A_335 = arith.constant 0 : i32
      %dma_wait3A_336 = tpu.memref_slice %arg7[%dma_wait3A_334, %dma_wait3A_335] : memref<2x128xi32, #tpu.memory_space<vmem>> -> memref<1x128xi32, #tpu.memory_space<vmem>>
      %dma_wait3A_337 = tpu.memref_squeeze %dma_wait3A_336 : memref<1x128xi32, #tpu.memory_space<vmem>> -> memref<128xi32, #tpu.memory_space<vmem>>
      %dma_wait3A_338 = arith.constant 0 : i32
      %dma_wait3A_339 = tpu.memref_slice %arg3[%dma_wait3A_338] : memref<323584xi32, #tpu.memory_space<hbm>> -> memref<128xi32, #tpu.memory_space<hbm>>
      %dma_wait3A_340 = arith.constant 0 : i32
      %dma_wait3A_341 = tpu.memref_slice %arg7[%dma_wait3A_334, %dma_wait3A_340] : memref<2x128xi32, #tpu.memory_space<vmem>> -> memref<1x128xi32, #tpu.memory_space<vmem>>
      %dma_wait3A_342 = tpu.memref_squeeze %dma_wait3A_341 : memref<1x128xi32, #tpu.memory_space<vmem>> -> memref<128xi32, #tpu.memory_space<vmem>>
      %dma_wait3A_343 = arith.constant 0 : i32
      %dma_wait3A_344 = tpu.memref_slice %arg3[%dma_wait3A_343] : memref<323584xi32, #tpu.memory_space<hbm>> -> memref<128xi32, #tpu.memory_space<hbm>>
      tpu.wait_dma2 semaphore(%arg19 : memref<!tpu.dma_semaphore, #tpu.memory_space<semaphore_mem>>) src(%dma_wait3A_344 : memref<128xi32, #tpu.memory_space<hbm>>) dst(%dma_wait3A_342 : memref<128xi32, #tpu.memory_space<vmem>>)
      %dma_wait3A_345 = arith.constant 128 : i32
      %dma_wait3A_346 = tpu.memref_slice %arg8[%dma_wait3A_345] : memref<256xf32, #tpu.memory_space<vmem>> -> memref<128xf32, #tpu.memory_space<vmem>>
      %dma_wait3A_347 = arith.constant 0 : i32
      %dma_wait3A_348 = tpu.memref_slice %arg5[%dma_wait3A_347] : memref<323584xf32, #tpu.memory_space<hbm>> -> memref<128xf32, #tpu.memory_space<hbm>>
      %dma_wait3A_349 = arith.constant 128 : i32
      %dma_wait3A_350 = tpu.memref_slice %arg8[%dma_wait3A_349] : memref<256xf32, #tpu.memory_space<vmem>> -> memref<128xf32, #tpu.memory_space<vmem>>
      %dma_wait3A_351 = arith.constant 0 : i32
      %dma_wait3A_352 = tpu.memref_slice %arg5[%dma_wait3A_351] : memref<323584xf32, #tpu.memory_space<hbm>> -> memref<128xf32, #tpu.memory_space<hbm>>
      tpu.wait_dma2 semaphore(%arg19 : memref<!tpu.dma_semaphore, #tpu.memory_space<semaphore_mem>>) src(%dma_wait3A_352 : memref<128xf32, #tpu.memory_space<hbm>>) dst(%dma_wait3A_350 : memref<128xf32, #tpu.memory_space<vmem>>)
      %dma_start3A_353 = arith.constant 1 : i32
      %dma_start3A_354 = arith.constant 0 : i32
      %dma_start3A_355 = tpu.memref_slice %arg7[%dma_start3A_353, %dma_start3A_354] : memref<2x128xi32, #tpu.memory_space<vmem>> -> memref<1x128xi32, #tpu.memory_space<vmem>>
      %dma_start3A_356 = tpu.memref_squeeze %dma_start3A_355 : memref<1x128xi32, #tpu.memory_space<vmem>> -> memref<128xi32, #tpu.memory_space<vmem>>
      %dma_start3A_357 = arith.constant 0 : i32
      %dma_start3A_358 = arith.constant 0 : i32
      %dma_start3A_359 = tpu.memref_slice %arg2[%dma_start3A_357, %dma_start3A_358] : memref<10000x128xf32, #tpu.memory_space<hbm>> -> memref<10000x128xf32, #tpu.memory_space<hbm>>
      tpu.enqueue_indirect_dma source(%dma_start3A_359 : memref<10000x128xf32, #tpu.memory_space<hbm>>) target(%arg11 : memref<128x128xf32, #tpu.memory_space<vmem>>) offsets(%dma_start3A_356 : memref<128xi32, #tpu.memory_space<vmem>>) semaphore(%arg15 : memref<!tpu.dma_semaphore, #tpu.memory_space<semaphore_mem>>)
      %dma_wait3A_360 = arith.constant 0 : i32
      %dma_wait3A_361 = arith.constant 0 : i32
      %dma_wait3A_362 = tpu.memref_slice %arg7[%dma_wait3A_360, %dma_wait3A_361] : memref<2x128xi32, #tpu.memory_space<vmem>> -> memref<1x128xi32, #tpu.memory_space<vmem>>
      %dma_wait3A_363 = tpu.memref_squeeze %dma_wait3A_362 : memref<1x128xi32, #tpu.memory_space<vmem>> -> memref<128xi32, #tpu.memory_space<vmem>>
      %dma_wait3A_364 = arith.constant 0 : i32
      %dma_wait3A_365 = arith.constant 0 : i32
      %dma_wait3A_366 = tpu.memref_slice %arg2[%dma_wait3A_364, %dma_wait3A_365] : memref<10000x128xf32, #tpu.memory_space<hbm>> -> memref<10000x128xf32, #tpu.memory_space<hbm>>
      tpu.wait_indirect_dma semaphore(%arg14 : memref<!tpu.dma_semaphore, #tpu.memory_space<semaphore_mem>>) src(%dma_wait3A_366 : memref<10000x128xf32, #tpu.memory_space<hbm>>) dst(%arg10 : memref<128x128xf32, #tpu.memory_space<vmem>>)
      %scan3A_367 = arith.constant 0 : i32
      %scan3A_368 = arith.constant 0 : i32
      %scan3A_369 = arith.constant 128 : i32
      %scan3A_370 = arith.addi %scan3A_368, %scan3A_369 : i32
      %scan3A_371 = arith.constant 1 : i32
      %scan3A_372 = scf.for %scan3A_490 = %scan3A_368 to %scan3A_370 step %scan3A_371 iter_args(%scan3A_491 = %scan3A_367) -> (i32)  : i32 {
        %add3A_492 = arith.constant 0 : i32
        %add3A_493 = arith.addi %add3A_492, %scan3A_490 : i32
        %broadcast_in_dim3A = vector.broadcast %add3A_493 : i32 to vector<16xi32>
        %gather3A = tpu.vector_load_idx %arg8[%broadcast_in_dim3A] : memref<256xf32, #tpu.memory_space<vmem>>[vector<16xi32>], vector<16xf32>,
        %get3A = arith.index_cast %scan3A_490 : i32 to index
        %get3A_494 = arith.constant 0 : index
        %get3A_495 = tpu.vector_load %arg10[%get3A, %get3A_494] {strides = array<i32>} : memref<128x128xf32, #tpu.memory_space<vmem>>, vector<16xf32>,
        %mul3A_496 = arith.mulf %get3A_495, %gather3A : vector<16xf32>
        %swap3A = arith.index_cast %scan3A_490 : i32 to index
        %swap3A_497 = arith.constant 0 : index
        %swap3A_498 = tpu.vector_load %arg10[%swap3A, %swap3A_497] {strides = array<i32>} : memref<128x128xf32, #tpu.memory_space<vmem>>, vector<16xf32>,
        tpu.vector_store %arg10[%swap3A, %swap3A_497], %mul3A_496 {strides = array<i32>} : memref<128x128xf32, #tpu.memory_space<vmem>>, vector<16xf32>,
        %get3A_499 = arith.index_cast %scan3A_490 : i32 to index
        %get3A_500 = arith.constant 16 : index
        %get3A_501 = tpu.vector_load %arg10[%get3A_499, %get3A_500] {strides = array<i32>} : memref<128x128xf32, #tpu.memory_space<vmem>>, vector<16xf32>,
        %mul3A_502 = arith.mulf %get3A_501, %gather3A : vector<16xf32>
        %swap3A_503 = arith.index_cast %scan3A_490 : i32 to index
        %swap3A_504 = arith.constant 16 : index
        %swap3A_505 = tpu.vector_load %arg10[%swap3A_503, %swap3A_504] {strides = array<i32>} : memref<128x128xf32, #tpu.memory_space<vmem>>, vector<16xf32>,
        tpu.vector_store %arg10[%swap3A_503, %swap3A_504], %mul3A_502 {strides = array<i32>} : memref<128x128xf32, #tpu.memory_space<vmem>>, vector<16xf32>,
        %get3A_506 = arith.index_cast %scan3A_490 : i32 to index
        %get3A_507 = arith.constant 32 : index
        %get3A_508 = tpu.vector_load %arg10[%get3A_506, %get3A_507] {strides = array<i32>} : memref<128x128xf32, #tpu.memory_space<vmem>>, vector<16xf32>,
        %mul3A_509 = arith.mulf %get3A_508, %gather3A : vector<16xf32>
        %swap3A_510 = arith.index_cast %scan3A_490 : i32 to index
        %swap3A_511 = arith.constant 32 : index
        %swap3A_512 = tpu.vector_load %arg10[%swap3A_510, %swap3A_511] {strides = array<i32>} : memref<128x128xf32, #tpu.memory_space<vmem>>, vector<16xf32>,
        tpu.vector_store %arg10[%swap3A_510, %swap3A_511], %mul3A_509 {strides = array<i32>} : memref<128x128xf32, #tpu.memory_space<vmem>>, vector<16xf32>,
        %get3A_513 = arith.index_cast %scan3A_490 : i32 to index
        %get3A_514 = arith.constant 48 : index
        %get3A_515 = tpu.vector_load %arg10[%get3A_513, %get3A_514] {strides = array<i32>} : memref<128x128xf32, #tpu.memory_space<vmem>>, vector<16xf32>,
        %mul3A_516 = arith.mulf %get3A_515, %gather3A : vector<16xf32>
        %swap3A_517 = arith.index_cast %scan3A_490 : i32 to index
        %swap3A_518 = arith.constant 48 : index
        %swap3A_519 = tpu.vector_load %arg10[%swap3A_517, %swap3A_518] {strides = array<i32>} : memref<128x128xf32, #tpu.memory_space<vmem>>, vector<16xf32>,
        tpu.vector_store %arg10[%swap3A_517, %swap3A_518], %mul3A_516 {strides = array<i32>} : memref<128x128xf32, #tpu.memory_space<vmem>>, vector<16xf32>,
        %get3A_520 = arith.index_cast %scan3A_490 : i32 to index
        %get3A_521 = arith.constant 64 : index
        %get3A_522 = tpu.vector_load %arg10[%get3A_520, %get3A_521] {strides = array<i32>} : memref<128x128xf32, #tpu.memory_space<vmem>>, vector<16xf32>,
        %mul3A_523 = arith.mulf %get3A_522, %gather3A : vector<16xf32>
        %swap3A_524 = arith.index_cast %scan3A_490 : i32 to index
        %swap3A_525 = arith.constant 64 : index
        %swap3A_526 = tpu.vector_load %arg10[%swap3A_524, %swap3A_525] {strides = array<i32>} : memref<128x128xf32, #tpu.memory_space<vmem>>, vector<16xf32>,
        tpu.vector_store %arg10[%swap3A_524, %swap3A_525], %mul3A_523 {strides = array<i32>} : memref<128x128xf32, #tpu.memory_space<vmem>>, vector<16xf32>,
        %get3A_527 = arith.index_cast %scan3A_490 : i32 to index
        %get3A_528 = arith.constant 80 : index
        %get3A_529 = tpu.vector_load %arg10[%get3A_527, %get3A_528] {strides = array<i32>} : memref<128x128xf32, #tpu.memory_space<vmem>>, vector<16xf32>,
        %mul3A_530 = arith.mulf %get3A_529, %gather3A : vector<16xf32>
        %swap3A_531 = arith.index_cast %scan3A_490 : i32 to index
        %swap3A_532 = arith.constant 80 : index
        %swap3A_533 = tpu.vector_load %arg10[%swap3A_531, %swap3A_532] {strides = array<i32>} : memref<128x128xf32, #tpu.memory_space<vmem>>, vector<16xf32>,
        tpu.vector_store %arg10[%swap3A_531, %swap3A_532], %mul3A_530 {strides = array<i32>} : memref<128x128xf32, #tpu.memory_space<vmem>>, vector<16xf32>,
        %get3A_534 = arith.index_cast %scan3A_490 : i32 to index
        %get3A_535 = arith.constant 96 : index
        %get3A_536 = tpu.vector_load %arg10[%get3A_534, %get3A_535] {strides = array<i32>} : memref<128x128xf32, #tpu.memory_space<vmem>>, vector<16xf32>,
        %mul3A_537 = arith.mulf %get3A_536, %gather3A : vector<16xf32>
        %swap3A_538 = arith.index_cast %scan3A_490 : i32 to index
        %swap3A_539 = arith.constant 96 : index
        %swap3A_540 = tpu.vector_load %arg10[%swap3A_538, %swap3A_539] {strides = array<i32>} : memref<128x128xf32, #tpu.memory_space<vmem>>, vector<16xf32>,
        tpu.vector_store %arg10[%swap3A_538, %swap3A_539], %mul3A_537 {strides = array<i32>} : memref<128x128xf32, #tpu.memory_space<vmem>>, vector<16xf32>,
        %get3A_541 = arith.index_cast %scan3A_490 : i32 to index
        %get3A_542 = arith.constant 112 : index
        %get3A_543 = tpu.vector_load %arg10[%get3A_541, %get3A_542] {strides = array<i32>} : memref<128x128xf32, #tpu.memory_space<vmem>>, vector<16xf32>,
        %mul3A_544 = arith.mulf %get3A_543, %gather3A : vector<16xf32>
        %swap3A_545 = arith.index_cast %scan3A_490 : i32 to index
        %swap3A_546 = arith.constant 112 : index
        %swap3A_547 = tpu.vector_load %arg10[%swap3A_545, %swap3A_546] {strides = array<i32>} : memref<128x128xf32, #tpu.memory_space<vmem>>, vector<16xf32>,
        tpu.vector_store %arg10[%swap3A_545, %swap3A_546], %mul3A_544 {strides = array<i32>} : memref<128x128xf32, #tpu.memory_space<vmem>>, vector<16xf32>,
        %scan3A_548 = arith.constant 0 : i32
        scf.yield %scan3A_548 : i32
      }
      %scan3A_373 = arith.constant 128 : i32
      %mul3A_374 = arith.constant 2 : i32
      %mul3A_375 = arith.muli %mul3A_374, %scan3A_325 : i32
      %add3A_376 = arith.constant 2 : i32
      %add3A_377 = arith.addi %mul3A_375, %add3A_376 : i32
      %mul3A_378 = arith.constant 128 : i32
      %mul3A_379 = arith.muli %add3A_377, %mul3A_378 : i32
      %add3A_380 = arith.addi %mul3A_108, %mul3A_379 : i32
      %dma_start3A_381 = arith.constant 0 : i32
      %dma_start3A_382 = arith.constant 0 : i32
      %dma_start3A_383 = tpu.memref_slice %arg7[%dma_start3A_381, %dma_start3A_382] : memref<2x128xi32, #tpu.memory_space<vmem>> -> memref<1x128xi32, #tpu.memory_space<vmem>>
      %dma_start3A_384 = tpu.memref_squeeze %dma_start3A_383 : memref<1x128xi32, #tpu.memory_space<vmem>> -> memref<128xi32, #tpu.memory_space<vmem>>
      %dma_start3A_385 = tpu.memref_slice %arg3[%add3A_380] : memref<323584xi32, #tpu.memory_space<hbm>> -> memref<128xi32, #tpu.memory_space<hbm>>
      %dma_start3A_386 = arith.constant 0 : i32
      %dma_start3A_387 = tpu.memref_slice %arg7[%dma_start3A_381, %dma_start3A_386] : memref<2x128xi32, #tpu.memory_space<vmem>> -> memref<1x128xi32, #tpu.memory_space<vmem>>
      %dma_start3A_388 = tpu.memref_squeeze %dma_start3A_387 : memref<1x128xi32, #tpu.memory_space<vmem>> -> memref<128xi32, #tpu.memory_space<vmem>>
      %dma_start3A_389 = tpu.memref_slice %arg3[%add3A_380] : memref<323584xi32, #tpu.memory_space<hbm>> -> memref<128xi32, #tpu.memory_space<hbm>>
      tpu.enqueue_dma source(%dma_start3A_389 : memref<128xi32, #tpu.memory_space<hbm>>) target(%dma_start3A_388 : memref<128xi32, #tpu.memory_space<vmem>>) target_semaphore(%arg18 : memref<!tpu.dma_semaphore, #tpu.memory_space<semaphore_mem>>)
      %mul3A_390 = arith.constant 128 : i32
      %mul3A_391 = arith.muli %add3A_377, %mul3A_390 : i32
      %add3A_392 = arith.addi %mul3A_108, %mul3A_391 : i32
      %dma_start3A_393 = arith.constant 0 : i32
      %dma_start3A_394 = tpu.memref_slice %arg8[%dma_start3A_393] : memref<256xf32, #tpu.memory_space<vmem>> -> memref<128xf32, #tpu.memory_space<vmem>>
      %dma_start3A_395 = tpu.memref_slice %arg5[%add3A_392] : memref<323584xf32, #tpu.memory_space<hbm>> -> memref<128xf32, #tpu.memory_space<hbm>>
      %dma_start3A_396 = arith.constant 0 : i32
      %dma_start3A_397 = tpu.memref_slice %arg8[%dma_start3A_396] : memref<256xf32, #tpu.memory_space<vmem>> -> memref<128xf32, #tpu.memory_space<vmem>>
      %dma_start3A_398 = tpu.memref_slice %arg5[%add3A_392] : memref<323584xf32, #tpu.memory_space<hbm>> -> memref<128xf32, #tpu.memory_space<hbm>>
      tpu.enqueue_dma source(%dma_start3A_398 : memref<128xf32, #tpu.memory_space<hbm>>) target(%dma_start3A_397 : memref<128xf32, #tpu.memory_space<vmem>>) target_semaphore(%arg18 : memref<!tpu.dma_semaphore, #tpu.memory_space<semaphore_mem>>)
      %mul3A_399 = arith.constant 2 : i32
      %mul3A_400 = arith.muli %mul3A_399, %scan3A_325 : i32
      %dma_start3A_401 = arith.constant 0 : i32
      %dma_start3A_402 = tpu.memref_slice %arg9[%mul3A_400, %dma_start3A_401] : memref<79x128xi32, #tpu.memory_space<vmem>> -> memref<1x128xi32, #tpu.memory_space<vmem>>
      %dma_start3A_403 = tpu.memref_squeeze %dma_start3A_402 : memref<1x128xi32, #tpu.memory_space<vmem>> -> memref<128xi32, #tpu.memory_space<vmem>>
      %dma_start3A_404 = arith.constant 0 : i32
      %dma_start3A_405 = arith.constant 0 : i32
      %dma_start3A_406 = tpu.memref_slice %arg13[%dma_start3A_404, %dma_start3A_405] : memref<10000x128xf32, #tpu.memory_space<vmem_shared>> -> memref<10000x128xf32, #tpu.memory_space<vmem_shared>>
      tpu.enqueue_indirect_dma source(%arg10 : memref<128x128xf32, #tpu.memory_space<vmem>>) target(%dma_start3A_406 : memref<10000x128xf32, #tpu.memory_space<vmem_shared>>) offsets(%dma_start3A_403 : memref<128xi32, #tpu.memory_space<vmem>>) semaphore(%arg16 : memref<!tpu.dma_semaphore, #tpu.memory_space<semaphore_mem>>) {add = true}
      %dma_wait3A_407 = arith.constant 0 : i32
      %dma_wait3A_408 = arith.constant 0 : i32
      %dma_wait3A_409 = tpu.memref_slice %arg9[%dma_wait3A_407, %dma_wait3A_408] : memref<79x128xi32, #tpu.memory_space<vmem>> -> memref<1x128xi32, #tpu.memory_space<vmem>>
      %dma_wait3A_410 = tpu.memref_squeeze %dma_wait3A_409 : memref<1x128xi32, #tpu.memory_space<vmem>> -> memref<128xi32, #tpu.memory_space<vmem>>
      %dma_wait3A_411 = arith.constant 0 : i32
      %dma_wait3A_412 = arith.constant 0 : i32
      %dma_wait3A_413 = tpu.memref_slice %arg13[%dma_wait3A_411, %dma_wait3A_412] : memref<10000x128xf32, #tpu.memory_space<vmem_shared>> -> memref<10000x128xf32, #tpu.memory_space<vmem_shared>>
      tpu.wait_indirect_dma semaphore(%arg16 : memref<!tpu.dma_semaphore, #tpu.memory_space<semaphore_mem>>) src(%arg10 : memref<128x128xf32, #tpu.memory_space<vmem>>) dst(%dma_wait3A_413 : memref<10000x128xf32, #tpu.memory_space<vmem_shared>>)
      %dma_wait3A_414 = arith.constant 0 : i32
      %dma_wait3A_415 = arith.constant 0 : i32
      %dma_wait3A_416 = tpu.memref_slice %arg7[%dma_wait3A_414, %dma_wait3A_415] : memref<2x128xi32, #tpu.memory_space<vmem>> -> memref<1x128xi32, #tpu.memory_space<vmem>>
      %dma_wait3A_417 = tpu.memref_squeeze %dma_wait3A_416 : memref<1x128xi32, #tpu.memory_space<vmem>> -> memref<128xi32, #tpu.memory_space<vmem>>
      %dma_wait3A_418 = arith.constant 0 : i32
      %dma_wait3A_419 = tpu.memref_slice %arg3[%dma_wait3A_418] : memref<323584xi32, #tpu.memory_space<hbm>> -> memref<128xi32, #tpu.memory_space<hbm>>
      %dma_wait3A_420 = arith.constant 0 : i32
      %dma_wait3A_421 = tpu.memref_slice %arg7[%dma_wait3A_414, %dma_wait3A_420] : memref<2x128xi32, #tpu.memory_space<vmem>> -> memref<1x128xi32, #tpu.memory_space<vmem>>
      %dma_wait3A_422 = tpu.memref_squeeze %dma_wait3A_421 : memref<1x128xi32, #tpu.memory_space<vmem>> -> memref<128xi32, #tpu.memory_space<vmem>>
      %dma_wait3A_423 = arith.constant 0 : i32
      %dma_wait3A_424 = tpu.memref_slice %arg3[%dma_wait3A_423] : memref<323584xi32, #tpu.memory_space<hbm>> -> memref<128xi32, #tpu.memory_space<hbm>>
      tpu.wait_dma2 semaphore(%arg18 : memref<!tpu.dma_semaphore, #tpu.memory_space<semaphore_mem>>) src(%dma_wait3A_424 : memref<128xi32, #tpu.memory_space<hbm>>) dst(%dma_wait3A_422 : memref<128xi32, #tpu.memory_space<vmem>>)
      %dma_wait3A_425 = arith.constant 0 : i32
      %dma_wait3A_426 = tpu.memref_slice %arg8[%dma_wait3A_425] : memref<256xf32, #tpu.memory_space<vmem>> -> memref<128xf32, #tpu.memory_space<vmem>>
      %dma_wait3A_427 = arith.constant 0 : i32
      %dma_wait3A_428 = tpu.memref_slice %arg5[%dma_wait3A_427] : memref<323584xf32, #tpu.memory_space<hbm>> -> memref<128xf32, #tpu.memory_space<hbm>>
      %dma_wait3A_429 = arith.constant 0 : i32
      %dma_wait3A_430 = tpu.memref_slice %arg8[%dma_wait3A_429] : memref<256xf32, #tpu.memory_space<vmem>> -> memref<128xf32, #tpu.memory_space<vmem>>
      %dma_wait3A_431 = arith.constant 0 : i32
      %dma_wait3A_432 = tpu.memref_slice %arg5[%dma_wait3A_431] : memref<323584xf32, #tpu.memory_space<hbm>> -> memref<128xf32, #tpu.memory_space<hbm>>
      tpu.wait_dma2 semaphore(%arg18 : memref<!tpu.dma_semaphore, #tpu.memory_space<semaphore_mem>>) src(%dma_wait3A_432 : memref<128xf32, #tpu.memory_space<hbm>>) dst(%dma_wait3A_430 : memref<128xf32, #tpu.memory_space<vmem>>)
      %dma_start3A_433 = arith.constant 0 : i32
      %dma_start3A_434 = arith.constant 0 : i32
      %dma_start3A_435 = tpu.memref_slice %arg7[%dma_start3A_433, %dma_start3A_434] : memref<2x128xi32, #tpu.memory_space<vmem>> -> memref<1x128xi32, #tpu.memory_space<vmem>>
      %dma_start3A_436 = tpu.memref_squeeze %dma_start3A_435 : memref<1x128xi32, #tpu.memory_space<vmem>> -> memref<128xi32, #tpu.memory_space<vmem>>
      %dma_start3A_437 = arith.constant 0 : i32
      %dma_start3A_438 = arith.constant 0 : i32
      %dma_start3A_439 = tpu.memref_slice %arg2[%dma_start3A_437, %dma_start3A_438] : memref<10000x128xf32, #tpu.memory_space<hbm>> -> memref<10000x128xf32, #tpu.memory_space<hbm>>
      tpu.enqueue_indirect_dma source(%dma_start3A_439 : memref<10000x128xf32, #tpu.memory_space<hbm>>) target(%arg10 : memref<128x128xf32, #tpu.memory_space<vmem>>) offsets(%dma_start3A_436 : memref<128xi32, #tpu.memory_space<vmem>>) semaphore(%arg14 : memref<!tpu.dma_semaphore, #tpu.memory_space<semaphore_mem>>)
      %dma_wait3A_440 = arith.constant 1 : i32
      %dma_wait3A_441 = arith.constant 0 : i32
      %dma_wait3A_442 = tpu.memref_slice %arg7[%dma_wait3A_440, %dma_wait3A_441] : memref<2x128xi32, #tpu.memory_space<vmem>> -> memref<1x128xi32, #tpu.memory_space<vmem>>
      %dma_wait3A_443 = tpu.memref_squeeze %dma_wait3A_442 : memref<1x128xi32, #tpu.memory_space<vmem>> -> memref<128xi32, #tpu.memory_space<vmem>>
      %dma_wait3A_444 = arith.constant 0 : i32
      %dma_wait3A_445 = arith.constant 0 : i32
      %dma_wait3A_446 = tpu.memref_slice %arg2[%dma_wait3A_444, %dma_wait3A_445] : memref<10000x128xf32, #tpu.memory_space<hbm>> -> memref<10000x128xf32, #tpu.memory_space<hbm>>
      tpu.wait_indirect_dma semaphore(%arg15 : memref<!tpu.dma_semaphore, #tpu.memory_space<semaphore_mem>>) src(%dma_wait3A_446 : memref<10000x128xf32, #tpu.memory_space<hbm>>) dst(%arg11 : memref<128x128xf32, #tpu.memory_space<vmem>>)
      %scan3A_447 = arith.constant 0 : i32
      %scan3A_448 = arith.constant 0 : i32
      %scan3A_449 = arith.constant 128 : i32
      %scan3A_450 = arith.addi %scan3A_448, %scan3A_449 : i32
      %scan3A_451 = arith.constant 1 : i32
      %scan3A_452 = scf.for %scan3A_490 = %scan3A_448 to %scan3A_450 step %scan3A_451 iter_args(%scan3A_491 = %scan3A_447) -> (i32)  : i32 {
        %add3A_492 = arith.constant 128 : i32
        %add3A_493 = arith.addi %add3A_492, %scan3A_490 : i32
        %broadcast_in_dim3A = vector.broadcast %add3A_493 : i32 to vector<16xi32>
        %gather3A = tpu.vector_load_idx %arg8[%broadcast_in_dim3A] : memref<256xf32, #tpu.memory_space<vmem>>[vector<16xi32>], vector<16xf32>,
        %get3A = arith.index_cast %scan3A_490 : i32 to index
        %get3A_494 = arith.constant 0 : index
        %get3A_495 = tpu.vector_load %arg11[%get3A, %get3A_494] {strides = array<i32>} : memref<128x128xf32, #tpu.memory_space<vmem>>, vector<16xf32>,
        %mul3A_496 = arith.mulf %get3A_495, %gather3A : vector<16xf32>
        %swap3A = arith.index_cast %scan3A_490 : i32 to index
        %swap3A_497 = arith.constant 0 : index
        %swap3A_498 = tpu.vector_load %arg11[%swap3A, %swap3A_497] {strides = array<i32>} : memref<128x128xf32, #tpu.memory_space<vmem>>, vector<16xf32>,
        tpu.vector_store %arg11[%swap3A, %swap3A_497], %mul3A_496 {strides = array<i32>} : memref<128x128xf32, #tpu.memory_space<vmem>>, vector<16xf32>,
        %get3A_499 = arith.index_cast %scan3A_490 : i32 to index
        %get3A_500 = arith.constant 16 : index
        %get3A_501 = tpu.vector_load %arg11[%get3A_499, %get3A_500] {strides = array<i32>} : memref<128x128xf32, #tpu.memory_space<vmem>>, vector<16xf32>,
        %mul3A_502 = arith.mulf %get3A_501, %gather3A : vector<16xf32>
        %swap3A_503 = arith.index_cast %scan3A_490 : i32 to index
        %swap3A_504 = arith.constant 16 : index
        %swap3A_505 = tpu.vector_load %arg11[%swap3A_503, %swap3A_504] {strides = array<i32>} : memref<128x128xf32, #tpu.memory_space<vmem>>, vector<16xf32>,
        tpu.vector_store %arg11[%swap3A_503, %swap3A_504], %mul3A_502 {strides = array<i32>} : memref<128x128xf32, #tpu.memory_space<vmem>>, vector<16xf32>,
        %get3A_506 = arith.index_cast %scan3A_490 : i32 to index
        %get3A_507 = arith.constant 32 : index
        %get3A_508 = tpu.vector_load %arg11[%get3A_506, %get3A_507] {strides = array<i32>} : memref<128x128xf32, #tpu.memory_space<vmem>>, vector<16xf32>,
        %mul3A_509 = arith.mulf %get3A_508, %gather3A : vector<16xf32>
        %swap3A_510 = arith.index_cast %scan3A_490 : i32 to index
        %swap3A_511 = arith.constant 32 : index
        %swap3A_512 = tpu.vector_load %arg11[%swap3A_510, %swap3A_511] {strides = array<i32>} : memref<128x128xf32, #tpu.memory_space<vmem>>, vector<16xf32>,
        tpu.vector_store %arg11[%swap3A_510, %swap3A_511], %mul3A_509 {strides = array<i32>} : memref<128x128xf32, #tpu.memory_space<vmem>>, vector<16xf32>,
        %get3A_513 = arith.index_cast %scan3A_490 : i32 to index
        %get3A_514 = arith.constant 48 : index
        %get3A_515 = tpu.vector_load %arg11[%get3A_513, %get3A_514] {strides = array<i32>} : memref<128x128xf32, #tpu.memory_space<vmem>>, vector<16xf32>,
        %mul3A_516 = arith.mulf %get3A_515, %gather3A : vector<16xf32>
        %swap3A_517 = arith.index_cast %scan3A_490 : i32 to index
        %swap3A_518 = arith.constant 48 : index
        %swap3A_519 = tpu.vector_load %arg11[%swap3A_517, %swap3A_518] {strides = array<i32>} : memref<128x128xf32, #tpu.memory_space<vmem>>, vector<16xf32>,
        tpu.vector_store %arg11[%swap3A_517, %swap3A_518], %mul3A_516 {strides = array<i32>} : memref<128x128xf32, #tpu.memory_space<vmem>>, vector<16xf32>,
        %get3A_520 = arith.index_cast %scan3A_490 : i32 to index
        %get3A_521 = arith.constant 64 : index
        %get3A_522 = tpu.vector_load %arg11[%get3A_520, %get3A_521] {strides = array<i32>} : memref<128x128xf32, #tpu.memory_space<vmem>>, vector<16xf32>,
        %mul3A_523 = arith.mulf %get3A_522, %gather3A : vector<16xf32>
        %swap3A_524 = arith.index_cast %scan3A_490 : i32 to index
        %swap3A_525 = arith.constant 64 : index
        %swap3A_526 = tpu.vector_load %arg11[%swap3A_524, %swap3A_525] {strides = array<i32>} : memref<128x128xf32, #tpu.memory_space<vmem>>, vector<16xf32>,
        tpu.vector_store %arg11[%swap3A_524, %swap3A_525], %mul3A_523 {strides = array<i32>} : memref<128x128xf32, #tpu.memory_space<vmem>>, vector<16xf32>,
        %get3A_527 = arith.index_cast %scan3A_490 : i32 to index
        %get3A_528 = arith.constant 80 : index
        %get3A_529 = tpu.vector_load %arg11[%get3A_527, %get3A_528] {strides = array<i32>} : memref<128x128xf32, #tpu.memory_space<vmem>>, vector<16xf32>,
        %mul3A_530 = arith.mulf %get3A_529, %gather3A : vector<16xf32>
        %swap3A_531 = arith.index_cast %scan3A_490 : i32 to index
        %swap3A_532 = arith.constant 80 : index
        %swap3A_533 = tpu.vector_load %arg11[%swap3A_531, %swap3A_532] {strides = array<i32>} : memref<128x128xf32, #tpu.memory_space<vmem>>, vector<16xf32>,
        tpu.vector_store %arg11[%swap3A_531, %swap3A_532], %mul3A_530 {strides = array<i32>} : memref<128x128xf32, #tpu.memory_space<vmem>>, vector<16xf32>,
        %get3A_534 = arith.index_cast %scan3A_490 : i32 to index
        %get3A_535 = arith.constant 96 : index
        %get3A_536 = tpu.vector_load %arg11[%get3A_534, %get3A_535] {strides = array<i32>} : memref<128x128xf32, #tpu.memory_space<vmem>>, vector<16xf32>,
        %mul3A_537 = arith.mulf %get3A_536, %gather3A : vector<16xf32>
        %swap3A_538 = arith.index_cast %scan3A_490 : i32 to index
        %swap3A_539 = arith.constant 96 : index
        %swap3A_540 = tpu.vector_load %arg11[%swap3A_538, %swap3A_539] {strides = array<i32>} : memref<128x128xf32, #tpu.memory_space<vmem>>, vector<16xf32>,
        tpu.vector_store %arg11[%swap3A_538, %swap3A_539], %mul3A_537 {strides = array<i32>} : memref<128x128xf32, #tpu.memory_space<vmem>>, vector<16xf32>,
        %get3A_541 = arith.index_cast %scan3A_490 : i32 to index
        %get3A_542 = arith.constant 112 : index
        %get3A_543 = tpu.vector_load %arg11[%get3A_541, %get3A_542] {strides = array<i32>} : memref<128x128xf32, #tpu.memory_space<vmem>>, vector<16xf32>,
        %mul3A_544 = arith.mulf %get3A_543, %gather3A : vector<16xf32>
        %swap3A_545 = arith.index_cast %scan3A_490 : i32 to index
        %swap3A_546 = arith.constant 112 : index
        %swap3A_547 = tpu.vector_load %arg11[%swap3A_545, %swap3A_546] {strides = array<i32>} : memref<128x128xf32, #tpu.memory_space<vmem>>, vector<16xf32>,
        tpu.vector_store %arg11[%swap3A_545, %swap3A_546], %mul3A_544 {strides = array<i32>} : memref<128x128xf32, #tpu.memory_space<vmem>>, vector<16xf32>,
        %scan3A_548 = arith.constant 0 : i32
        scf.yield %scan3A_548 : i32
      }
      %scan3A_453 = arith.constant 128 : i32
      %mul3A_454 = arith.constant 2 : i32
      %mul3A_455 = arith.muli %mul3A_454, %scan3A_325 : i32
      %add3A_456 = arith.constant 3 : i32
      %add3A_457 = arith.addi %mul3A_455, %add3A_456 : i32
      %mul3A_458 = arith.constant 128 : i32
      %mul3A_459 = arith.muli %add3A_457, %mul3A_458 : i32
      %add3A_460 = arith.addi %mul3A_108, %mul3A_459 : i32
      %dma_start3A_461 = arith.constant 1 : i32
      %dma_start3A_462 = arith.constant 0 : i32
      %dma_start3A_463 = tpu.memref_slice %arg7[%dma_start3A_461, %dma_start3A_462] : memref<2x128xi32, #tpu.memory_space<vmem>> -> memref<1x128xi32, #tpu.memory_space<vmem>>
      %dma_start3A_464 = tpu.memref_squeeze %dma_start3A_463 : memref<1x128xi32, #tpu.memory_space<vmem>> -> memref<128xi32, #tpu.memory_space<vmem>>
      %dma_start3A_465 = tpu.memref_slice %arg3[%add3A_460] : memref<323584xi32, #tpu.memory_space<hbm>> -> memref<128xi32, #tpu.memory_space<hbm>>
      %dma_start3A_466 = arith.constant 0 : i32
      %dma_start3A_467 = tpu.memref_slice %arg7[%dma_start3A_461, %dma_start3A_466] : memref<2x128xi32, #tpu.memory_space<vmem>> -> memref<1x128xi32, #tpu.memory_space<vmem>>
      %dma_start3A_468 = tpu.memref_squeeze %dma_start3A_467 : memref<1x128xi32, #tpu.memory_space<vmem>> -> memref<128xi32, #tpu.memory_space<vmem>>
      %dma_start3A_469 = tpu.memref_slice %arg3[%add3A_460] : memref<323584xi32, #tpu.memory_space<hbm>> -> memref<128xi32, #tpu.memory_space<hbm>>
      tpu.enqueue_dma source(%dma_start3A_469 : memref<128xi32, #tpu.memory_space<hbm>>) target(%dma_start3A_468 : memref<128xi32, #tpu.memory_space<vmem>>) target_semaphore(%arg19 : memref<!tpu.dma_semaphore, #tpu.memory_space<semaphore_mem>>)
      %mul3A_470 = arith.constant 128 : i32
      %mul3A_471 = arith.muli %add3A_457, %mul3A_470 : i32
      %add3A_472 = arith.addi %mul3A_108, %mul3A_471 : i32
      %dma_start3A_473 = arith.constant 128 : i32
      %dma_start3A_474 = tpu.memref_slice %arg8[%dma_start3A_473] : memref<256xf32, #tpu.memory_space<vmem>> -> memref<128xf32, #tpu.memory_space<vmem>>
      %dma_start3A_475 = tpu.memref_slice %arg5[%add3A_472] : memref<323584xf32, #tpu.memory_space<hbm>> -> memref<128xf32, #tpu.memory_space<hbm>>
      %dma_start3A_476 = arith.constant 128 : i32
      %dma_start3A_477 = tpu.memref_slice %arg8[%dma_start3A_476] : memref<256xf32, #tpu.memory_space<vmem>> -> memref<128xf32, #tpu.memory_space<vmem>>
      %dma_start3A_478 = tpu.memref_slice %arg5[%add3A_472] : memref<323584xf32, #tpu.memory_space<hbm>> -> memref<128xf32, #tpu.memory_space<hbm>>
      tpu.enqueue_dma source(%dma_start3A_478 : memref<128xf32, #tpu.memory_space<hbm>>) target(%dma_start3A_477 : memref<128xf32, #tpu.memory_space<vmem>>) target_semaphore(%arg19 : memref<!tpu.dma_semaphore, #tpu.memory_space<semaphore_mem>>)
      %mul3A_479 = arith.constant 2 : i32
      %mul3A_480 = arith.muli %mul3A_479, %scan3A_325 : i32
      %add3A_481 = arith.constant 1 : i32
      %add3A_482 = arith.addi %mul3A_480, %add3A_481 : i32
      %dma_start3A_483 = arith.constant 0 : i32
      %dma_start3A_484 = tpu.memref_slice %arg9[%add3A_482, %dma_start3A_483] : memref<79x128xi32, #tpu.memory_space<vmem>> -> memref<1x128xi32, #tpu.memory_space<vmem>>
      %dma_start3A_485 = tpu.memref_squeeze %dma_start3A_484 : memref<1x128xi32, #tpu.memory_space<vmem>> -> memref<128xi32, #tpu.memory_space<vmem>>
      %dma_start3A_486 = arith.constant 0 : i32
      %dma_start3A_487 = arith.constant 0 : i32
      %dma_start3A_488 = tpu.memref_slice %arg13[%dma_start3A_486, %dma_start3A_487] : memref<10000x128xf32, #tpu.memory_space<vmem_shared>> -> memref<10000x128xf32, #tpu.memory_space<vmem_shared>>
      tpu.enqueue_indirect_dma source(%arg11 : memref<128x128xf32, #tpu.memory_space<vmem>>) target(%dma_start3A_488 : memref<10000x128xf32, #tpu.memory_space<vmem_shared>>) offsets(%dma_start3A_485 : memref<128xi32, #tpu.memory_space<vmem>>) semaphore(%arg17 : memref<!tpu.dma_semaphore, #tpu.memory_space<semaphore_mem>>) {add = true}
      %scan3A_489 = arith.constant 0 : i32
      scf.yield %scan3A_489 : i32
    }
    %scan3A_158 = arith.constant 38 : i32
    %dma_wait3A = arith.constant 0 : i32
    %dma_wait3A_159 = arith.constant 0 : i32
    %dma_wait3A_160 = tpu.memref_slice %arg9[%dma_wait3A, %dma_wait3A_159] : memref<79x128xi32, #tpu.memory_space<vmem>> -> memref<1x128xi32, #tpu.memory_space<vmem>>
    %dma_wait3A_161 = tpu.memref_squeeze %dma_wait3A_160 : memref<1x128xi32, #tpu.memory_space<vmem>> -> memref<128xi32, #tpu.memory_space<vmem>>
    %dma_wait3A_162 = arith.constant 0 : i32
    %dma_wait3A_163 = arith.constant 0 : i32
    %dma_wait3A_164 = tpu.memref_slice %arg13[%dma_wait3A_162, %dma_wait3A_163] : memref<10000x128xf32, #tpu.memory_space<vmem_shared>> -> memref<10000x128xf32, #tpu.memory_space<vmem_shared>>
    tpu.wait_indirect_dma semaphore(%arg17 : memref<!tpu.dma_semaphore, #tpu.memory_space<semaphore_mem>>) src(%arg11 : memref<128x128xf32, #tpu.memory_space<vmem>>) dst(%dma_wait3A_164 : memref<10000x128xf32, #tpu.memory_space<vmem_shared>>)
    %dma_wait3A_165 = arith.constant 1 : i32
    %dma_wait3A_166 = arith.constant 0 : i32
    %dma_wait3A_167 = tpu.memref_slice %arg7[%dma_wait3A_165, %dma_wait3A_166] : memref<2x128xi32, #tpu.memory_space<vmem>> -> memref<1x128xi32, #tpu.memory_space<vmem>>
    %dma_wait3A_168 = tpu.memref_squeeze %dma_wait3A_167 : memref<1x128xi32, #tpu.memory_space<vmem>> -> memref<128xi32, #tpu.memory_space<vmem>>
    %dma_wait3A_169 = arith.constant 0 : i32
    %dma_wait3A_170 = tpu.memref_slice %arg3[%dma_wait3A_169] : memref<323584xi32, #tpu.memory_space<hbm>> -> memref<128xi32, #tpu.memory_space<hbm>>
    %dma_wait3A_171 = arith.constant 0 : i32
    %dma_wait3A_172 = tpu.memref_slice %arg7[%dma_wait3A_165, %dma_wait3A_171] : memref<2x128xi32, #tpu.memory_space<vmem>> -> memref<1x128xi32, #tpu.memory_space<vmem>>
    %dma_wait3A_173 = tpu.memref_squeeze %dma_wait3A_172 : memref<1x128xi32, #tpu.memory_space<vmem>> -> memref<128xi32, #tpu.memory_space<vmem>>
    %dma_wait3A_174 = arith.constant 0 : i32
    %dma_wait3A_175 = tpu.memref_slice %arg3[%dma_wait3A_174] : memref<323584xi32, #tpu.memory_space<hbm>> -> memref<128xi32, #tpu.memory_space<hbm>>
    tpu.wait_dma2 semaphore(%arg19 : memref<!tpu.dma_semaphore, #tpu.memory_space<semaphore_mem>>) src(%dma_wait3A_175 : memref<128xi32, #tpu.memory_space<hbm>>) dst(%dma_wait3A_173 : memref<128xi32, #tpu.memory_space<vmem>>)
    %dma_wait3A_176 = arith.constant 128 : i32
    %dma_wait3A_177 = tpu.memref_slice %arg8[%dma_wait3A_176] : memref<256xf32, #tpu.memory_space<vmem>> -> memref<128xf32, #tpu.memory_space<vmem>>
    %dma_wait3A_178 = arith.constant 0 : i32
    %dma_wait3A_179 = tpu.memref_slice %arg5[%dma_wait3A_178] : memref<323584xf32, #tpu.memory_space<hbm>> -> memref<128xf32, #tpu.memory_space<hbm>>
    %dma_wait3A_180 = arith.constant 128 : i32
    %dma_wait3A_181 = tpu.memref_slice %arg8[%dma_wait3A_180] : memref<256xf32, #tpu.memory_space<vmem>> -> memref<128xf32, #tpu.memory_space<vmem>>
    %dma_wait3A_182 = arith.constant 0 : i32
    %dma_wait3A_183 = tpu.memref_slice %arg5[%dma_wait3A_182] : memref<323584xf32, #tpu.memory_space<hbm>> -> memref<128xf32, #tpu.memory_space<hbm>>
    tpu.wait_dma2 semaphore(%arg19 : memref<!tpu.dma_semaphore, #tpu.memory_space<semaphore_mem>>) src(%dma_wait3A_183 : memref<128xf32, #tpu.memory_space<hbm>>) dst(%dma_wait3A_181 : memref<128xf32, #tpu.memory_space<vmem>>)
    %dma_start3A_184 = arith.constant 1 : i32
    %dma_start3A_185 = arith.constant 0 : i32
    %dma_start3A_186 = tpu.memref_slice %arg7[%dma_start3A_184, %dma_start3A_185] : memref<2x128xi32, #tpu.memory_space<vmem>> -> memref<1x128xi32, #tpu.memory_space<vmem>>
    %dma_start3A_187 = tpu.memref_squeeze %dma_start3A_186 : memref<1x128xi32, #tpu.memory_space<vmem>> -> memref<128xi32, #tpu.memory_space<vmem>>
    %dma_start3A_188 = arith.constant 0 : i32
    %dma_start3A_189 = arith.constant 0 : i32
    %dma_start3A_190 = tpu.memref_slice %arg2[%dma_start3A_188, %dma_start3A_189] : memref<10000x128xf32, #tpu.memory_space<hbm>> -> memref<10000x128xf32, #tpu.memory_space<hbm>>
    tpu.enqueue_indirect_dma source(%dma_start3A_190 : memref<10000x128xf32, #tpu.memory_space<hbm>>) target(%arg11 : memref<128x128xf32, #tpu.memory_space<vmem>>) offsets(%dma_start3A_187 : memref<128xi32, #tpu.memory_space<vmem>>) semaphore(%arg15 : memref<!tpu.dma_semaphore, #tpu.memory_space<semaphore_mem>>)
    %dma_wait3A_191 = arith.constant 0 : i32
    %dma_wait3A_192 = arith.constant 0 : i32
    %dma_wait3A_193 = tpu.memref_slice %arg7[%dma_wait3A_191, %dma_wait3A_192] : memref<2x128xi32, #tpu.memory_space<vmem>> -> memref<1x128xi32, #tpu.memory_space<vmem>>
    %dma_wait3A_194 = tpu.memref_squeeze %dma_wait3A_193 : memref<1x128xi32, #tpu.memory_space<vmem>> -> memref<128xi32, #tpu.memory_space<vmem>>
    %dma_wait3A_195 = arith.constant 0 : i32
    %dma_wait3A_196 = arith.constant 0 : i32
    %dma_wait3A_197 = tpu.memref_slice %arg2[%dma_wait3A_195, %dma_wait3A_196] : memref<10000x128xf32, #tpu.memory_space<hbm>> -> memref<10000x128xf32, #tpu.memory_space<hbm>>
    tpu.wait_indirect_dma semaphore(%arg14 : memref<!tpu.dma_semaphore, #tpu.memory_space<semaphore_mem>>) src(%dma_wait3A_197 : memref<10000x128xf32, #tpu.memory_space<hbm>>) dst(%arg10 : memref<128x128xf32, #tpu.memory_space<vmem>>)
    %scan3A_198 = arith.constant 0 : i32
    %scan3A_199 = arith.constant 0 : i32
    %scan3A_200 = arith.constant 128 : i32
    %scan3A_201 = arith.addi %scan3A_199, %scan3A_200 : i32
    %scan3A_202 = arith.constant 1 : i32
    %scan3A_203 = scf.for %scan3A_325 = %scan3A_199 to %scan3A_201 step %scan3A_202 iter_args(%scan3A_326 = %scan3A_198) -> (i32)  : i32 {
      %add3A_327 = arith.constant 0 : i32
      %add3A_328 = arith.addi %add3A_327, %scan3A_325 : i32
      %broadcast_in_dim3A = vector.broadcast %add3A_328 : i32 to vector<16xi32>
      %gather3A = tpu.vector_load_idx %arg8[%broadcast_in_dim3A] : memref<256xf32, #tpu.memory_space<vmem>>[vector<16xi32>], vector<16xf32>,
      %get3A = arith.index_cast %scan3A_325 : i32 to index
      %get3A_329 = arith.constant 0 : index
      %get3A_330 = tpu.vector_load %arg10[%get3A, %get3A_329] {strides = array<i32>} : memref<128x128xf32, #tpu.memory_space<vmem>>, vector<16xf32>,
      %mul3A_331 = arith.mulf %get3A_330, %gather3A : vector<16xf32>
      %swap3A = arith.index_cast %scan3A_325 : i32 to index
      %swap3A_332 = arith.constant 0 : index
      %swap3A_333 = tpu.vector_load %arg10[%swap3A, %swap3A_332] {strides = array<i32>} : memref<128x128xf32, #tpu.memory_space<vmem>>, vector<16xf32>,
      tpu.vector_store %arg10[%swap3A, %swap3A_332], %mul3A_331 {strides = array<i32>} : memref<128x128xf32, #tpu.memory_space<vmem>>, vector<16xf32>,
      %get3A_334 = arith.index_cast %scan3A_325 : i32 to index
      %get3A_335 = arith.constant 16 : index
      %get3A_336 = tpu.vector_load %arg10[%get3A_334, %get3A_335] {strides = array<i32>} : memref<128x128xf32, #tpu.memory_space<vmem>>, vector<16xf32>,
      %mul3A_337 = arith.mulf %get3A_336, %gather3A : vector<16xf32>
      %swap3A_338 = arith.index_cast %scan3A_325 : i32 to index
      %swap3A_339 = arith.constant 16 : index
      %swap3A_340 = tpu.vector_load %arg10[%swap3A_338, %swap3A_339] {strides = array<i32>} : memref<128x128xf32, #tpu.memory_space<vmem>>, vector<16xf32>,
      tpu.vector_store %arg10[%swap3A_338, %swap3A_339], %mul3A_337 {strides = array<i32>} : memref<128x128xf32, #tpu.memory_space<vmem>>, vector<16xf32>,
      %get3A_341 = arith.index_cast %scan3A_325 : i32 to index
      %get3A_342 = arith.constant 32 : index
      %get3A_343 = tpu.vector_load %arg10[%get3A_341, %get3A_342] {strides = array<i32>} : memref<128x128xf32, #tpu.memory_space<vmem>>, vector<16xf32>,
      %mul3A_344 = arith.mulf %get3A_343, %gather3A : vector<16xf32>
      %swap3A_345 = arith.index_cast %scan3A_325 : i32 to index
      %swap3A_346 = arith.constant 32 : index
      %swap3A_347 = tpu.vector_load %arg10[%swap3A_345, %swap3A_346] {strides = array<i32>} : memref<128x128xf32, #tpu.memory_space<vmem>>, vector<16xf32>,
      tpu.vector_store %arg10[%swap3A_345, %swap3A_346], %mul3A_344 {strides = array<i32>} : memref<128x128xf32, #tpu.memory_space<vmem>>, vector<16xf32>,
      %get3A_348 = arith.index_cast %scan3A_325 : i32 to index
      %get3A_349 = arith.constant 48 : index
      %get3A_350 = tpu.vector_load %arg10[%get3A_348, %get3A_349] {strides = array<i32>} : memref<128x128xf32, #tpu.memory_space<vmem>>, vector<16xf32>,
      %mul3A_351 = arith.mulf %get3A_350, %gather3A : vector<16xf32>
      %swap3A_352 = arith.index_cast %scan3A_325 : i32 to index
      %swap3A_353 = arith.constant 48 : index
      %swap3A_354 = tpu.vector_load %arg10[%swap3A_352, %swap3A_353] {strides = array<i32>} : memref<128x128xf32, #tpu.memory_space<vmem>>, vector<16xf32>,
      tpu.vector_store %arg10[%swap3A_352, %swap3A_353], %mul3A_351 {strides = array<i32>} : memref<128x128xf32, #tpu.memory_space<vmem>>, vector<16xf32>,
      %get3A_355 = arith.index_cast %scan3A_325 : i32 to index
      %get3A_356 = arith.constant 64 : index
      %get3A_357 = tpu.vector_load %arg10[%get3A_355, %get3A_356] {strides = array<i32>} : memref<128x128xf32, #tpu.memory_space<vmem>>, vector<16xf32>,
      %mul3A_358 = arith.mulf %get3A_357, %gather3A : vector<16xf32>
      %swap3A_359 = arith.index_cast %scan3A_325 : i32 to index
      %swap3A_360 = arith.constant 64 : index
      %swap3A_361 = tpu.vector_load %arg10[%swap3A_359, %swap3A_360] {strides = array<i32>} : memref<128x128xf32, #tpu.memory_space<vmem>>, vector<16xf32>,
      tpu.vector_store %arg10[%swap3A_359, %swap3A_360], %mul3A_358 {strides = array<i32>} : memref<128x128xf32, #tpu.memory_space<vmem>>, vector<16xf32>,
      %get3A_362 = arith.index_cast %scan3A_325 : i32 to index
      %get3A_363 = arith.constant 80 : index
      %get3A_364 = tpu.vector_load %arg10[%get3A_362, %get3A_363] {strides = array<i32>} : memref<128x128xf32, #tpu.memory_space<vmem>>, vector<16xf32>,
      %mul3A_365 = arith.mulf %get3A_364, %gather3A : vector<16xf32>
      %swap3A_366 = arith.index_cast %scan3A_325 : i32 to index
      %swap3A_367 = arith.constant 80 : index
      %swap3A_368 = tpu.vector_load %arg10[%swap3A_366, %swap3A_367] {strides = array<i32>} : memref<128x128xf32, #tpu.memory_space<vmem>>, vector<16xf32>,
      tpu.vector_store %arg10[%swap3A_366, %swap3A_367], %mul3A_365 {strides = array<i32>} : memref<128x128xf32, #tpu.memory_space<vmem>>, vector<16xf32>,
      %get3A_369 = arith.index_cast %scan3A_325 : i32 to index
      %get3A_370 = arith.constant 96 : index
      %get3A_371 = tpu.vector_load %arg10[%get3A_369, %get3A_370] {strides = array<i32>} : memref<128x128xf32, #tpu.memory_space<vmem>>, vector<16xf32>,
      %mul3A_372 = arith.mulf %get3A_371, %gather3A : vector<16xf32>
      %swap3A_373 = arith.index_cast %scan3A_325 : i32 to index
      %swap3A_374 = arith.constant 96 : index
      %swap3A_375 = tpu.vector_load %arg10[%swap3A_373, %swap3A_374] {strides = array<i32>} : memref<128x128xf32, #tpu.memory_space<vmem>>, vector<16xf32>,
      tpu.vector_store %arg10[%swap3A_373, %swap3A_374], %mul3A_372 {strides = array<i32>} : memref<128x128xf32, #tpu.memory_space<vmem>>, vector<16xf32>,
      %get3A_376 = arith.index_cast %scan3A_325 : i32 to index
      %get3A_377 = arith.constant 112 : index
      %get3A_378 = tpu.vector_load %arg10[%get3A_376, %get3A_377] {strides = array<i32>} : memref<128x128xf32, #tpu.memory_space<vmem>>, vector<16xf32>,
      %mul3A_379 = arith.mulf %get3A_378, %gather3A : vector<16xf32>
      %swap3A_380 = arith.index_cast %scan3A_325 : i32 to index
      %swap3A_381 = arith.constant 112 : index
      %swap3A_382 = tpu.vector_load %arg10[%swap3A_380, %swap3A_381] {strides = array<i32>} : memref<128x128xf32, #tpu.memory_space<vmem>>, vector<16xf32>,
      tpu.vector_store %arg10[%swap3A_380, %swap3A_381], %mul3A_379 {strides = array<i32>} : memref<128x128xf32, #tpu.memory_space<vmem>>, vector<16xf32>,
      %scan3A_383 = arith.constant 0 : i32
      scf.yield %scan3A_383 : i32
    }
    %scan3A_204 = arith.constant 128 : i32
    %add3A_205 = arith.constant 9984 : i32
    %add3A_206 = arith.addi %mul3A_108, %add3A_205 : i32
    %dma_start3A_207 = arith.constant 0 : i32
    %dma_start3A_208 = arith.constant 0 : i32
    %dma_start3A_209 = tpu.memref_slice %arg7[%dma_start3A_207, %dma_start3A_208] : memref<2x128xi32, #tpu.memory_space<vmem>> -> memref<1x128xi32, #tpu.memory_space<vmem>>
    %dma_start3A_210 = tpu.memref_squeeze %dma_start3A_209 : memref<1x128xi32, #tpu.memory_space<vmem>> -> memref<128xi32, #tpu.memory_space<vmem>>
    %dma_start3A_211 = tpu.memref_slice %arg3[%add3A_206] : memref<323584xi32, #tpu.memory_space<hbm>> -> memref<128xi32, #tpu.memory_space<hbm>>
    %dma_start3A_212 = arith.constant 0 : i32
    %dma_start3A_213 = tpu.memref_slice %arg7[%dma_start3A_207, %dma_start3A_212] : memref<2x128xi32, #tpu.memory_space<vmem>> -> memref<1x128xi32, #tpu.memory_space<vmem>>
    %dma_start3A_214 = tpu.memref_squeeze %dma_start3A_213 : memref<1x128xi32, #tpu.memory_space<vmem>> -> memref<128xi32, #tpu.memory_space<vmem>>
    %dma_start3A_215 = tpu.memref_slice %arg3[%add3A_206] : memref<323584xi32, #tpu.memory_space<hbm>> -> memref<128xi32, #tpu.memory_space<hbm>>
    tpu.enqueue_dma source(%dma_start3A_215 : memref<128xi32, #tpu.memory_space<hbm>>) target(%dma_start3A_214 : memref<128xi32, #tpu.memory_space<vmem>>) target_semaphore(%arg18 : memref<!tpu.dma_semaphore, #tpu.memory_space<semaphore_mem>>)
    %add3A_216 = arith.constant 9984 : i32
    %add3A_217 = arith.addi %mul3A_108, %add3A_216 : i32
    %dma_start3A_218 = arith.constant 0 : i32
    %dma_start3A_219 = tpu.memref_slice %arg8[%dma_start3A_218] : memref<256xf32, #tpu.memory_space<vmem>> -> memref<128xf32, #tpu.memory_space<vmem>>
    %dma_start3A_220 = tpu.memref_slice %arg5[%add3A_217] : memref<323584xf32, #tpu.memory_space<hbm>> -> memref<128xf32, #tpu.memory_space<hbm>>
    %dma_start3A_221 = arith.constant 0 : i32
    %dma_start3A_222 = tpu.memref_slice %arg8[%dma_start3A_221] : memref<256xf32, #tpu.memory_space<vmem>> -> memref<128xf32, #tpu.memory_space<vmem>>
    %dma_start3A_223 = tpu.memref_slice %arg5[%add3A_217] : memref<323584xf32, #tpu.memory_space<hbm>> -> memref<128xf32, #tpu.memory_space<hbm>>
    tpu.enqueue_dma source(%dma_start3A_223 : memref<128xf32, #tpu.memory_space<hbm>>) target(%dma_start3A_222 : memref<128xf32, #tpu.memory_space<vmem>>) target_semaphore(%arg18 : memref<!tpu.dma_semaphore, #tpu.memory_space<semaphore_mem>>)
    %dma_start3A_224 = arith.constant 76 : i32
    %dma_start3A_225 = arith.constant 0 : i32
    %dma_start3A_226 = tpu.memref_slice %arg9[%dma_start3A_224, %dma_start3A_225] : memref<79x128xi32, #tpu.memory_space<vmem>> -> memref<1x128xi32, #tpu.memory_space<vmem>>
    %dma_start3A_227 = tpu.memref_squeeze %dma_start3A_226 : memref<1x128xi32, #tpu.memory_space<vmem>> -> memref<128xi32, #tpu.memory_space<vmem>>
    %dma_start3A_228 = arith.constant 0 : i32
    %dma_start3A_229 = arith.constant 0 : i32
    %dma_start3A_230 = tpu.memref_slice %arg13[%dma_start3A_228, %dma_start3A_229] : memref<10000x128xf32, #tpu.memory_space<vmem_shared>> -> memref<10000x128xf32, #tpu.memory_space<vmem_shared>>
    tpu.enqueue_indirect_dma source(%arg10 : memref<128x128xf32, #tpu.memory_space<vmem>>) target(%dma_start3A_230 : memref<10000x128xf32, #tpu.memory_space<vmem_shared>>) offsets(%dma_start3A_227 : memref<128xi32, #tpu.memory_space<vmem>>) semaphore(%arg16 : memref<!tpu.dma_semaphore, #tpu.memory_space<semaphore_mem>>) {add = true}
    %dma_wait3A_231 = arith.constant 0 : i32
    %dma_wait3A_232 = arith.constant 0 : i32
    %dma_wait3A_233 = tpu.memref_slice %arg9[%dma_wait3A_231, %dma_wait3A_232] : memref<79x128xi32, #tpu.memory_space<vmem>> -> memref<1x128xi32, #tpu.memory_space<vmem>>
    %dma_wait3A_234 = tpu.memref_squeeze %dma_wait3A_233 : memref<1x128xi32, #tpu.memory_space<vmem>> -> memref<128xi32, #tpu.memory_space<vmem>>
    %dma_wait3A_235 = arith.constant 0 : i32
    %dma_wait3A_236 = arith.constant 0 : i32
    %dma_wait3A_237 = tpu.memref_slice %arg13[%dma_wait3A_235, %dma_wait3A_236] : memref<10000x128xf32, #tpu.memory_space<vmem_shared>> -> memref<10000x128xf32, #tpu.memory_space<vmem_shared>>
    tpu.wait_indirect_dma semaphore(%arg16 : memref<!tpu.dma_semaphore, #tpu.memory_space<semaphore_mem>>) src(%arg10 : memref<128x128xf32, #tpu.memory_space<vmem>>) dst(%dma_wait3A_237 : memref<10000x128xf32, #tpu.memory_space<vmem_shared>>)
    %dma_wait3A_238 = arith.constant 0 : i32
    %dma_wait3A_239 = arith.constant 0 : i32
    %dma_wait3A_240 = tpu.memref_slice %arg7[%dma_wait3A_238, %dma_wait3A_239] : memref<2x128xi32, #tpu.memory_space<vmem>> -> memref<1x128xi32, #tpu.memory_space<vmem>>
    %dma_wait3A_241 = tpu.memref_squeeze %dma_wait3A_240 : memref<1x128xi32, #tpu.memory_space<vmem>> -> memref<128xi32, #tpu.memory_space<vmem>>
    %dma_wait3A_242 = arith.constant 0 : i32
    %dma_wait3A_243 = tpu.memref_slice %arg3[%dma_wait3A_242] : memref<323584xi32, #tpu.memory_space<hbm>> -> memref<128xi32, #tpu.memory_space<hbm>>
    %dma_wait3A_244 = arith.constant 0 : i32
    %dma_wait3A_245 = tpu.memref_slice %arg7[%dma_wait3A_238, %dma_wait3A_244] : memref<2x128xi32, #tpu.memory_space<vmem>> -> memref<1x128xi32, #tpu.memory_space<vmem>>
    %dma_wait3A_246 = tpu.memref_squeeze %dma_wait3A_245 : memref<1x128xi32, #tpu.memory_space<vmem>> -> memref<128xi32, #tpu.memory_space<vmem>>
    %dma_wait3A_247 = arith.constant 0 : i32
    %dma_wait3A_248 = tpu.memref_slice %arg3[%dma_wait3A_247] : memref<323584xi32, #tpu.memory_space<hbm>> -> memref<128xi32, #tpu.memory_space<hbm>>
    tpu.wait_dma2 semaphore(%arg18 : memref<!tpu.dma_semaphore, #tpu.memory_space<semaphore_mem>>) src(%dma_wait3A_248 : memref<128xi32, #tpu.memory_space<hbm>>) dst(%dma_wait3A_246 : memref<128xi32, #tpu.memory_space<vmem>>)
    %dma_wait3A_249 = arith.constant 0 : i32
    %dma_wait3A_250 = tpu.memref_slice %arg8[%dma_wait3A_249] : memref<256xf32, #tpu.memory_space<vmem>> -> memref<128xf32, #tpu.memory_space<vmem>>
    %dma_wait3A_251 = arith.constant 0 : i32
    %dma_wait3A_252 = tpu.memref_slice %arg5[%dma_wait3A_251] : memref<323584xf32, #tpu.memory_space<hbm>> -> memref<128xf32, #tpu.memory_space<hbm>>
    %dma_wait3A_253 = arith.constant 0 : i32
    %dma_wait3A_254 = tpu.memref_slice %arg8[%dma_wait3A_253] : memref<256xf32, #tpu.memory_space<vmem>> -> memref<128xf32, #tpu.memory_space<vmem>>
    %dma_wait3A_255 = arith.constant 0 : i32
    %dma_wait3A_256 = tpu.memref_slice %arg5[%dma_wait3A_255] : memref<323584xf32, #tpu.memory_space<hbm>> -> memref<128xf32, #tpu.memory_space<hbm>>
    tpu.wait_dma2 semaphore(%arg18 : memref<!tpu.dma_semaphore, #tpu.memory_space<semaphore_mem>>) src(%dma_wait3A_256 : memref<128xf32, #tpu.memory_space<hbm>>) dst(%dma_wait3A_254 : memref<128xf32, #tpu.memory_space<vmem>>)
    %dma_start3A_257 = arith.constant 0 : i32
    %dma_start3A_258 = arith.constant 0 : i32
    %dma_start3A_259 = tpu.memref_slice %arg7[%dma_start3A_257, %dma_start3A_258] : memref<2x128xi32, #tpu.memory_space<vmem>> -> memref<1x128xi32, #tpu.memory_space<vmem>>
    %dma_start3A_260 = tpu.memref_squeeze %dma_start3A_259 : memref<1x128xi32, #tpu.memory_space<vmem>> -> memref<128xi32, #tpu.memory_space<vmem>>
    %dma_start3A_261 = arith.constant 0 : i32
    %dma_start3A_262 = arith.constant 0 : i32
    %dma_start3A_263 = tpu.memref_slice %arg2[%dma_start3A_261, %dma_start3A_262] : memref<10000x128xf32, #tpu.memory_space<hbm>> -> memref<10000x128xf32, #tpu.memory_space<hbm>>
    tpu.enqueue_indirect_dma source(%dma_start3A_263 : memref<10000x128xf32, #tpu.memory_space<hbm>>) target(%arg10 : memref<128x128xf32, #tpu.memory_space<vmem>>) offsets(%dma_start3A_260 : memref<128xi32, #tpu.memory_space<vmem>>) semaphore(%arg14 : memref<!tpu.dma_semaphore, #tpu.memory_space<semaphore_mem>>)
    %dma_wait3A_264 = arith.constant 1 : i32
    %dma_wait3A_265 = arith.constant 0 : i32
    %dma_wait3A_266 = tpu.memref_slice %arg7[%dma_wait3A_264, %dma_wait3A_265] : memref<2x128xi32, #tpu.memory_space<vmem>> -> memref<1x128xi32, #tpu.memory_space<vmem>>
    %dma_wait3A_267 = tpu.memref_squeeze %dma_wait3A_266 : memref<1x128xi32, #tpu.memory_space<vmem>> -> memref<128xi32, #tpu.memory_space<vmem>>
    %dma_wait3A_268 = arith.constant 0 : i32
    %dma_wait3A_269 = arith.constant 0 : i32
    %dma_wait3A_270 = tpu.memref_slice %arg2[%dma_wait3A_268, %dma_wait3A_269] : memref<10000x128xf32, #tpu.memory_space<hbm>> -> memref<10000x128xf32, #tpu.memory_space<hbm>>
    tpu.wait_indirect_dma semaphore(%arg15 : memref<!tpu.dma_semaphore, #tpu.memory_space<semaphore_mem>>) src(%dma_wait3A_270 : memref<10000x128xf32, #tpu.memory_space<hbm>>) dst(%arg11 : memref<128x128xf32, #tpu.memory_space<vmem>>)
    %scan3A_271 = arith.constant 0 : i32
    %scan3A_272 = arith.constant 0 : i32
    %scan3A_273 = arith.constant 128 : i32
    %scan3A_274 = arith.addi %scan3A_272, %scan3A_273 : i32
    %scan3A_275 = arith.constant 1 : i32
    %scan3A_276 = scf.for %scan3A_325 = %scan3A_272 to %scan3A_274 step %scan3A_275 iter_args(%scan3A_326 = %scan3A_271) -> (i32)  : i32 {
      %add3A_327 = arith.constant 128 : i32
      %add3A_328 = arith.addi %add3A_327, %scan3A_325 : i32
      %broadcast_in_dim3A = vector.broadcast %add3A_328 : i32 to vector<16xi32>
      %gather3A = tpu.vector_load_idx %arg8[%broadcast_in_dim3A] : memref<256xf32, #tpu.memory_space<vmem>>[vector<16xi32>], vector<16xf32>,
      %get3A = arith.index_cast %scan3A_325 : i32 to index
      %get3A_329 = arith.constant 0 : index
      %get3A_330 = tpu.vector_load %arg11[%get3A, %get3A_329] {strides = array<i32>} : memref<128x128xf32, #tpu.memory_space<vmem>>, vector<16xf32>,
      %mul3A_331 = arith.mulf %get3A_330, %gather3A : vector<16xf32>
      %swap3A = arith.index_cast %scan3A_325 : i32 to index
      %swap3A_332 = arith.constant 0 : index
      %swap3A_333 = tpu.vector_load %arg11[%swap3A, %swap3A_332] {strides = array<i32>} : memref<128x128xf32, #tpu.memory_space<vmem>>, vector<16xf32>,
      tpu.vector_store %arg11[%swap3A, %swap3A_332], %mul3A_331 {strides = array<i32>} : memref<128x128xf32, #tpu.memory_space<vmem>>, vector<16xf32>,
      %get3A_334 = arith.index_cast %scan3A_325 : i32 to index
      %get3A_335 = arith.constant 16 : index
      %get3A_336 = tpu.vector_load %arg11[%get3A_334, %get3A_335] {strides = array<i32>} : memref<128x128xf32, #tpu.memory_space<vmem>>, vector<16xf32>,
      %mul3A_337 = arith.mulf %get3A_336, %gather3A : vector<16xf32>
      %swap3A_338 = arith.index_cast %scan3A_325 : i32 to index
      %swap3A_339 = arith.constant 16 : index
      %swap3A_340 = tpu.vector_load %arg11[%swap3A_338, %swap3A_339] {strides = array<i32>} : memref<128x128xf32, #tpu.memory_space<vmem>>, vector<16xf32>,
      tpu.vector_store %arg11[%swap3A_338, %swap3A_339], %mul3A_337 {strides = array<i32>} : memref<128x128xf32, #tpu.memory_space<vmem>>, vector<16xf32>,
      %get3A_341 = arith.index_cast %scan3A_325 : i32 to index
      %get3A_342 = arith.constant 32 : index
      %get3A_343 = tpu.vector_load %arg11[%get3A_341, %get3A_342] {strides = array<i32>} : memref<128x128xf32, #tpu.memory_space<vmem>>, vector<16xf32>,
      %mul3A_344 = arith.mulf %get3A_343, %gather3A : vector<16xf32>
      %swap3A_345 = arith.index_cast %scan3A_325 : i32 to index
      %swap3A_346 = arith.constant 32 : index
      %swap3A_347 = tpu.vector_load %arg11[%swap3A_345, %swap3A_346] {strides = array<i32>} : memref<128x128xf32, #tpu.memory_space<vmem>>, vector<16xf32>,
      tpu.vector_store %arg11[%swap3A_345, %swap3A_346], %mul3A_344 {strides = array<i32>} : memref<128x128xf32, #tpu.memory_space<vmem>>, vector<16xf32>,
      %get3A_348 = arith.index_cast %scan3A_325 : i32 to index
      %get3A_349 = arith.constant 48 : index
      %get3A_350 = tpu.vector_load %arg11[%get3A_348, %get3A_349] {strides = array<i32>} : memref<128x128xf32, #tpu.memory_space<vmem>>, vector<16xf32>,
      %mul3A_351 = arith.mulf %get3A_350, %gather3A : vector<16xf32>
      %swap3A_352 = arith.index_cast %scan3A_325 : i32 to index
      %swap3A_353 = arith.constant 48 : index
      %swap3A_354 = tpu.vector_load %arg11[%swap3A_352, %swap3A_353] {strides = array<i32>} : memref<128x128xf32, #tpu.memory_space<vmem>>, vector<16xf32>,
      tpu.vector_store %arg11[%swap3A_352, %swap3A_353], %mul3A_351 {strides = array<i32>} : memref<128x128xf32, #tpu.memory_space<vmem>>, vector<16xf32>,
      %get3A_355 = arith.index_cast %scan3A_325 : i32 to index
      %get3A_356 = arith.constant 64 : index
      %get3A_357 = tpu.vector_load %arg11[%get3A_355, %get3A_356] {strides = array<i32>} : memref<128x128xf32, #tpu.memory_space<vmem>>, vector<16xf32>,
      %mul3A_358 = arith.mulf %get3A_357, %gather3A : vector<16xf32>
      %swap3A_359 = arith.index_cast %scan3A_325 : i32 to index
      %swap3A_360 = arith.constant 64 : index
      %swap3A_361 = tpu.vector_load %arg11[%swap3A_359, %swap3A_360] {strides = array<i32>} : memref<128x128xf32, #tpu.memory_space<vmem>>, vector<16xf32>,
      tpu.vector_store %arg11[%swap3A_359, %swap3A_360], %mul3A_358 {strides = array<i32>} : memref<128x128xf32, #tpu.memory_space<vmem>>, vector<16xf32>,
      %get3A_362 = arith.index_cast %scan3A_325 : i32 to index
      %get3A_363 = arith.constant 80 : index
      %get3A_364 = tpu.vector_load %arg11[%get3A_362, %get3A_363] {strides = array<i32>} : memref<128x128xf32, #tpu.memory_space<vmem>>, vector<16xf32>,
      %mul3A_365 = arith.mulf %get3A_364, %gather3A : vector<16xf32>
      %swap3A_366 = arith.index_cast %scan3A_325 : i32 to index
      %swap3A_367 = arith.constant 80 : index
      %swap3A_368 = tpu.vector_load %arg11[%swap3A_366, %swap3A_367] {strides = array<i32>} : memref<128x128xf32, #tpu.memory_space<vmem>>, vector<16xf32>,
      tpu.vector_store %arg11[%swap3A_366, %swap3A_367], %mul3A_365 {strides = array<i32>} : memref<128x128xf32, #tpu.memory_space<vmem>>, vector<16xf32>,
      %get3A_369 = arith.index_cast %scan3A_325 : i32 to index
      %get3A_370 = arith.constant 96 : index
      %get3A_371 = tpu.vector_load %arg11[%get3A_369, %get3A_370] {strides = array<i32>} : memref<128x128xf32, #tpu.memory_space<vmem>>, vector<16xf32>,
      %mul3A_372 = arith.mulf %get3A_371, %gather3A : vector<16xf32>
      %swap3A_373 = arith.index_cast %scan3A_325 : i32 to index
      %swap3A_374 = arith.constant 96 : index
      %swap3A_375 = tpu.vector_load %arg11[%swap3A_373, %swap3A_374] {strides = array<i32>} : memref<128x128xf32, #tpu.memory_space<vmem>>, vector<16xf32>,
      tpu.vector_store %arg11[%swap3A_373, %swap3A_374], %mul3A_372 {strides = array<i32>} : memref<128x128xf32, #tpu.memory_space<vmem>>, vector<16xf32>,
      %get3A_376 = arith.index_cast %scan3A_325 : i32 to index
      %get3A_377 = arith.constant 112 : index
      %get3A_378 = tpu.vector_load %arg11[%get3A_376, %get3A_377] {strides = array<i32>} : memref<128x128xf32, #tpu.memory_space<vmem>>, vector<16xf32>,
      %mul3A_379 = arith.mulf %get3A_378, %gather3A : vector<16xf32>
      %swap3A_380 = arith.index_cast %scan3A_325 : i32 to index
      %swap3A_381 = arith.constant 112 : index
      %swap3A_382 = tpu.vector_load %arg11[%swap3A_380, %swap3A_381] {strides = array<i32>} : memref<128x128xf32, #tpu.memory_space<vmem>>, vector<16xf32>,
      tpu.vector_store %arg11[%swap3A_380, %swap3A_381], %mul3A_379 {strides = array<i32>} : memref<128x128xf32, #tpu.memory_space<vmem>>, vector<16xf32>,
      %scan3A_383 = arith.constant 0 : i32
      scf.yield %scan3A_383 : i32
    }
    %scan3A_277 = arith.constant 128 : i32
    %dma_start3A_278 = arith.constant 77 : i32
    %dma_start3A_279 = arith.constant 0 : i32
    %dma_start3A_280 = tpu.memref_slice %arg9[%dma_start3A_278, %dma_start3A_279] : memref<79x128xi32, #tpu.memory_space<vmem>> -> memref<1x128xi32, #tpu.memory_space<vmem>>
    %dma_start3A_281 = tpu.memref_squeeze %dma_start3A_280 : memref<1x128xi32, #tpu.memory_space<vmem>> -> memref<128xi32, #tpu.memory_space<vmem>>
    %dma_start3A_282 = arith.constant 0 : i32
    %dma_start3A_283 = arith.constant 0 : i32
    %dma_start3A_284 = tpu.memref_slice %arg13[%dma_start3A_282, %dma_start3A_283] : memref<10000x128xf32, #tpu.memory_space<vmem_shared>> -> memref<10000x128xf32, #tpu.memory_space<vmem_shared>>
    tpu.enqueue_indirect_dma source(%arg11 : memref<128x128xf32, #tpu.memory_space<vmem>>) target(%dma_start3A_284 : memref<10000x128xf32, #tpu.memory_space<vmem_shared>>) offsets(%dma_start3A_281 : memref<128xi32, #tpu.memory_space<vmem>>) semaphore(%arg17 : memref<!tpu.dma_semaphore, #tpu.memory_space<semaphore_mem>>) {add = true}
    %dma_wait3A_285 = arith.constant 0 : i32
    %dma_wait3A_286 = arith.constant 0 : i32
    %dma_wait3A_287 = tpu.memref_slice %arg7[%dma_wait3A_285, %dma_wait3A_286] : memref<2x128xi32, #tpu.memory_space<vmem>> -> memref<1x128xi32, #tpu.memory_space<vmem>>
    %dma_wait3A_288 = tpu.memref_squeeze %dma_wait3A_287 : memref<1x128xi32, #tpu.memory_space<vmem>> -> memref<128xi32, #tpu.memory_space<vmem>>
    %dma_wait3A_289 = arith.constant 0 : i32
    %dma_wait3A_290 = arith.constant 0 : i32
    %dma_wait3A_291 = tpu.memref_slice %arg2[%dma_wait3A_289, %dma_wait3A_290] : memref<10000x128xf32, #tpu.memory_space<hbm>> -> memref<10000x128xf32, #tpu.memory_space<hbm>>
    tpu.wait_indirect_dma semaphore(%arg14 : memref<!tpu.dma_semaphore, #tpu.memory_space<semaphore_mem>>) src(%dma_wait3A_291 : memref<10000x128xf32, #tpu.memory_space<hbm>>) dst(%arg10 : memref<128x128xf32, #tpu.memory_space<vmem>>)
    %scan3A_292 = arith.constant 0 : i32
    %scan3A_293 = arith.constant 0 : i32
    %scan3A_294 = arith.constant 128 : i32
    %scan3A_295 = arith.addi %scan3A_293, %scan3A_294 : i32
    %scan3A_296 = arith.constant 1 : i32
    %scan3A_297 = scf.for %scan3A_325 = %scan3A_293 to %scan3A_295 step %scan3A_296 iter_args(%scan3A_326 = %scan3A_292) -> (i32)  : i32 {
      %add3A_327 = arith.constant 0 : i32
      %add3A_328 = arith.addi %add3A_327, %scan3A_325 : i32
      %broadcast_in_dim3A = vector.broadcast %add3A_328 : i32 to vector<16xi32>
      %gather3A = tpu.vector_load_idx %arg8[%broadcast_in_dim3A] : memref<256xf32, #tpu.memory_space<vmem>>[vector<16xi32>], vector<16xf32>,
      %get3A = arith.index_cast %scan3A_325 : i32 to index
      %get3A_329 = arith.constant 0 : index
      %get3A_330 = tpu.vector_load %arg10[%get3A, %get3A_329] {strides = array<i32>} : memref<128x128xf32, #tpu.memory_space<vmem>>, vector<16xf32>,
      %mul3A_331 = arith.mulf %get3A_330, %gather3A : vector<16xf32>
      %swap3A = arith.index_cast %scan3A_325 : i32 to index
      %swap3A_332 = arith.constant 0 : index
      %swap3A_333 = tpu.vector_load %arg10[%swap3A, %swap3A_332] {strides = array<i32>} : memref<128x128xf32, #tpu.memory_space<vmem>>, vector<16xf32>,
      tpu.vector_store %arg10[%swap3A, %swap3A_332], %mul3A_331 {strides = array<i32>} : memref<128x128xf32, #tpu.memory_space<vmem>>, vector<16xf32>,
      %get3A_334 = arith.index_cast %scan3A_325 : i32 to index
      %get3A_335 = arith.constant 16 : index
      %get3A_336 = tpu.vector_load %arg10[%get3A_334, %get3A_335] {strides = array<i32>} : memref<128x128xf32, #tpu.memory_space<vmem>>, vector<16xf32>,
      %mul3A_337 = arith.mulf %get3A_336, %gather3A : vector<16xf32>
      %swap3A_338 = arith.index_cast %scan3A_325 : i32 to index
      %swap3A_339 = arith.constant 16 : index
      %swap3A_340 = tpu.vector_load %arg10[%swap3A_338, %swap3A_339] {strides = array<i32>} : memref<128x128xf32, #tpu.memory_space<vmem>>, vector<16xf32>,
      tpu.vector_store %arg10[%swap3A_338, %swap3A_339], %mul3A_337 {strides = array<i32>} : memref<128x128xf32, #tpu.memory_space<vmem>>, vector<16xf32>,
      %get3A_341 = arith.index_cast %scan3A_325 : i32 to index
      %get3A_342 = arith.constant 32 : index
      %get3A_343 = tpu.vector_load %arg10[%get3A_341, %get3A_342] {strides = array<i32>} : memref<128x128xf32, #tpu.memory_space<vmem>>, vector<16xf32>,
      %mul3A_344 = arith.mulf %get3A_343, %gather3A : vector<16xf32>
      %swap3A_345 = arith.index_cast %scan3A_325 : i32 to index
      %swap3A_346 = arith.constant 32 : index
      %swap3A_347 = tpu.vector_load %arg10[%swap3A_345, %swap3A_346] {strides = array<i32>} : memref<128x128xf32, #tpu.memory_space<vmem>>, vector<16xf32>,
      tpu.vector_store %arg10[%swap3A_345, %swap3A_346], %mul3A_344 {strides = array<i32>} : memref<128x128xf32, #tpu.memory_space<vmem>>, vector<16xf32>,
      %get3A_348 = arith.index_cast %scan3A_325 : i32 to index
      %get3A_349 = arith.constant 48 : index
      %get3A_350 = tpu.vector_load %arg10[%get3A_348, %get3A_349] {strides = array<i32>} : memref<128x128xf32, #tpu.memory_space<vmem>>, vector<16xf32>,
      %mul3A_351 = arith.mulf %get3A_350, %gather3A : vector<16xf32>
      %swap3A_352 = arith.index_cast %scan3A_325 : i32 to index
      %swap3A_353 = arith.constant 48 : index
      %swap3A_354 = tpu.vector_load %arg10[%swap3A_352, %swap3A_353] {strides = array<i32>} : memref<128x128xf32, #tpu.memory_space<vmem>>, vector<16xf32>,
      tpu.vector_store %arg10[%swap3A_352, %swap3A_353], %mul3A_351 {strides = array<i32>} : memref<128x128xf32, #tpu.memory_space<vmem>>, vector<16xf32>,
      %get3A_355 = arith.index_cast %scan3A_325 : i32 to index
      %get3A_356 = arith.constant 64 : index
      %get3A_357 = tpu.vector_load %arg10[%get3A_355, %get3A_356] {strides = array<i32>} : memref<128x128xf32, #tpu.memory_space<vmem>>, vector<16xf32>,
      %mul3A_358 = arith.mulf %get3A_357, %gather3A : vector<16xf32>
      %swap3A_359 = arith.index_cast %scan3A_325 : i32 to index
      %swap3A_360 = arith.constant 64 : index
      %swap3A_361 = tpu.vector_load %arg10[%swap3A_359, %swap3A_360] {strides = array<i32>} : memref<128x128xf32, #tpu.memory_space<vmem>>, vector<16xf32>,
      tpu.vector_store %arg10[%swap3A_359, %swap3A_360], %mul3A_358 {strides = array<i32>} : memref<128x128xf32, #tpu.memory_space<vmem>>, vector<16xf32>,
      %get3A_362 = arith.index_cast %scan3A_325 : i32 to index
      %get3A_363 = arith.constant 80 : index
      %get3A_364 = tpu.vector_load %arg10[%get3A_362, %get3A_363] {strides = array<i32>} : memref<128x128xf32, #tpu.memory_space<vmem>>, vector<16xf32>,
      %mul3A_365 = arith.mulf %get3A_364, %gather3A : vector<16xf32>
      %swap3A_366 = arith.index_cast %scan3A_325 : i32 to index
      %swap3A_367 = arith.constant 80 : index
      %swap3A_368 = tpu.vector_load %arg10[%swap3A_366, %swap3A_367] {strides = array<i32>} : memref<128x128xf32, #tpu.memory_space<vmem>>, vector<16xf32>,
      tpu.vector_store %arg10[%swap3A_366, %swap3A_367], %mul3A_365 {strides = array<i32>} : memref<128x128xf32, #tpu.memory_space<vmem>>, vector<16xf32>,
      %get3A_369 = arith.index_cast %scan3A_325 : i32 to index
      %get3A_370 = arith.constant 96 : index
      %get3A_371 = tpu.vector_load %arg10[%get3A_369, %get3A_370] {strides = array<i32>} : memref<128x128xf32, #tpu.memory_space<vmem>>, vector<16xf32>,
      %mul3A_372 = arith.mulf %get3A_371, %gather3A : vector<16xf32>
      %swap3A_373 = arith.index_cast %scan3A_325 : i32 to index
      %swap3A_374 = arith.constant 96 : index
      %swap3A_375 = tpu.vector_load %arg10[%swap3A_373, %swap3A_374] {strides = array<i32>} : memref<128x128xf32, #tpu.memory_space<vmem>>, vector<16xf32>,
      tpu.vector_store %arg10[%swap3A_373, %swap3A_374], %mul3A_372 {strides = array<i32>} : memref<128x128xf32, #tpu.memory_space<vmem>>, vector<16xf32>,
      %get3A_376 = arith.index_cast %scan3A_325 : i32 to index
      %get3A_377 = arith.constant 112 : index
      %get3A_378 = tpu.vector_load %arg10[%get3A_376, %get3A_377] {strides = array<i32>} : memref<128x128xf32, #tpu.memory_space<vmem>>, vector<16xf32>,
      %mul3A_379 = arith.mulf %get3A_378, %gather3A : vector<16xf32>
      %swap3A_380 = arith.index_cast %scan3A_325 : i32 to index
      %swap3A_381 = arith.constant 112 : index
      %swap3A_382 = tpu.vector_load %arg10[%swap3A_380, %swap3A_381] {strides = array<i32>} : memref<128x128xf32, #tpu.memory_space<vmem>>, vector<16xf32>,
      tpu.vector_store %arg10[%swap3A_380, %swap3A_381], %mul3A_379 {strides = array<i32>} : memref<128x128xf32, #tpu.memory_space<vmem>>, vector<16xf32>,
      %scan3A_383 = arith.constant 0 : i32
      scf.yield %scan3A_383 : i32
    }
    %scan3A_298 = arith.constant 128 : i32
    %dma_start3A_299 = arith.constant 78 : i32
    %dma_start3A_300 = arith.constant 0 : i32
    %dma_start3A_301 = tpu.memref_slice %arg9[%dma_start3A_299, %dma_start3A_300] : memref<79x128xi32, #tpu.memory_space<vmem>> -> memref<1x128xi32, #tpu.memory_space<vmem>>
    %dma_start3A_302 = tpu.memref_squeeze %dma_start3A_301 : memref<1x128xi32, #tpu.memory_space<vmem>> -> memref<128xi32, #tpu.memory_space<vmem>>
    %dma_start3A_303 = arith.constant 0 : i32
    %dma_start3A_304 = arith.constant 0 : i32
    %dma_start3A_305 = tpu.memref_slice %arg13[%dma_start3A_303, %dma_start3A_304] : memref<10000x128xf32, #tpu.memory_space<vmem_shared>> -> memref<10000x128xf32, #tpu.memory_space<vmem_shared>>
    tpu.enqueue_indirect_dma source(%arg10 : memref<128x128xf32, #tpu.memory_space<vmem>>) target(%dma_start3A_305 : memref<10000x128xf32, #tpu.memory_space<vmem_shared>>) offsets(%dma_start3A_302 : memref<128xi32, #tpu.memory_space<vmem>>) semaphore(%arg16 : memref<!tpu.dma_semaphore, #tpu.memory_space<semaphore_mem>>) {add = true}
    %dma_wait3A_306 = arith.constant 0 : i32
    %dma_wait3A_307 = arith.constant 0 : i32
    %dma_wait3A_308 = tpu.memref_slice %arg9[%dma_wait3A_306, %dma_wait3A_307] : memref<79x128xi32, #tpu.memory_space<vmem>> -> memref<1x128xi32, #tpu.memory_space<vmem>>
    %dma_wait3A_309 = tpu.memref_squeeze %dma_wait3A_308 : memref<1x128xi32, #tpu.memory_space<vmem>> -> memref<128xi32, #tpu.memory_space<vmem>>
    %dma_wait3A_310 = arith.constant 0 : i32
    %dma_wait3A_311 = arith.constant 0 : i32
    %dma_wait3A_312 = tpu.memref_slice %arg13[%dma_wait3A_310, %dma_wait3A_311] : memref<10000x128xf32, #tpu.memory_space<vmem_shared>> -> memref<10000x128xf32, #tpu.memory_space<vmem_shared>>
    tpu.wait_indirect_dma semaphore(%arg16 : memref<!tpu.dma_semaphore, #tpu.memory_space<semaphore_mem>>) src(%arg10 : memref<128x128xf32, #tpu.memory_space<vmem>>) dst(%dma_wait3A_312 : memref<10000x128xf32, #tpu.memory_space<vmem_shared>>)
    %dma_wait3A_313 = arith.constant 0 : i32
    %dma_wait3A_314 = arith.constant 0 : i32
    %dma_wait3A_315 = tpu.memref_slice %arg9[%dma_wait3A_313, %dma_wait3A_314] : memref<79x128xi32, #tpu.memory_space<vmem>> -> memref<1x128xi32, #tpu.memory_space<vmem>>
    %dma_wait3A_316 = tpu.memref_squeeze %dma_wait3A_315 : memref<1x128xi32, #tpu.memory_space<vmem>> -> memref<128xi32, #tpu.memory_space<vmem>>
    %dma_wait3A_317 = arith.constant 0 : i32
    %dma_wait3A_318 = arith.constant 0 : i32
    %dma_wait3A_319 = tpu.memref_slice %arg13[%dma_wait3A_317, %dma_wait3A_318] : memref<10000x128xf32, #tpu.memory_space<vmem_shared>> -> memref<10000x128xf32, #tpu.memory_space<vmem_shared>>
    tpu.wait_indirect_dma semaphore(%arg17 : memref<!tpu.dma_semaphore, #tpu.memory_space<semaphore_mem>>) src(%arg11 : memref<128x128xf32, #tpu.memory_space<vmem>>) dst(%dma_wait3A_319 : memref<10000x128xf32, #tpu.memory_space<vmem_shared>>)
    %barrier3A_320 = arith.constant 0 : index
    tpu.barrier barrier_id(%barrier3A_320)
    %mul3A_321 = arith.constant 625 : i32
    %mul3A_322 = arith.muli %arg1, %mul3A_321 : i32
    %mul3A_323 = arith.constant 625 : i32
    %mul3A_324 = arith.muli %arg1, %mul3A_323 : i32
    "tpu.region"() ({
      %run_scoped3A_325 = tpu.sem_alloc : memref<!tpu.dma_semaphore, #tpu.memory_space<semaphore_mem>>
      %dma_start3A_326 = arith.constant 0 : i32
      %dma_start3A_327 = tpu.memref_slice %arg6[%arg0, %mul3A_324, %dma_start3A_326] : memref<2x10000x128xf32, #tpu.memory_space<hbm>> -> memref<1x625x128xf32, #tpu.memory_space<hbm>>
      %dma_start3A_328 = tpu.memref_squeeze %dma_start3A_327 : memref<1x625x128xf32, #tpu.memory_space<hbm>> -> memref<625x128xf32, #tpu.memory_space<hbm>>
      %dma_start3A_329 = arith.constant 0 : i32
      %dma_start3A_330 = tpu.memref_slice %arg13[%mul3A_322, %dma_start3A_329] : memref<10000x128xf32, #tpu.memory_space<vmem_shared>> -> memref<625x128xf32, #tpu.memory_space<vmem_shared>>
      tpu.enqueue_dma source(%dma_start3A_330 : memref<625x128xf32, #tpu.memory_space<vmem_shared>>) target(%dma_start3A_328 : memref<625x128xf32, #tpu.memory_space<hbm>>) target_semaphore(%run_scoped3A_325 : memref<!tpu.dma_semaphore, #tpu.memory_space<semaphore_mem>>)
      %dma_wait3A_331 = arith.constant 0 : i32
      %dma_wait3A_332 = tpu.memref_slice %arg6[%arg0, %mul3A_324, %dma_wait3A_331] : memref<2x10000x128xf32, #tpu.memory_space<hbm>> -> memref<1x625x128xf32, #tpu.memory_space<hbm>>
      %dma_wait3A_333 = tpu.memref_squeeze %dma_wait3A_332 : memref<1x625x128xf32, #tpu.memory_space<hbm>> -> memref<625x128xf32, #tpu.memory_space<hbm>>
      %dma_wait3A_334 = arith.constant 0 : i32
      %dma_wait3A_335 = tpu.memref_slice %arg13[%mul3A_322, %dma_wait3A_334] : memref<10000x128xf32, #tpu.memory_space<vmem_shared>> -> memref<625x128xf32, #tpu.memory_space<vmem_shared>>
      tpu.wait_dma2 semaphore(%run_scoped3A_325 : memref<!tpu.dma_semaphore, #tpu.memory_space<semaphore_mem>>) src(%dma_wait3A_335 : memref<625x128xf32, #tpu.memory_space<vmem_shared>>) dst(%dma_wait3A_333 : memref<625x128xf32, #tpu.memory_space<hbm>>)
      tpu.yield
    }) : () -> ()
    return
  }
}

#map = affine_map<(d0, d1) -> (0)>
module attributes {stable_mosaic.version = 14 : i64} {
  func.func @_prep_kernel(%arg0: i32, %arg1: i32, %arg2: memref<323584xi32, #tpu.memory_space<hbm>>, %arg3: memref<323584xi32, #tpu.memory_space<hbm>>, %arg4: memref<323584xf32, #tpu.memory_space<hbm>>, %arg5: memref<323584xf32, #tpu.memory_space<hbm>>, %arg6: memref<20224xi32, #tpu.memory_space<vmem>>, %arg7: memref<20224xf32, #tpu.memory_space<vmem>>, %arg8: memref<10240xf32, #tpu.memory_space<vmem>>, %arg9: memref<640x16xf32, #tpu.memory_space<vmem>>, %arg10: memref<5x128xi32, #tpu.memory_space<vmem>>, %arg11: memref<10112xi32, #tpu.memory_space<vmem>>, %arg12: memref<10112xi32, #tpu.memory_space<vmem>>, %arg13: memref<10112xf32, #tpu.memory_space<vmem>>, %arg14: memref<10112xf32, #tpu.memory_space<vmem>>, %arg15: memref<640x16xf32, #tpu.memory_space<vmem_shared>>) attributes {dimension_semantics = [#tpu.dimension_semantics<core_parallel>, #tpu.dimension_semantics<subcore_parallel>], iteration_bounds = array<i64: 2, 16>, scalar_prefetch = 0 : i64, scratch_operands = 10 : i64, tpu.core_type = #tpu.core_type<sc_vector_subcore>, window_params = [{transform_indices = #map}, {transform_indices = #map}, {transform_indices = #map}, {transform_indices = #map}]} {
    %mul3A = arith.constant 16 : i32
    %mul3A_0 = arith.muli %arg0, %mul3A : i32
    %add3A = arith.addi %mul3A_0, %arg1 : i32
    %scan3A = arith.constant 0 : i32
    %scan3A_1 = arith.constant 0 : i32
    %scan3A_2 = arith.constant 640 : i32
    %scan3A_3 = arith.addi %scan3A_1, %scan3A_2 : i32
    %scan3A_4 = arith.constant 1 : i32
    %scan3A_5 = scf.for %scan3A_366 = %scan3A_1 to %scan3A_3 step %scan3A_4 iter_args(%scan3A_367 = %scan3A) -> (i32)  : i32 {
      %broadcast_in_dim3A = arith.constant 0.000000e+00 : f32
      %broadcast_in_dim3A_368 = vector.broadcast %broadcast_in_dim3A : f32 to vector<16xf32>
      %mul3A_369 = arith.constant 16 : i32
      %mul3A_370 = arith.muli %scan3A_366, %mul3A_369 : i32
      %swap3A_371 = arith.index_cast %mul3A_370 : i32 to index
      %swap3A_372 = tpu.vector_load %arg8[%swap3A_371] {strides = array<i32>} : memref<10240xf32, #tpu.memory_space<vmem>>, vector<16xf32>,
      tpu.vector_store %arg8[%swap3A_371], %broadcast_in_dim3A_368 {strides = array<i32>} : memref<10240xf32, #tpu.memory_space<vmem>>, vector<16xf32>,
      %broadcast_in_dim3A_373 = arith.constant 0.000000e+00 : f32
      %broadcast_in_dim3A_374 = vector.broadcast %broadcast_in_dim3A_373 : f32 to vector<16xf32>
      %swap3A_375 = arith.index_cast %scan3A_366 : i32 to index
      %swap3A_376 = arith.constant 0 : index
      %swap3A_377 = tpu.vector_load %arg9[%swap3A_375, %swap3A_376] {strides = array<i32>} : memref<640x16xf32, #tpu.memory_space<vmem>>, vector<16xf32>,
      tpu.vector_store %arg9[%swap3A_375, %swap3A_376], %broadcast_in_dim3A_374 {strides = array<i32>} : memref<640x16xf32, #tpu.memory_space<vmem>>, vector<16xf32>,
      %scan3A_378 = arith.constant 0 : i32
      scf.yield %scan3A_378 : i32
    }
    %scan3A_6 = arith.constant 640 : i32
    %iota3A = tpu.iota {dimensions = array<i32: 0>} : vector<16xi32>
    %add3A_7 = arith.constant 0 : i32
    %add3A_8 = vector.broadcast %add3A_7 : i32 to vector<16xi32>
    %add3A_9 = arith.addi %iota3A, %add3A_8 : vector<16xi32>
    %swap3A = arith.constant 0 : i32
    %swap3A_10 = arith.index_cast %swap3A : i32 to index
    %swap3A_11 = arith.constant 0 : index
    %swap3A_12 = tpu.vector_load %arg10[%swap3A_10, %swap3A_11] {strides = array<i32>} : memref<5x128xi32, #tpu.memory_space<vmem>>, vector<16xi32>,
    tpu.vector_store %arg10[%swap3A_10, %swap3A_11], %add3A_9 {strides = array<i32>} : memref<5x128xi32, #tpu.memory_space<vmem>>, vector<16xi32>,
    %iota3A_13 = tpu.iota {dimensions = array<i32: 0>} : vector<16xi32>
    %add3A_14 = arith.constant 16 : i32
    %add3A_15 = vector.broadcast %add3A_14 : i32 to vector<16xi32>
    %add3A_16 = arith.addi %iota3A_13, %add3A_15 : vector<16xi32>
    %swap3A_17 = arith.constant 0 : i32
    %swap3A_18 = arith.index_cast %swap3A_17 : i32 to index
    %swap3A_19 = arith.constant 16 : index
    %swap3A_20 = tpu.vector_load %arg10[%swap3A_18, %swap3A_19] {strides = array<i32>} : memref<5x128xi32, #tpu.memory_space<vmem>>, vector<16xi32>,
    tpu.vector_store %arg10[%swap3A_18, %swap3A_19], %add3A_16 {strides = array<i32>} : memref<5x128xi32, #tpu.memory_space<vmem>>, vector<16xi32>,
    %iota3A_21 = tpu.iota {dimensions = array<i32: 0>} : vector<16xi32>
    %add3A_22 = arith.constant 32 : i32
    %add3A_23 = vector.broadcast %add3A_22 : i32 to vector<16xi32>
    %add3A_24 = arith.addi %iota3A_21, %add3A_23 : vector<16xi32>
    %swap3A_25 = arith.constant 0 : i32
    %swap3A_26 = arith.index_cast %swap3A_25 : i32 to index
    %swap3A_27 = arith.constant 32 : index
    %swap3A_28 = tpu.vector_load %arg10[%swap3A_26, %swap3A_27] {strides = array<i32>} : memref<5x128xi32, #tpu.memory_space<vmem>>, vector<16xi32>,
    tpu.vector_store %arg10[%swap3A_26, %swap3A_27], %add3A_24 {strides = array<i32>} : memref<5x128xi32, #tpu.memory_space<vmem>>, vector<16xi32>,
    %iota3A_29 = tpu.iota {dimensions = array<i32: 0>} : vector<16xi32>
    %add3A_30 = arith.constant 48 : i32
    %add3A_31 = vector.broadcast %add3A_30 : i32 to vector<16xi32>
    %add3A_32 = arith.addi %iota3A_29, %add3A_31 : vector<16xi32>
    %swap3A_33 = arith.constant 0 : i32
    %swap3A_34 = arith.index_cast %swap3A_33 : i32 to index
    %swap3A_35 = arith.constant 48 : index
    %swap3A_36 = tpu.vector_load %arg10[%swap3A_34, %swap3A_35] {strides = array<i32>} : memref<5x128xi32, #tpu.memory_space<vmem>>, vector<16xi32>,
    tpu.vector_store %arg10[%swap3A_34, %swap3A_35], %add3A_32 {strides = array<i32>} : memref<5x128xi32, #tpu.memory_space<vmem>>, vector<16xi32>,
    %iota3A_37 = tpu.iota {dimensions = array<i32: 0>} : vector<16xi32>
    %add3A_38 = arith.constant 64 : i32
    %add3A_39 = vector.broadcast %add3A_38 : i32 to vector<16xi32>
    %add3A_40 = arith.addi %iota3A_37, %add3A_39 : vector<16xi32>
    %swap3A_41 = arith.constant 0 : i32
    %swap3A_42 = arith.index_cast %swap3A_41 : i32 to index
    %swap3A_43 = arith.constant 64 : index
    %swap3A_44 = tpu.vector_load %arg10[%swap3A_42, %swap3A_43] {strides = array<i32>} : memref<5x128xi32, #tpu.memory_space<vmem>>, vector<16xi32>,
    tpu.vector_store %arg10[%swap3A_42, %swap3A_43], %add3A_40 {strides = array<i32>} : memref<5x128xi32, #tpu.memory_space<vmem>>, vector<16xi32>,
    %iota3A_45 = tpu.iota {dimensions = array<i32: 0>} : vector<16xi32>
    %add3A_46 = arith.constant 80 : i32
    %add3A_47 = vector.broadcast %add3A_46 : i32 to vector<16xi32>
    %add3A_48 = arith.addi %iota3A_45, %add3A_47 : vector<16xi32>
    %swap3A_49 = arith.constant 0 : i32
    %swap3A_50 = arith.index_cast %swap3A_49 : i32 to index
    %swap3A_51 = arith.constant 80 : index
    %swap3A_52 = tpu.vector_load %arg10[%swap3A_50, %swap3A_51] {strides = array<i32>} : memref<5x128xi32, #tpu.memory_space<vmem>>, vector<16xi32>,
    tpu.vector_store %arg10[%swap3A_50, %swap3A_51], %add3A_48 {strides = array<i32>} : memref<5x128xi32, #tpu.memory_space<vmem>>, vector<16xi32>,
    %iota3A_53 = tpu.iota {dimensions = array<i32: 0>} : vector<16xi32>
    %add3A_54 = arith.constant 96 : i32
    %add3A_55 = vector.broadcast %add3A_54 : i32 to vector<16xi32>
    %add3A_56 = arith.addi %iota3A_53, %add3A_55 : vector<16xi32>
    %swap3A_57 = arith.constant 0 : i32
    %swap3A_58 = arith.index_cast %swap3A_57 : i32 to index
    %swap3A_59 = arith.constant 96 : index
    %swap3A_60 = tpu.vector_load %arg10[%swap3A_58, %swap3A_59] {strides = array<i32>} : memref<5x128xi32, #tpu.memory_space<vmem>>, vector<16xi32>,
    tpu.vector_store %arg10[%swap3A_58, %swap3A_59], %add3A_56 {strides = array<i32>} : memref<5x128xi32, #tpu.memory_space<vmem>>, vector<16xi32>,
    %iota3A_61 = tpu.iota {dimensions = array<i32: 0>} : vector<16xi32>
    %add3A_62 = arith.constant 112 : i32
    %add3A_63 = vector.broadcast %add3A_62 : i32 to vector<16xi32>
    %add3A_64 = arith.addi %iota3A_61, %add3A_63 : vector<16xi32>
    %swap3A_65 = arith.constant 0 : i32
    %swap3A_66 = arith.index_cast %swap3A_65 : i32 to index
    %swap3A_67 = arith.constant 112 : index
    %swap3A_68 = tpu.vector_load %arg10[%swap3A_66, %swap3A_67] {strides = array<i32>} : memref<5x128xi32, #tpu.memory_space<vmem>>, vector<16xi32>,
    tpu.vector_store %arg10[%swap3A_66, %swap3A_67], %add3A_64 {strides = array<i32>} : memref<5x128xi32, #tpu.memory_space<vmem>>, vector<16xi32>,
    %iota3A_69 = tpu.iota {dimensions = array<i32: 0>} : vector<16xi32>
    %add3A_70 = arith.constant 128 : i32
    %add3A_71 = vector.broadcast %add3A_70 : i32 to vector<16xi32>
    %add3A_72 = arith.addi %iota3A_69, %add3A_71 : vector<16xi32>
    %swap3A_73 = arith.constant 1 : i32
    %swap3A_74 = arith.index_cast %swap3A_73 : i32 to index
    %swap3A_75 = arith.constant 0 : index
    %swap3A_76 = tpu.vector_load %arg10[%swap3A_74, %swap3A_75] {strides = array<i32>} : memref<5x128xi32, #tpu.memory_space<vmem>>, vector<16xi32>,
    tpu.vector_store %arg10[%swap3A_74, %swap3A_75], %add3A_72 {strides = array<i32>} : memref<5x128xi32, #tpu.memory_space<vmem>>, vector<16xi32>,
    %iota3A_77 = tpu.iota {dimensions = array<i32: 0>} : vector<16xi32>
    %add3A_78 = arith.constant 144 : i32
    %add3A_79 = vector.broadcast %add3A_78 : i32 to vector<16xi32>
    %add3A_80 = arith.addi %iota3A_77, %add3A_79 : vector<16xi32>
    %swap3A_81 = arith.constant 1 : i32
    %swap3A_82 = arith.index_cast %swap3A_81 : i32 to index
    %swap3A_83 = arith.constant 16 : index
    %swap3A_84 = tpu.vector_load %arg10[%swap3A_82, %swap3A_83] {strides = array<i32>} : memref<5x128xi32, #tpu.memory_space<vmem>>, vector<16xi32>,
    tpu.vector_store %arg10[%swap3A_82, %swap3A_83], %add3A_80 {strides = array<i32>} : memref<5x128xi32, #tpu.memory_space<vmem>>, vector<16xi32>,
    %iota3A_85 = tpu.iota {dimensions = array<i32: 0>} : vector<16xi32>
    %add3A_86 = arith.constant 160 : i32
    %add3A_87 = vector.broadcast %add3A_86 : i32 to vector<16xi32>
    %add3A_88 = arith.addi %iota3A_85, %add3A_87 : vector<16xi32>
    %swap3A_89 = arith.constant 1 : i32
    %swap3A_90 = arith.index_cast %swap3A_89 : i32 to index
    %swap3A_91 = arith.constant 32 : index
    %swap3A_92 = tpu.vector_load %arg10[%swap3A_90, %swap3A_91] {strides = array<i32>} : memref<5x128xi32, #tpu.memory_space<vmem>>, vector<16xi32>,
    tpu.vector_store %arg10[%swap3A_90, %swap3A_91], %add3A_88 {strides = array<i32>} : memref<5x128xi32, #tpu.memory_space<vmem>>, vector<16xi32>,
    %iota3A_93 = tpu.iota {dimensions = array<i32: 0>} : vector<16xi32>
    %add3A_94 = arith.constant 176 : i32
    %add3A_95 = vector.broadcast %add3A_94 : i32 to vector<16xi32>
    %add3A_96 = arith.addi %iota3A_93, %add3A_95 : vector<16xi32>
    %swap3A_97 = arith.constant 1 : i32
    %swap3A_98 = arith.index_cast %swap3A_97 : i32 to index
    %swap3A_99 = arith.constant 48 : index
    %swap3A_100 = tpu.vector_load %arg10[%swap3A_98, %swap3A_99] {strides = array<i32>} : memref<5x128xi32, #tpu.memory_space<vmem>>, vector<16xi32>,
    tpu.vector_store %arg10[%swap3A_98, %swap3A_99], %add3A_96 {strides = array<i32>} : memref<5x128xi32, #tpu.memory_space<vmem>>, vector<16xi32>,
    %iota3A_101 = tpu.iota {dimensions = array<i32: 0>} : vector<16xi32>
    %add3A_102 = arith.constant 192 : i32
    %add3A_103 = vector.broadcast %add3A_102 : i32 to vector<16xi32>
    %add3A_104 = arith.addi %iota3A_101, %add3A_103 : vector<16xi32>
    %swap3A_105 = arith.constant 1 : i32
    %swap3A_106 = arith.index_cast %swap3A_105 : i32 to index
    %swap3A_107 = arith.constant 64 : index
    %swap3A_108 = tpu.vector_load %arg10[%swap3A_106, %swap3A_107] {strides = array<i32>} : memref<5x128xi32, #tpu.memory_space<vmem>>, vector<16xi32>,
    tpu.vector_store %arg10[%swap3A_106, %swap3A_107], %add3A_104 {strides = array<i32>} : memref<5x128xi32, #tpu.memory_space<vmem>>, vector<16xi32>,
    %iota3A_109 = tpu.iota {dimensions = array<i32: 0>} : vector<16xi32>
    %add3A_110 = arith.constant 208 : i32
    %add3A_111 = vector.broadcast %add3A_110 : i32 to vector<16xi32>
    %add3A_112 = arith.addi %iota3A_109, %add3A_111 : vector<16xi32>
    %swap3A_113 = arith.constant 1 : i32
    %swap3A_114 = arith.index_cast %swap3A_113 : i32 to index
    %swap3A_115 = arith.constant 80 : index
    %swap3A_116 = tpu.vector_load %arg10[%swap3A_114, %swap3A_115] {strides = array<i32>} : memref<5x128xi32, #tpu.memory_space<vmem>>, vector<16xi32>,
    tpu.vector_store %arg10[%swap3A_114, %swap3A_115], %add3A_112 {strides = array<i32>} : memref<5x128xi32, #tpu.memory_space<vmem>>, vector<16xi32>,
    %iota3A_117 = tpu.iota {dimensions = array<i32: 0>} : vector<16xi32>
    %add3A_118 = arith.constant 224 : i32
    %add3A_119 = vector.broadcast %add3A_118 : i32 to vector<16xi32>
    %add3A_120 = arith.addi %iota3A_117, %add3A_119 : vector<16xi32>
    %swap3A_121 = arith.constant 1 : i32
    %swap3A_122 = arith.index_cast %swap3A_121 : i32 to index
    %swap3A_123 = arith.constant 96 : index
    %swap3A_124 = tpu.vector_load %arg10[%swap3A_122, %swap3A_123] {strides = array<i32>} : memref<5x128xi32, #tpu.memory_space<vmem>>, vector<16xi32>,
    tpu.vector_store %arg10[%swap3A_122, %swap3A_123], %add3A_120 {strides = array<i32>} : memref<5x128xi32, #tpu.memory_space<vmem>>, vector<16xi32>,
    %iota3A_125 = tpu.iota {dimensions = array<i32: 0>} : vector<16xi32>
    %add3A_126 = arith.constant 240 : i32
    %add3A_127 = vector.broadcast %add3A_126 : i32 to vector<16xi32>
    %add3A_128 = arith.addi %iota3A_125, %add3A_127 : vector<16xi32>
    %swap3A_129 = arith.constant 1 : i32
    %swap3A_130 = arith.index_cast %swap3A_129 : i32 to index
    %swap3A_131 = arith.constant 112 : index
    %swap3A_132 = tpu.vector_load %arg10[%swap3A_130, %swap3A_131] {strides = array<i32>} : memref<5x128xi32, #tpu.memory_space<vmem>>, vector<16xi32>,
    tpu.vector_store %arg10[%swap3A_130, %swap3A_131], %add3A_128 {strides = array<i32>} : memref<5x128xi32, #tpu.memory_space<vmem>>, vector<16xi32>,
    %iota3A_133 = tpu.iota {dimensions = array<i32: 0>} : vector<16xi32>
    %add3A_134 = arith.constant 256 : i32
    %add3A_135 = vector.broadcast %add3A_134 : i32 to vector<16xi32>
    %add3A_136 = arith.addi %iota3A_133, %add3A_135 : vector<16xi32>
    %swap3A_137 = arith.constant 2 : i32
    %swap3A_138 = arith.index_cast %swap3A_137 : i32 to index
    %swap3A_139 = arith.constant 0 : index
    %swap3A_140 = tpu.vector_load %arg10[%swap3A_138, %swap3A_139] {strides = array<i32>} : memref<5x128xi32, #tpu.memory_space<vmem>>, vector<16xi32>,
    tpu.vector_store %arg10[%swap3A_138, %swap3A_139], %add3A_136 {strides = array<i32>} : memref<5x128xi32, #tpu.memory_space<vmem>>, vector<16xi32>,
    %iota3A_141 = tpu.iota {dimensions = array<i32: 0>} : vector<16xi32>
    %add3A_142 = arith.constant 272 : i32
    %add3A_143 = vector.broadcast %add3A_142 : i32 to vector<16xi32>
    %add3A_144 = arith.addi %iota3A_141, %add3A_143 : vector<16xi32>
    %swap3A_145 = arith.constant 2 : i32
    %swap3A_146 = arith.index_cast %swap3A_145 : i32 to index
    %swap3A_147 = arith.constant 16 : index
    %swap3A_148 = tpu.vector_load %arg10[%swap3A_146, %swap3A_147] {strides = array<i32>} : memref<5x128xi32, #tpu.memory_space<vmem>>, vector<16xi32>,
    tpu.vector_store %arg10[%swap3A_146, %swap3A_147], %add3A_144 {strides = array<i32>} : memref<5x128xi32, #tpu.memory_space<vmem>>, vector<16xi32>,
    %iota3A_149 = tpu.iota {dimensions = array<i32: 0>} : vector<16xi32>
    %add3A_150 = arith.constant 288 : i32
    %add3A_151 = vector.broadcast %add3A_150 : i32 to vector<16xi32>
    %add3A_152 = arith.addi %iota3A_149, %add3A_151 : vector<16xi32>
    %swap3A_153 = arith.constant 2 : i32
    %swap3A_154 = arith.index_cast %swap3A_153 : i32 to index
    %swap3A_155 = arith.constant 32 : index
    %swap3A_156 = tpu.vector_load %arg10[%swap3A_154, %swap3A_155] {strides = array<i32>} : memref<5x128xi32, #tpu.memory_space<vmem>>, vector<16xi32>,
    tpu.vector_store %arg10[%swap3A_154, %swap3A_155], %add3A_152 {strides = array<i32>} : memref<5x128xi32, #tpu.memory_space<vmem>>, vector<16xi32>,
    %iota3A_157 = tpu.iota {dimensions = array<i32: 0>} : vector<16xi32>
    %add3A_158 = arith.constant 304 : i32
    %add3A_159 = vector.broadcast %add3A_158 : i32 to vector<16xi32>
    %add3A_160 = arith.addi %iota3A_157, %add3A_159 : vector<16xi32>
    %swap3A_161 = arith.constant 2 : i32
    %swap3A_162 = arith.index_cast %swap3A_161 : i32 to index
    %swap3A_163 = arith.constant 48 : index
    %swap3A_164 = tpu.vector_load %arg10[%swap3A_162, %swap3A_163] {strides = array<i32>} : memref<5x128xi32, #tpu.memory_space<vmem>>, vector<16xi32>,
    tpu.vector_store %arg10[%swap3A_162, %swap3A_163], %add3A_160 {strides = array<i32>} : memref<5x128xi32, #tpu.memory_space<vmem>>, vector<16xi32>,
    %iota3A_165 = tpu.iota {dimensions = array<i32: 0>} : vector<16xi32>
    %add3A_166 = arith.constant 320 : i32
    %add3A_167 = vector.broadcast %add3A_166 : i32 to vector<16xi32>
    %add3A_168 = arith.addi %iota3A_165, %add3A_167 : vector<16xi32>
    %swap3A_169 = arith.constant 2 : i32
    %swap3A_170 = arith.index_cast %swap3A_169 : i32 to index
    %swap3A_171 = arith.constant 64 : index
    %swap3A_172 = tpu.vector_load %arg10[%swap3A_170, %swap3A_171] {strides = array<i32>} : memref<5x128xi32, #tpu.memory_space<vmem>>, vector<16xi32>,
    tpu.vector_store %arg10[%swap3A_170, %swap3A_171], %add3A_168 {strides = array<i32>} : memref<5x128xi32, #tpu.memory_space<vmem>>, vector<16xi32>,
    %iota3A_173 = tpu.iota {dimensions = array<i32: 0>} : vector<16xi32>
    %add3A_174 = arith.constant 336 : i32
    %add3A_175 = vector.broadcast %add3A_174 : i32 to vector<16xi32>
    %add3A_176 = arith.addi %iota3A_173, %add3A_175 : vector<16xi32>
    %swap3A_177 = arith.constant 2 : i32
    %swap3A_178 = arith.index_cast %swap3A_177 : i32 to index
    %swap3A_179 = arith.constant 80 : index
    %swap3A_180 = tpu.vector_load %arg10[%swap3A_178, %swap3A_179] {strides = array<i32>} : memref<5x128xi32, #tpu.memory_space<vmem>>, vector<16xi32>,
    tpu.vector_store %arg10[%swap3A_178, %swap3A_179], %add3A_176 {strides = array<i32>} : memref<5x128xi32, #tpu.memory_space<vmem>>, vector<16xi32>,
    %iota3A_181 = tpu.iota {dimensions = array<i32: 0>} : vector<16xi32>
    %add3A_182 = arith.constant 352 : i32
    %add3A_183 = vector.broadcast %add3A_182 : i32 to vector<16xi32>
    %add3A_184 = arith.addi %iota3A_181, %add3A_183 : vector<16xi32>
    %swap3A_185 = arith.constant 2 : i32
    %swap3A_186 = arith.index_cast %swap3A_185 : i32 to index
    %swap3A_187 = arith.constant 96 : index
    %swap3A_188 = tpu.vector_load %arg10[%swap3A_186, %swap3A_187] {strides = array<i32>} : memref<5x128xi32, #tpu.memory_space<vmem>>, vector<16xi32>,
    tpu.vector_store %arg10[%swap3A_186, %swap3A_187], %add3A_184 {strides = array<i32>} : memref<5x128xi32, #tpu.memory_space<vmem>>, vector<16xi32>,
    %iota3A_189 = tpu.iota {dimensions = array<i32: 0>} : vector<16xi32>
    %add3A_190 = arith.constant 368 : i32
    %add3A_191 = vector.broadcast %add3A_190 : i32 to vector<16xi32>
    %add3A_192 = arith.addi %iota3A_189, %add3A_191 : vector<16xi32>
    %swap3A_193 = arith.constant 2 : i32
    %swap3A_194 = arith.index_cast %swap3A_193 : i32 to index
    %swap3A_195 = arith.constant 112 : index
    %swap3A_196 = tpu.vector_load %arg10[%swap3A_194, %swap3A_195] {strides = array<i32>} : memref<5x128xi32, #tpu.memory_space<vmem>>, vector<16xi32>,
    tpu.vector_store %arg10[%swap3A_194, %swap3A_195], %add3A_192 {strides = array<i32>} : memref<5x128xi32, #tpu.memory_space<vmem>>, vector<16xi32>,
    %iota3A_197 = tpu.iota {dimensions = array<i32: 0>} : vector<16xi32>
    %add3A_198 = arith.constant 384 : i32
    %add3A_199 = vector.broadcast %add3A_198 : i32 to vector<16xi32>
    %add3A_200 = arith.addi %iota3A_197, %add3A_199 : vector<16xi32>
    %swap3A_201 = arith.constant 3 : i32
    %swap3A_202 = arith.index_cast %swap3A_201 : i32 to index
    %swap3A_203 = arith.constant 0 : index
    %swap3A_204 = tpu.vector_load %arg10[%swap3A_202, %swap3A_203] {strides = array<i32>} : memref<5x128xi32, #tpu.memory_space<vmem>>, vector<16xi32>,
    tpu.vector_store %arg10[%swap3A_202, %swap3A_203], %add3A_200 {strides = array<i32>} : memref<5x128xi32, #tpu.memory_space<vmem>>, vector<16xi32>,
    %iota3A_205 = tpu.iota {dimensions = array<i32: 0>} : vector<16xi32>
    %add3A_206 = arith.constant 400 : i32
    %add3A_207 = vector.broadcast %add3A_206 : i32 to vector<16xi32>
    %add3A_208 = arith.addi %iota3A_205, %add3A_207 : vector<16xi32>
    %swap3A_209 = arith.constant 3 : i32
    %swap3A_210 = arith.index_cast %swap3A_209 : i32 to index
    %swap3A_211 = arith.constant 16 : index
    %swap3A_212 = tpu.vector_load %arg10[%swap3A_210, %swap3A_211] {strides = array<i32>} : memref<5x128xi32, #tpu.memory_space<vmem>>, vector<16xi32>,
    tpu.vector_store %arg10[%swap3A_210, %swap3A_211], %add3A_208 {strides = array<i32>} : memref<5x128xi32, #tpu.memory_space<vmem>>, vector<16xi32>,
    %iota3A_213 = tpu.iota {dimensions = array<i32: 0>} : vector<16xi32>
    %add3A_214 = arith.constant 416 : i32
    %add3A_215 = vector.broadcast %add3A_214 : i32 to vector<16xi32>
    %add3A_216 = arith.addi %iota3A_213, %add3A_215 : vector<16xi32>
    %swap3A_217 = arith.constant 3 : i32
    %swap3A_218 = arith.index_cast %swap3A_217 : i32 to index
    %swap3A_219 = arith.constant 32 : index
    %swap3A_220 = tpu.vector_load %arg10[%swap3A_218, %swap3A_219] {strides = array<i32>} : memref<5x128xi32, #tpu.memory_space<vmem>>, vector<16xi32>,
    tpu.vector_store %arg10[%swap3A_218, %swap3A_219], %add3A_216 {strides = array<i32>} : memref<5x128xi32, #tpu.memory_space<vmem>>, vector<16xi32>,
    %iota3A_221 = tpu.iota {dimensions = array<i32: 0>} : vector<16xi32>
    %add3A_222 = arith.constant 432 : i32
    %add3A_223 = vector.broadcast %add3A_222 : i32 to vector<16xi32>
    %add3A_224 = arith.addi %iota3A_221, %add3A_223 : vector<16xi32>
    %swap3A_225 = arith.constant 3 : i32
    %swap3A_226 = arith.index_cast %swap3A_225 : i32 to index
    %swap3A_227 = arith.constant 48 : index
    %swap3A_228 = tpu.vector_load %arg10[%swap3A_226, %swap3A_227] {strides = array<i32>} : memref<5x128xi32, #tpu.memory_space<vmem>>, vector<16xi32>,
    tpu.vector_store %arg10[%swap3A_226, %swap3A_227], %add3A_224 {strides = array<i32>} : memref<5x128xi32, #tpu.memory_space<vmem>>, vector<16xi32>,
    %iota3A_229 = tpu.iota {dimensions = array<i32: 0>} : vector<16xi32>
    %add3A_230 = arith.constant 448 : i32
    %add3A_231 = vector.broadcast %add3A_230 : i32 to vector<16xi32>
    %add3A_232 = arith.addi %iota3A_229, %add3A_231 : vector<16xi32>
    %swap3A_233 = arith.constant 3 : i32
    %swap3A_234 = arith.index_cast %swap3A_233 : i32 to index
    %swap3A_235 = arith.constant 64 : index
    %swap3A_236 = tpu.vector_load %arg10[%swap3A_234, %swap3A_235] {strides = array<i32>} : memref<5x128xi32, #tpu.memory_space<vmem>>, vector<16xi32>,
    tpu.vector_store %arg10[%swap3A_234, %swap3A_235], %add3A_232 {strides = array<i32>} : memref<5x128xi32, #tpu.memory_space<vmem>>, vector<16xi32>,
    %iota3A_237 = tpu.iota {dimensions = array<i32: 0>} : vector<16xi32>
    %add3A_238 = arith.constant 464 : i32
    %add3A_239 = vector.broadcast %add3A_238 : i32 to vector<16xi32>
    %add3A_240 = arith.addi %iota3A_237, %add3A_239 : vector<16xi32>
    %swap3A_241 = arith.constant 3 : i32
    %swap3A_242 = arith.index_cast %swap3A_241 : i32 to index
    %swap3A_243 = arith.constant 80 : index
    %swap3A_244 = tpu.vector_load %arg10[%swap3A_242, %swap3A_243] {strides = array<i32>} : memref<5x128xi32, #tpu.memory_space<vmem>>, vector<16xi32>,
    tpu.vector_store %arg10[%swap3A_242, %swap3A_243], %add3A_240 {strides = array<i32>} : memref<5x128xi32, #tpu.memory_space<vmem>>, vector<16xi32>,
    %iota3A_245 = tpu.iota {dimensions = array<i32: 0>} : vector<16xi32>
    %add3A_246 = arith.constant 480 : i32
    %add3A_247 = vector.broadcast %add3A_246 : i32 to vector<16xi32>
    %add3A_248 = arith.addi %iota3A_245, %add3A_247 : vector<16xi32>
    %swap3A_249 = arith.constant 3 : i32
    %swap3A_250 = arith.index_cast %swap3A_249 : i32 to index
    %swap3A_251 = arith.constant 96 : index
    %swap3A_252 = tpu.vector_load %arg10[%swap3A_250, %swap3A_251] {strides = array<i32>} : memref<5x128xi32, #tpu.memory_space<vmem>>, vector<16xi32>,
    tpu.vector_store %arg10[%swap3A_250, %swap3A_251], %add3A_248 {strides = array<i32>} : memref<5x128xi32, #tpu.memory_space<vmem>>, vector<16xi32>,
    %iota3A_253 = tpu.iota {dimensions = array<i32: 0>} : vector<16xi32>
    %add3A_254 = arith.constant 496 : i32
    %add3A_255 = vector.broadcast %add3A_254 : i32 to vector<16xi32>
    %add3A_256 = arith.addi %iota3A_253, %add3A_255 : vector<16xi32>
    %swap3A_257 = arith.constant 3 : i32
    %swap3A_258 = arith.index_cast %swap3A_257 : i32 to index
    %swap3A_259 = arith.constant 112 : index
    %swap3A_260 = tpu.vector_load %arg10[%swap3A_258, %swap3A_259] {strides = array<i32>} : memref<5x128xi32, #tpu.memory_space<vmem>>, vector<16xi32>,
    tpu.vector_store %arg10[%swap3A_258, %swap3A_259], %add3A_256 {strides = array<i32>} : memref<5x128xi32, #tpu.memory_space<vmem>>, vector<16xi32>,
    %iota3A_261 = tpu.iota {dimensions = array<i32: 0>} : vector<16xi32>
    %add3A_262 = arith.constant 512 : i32
    %add3A_263 = vector.broadcast %add3A_262 : i32 to vector<16xi32>
    %add3A_264 = arith.addi %iota3A_261, %add3A_263 : vector<16xi32>
    %swap3A_265 = arith.constant 4 : i32
    %swap3A_266 = arith.index_cast %swap3A_265 : i32 to index
    %swap3A_267 = arith.constant 0 : index
    %swap3A_268 = tpu.vector_load %arg10[%swap3A_266, %swap3A_267] {strides = array<i32>} : memref<5x128xi32, #tpu.memory_space<vmem>>, vector<16xi32>,
    tpu.vector_store %arg10[%swap3A_266, %swap3A_267], %add3A_264 {strides = array<i32>} : memref<5x128xi32, #tpu.memory_space<vmem>>, vector<16xi32>,
    %iota3A_269 = tpu.iota {dimensions = array<i32: 0>} : vector<16xi32>
    %add3A_270 = arith.constant 528 : i32
    %add3A_271 = vector.broadcast %add3A_270 : i32 to vector<16xi32>
    %add3A_272 = arith.addi %iota3A_269, %add3A_271 : vector<16xi32>
    %swap3A_273 = arith.constant 4 : i32
    %swap3A_274 = arith.index_cast %swap3A_273 : i32 to index
    %swap3A_275 = arith.constant 16 : index
    %swap3A_276 = tpu.vector_load %arg10[%swap3A_274, %swap3A_275] {strides = array<i32>} : memref<5x128xi32, #tpu.memory_space<vmem>>, vector<16xi32>,
    tpu.vector_store %arg10[%swap3A_274, %swap3A_275], %add3A_272 {strides = array<i32>} : memref<5x128xi32, #tpu.memory_space<vmem>>, vector<16xi32>,
    %iota3A_277 = tpu.iota {dimensions = array<i32: 0>} : vector<16xi32>
    %add3A_278 = arith.constant 544 : i32
    %add3A_279 = vector.broadcast %add3A_278 : i32 to vector<16xi32>
    %add3A_280 = arith.addi %iota3A_277, %add3A_279 : vector<16xi32>
    %swap3A_281 = arith.constant 4 : i32
    %swap3A_282 = arith.index_cast %swap3A_281 : i32 to index
    %swap3A_283 = arith.constant 32 : index
    %swap3A_284 = tpu.vector_load %arg10[%swap3A_282, %swap3A_283] {strides = array<i32>} : memref<5x128xi32, #tpu.memory_space<vmem>>, vector<16xi32>,
    tpu.vector_store %arg10[%swap3A_282, %swap3A_283], %add3A_280 {strides = array<i32>} : memref<5x128xi32, #tpu.memory_space<vmem>>, vector<16xi32>,
    %iota3A_285 = tpu.iota {dimensions = array<i32: 0>} : vector<16xi32>
    %add3A_286 = arith.constant 560 : i32
    %add3A_287 = vector.broadcast %add3A_286 : i32 to vector<16xi32>
    %add3A_288 = arith.addi %iota3A_285, %add3A_287 : vector<16xi32>
    %swap3A_289 = arith.constant 4 : i32
    %swap3A_290 = arith.index_cast %swap3A_289 : i32 to index
    %swap3A_291 = arith.constant 48 : index
    %swap3A_292 = tpu.vector_load %arg10[%swap3A_290, %swap3A_291] {strides = array<i32>} : memref<5x128xi32, #tpu.memory_space<vmem>>, vector<16xi32>,
    tpu.vector_store %arg10[%swap3A_290, %swap3A_291], %add3A_288 {strides = array<i32>} : memref<5x128xi32, #tpu.memory_space<vmem>>, vector<16xi32>,
    %iota3A_293 = tpu.iota {dimensions = array<i32: 0>} : vector<16xi32>
    %add3A_294 = arith.constant 576 : i32
    %add3A_295 = vector.broadcast %add3A_294 : i32 to vector<16xi32>
    %add3A_296 = arith.addi %iota3A_293, %add3A_295 : vector<16xi32>
    %swap3A_297 = arith.constant 4 : i32
    %swap3A_298 = arith.index_cast %swap3A_297 : i32 to index
    %swap3A_299 = arith.constant 64 : index
    %swap3A_300 = tpu.vector_load %arg10[%swap3A_298, %swap3A_299] {strides = array<i32>} : memref<5x128xi32, #tpu.memory_space<vmem>>, vector<16xi32>,
    tpu.vector_store %arg10[%swap3A_298, %swap3A_299], %add3A_296 {strides = array<i32>} : memref<5x128xi32, #tpu.memory_space<vmem>>, vector<16xi32>,
    %iota3A_301 = tpu.iota {dimensions = array<i32: 0>} : vector<16xi32>
    %add3A_302 = arith.constant 592 : i32
    %add3A_303 = vector.broadcast %add3A_302 : i32 to vector<16xi32>
    %add3A_304 = arith.addi %iota3A_301, %add3A_303 : vector<16xi32>
    %swap3A_305 = arith.constant 4 : i32
    %swap3A_306 = arith.index_cast %swap3A_305 : i32 to index
    %swap3A_307 = arith.constant 80 : index
    %swap3A_308 = tpu.vector_load %arg10[%swap3A_306, %swap3A_307] {strides = array<i32>} : memref<5x128xi32, #tpu.memory_space<vmem>>, vector<16xi32>,
    tpu.vector_store %arg10[%swap3A_306, %swap3A_307], %add3A_304 {strides = array<i32>} : memref<5x128xi32, #tpu.memory_space<vmem>>, vector<16xi32>,
    %iota3A_309 = tpu.iota {dimensions = array<i32: 0>} : vector<16xi32>
    %add3A_310 = arith.constant 608 : i32
    %add3A_311 = vector.broadcast %add3A_310 : i32 to vector<16xi32>
    %add3A_312 = arith.addi %iota3A_309, %add3A_311 : vector<16xi32>
    %swap3A_313 = arith.constant 4 : i32
    %swap3A_314 = arith.index_cast %swap3A_313 : i32 to index
    %swap3A_315 = arith.constant 96 : index
    %swap3A_316 = tpu.vector_load %arg10[%swap3A_314, %swap3A_315] {strides = array<i32>} : memref<5x128xi32, #tpu.memory_space<vmem>>, vector<16xi32>,
    tpu.vector_store %arg10[%swap3A_314, %swap3A_315], %add3A_312 {strides = array<i32>} : memref<5x128xi32, #tpu.memory_space<vmem>>, vector<16xi32>,
    %iota3A_317 = tpu.iota {dimensions = array<i32: 0>} : vector<16xi32>
    %add3A_318 = arith.constant 624 : i32
    %add3A_319 = vector.broadcast %add3A_318 : i32 to vector<16xi32>
    %add3A_320 = arith.addi %iota3A_317, %add3A_319 : vector<16xi32>
    %swap3A_321 = arith.constant 4 : i32
    %swap3A_322 = arith.index_cast %swap3A_321 : i32 to index
    %swap3A_323 = arith.constant 112 : index
    %swap3A_324 = tpu.vector_load %arg10[%swap3A_322, %swap3A_323] {strides = array<i32>} : memref<5x128xi32, #tpu.memory_space<vmem>>, vector<16xi32>,
    tpu.vector_store %arg10[%swap3A_322, %swap3A_323], %add3A_320 {strides = array<i32>} : memref<5x128xi32, #tpu.memory_space<vmem>>, vector<16xi32>,
    %eq3A = arith.constant 0 : i32
    %eq3A_325 = arith.cmpi eq, %arg1, %eq3A : i32
    %convert_element_type3A = arith.extui %eq3A_325 : i1 to i32
    %cond3A = arith.constant 0 : i32
    %cond3A_326 = arith.cmpi ne, %convert_element_type3A, %cond3A : i32
    scf.if %cond3A_326 {
      "tpu.region"() ({
        %run_scoped3A_366 = tpu.sem_alloc : memref<!tpu.dma_semaphore, #tpu.memory_space<semaphore_mem>>
        tpu.enqueue_dma source(%arg9 : memref<640x16xf32, #tpu.memory_space<vmem>>) target(%arg15 : memref<640x16xf32, #tpu.memory_space<vmem_shared>>) target_semaphore(%run_scoped3A_366 : memref<!tpu.dma_semaphore, #tpu.memory_space<semaphore_mem>>)
        tpu.wait_dma2 semaphore(%run_scoped3A_366 : memref<!tpu.dma_semaphore, #tpu.memory_space<semaphore_mem>>) src(%arg9 : memref<640x16xf32, #tpu.memory_space<vmem>>) dst(%arg15 : memref<640x16xf32, #tpu.memory_space<vmem_shared>>)
        tpu.yield
      }) : () -> ()
    } else {
    }
    %barrier3A = arith.constant 0 : index
    tpu.barrier barrier_id(%barrier3A)
    %mul3A_327 = arith.constant 20224 : i32
    %mul3A_328 = arith.muli %arg1, %mul3A_327 : i32
    "tpu.region"() ({
      %run_scoped3A_366 = tpu.sem_alloc : memref<!tpu.dma_semaphore, #tpu.memory_space<semaphore_mem>>
      %dma_start3A = tpu.memref_slice %arg3[%mul3A_328] : memref<323584xi32, #tpu.memory_space<hbm>> -> memref<20224xi32, #tpu.memory_space<hbm>>
      %dma_start3A_367 = tpu.memref_slice %arg3[%mul3A_328] : memref<323584xi32, #tpu.memory_space<hbm>> -> memref<20224xi32, #tpu.memory_space<hbm>>
      tpu.enqueue_dma source(%dma_start3A_367 : memref<20224xi32, #tpu.memory_space<hbm>>) target(%arg6 : memref<20224xi32, #tpu.memory_space<vmem>>) target_semaphore(%run_scoped3A_366 : memref<!tpu.dma_semaphore, #tpu.memory_space<semaphore_mem>>)
      %dma_wait3A = tpu.memref_slice %arg3[%mul3A_328] : memref<323584xi32, #tpu.memory_space<hbm>> -> memref<20224xi32, #tpu.memory_space<hbm>>
      %dma_wait3A_368 = tpu.memref_slice %arg3[%mul3A_328] : memref<323584xi32, #tpu.memory_space<hbm>> -> memref<20224xi32, #tpu.memory_space<hbm>>
      tpu.wait_dma2 semaphore(%run_scoped3A_366 : memref<!tpu.dma_semaphore, #tpu.memory_space<semaphore_mem>>) src(%dma_wait3A_368 : memref<20224xi32, #tpu.memory_space<hbm>>) dst(%arg6 : memref<20224xi32, #tpu.memory_space<vmem>>)
      tpu.yield
    }) : () -> ()
    %mul3A_329 = arith.constant 20224 : i32
    %mul3A_330 = arith.muli %arg1, %mul3A_329 : i32
    "tpu.region"() ({
      %run_scoped3A_366 = tpu.sem_alloc : memref<!tpu.dma_semaphore, #tpu.memory_space<semaphore_mem>>
      %dma_start3A = tpu.memref_slice %arg4[%mul3A_330] : memref<323584xf32, #tpu.memory_space<hbm>> -> memref<20224xf32, #tpu.memory_space<hbm>>
      %dma_start3A_367 = tpu.memref_slice %arg4[%mul3A_330] : memref<323584xf32, #tpu.memory_space<hbm>> -> memref<20224xf32, #tpu.memory_space<hbm>>
      tpu.enqueue_dma source(%dma_start3A_367 : memref<20224xf32, #tpu.memory_space<hbm>>) target(%arg7 : memref<20224xf32, #tpu.memory_space<vmem>>) target_semaphore(%run_scoped3A_366 : memref<!tpu.dma_semaphore, #tpu.memory_space<semaphore_mem>>)
      %dma_wait3A = tpu.memref_slice %arg4[%mul3A_330] : memref<323584xf32, #tpu.memory_space<hbm>> -> memref<20224xf32, #tpu.memory_space<hbm>>
      %dma_wait3A_368 = tpu.memref_slice %arg4[%mul3A_330] : memref<323584xf32, #tpu.memory_space<hbm>> -> memref<20224xf32, #tpu.memory_space<hbm>>
      tpu.wait_dma2 semaphore(%run_scoped3A_366 : memref<!tpu.dma_semaphore, #tpu.memory_space<semaphore_mem>>) src(%dma_wait3A_368 : memref<20224xf32, #tpu.memory_space<hbm>>) dst(%arg7 : memref<20224xf32, #tpu.memory_space<vmem>>)
      tpu.yield
    }) : () -> ()
    %scan3A_331 = arith.constant 0 : i32
    %scan3A_332 = arith.constant 0 : i32
    %scan3A_333 = arith.constant 1264 : i32
    %scan3A_334 = arith.addi %scan3A_332, %scan3A_333 : i32
    %scan3A_335 = arith.constant 1 : i32
    %scan3A_336 = scf.for %scan3A_366 = %scan3A_332 to %scan3A_334 step %scan3A_335 iter_args(%scan3A_367 = %scan3A_331) -> (i32)  : i32 {
      %mul3A_368 = arith.constant 16 : i32
      %mul3A_369 = arith.muli %scan3A_366, %mul3A_368 : i32
      %get3A = arith.index_cast %mul3A_369 : i32 to index
      %get3A_370 = tpu.vector_load %arg6[%get3A] {strides = array<i32>} : memref<20224xi32, #tpu.memory_space<vmem>>, vector<16xi32>,
      %mul3A_371 = arith.constant 16 : i32
      %mul3A_372 = arith.muli %scan3A_366, %mul3A_371 : i32
      %get3A_373 = arith.index_cast %mul3A_372 : i32 to index
      %get3A_374 = tpu.vector_load %arg7[%get3A_373] {strides = array<i32>} : memref<20224xf32, #tpu.memory_space<vmem>>, vector<16xf32>,
      tpu.vector_store_idx %arg8[%get3A_370], %get3A_374 {add = true} : memref<10240xf32, #tpu.memory_space<vmem>>[vector<16xi32>], vector<16xf32>,
      %scan3A_375 = arith.constant 0 : i32
      scf.yield %scan3A_375 : i32
    }
    %scan3A_337 = arith.constant 1264 : i32
    %scan3A_338 = arith.constant 0 : i32
    %scan3A_339 = arith.constant 0 : i32
    %scan3A_340 = arith.constant 640 : i32
    %scan3A_341 = arith.addi %scan3A_339, %scan3A_340 : i32
    %scan3A_342 = arith.constant 1 : i32
    %scan3A_343 = scf.for %scan3A_366 = %scan3A_339 to %scan3A_341 step %scan3A_342 iter_args(%scan3A_367 = %scan3A_338) -> (i32)  : i32 {
      %mul3A_368 = arith.constant 16 : i32
      %mul3A_369 = arith.muli %scan3A_366, %mul3A_368 : i32
      %get3A = arith.index_cast %mul3A_369 : i32 to index
      %get3A_370 = tpu.vector_load %arg8[%get3A] {strides = array<i32>} : memref<10240xf32, #tpu.memory_space<vmem>>, vector<16xf32>,
      %swap3A_371 = arith.index_cast %scan3A_366 : i32 to index
      %swap3A_372 = arith.constant 0 : index
      %swap3A_373 = tpu.vector_load %arg9[%swap3A_371, %swap3A_372] {strides = array<i32>} : memref<640x16xf32, #tpu.memory_space<vmem>>, vector<16xf32>,
      tpu.vector_store %arg9[%swap3A_371, %swap3A_372], %get3A_370 {strides = array<i32>} : memref<640x16xf32, #tpu.memory_space<vmem>>, vector<16xf32>,
      %scan3A_374 = arith.constant 0 : i32
      scf.yield %scan3A_374 : i32
    }
    %scan3A_344 = arith.constant 640 : i32
    %run_scoped3A = arith.constant 0 : i32
    "tpu.region"() ({
      %run_scoped3A_366 = tpu.sem_alloc : memref<!tpu.dma_semaphore, #tpu.memory_space<semaphore_mem>>
      %dma_start3A = arith.constant 0 : i32
      %dma_start3A_367 = arith.constant 0 : i32
      %dma_start3A_368 = tpu.memref_slice %arg9[%dma_start3A, %dma_start3A_367] : memref<640x16xf32, #tpu.memory_space<vmem>> -> memref<128x16xf32, #tpu.memory_space<vmem>>
      %dma_start3A_369 = arith.constant 0 : i32
      %dma_start3A_370 = tpu.memref_slice %arg10[%run_scoped3A, %dma_start3A_369] : memref<5x128xi32, #tpu.memory_space<vmem>> -> memref<1x128xi32, #tpu.memory_space<vmem>>
      %dma_start3A_371 = tpu.memref_squeeze %dma_start3A_370 : memref<1x128xi32, #tpu.memory_space<vmem>> -> memref<128xi32, #tpu.memory_space<vmem>>
      %dma_start3A_372 = arith.constant 0 : i32
      %dma_start3A_373 = arith.constant 0 : i32
      %dma_start3A_374 = tpu.memref_slice %arg15[%dma_start3A_372, %dma_start3A_373] : memref<640x16xf32, #tpu.memory_space<vmem_shared>> -> memref<640x16xf32, #tpu.memory_space<vmem_shared>>
      tpu.enqueue_indirect_dma source(%dma_start3A_368 : memref<128x16xf32, #tpu.memory_space<vmem>>) target(%dma_start3A_374 : memref<640x16xf32, #tpu.memory_space<vmem_shared>>) offsets(%dma_start3A_371 : memref<128xi32, #tpu.memory_space<vmem>>) semaphore(%run_scoped3A_366 : memref<!tpu.dma_semaphore, #tpu.memory_space<semaphore_mem>>) {add = true}
      %dma_wait3A = arith.constant 0 : i32
      %dma_wait3A_375 = arith.constant 0 : i32
      %dma_wait3A_376 = tpu.memref_slice %arg9[%dma_wait3A, %dma_wait3A_375] : memref<640x16xf32, #tpu.memory_space<vmem>> -> memref<128x16xf32, #tpu.memory_space<vmem>>
      %dma_wait3A_377 = arith.constant 0 : i32
      %dma_wait3A_378 = tpu.memref_slice %arg10[%run_scoped3A, %dma_wait3A_377] : memref<5x128xi32, #tpu.memory_space<vmem>> -> memref<1x128xi32, #tpu.memory_space<vmem>>
      %dma_wait3A_379 = tpu.memref_squeeze %dma_wait3A_378 : memref<1x128xi32, #tpu.memory_space<vmem>> -> memref<128xi32, #tpu.memory_space<vmem>>
      %dma_wait3A_380 = arith.constant 0 : i32
      %dma_wait3A_381 = arith.constant 0 : i32
      %dma_wait3A_382 = tpu.memref_slice %arg15[%dma_wait3A_380, %dma_wait3A_381] : memref<640x16xf32, #tpu.memory_space<vmem_shared>> -> memref<640x16xf32, #tpu.memory_space<vmem_shared>>
      tpu.wait_indirect_dma semaphore(%run_scoped3A_366 : memref<!tpu.dma_semaphore, #tpu.memory_space<semaphore_mem>>) src(%dma_wait3A_376 : memref<128x16xf32, #tpu.memory_space<vmem>>) dst(%dma_wait3A_382 : memref<640x16xf32, #tpu.memory_space<vmem_shared>>)
      tpu.yield
    }) : () -> ()
    %run_scoped3A_345 = arith.constant 1 : i32
    "tpu.region"() ({
      %run_scoped3A_366 = tpu.sem_alloc : memref<!tpu.dma_semaphore, #tpu.memory_space<semaphore_mem>>
      %dma_start3A = arith.constant 128 : i32
      %dma_start3A_367 = arith.constant 0 : i32
      %dma_start3A_368 = tpu.memref_slice %arg9[%dma_start3A, %dma_start3A_367] : memref<640x16xf32, #tpu.memory_space<vmem>> -> memref<128x16xf32, #tpu.memory_space<vmem>>
      %dma_start3A_369 = arith.constant 0 : i32
      %dma_start3A_370 = tpu.memref_slice %arg10[%run_scoped3A_345, %dma_start3A_369] : memref<5x128xi32, #tpu.memory_space<vmem>> -> memref<1x128xi32, #tpu.memory_space<vmem>>
      %dma_start3A_371 = tpu.memref_squeeze %dma_start3A_370 : memref<1x128xi32, #tpu.memory_space<vmem>> -> memref<128xi32, #tpu.memory_space<vmem>>
      %dma_start3A_372 = arith.constant 0 : i32
      %dma_start3A_373 = arith.constant 0 : i32
      %dma_start3A_374 = tpu.memref_slice %arg15[%dma_start3A_372, %dma_start3A_373] : memref<640x16xf32, #tpu.memory_space<vmem_shared>> -> memref<640x16xf32, #tpu.memory_space<vmem_shared>>
      tpu.enqueue_indirect_dma source(%dma_start3A_368 : memref<128x16xf32, #tpu.memory_space<vmem>>) target(%dma_start3A_374 : memref<640x16xf32, #tpu.memory_space<vmem_shared>>) offsets(%dma_start3A_371 : memref<128xi32, #tpu.memory_space<vmem>>) semaphore(%run_scoped3A_366 : memref<!tpu.dma_semaphore, #tpu.memory_space<semaphore_mem>>) {add = true}
      %dma_wait3A = arith.constant 128 : i32
      %dma_wait3A_375 = arith.constant 0 : i32
      %dma_wait3A_376 = tpu.memref_slice %arg9[%dma_wait3A, %dma_wait3A_375] : memref<640x16xf32, #tpu.memory_space<vmem>> -> memref<128x16xf32, #tpu.memory_space<vmem>>
      %dma_wait3A_377 = arith.constant 0 : i32
      %dma_wait3A_378 = tpu.memref_slice %arg10[%run_scoped3A_345, %dma_wait3A_377] : memref<5x128xi32, #tpu.memory_space<vmem>> -> memref<1x128xi32, #tpu.memory_space<vmem>>
      %dma_wait3A_379 = tpu.memref_squeeze %dma_wait3A_378 : memref<1x128xi32, #tpu.memory_space<vmem>> -> memref<128xi32, #tpu.memory_space<vmem>>
      %dma_wait3A_380 = arith.constant 0 : i32
      %dma_wait3A_381 = arith.constant 0 : i32
      %dma_wait3A_382 = tpu.memref_slice %arg15[%dma_wait3A_380, %dma_wait3A_381] : memref<640x16xf32, #tpu.memory_space<vmem_shared>> -> memref<640x16xf32, #tpu.memory_space<vmem_shared>>
      tpu.wait_indirect_dma semaphore(%run_scoped3A_366 : memref<!tpu.dma_semaphore, #tpu.memory_space<semaphore_mem>>) src(%dma_wait3A_376 : memref<128x16xf32, #tpu.memory_space<vmem>>) dst(%dma_wait3A_382 : memref<640x16xf32, #tpu.memory_space<vmem_shared>>)
      tpu.yield
    }) : () -> ()
    %run_scoped3A_346 = arith.constant 2 : i32
    "tpu.region"() ({
      %run_scoped3A_366 = tpu.sem_alloc : memref<!tpu.dma_semaphore, #tpu.memory_space<semaphore_mem>>
      %dma_start3A = arith.constant 256 : i32
      %dma_start3A_367 = arith.constant 0 : i32
      %dma_start3A_368 = tpu.memref_slice %arg9[%dma_start3A, %dma_start3A_367] : memref<640x16xf32, #tpu.memory_space<vmem>> -> memref<128x16xf32, #tpu.memory_space<vmem>>
      %dma_start3A_369 = arith.constant 0 : i32
      %dma_start3A_370 = tpu.memref_slice %arg10[%run_scoped3A_346, %dma_start3A_369] : memref<5x128xi32, #tpu.memory_space<vmem>> -> memref<1x128xi32, #tpu.memory_space<vmem>>
      %dma_start3A_371 = tpu.memref_squeeze %dma_start3A_370 : memref<1x128xi32, #tpu.memory_space<vmem>> -> memref<128xi32, #tpu.memory_space<vmem>>
      %dma_start3A_372 = arith.constant 0 : i32
      %dma_start3A_373 = arith.constant 0 : i32
      %dma_start3A_374 = tpu.memref_slice %arg15[%dma_start3A_372, %dma_start3A_373] : memref<640x16xf32, #tpu.memory_space<vmem_shared>> -> memref<640x16xf32, #tpu.memory_space<vmem_shared>>
      tpu.enqueue_indirect_dma source(%dma_start3A_368 : memref<128x16xf32, #tpu.memory_space<vmem>>) target(%dma_start3A_374 : memref<640x16xf32, #tpu.memory_space<vmem_shared>>) offsets(%dma_start3A_371 : memref<128xi32, #tpu.memory_space<vmem>>) semaphore(%run_scoped3A_366 : memref<!tpu.dma_semaphore, #tpu.memory_space<semaphore_mem>>) {add = true}
      %dma_wait3A = arith.constant 256 : i32
      %dma_wait3A_375 = arith.constant 0 : i32
      %dma_wait3A_376 = tpu.memref_slice %arg9[%dma_wait3A, %dma_wait3A_375] : memref<640x16xf32, #tpu.memory_space<vmem>> -> memref<128x16xf32, #tpu.memory_space<vmem>>
      %dma_wait3A_377 = arith.constant 0 : i32
      %dma_wait3A_378 = tpu.memref_slice %arg10[%run_scoped3A_346, %dma_wait3A_377] : memref<5x128xi32, #tpu.memory_space<vmem>> -> memref<1x128xi32, #tpu.memory_space<vmem>>
      %dma_wait3A_379 = tpu.memref_squeeze %dma_wait3A_378 : memref<1x128xi32, #tpu.memory_space<vmem>> -> memref<128xi32, #tpu.memory_space<vmem>>
      %dma_wait3A_380 = arith.constant 0 : i32
      %dma_wait3A_381 = arith.constant 0 : i32
      %dma_wait3A_382 = tpu.memref_slice %arg15[%dma_wait3A_380, %dma_wait3A_381] : memref<640x16xf32, #tpu.memory_space<vmem_shared>> -> memref<640x16xf32, #tpu.memory_space<vmem_shared>>
      tpu.wait_indirect_dma semaphore(%run_scoped3A_366 : memref<!tpu.dma_semaphore, #tpu.memory_space<semaphore_mem>>) src(%dma_wait3A_376 : memref<128x16xf32, #tpu.memory_space<vmem>>) dst(%dma_wait3A_382 : memref<640x16xf32, #tpu.memory_space<vmem_shared>>)
      tpu.yield
    }) : () -> ()
    %run_scoped3A_347 = arith.constant 3 : i32
    "tpu.region"() ({
      %run_scoped3A_366 = tpu.sem_alloc : memref<!tpu.dma_semaphore, #tpu.memory_space<semaphore_mem>>
      %dma_start3A = arith.constant 384 : i32
      %dma_start3A_367 = arith.constant 0 : i32
      %dma_start3A_368 = tpu.memref_slice %arg9[%dma_start3A, %dma_start3A_367] : memref<640x16xf32, #tpu.memory_space<vmem>> -> memref<128x16xf32, #tpu.memory_space<vmem>>
      %dma_start3A_369 = arith.constant 0 : i32
      %dma_start3A_370 = tpu.memref_slice %arg10[%run_scoped3A_347, %dma_start3A_369] : memref<5x128xi32, #tpu.memory_space<vmem>> -> memref<1x128xi32, #tpu.memory_space<vmem>>
      %dma_start3A_371 = tpu.memref_squeeze %dma_start3A_370 : memref<1x128xi32, #tpu.memory_space<vmem>> -> memref<128xi32, #tpu.memory_space<vmem>>
      %dma_start3A_372 = arith.constant 0 : i32
      %dma_start3A_373 = arith.constant 0 : i32
      %dma_start3A_374 = tpu.memref_slice %arg15[%dma_start3A_372, %dma_start3A_373] : memref<640x16xf32, #tpu.memory_space<vmem_shared>> -> memref<640x16xf32, #tpu.memory_space<vmem_shared>>
      tpu.enqueue_indirect_dma source(%dma_start3A_368 : memref<128x16xf32, #tpu.memory_space<vmem>>) target(%dma_start3A_374 : memref<640x16xf32, #tpu.memory_space<vmem_shared>>) offsets(%dma_start3A_371 : memref<128xi32, #tpu.memory_space<vmem>>) semaphore(%run_scoped3A_366 : memref<!tpu.dma_semaphore, #tpu.memory_space<semaphore_mem>>) {add = true}
      %dma_wait3A = arith.constant 384 : i32
      %dma_wait3A_375 = arith.constant 0 : i32
      %dma_wait3A_376 = tpu.memref_slice %arg9[%dma_wait3A, %dma_wait3A_375] : memref<640x16xf32, #tpu.memory_space<vmem>> -> memref<128x16xf32, #tpu.memory_space<vmem>>
      %dma_wait3A_377 = arith.constant 0 : i32
      %dma_wait3A_378 = tpu.memref_slice %arg10[%run_scoped3A_347, %dma_wait3A_377] : memref<5x128xi32, #tpu.memory_space<vmem>> -> memref<1x128xi32, #tpu.memory_space<vmem>>
      %dma_wait3A_379 = tpu.memref_squeeze %dma_wait3A_378 : memref<1x128xi32, #tpu.memory_space<vmem>> -> memref<128xi32, #tpu.memory_space<vmem>>
      %dma_wait3A_380 = arith.constant 0 : i32
      %dma_wait3A_381 = arith.constant 0 : i32
      %dma_wait3A_382 = tpu.memref_slice %arg15[%dma_wait3A_380, %dma_wait3A_381] : memref<640x16xf32, #tpu.memory_space<vmem_shared>> -> memref<640x16xf32, #tpu.memory_space<vmem_shared>>
      tpu.wait_indirect_dma semaphore(%run_scoped3A_366 : memref<!tpu.dma_semaphore, #tpu.memory_space<semaphore_mem>>) src(%dma_wait3A_376 : memref<128x16xf32, #tpu.memory_space<vmem>>) dst(%dma_wait3A_382 : memref<640x16xf32, #tpu.memory_space<vmem_shared>>)
      tpu.yield
    }) : () -> ()
    %run_scoped3A_348 = arith.constant 4 : i32
    "tpu.region"() ({
      %run_scoped3A_366 = tpu.sem_alloc : memref<!tpu.dma_semaphore, #tpu.memory_space<semaphore_mem>>
      %dma_start3A = arith.constant 512 : i32
      %dma_start3A_367 = arith.constant 0 : i32
      %dma_start3A_368 = tpu.memref_slice %arg9[%dma_start3A, %dma_start3A_367] : memref<640x16xf32, #tpu.memory_space<vmem>> -> memref<128x16xf32, #tpu.memory_space<vmem>>
      %dma_start3A_369 = arith.constant 0 : i32
      %dma_start3A_370 = tpu.memref_slice %arg10[%run_scoped3A_348, %dma_start3A_369] : memref<5x128xi32, #tpu.memory_space<vmem>> -> memref<1x128xi32, #tpu.memory_space<vmem>>
      %dma_start3A_371 = tpu.memref_squeeze %dma_start3A_370 : memref<1x128xi32, #tpu.memory_space<vmem>> -> memref<128xi32, #tpu.memory_space<vmem>>
      %dma_start3A_372 = arith.constant 0 : i32
      %dma_start3A_373 = arith.constant 0 : i32
      %dma_start3A_374 = tpu.memref_slice %arg15[%dma_start3A_372, %dma_start3A_373] : memref<640x16xf32, #tpu.memory_space<vmem_shared>> -> memref<640x16xf32, #tpu.memory_space<vmem_shared>>
      tpu.enqueue_indirect_dma source(%dma_start3A_368 : memref<128x16xf32, #tpu.memory_space<vmem>>) target(%dma_start3A_374 : memref<640x16xf32, #tpu.memory_space<vmem_shared>>) offsets(%dma_start3A_371 : memref<128xi32, #tpu.memory_space<vmem>>) semaphore(%run_scoped3A_366 : memref<!tpu.dma_semaphore, #tpu.memory_space<semaphore_mem>>) {add = true}
      %dma_wait3A = arith.constant 512 : i32
      %dma_wait3A_375 = arith.constant 0 : i32
      %dma_wait3A_376 = tpu.memref_slice %arg9[%dma_wait3A, %dma_wait3A_375] : memref<640x16xf32, #tpu.memory_space<vmem>> -> memref<128x16xf32, #tpu.memory_space<vmem>>
      %dma_wait3A_377 = arith.constant 0 : i32
      %dma_wait3A_378 = tpu.memref_slice %arg10[%run_scoped3A_348, %dma_wait3A_377] : memref<5x128xi32, #tpu.memory_space<vmem>> -> memref<1x128xi32, #tpu.memory_space<vmem>>
      %dma_wait3A_379 = tpu.memref_squeeze %dma_wait3A_378 : memref<1x128xi32, #tpu.memory_space<vmem>> -> memref<128xi32, #tpu.memory_space<vmem>>
      %dma_wait3A_380 = arith.constant 0 : i32
      %dma_wait3A_381 = arith.constant 0 : i32
      %dma_wait3A_382 = tpu.memref_slice %arg15[%dma_wait3A_380, %dma_wait3A_381] : memref<640x16xf32, #tpu.memory_space<vmem_shared>> -> memref<640x16xf32, #tpu.memory_space<vmem_shared>>
      tpu.wait_indirect_dma semaphore(%run_scoped3A_366 : memref<!tpu.dma_semaphore, #tpu.memory_space<semaphore_mem>>) src(%dma_wait3A_376 : memref<128x16xf32, #tpu.memory_space<vmem>>) dst(%dma_wait3A_382 : memref<640x16xf32, #tpu.memory_space<vmem_shared>>)
      tpu.yield
    }) : () -> ()
    %barrier3A_349 = arith.constant 0 : index
    tpu.barrier barrier_id(%barrier3A_349)
    "tpu.region"() ({
      %run_scoped3A_366 = tpu.sem_alloc : memref<!tpu.dma_semaphore, #tpu.memory_space<semaphore_mem>>
      tpu.enqueue_dma source(%arg15 : memref<640x16xf32, #tpu.memory_space<vmem_shared>>) target(%arg9 : memref<640x16xf32, #tpu.memory_space<vmem>>) target_semaphore(%run_scoped3A_366 : memref<!tpu.dma_semaphore, #tpu.memory_space<semaphore_mem>>)
      tpu.wait_dma2 semaphore(%run_scoped3A_366 : memref<!tpu.dma_semaphore, #tpu.memory_space<semaphore_mem>>) src(%arg15 : memref<640x16xf32, #tpu.memory_space<vmem_shared>>) dst(%arg9 : memref<640x16xf32, #tpu.memory_space<vmem>>)
      tpu.yield
    }) : () -> ()
    %scan3A_350 = arith.constant 0 : i32
    %scan3A_351 = arith.constant 0 : i32
    %scan3A_352 = arith.constant 640 : i32
    %scan3A_353 = arith.addi %scan3A_351, %scan3A_352 : i32
    %scan3A_354 = arith.constant 1 : i32
    %scan3A_355 = scf.for %scan3A_366 = %scan3A_351 to %scan3A_353 step %scan3A_354 iter_args(%scan3A_367 = %scan3A_350) -> (i32)  : i32 {
      %get3A = arith.index_cast %scan3A_366 : i32 to index
      %get3A_368 = arith.constant 0 : index
      %get3A_369 = tpu.vector_load %arg9[%get3A, %get3A_368] {strides = array<i32>} : memref<640x16xf32, #tpu.memory_space<vmem>>, vector<16xf32>,
      %add3A_370 = arith.constant 9.99999996E-13 : f32
      %add3A_371 = vector.broadcast %add3A_370 : f32 to vector<16xf32>
      %add3A_372 = arith.addf %get3A_369, %add3A_371 : vector<16xf32>
      %bitcast3A = vector.bitcast %add3A_372 : vector<16xf32> to vector<16xi32>
      %shift_right_logical3A = arith.constant 1 : i32
      %shift_right_logical3A_373 = vector.broadcast %shift_right_logical3A : i32 to vector<16xi32>
      %shift_right_logical3A_374 = arith.shrui %bitcast3A, %shift_right_logical3A_373 : vector<16xi32>
      %sub3A = arith.constant 1597463007 : i32
      %sub3A_375 = vector.broadcast %sub3A : i32 to vector<16xi32>
      %sub3A_376 = arith.subi %sub3A_375, %shift_right_logical3A_374 : vector<16xi32>
      %bitcast3A_377 = vector.bitcast %sub3A_376 : vector<16xi32> to vector<16xf32>
      %mul3A_378 = arith.constant 5.000000e-01 : f32
      %mul3A_379 = vector.broadcast %mul3A_378 : f32 to vector<16xf32>
      %mul3A_380 = arith.mulf %mul3A_379, %add3A_372 : vector<16xf32>
      %mul3A_381 = arith.mulf %mul3A_380, %bitcast3A_377 : vector<16xf32>
      %mul3A_382 = arith.mulf %mul3A_381, %bitcast3A_377 : vector<16xf32>
      %sub3A_383 = arith.constant 1.500000e+00 : f32
      %sub3A_384 = vector.broadcast %sub3A_383 : f32 to vector<16xf32>
      %sub3A_385 = arith.subf %sub3A_384, %mul3A_382 : vector<16xf32>
      %mul3A_386 = arith.mulf %bitcast3A_377, %sub3A_385 : vector<16xf32>
      %mul3A_387 = arith.constant 5.000000e-01 : f32
      %mul3A_388 = vector.broadcast %mul3A_387 : f32 to vector<16xf32>
      %mul3A_389 = arith.mulf %mul3A_388, %add3A_372 : vector<16xf32>
      %mul3A_390 = arith.mulf %mul3A_389, %mul3A_386 : vector<16xf32>
      %mul3A_391 = arith.mulf %mul3A_390, %mul3A_386 : vector<16xf32>
      %sub3A_392 = arith.constant 1.500000e+00 : f32
      %sub3A_393 = vector.broadcast %sub3A_392 : f32 to vector<16xf32>
      %sub3A_394 = arith.subf %sub3A_393, %mul3A_391 : vector<16xf32>
      %mul3A_395 = arith.mulf %mul3A_386, %sub3A_394 : vector<16xf32>
      %mul3A_396 = arith.constant 5.000000e-01 : f32
      %mul3A_397 = vector.broadcast %mul3A_396 : f32 to vector<16xf32>
      %mul3A_398 = arith.mulf %mul3A_397, %add3A_372 : vector<16xf32>
      %mul3A_399 = arith.mulf %mul3A_398, %mul3A_395 : vector<16xf32>
      %mul3A_400 = arith.mulf %mul3A_399, %mul3A_395 : vector<16xf32>
      %sub3A_401 = arith.constant 1.500000e+00 : f32
      %sub3A_402 = vector.broadcast %sub3A_401 : f32 to vector<16xf32>
      %sub3A_403 = arith.subf %sub3A_402, %mul3A_400 : vector<16xf32>
      %mul3A_404 = arith.mulf %mul3A_395, %sub3A_403 : vector<16xf32>
      %mul3A_405 = arith.constant 16 : i32
      %mul3A_406 = arith.muli %scan3A_366, %mul3A_405 : i32
      %swap3A_407 = arith.index_cast %mul3A_406 : i32 to index
      %swap3A_408 = tpu.vector_load %arg8[%swap3A_407] {strides = array<i32>} : memref<10240xf32, #tpu.memory_space<vmem>>, vector<16xf32>,
      tpu.vector_store %arg8[%swap3A_407], %mul3A_404 {strides = array<i32>} : memref<10240xf32, #tpu.memory_space<vmem>>, vector<16xf32>,
      %scan3A_409 = arith.constant 0 : i32
      scf.yield %scan3A_409 : i32
    }
    %scan3A_356 = arith.constant 640 : i32
    %mul3A_357 = arith.constant 10112 : i32
    %mul3A_358 = arith.muli %add3A, %mul3A_357 : i32
    "tpu.region"() ({
      %run_scoped3A_366 = tpu.sem_alloc : memref<!tpu.dma_semaphore, #tpu.memory_space<semaphore_mem>>
      %dma_start3A = tpu.memref_slice %arg2[%mul3A_358] : memref<323584xi32, #tpu.memory_space<hbm>> -> memref<10112xi32, #tpu.memory_space<hbm>>
      %dma_start3A_367 = tpu.memref_slice %arg2[%mul3A_358] : memref<323584xi32, #tpu.memory_space<hbm>> -> memref<10112xi32, #tpu.memory_space<hbm>>
      tpu.enqueue_dma source(%dma_start3A_367 : memref<10112xi32, #tpu.memory_space<hbm>>) target(%arg11 : memref<10112xi32, #tpu.memory_space<vmem>>) target_semaphore(%run_scoped3A_366 : memref<!tpu.dma_semaphore, #tpu.memory_space<semaphore_mem>>)
      %dma_wait3A = tpu.memref_slice %arg2[%mul3A_358] : memref<323584xi32, #tpu.memory_space<hbm>> -> memref<10112xi32, #tpu.memory_space<hbm>>
      %dma_wait3A_368 = tpu.memref_slice %arg2[%mul3A_358] : memref<323584xi32, #tpu.memory_space<hbm>> -> memref<10112xi32, #tpu.memory_space<hbm>>
      tpu.wait_dma2 semaphore(%run_scoped3A_366 : memref<!tpu.dma_semaphore, #tpu.memory_space<semaphore_mem>>) src(%dma_wait3A_368 : memref<10112xi32, #tpu.memory_space<hbm>>) dst(%arg11 : memref<10112xi32, #tpu.memory_space<vmem>>)
      tpu.yield
    }) : () -> ()
    "tpu.region"() ({
      %run_scoped3A_366 = tpu.sem_alloc : memref<!tpu.dma_semaphore, #tpu.memory_space<semaphore_mem>>
      %dma_start3A = tpu.memref_slice %arg3[%mul3A_358] : memref<323584xi32, #tpu.memory_space<hbm>> -> memref<10112xi32, #tpu.memory_space<hbm>>
      %dma_start3A_367 = tpu.memref_slice %arg3[%mul3A_358] : memref<323584xi32, #tpu.memory_space<hbm>> -> memref<10112xi32, #tpu.memory_space<hbm>>
      tpu.enqueue_dma source(%dma_start3A_367 : memref<10112xi32, #tpu.memory_space<hbm>>) target(%arg12 : memref<10112xi32, #tpu.memory_space<vmem>>) target_semaphore(%run_scoped3A_366 : memref<!tpu.dma_semaphore, #tpu.memory_space<semaphore_mem>>)
      %dma_wait3A = tpu.memref_slice %arg3[%mul3A_358] : memref<323584xi32, #tpu.memory_space<hbm>> -> memref<10112xi32, #tpu.memory_space<hbm>>
      %dma_wait3A_368 = tpu.memref_slice %arg3[%mul3A_358] : memref<323584xi32, #tpu.memory_space<hbm>> -> memref<10112xi32, #tpu.memory_space<hbm>>
      tpu.wait_dma2 semaphore(%run_scoped3A_366 : memref<!tpu.dma_semaphore, #tpu.memory_space<semaphore_mem>>) src(%dma_wait3A_368 : memref<10112xi32, #tpu.memory_space<hbm>>) dst(%arg12 : memref<10112xi32, #tpu.memory_space<vmem>>)
      tpu.yield
    }) : () -> ()
    "tpu.region"() ({
      %run_scoped3A_366 = tpu.sem_alloc : memref<!tpu.dma_semaphore, #tpu.memory_space<semaphore_mem>>
      %dma_start3A = tpu.memref_slice %arg4[%mul3A_358] : memref<323584xf32, #tpu.memory_space<hbm>> -> memref<10112xf32, #tpu.memory_space<hbm>>
      %dma_start3A_367 = tpu.memref_slice %arg4[%mul3A_358] : memref<323584xf32, #tpu.memory_space<hbm>> -> memref<10112xf32, #tpu.memory_space<hbm>>
      tpu.enqueue_dma source(%dma_start3A_367 : memref<10112xf32, #tpu.memory_space<hbm>>) target(%arg13 : memref<10112xf32, #tpu.memory_space<vmem>>) target_semaphore(%run_scoped3A_366 : memref<!tpu.dma_semaphore, #tpu.memory_space<semaphore_mem>>)
      %dma_wait3A = tpu.memref_slice %arg4[%mul3A_358] : memref<323584xf32, #tpu.memory_space<hbm>> -> memref<10112xf32, #tpu.memory_space<hbm>>
      %dma_wait3A_368 = tpu.memref_slice %arg4[%mul3A_358] : memref<323584xf32, #tpu.memory_space<hbm>> -> memref<10112xf32, #tpu.memory_space<hbm>>
      tpu.wait_dma2 semaphore(%run_scoped3A_366 : memref<!tpu.dma_semaphore, #tpu.memory_space<semaphore_mem>>) src(%dma_wait3A_368 : memref<10112xf32, #tpu.memory_space<hbm>>) dst(%arg13 : memref<10112xf32, #tpu.memory_space<vmem>>)
      tpu.yield
    }) : () -> ()
    %scan3A_359 = arith.constant 0 : i32
    %scan3A_360 = arith.constant 0 : i32
    %scan3A_361 = arith.constant 632 : i32
    %scan3A_362 = arith.addi %scan3A_360, %scan3A_361 : i32
    %scan3A_363 = arith.constant 1 : i32
    %scan3A_364 = scf.for %scan3A_366 = %scan3A_360 to %scan3A_362 step %scan3A_363 iter_args(%scan3A_367 = %scan3A_359) -> (i32)  : i32 {
      %mul3A_368 = arith.constant 16 : i32
      %mul3A_369 = arith.muli %scan3A_366, %mul3A_368 : i32
      %get3A = arith.index_cast %mul3A_369 : i32 to index
      %get3A_370 = tpu.vector_load %arg11[%get3A] {strides = array<i32>} : memref<10112xi32, #tpu.memory_space<vmem>>, vector<16xi32>,
      %mul3A_371 = arith.constant 16 : i32
      %mul3A_372 = arith.muli %scan3A_366, %mul3A_371 : i32
      %get3A_373 = arith.index_cast %mul3A_372 : i32 to index
      %get3A_374 = tpu.vector_load %arg12[%get3A_373] {strides = array<i32>} : memref<10112xi32, #tpu.memory_space<vmem>>, vector<16xi32>,
      %mul3A_375 = arith.constant 16 : i32
      %mul3A_376 = arith.muli %scan3A_366, %mul3A_375 : i32
      %get3A_377 = arith.index_cast %mul3A_376 : i32 to index
      %get3A_378 = tpu.vector_load %arg13[%get3A_377] {strides = array<i32>} : memref<10112xf32, #tpu.memory_space<vmem>>, vector<16xf32>,
      %gather3A = tpu.vector_load_idx %arg8[%get3A_370] : memref<10240xf32, #tpu.memory_space<vmem>>[vector<16xi32>], vector<16xf32>,
      %gather3A_379 = tpu.vector_load_idx %arg8[%get3A_374] : memref<10240xf32, #tpu.memory_space<vmem>>[vector<16xi32>], vector<16xf32>,
      %mul3A_380 = arith.mulf %gather3A, %get3A_378 : vector<16xf32>
      %mul3A_381 = arith.mulf %mul3A_380, %gather3A_379 : vector<16xf32>
      %mul3A_382 = arith.constant 16 : i32
      %mul3A_383 = arith.muli %scan3A_366, %mul3A_382 : i32
      %swap3A_384 = arith.index_cast %mul3A_383 : i32 to index
      %swap3A_385 = tpu.vector_load %arg14[%swap3A_384] {strides = array<i32>} : memref<10112xf32, #tpu.memory_space<vmem>>, vector<16xf32>,
      tpu.vector_store %arg14[%swap3A_384], %mul3A_381 {strides = array<i32>} : memref<10112xf32, #tpu.memory_space<vmem>>, vector<16xf32>,
      %scan3A_386 = arith.constant 0 : i32
      scf.yield %scan3A_386 : i32
    }
    %scan3A_365 = arith.constant 632 : i32
    "tpu.region"() ({
      %run_scoped3A_366 = tpu.sem_alloc : memref<!tpu.dma_semaphore, #tpu.memory_space<semaphore_mem>>
      %dma_start3A = tpu.memref_slice %arg5[%mul3A_358] : memref<323584xf32, #tpu.memory_space<hbm>> -> memref<10112xf32, #tpu.memory_space<hbm>>
      %dma_start3A_367 = tpu.memref_slice %arg5[%mul3A_358] : memref<323584xf32, #tpu.memory_space<hbm>> -> memref<10112xf32, #tpu.memory_space<hbm>>
      tpu.enqueue_dma source(%arg14 : memref<10112xf32, #tpu.memory_space<vmem>>) target(%dma_start3A_367 : memref<10112xf32, #tpu.memory_space<hbm>>) target_semaphore(%run_scoped3A_366 : memref<!tpu.dma_semaphore, #tpu.memory_space<semaphore_mem>>)
      %dma_wait3A = tpu.memref_slice %arg5[%mul3A_358] : memref<323584xf32, #tpu.memory_space<hbm>> -> memref<10112xf32, #tpu.memory_space<hbm>>
      %dma_wait3A_368 = tpu.memref_slice %arg5[%mul3A_358] : memref<323584xf32, #tpu.memory_space<hbm>> -> memref<10112xf32, #tpu.memory_space<hbm>>
      tpu.wait_dma2 semaphore(%run_scoped3A_366 : memref<!tpu.dma_semaphore, #tpu.memory_space<semaphore_mem>>) src(%arg14 : memref<10112xf32, #tpu.memory_space<vmem>>) dst(%dma_wait3A_368 : memref<10112xf32, #tpu.memory_space<hbm>>)
      tpu.yield
    }) : () -> ()
    return
  }
}

#map = affine_map<(d0, d1) -> (0, 0)>
#map1 = affine_map<(d0, d1) -> (0)>
#map2 = affine_map<(d0, d1) -> (0, 0, 0)>
module attributes {stable_mosaic.version = 14 : i64} {
  func.func @_hop_kernel(%arg0: i32, %arg1: i32, %arg2: memref<10000x128xf32, #tpu.memory_space<hbm>>, %arg3: memref<323584xi32, #tpu.memory_space<hbm>>, %arg4: memref<32x79x128xi32, #tpu.memory_space<hbm>>, %arg5: memref<323584xf32, #tpu.memory_space<hbm>>, %arg6: memref<2x10000x128xf32, #tpu.memory_space<hbm>>, %arg7: memref<2x128xi32, #tpu.memory_space<vmem>>, %arg8: memref<256xf32, #tpu.memory_space<vmem>>, %arg9: memref<79x128xi32, #tpu.memory_space<vmem>>, %arg10: memref<128x128xf32, #tpu.memory_space<vmem>>, %arg11: memref<128x128xf32, #tpu.memory_space<vmem>>, %arg12: memref<25x128xf32, #tpu.memory_space<vmem>>, %arg13: memref<10000x128xf32, #tpu.memory_space<vmem_shared>>, %arg14: memref<!tpu.dma_semaphore, #tpu.memory_space<semaphore_mem>>, %arg15: memref<!tpu.dma_semaphore, #tpu.memory_space<semaphore_mem>>, %arg16: memref<!tpu.dma_semaphore, #tpu.memory_space<semaphore_mem>>, %arg17: memref<!tpu.dma_semaphore, #tpu.memory_space<semaphore_mem>>, %arg18: memref<!tpu.dma_semaphore, #tpu.memory_space<semaphore_mem>>, %arg19: memref<!tpu.dma_semaphore, #tpu.memory_space<semaphore_mem>>) attributes {dimension_semantics = [#tpu.dimension_semantics<core_parallel>, #tpu.dimension_semantics<subcore_parallel>], iteration_bounds = array<i64: 2, 16>, scalar_prefetch = 0 : i64, scratch_operands = 13 : i64, tpu.core_type = #tpu.core_type<sc_vector_subcore>, window_params = [{transform_indices = #map}, {transform_indices = #map1}, {transform_indices = #map2}, {transform_indices = #map1}, {transform_indices = #map2}]} {
    %mul3A = arith.constant 16 : i32
    %mul3A_0 = arith.muli %arg0, %mul3A : i32
    %add3A = arith.addi %mul3A_0, %arg1 : i32
    %scan3A = arith.constant 0 : i32
    %scan3A_1 = arith.constant 0 : i32
    %scan3A_2 = arith.constant 25 : i32
    %scan3A_3 = arith.addi %scan3A_1, %scan3A_2 : i32
    %scan3A_4 = arith.constant 1 : i32
    %scan3A_5 = scf.for %scan3A_325 = %scan3A_1 to %scan3A_3 step %scan3A_4 iter_args(%scan3A_326 = %scan3A) -> (i32)  : i32 {
      %broadcast_in_dim3A = arith.constant 0.000000e+00 : f32
      %broadcast_in_dim3A_327 = vector.broadcast %broadcast_in_dim3A : f32 to vector<16xf32>
      %swap3A = arith.index_cast %scan3A_325 : i32 to index
      %swap3A_328 = arith.constant 0 : index
      %swap3A_329 = tpu.vector_load %arg12[%swap3A, %swap3A_328] {strides = array<i32>} : memref<25x128xf32, #tpu.memory_space<vmem>>, vector<16xf32>,
      tpu.vector_store %arg12[%swap3A, %swap3A_328], %broadcast_in_dim3A_327 {strides = array<i32>} : memref<25x128xf32, #tpu.memory_space<vmem>>, vector<16xf32>,
      %broadcast_in_dim3A_330 = arith.constant 0.000000e+00 : f32
      %broadcast_in_dim3A_331 = vector.broadcast %broadcast_in_dim3A_330 : f32 to vector<16xf32>
      %swap3A_332 = arith.index_cast %scan3A_325 : i32 to index
      %swap3A_333 = arith.constant 16 : index
      %swap3A_334 = tpu.vector_load %arg12[%swap3A_332, %swap3A_333] {strides = array<i32>} : memref<25x128xf32, #tpu.memory_space<vmem>>, vector<16xf32>,
      tpu.vector_store %arg12[%swap3A_332, %swap3A_333], %broadcast_in_dim3A_331 {strides = array<i32>} : memref<25x128xf32, #tpu.memory_space<vmem>>, vector<16xf32>,
      %broadcast_in_dim3A_335 = arith.constant 0.000000e+00 : f32
      %broadcast_in_dim3A_336 = vector.broadcast %broadcast_in_dim3A_335 : f32 to vector<16xf32>
      %swap3A_337 = arith.index_cast %scan3A_325 : i32 to index
      %swap3A_338 = arith.constant 32 : index
      %swap3A_339 = tpu.vector_load %arg12[%swap3A_337, %swap3A_338] {strides = array<i32>} : memref<25x128xf32, #tpu.memory_space<vmem>>, vector<16xf32>,
      tpu.vector_store %arg12[%swap3A_337, %swap3A_338], %broadcast_in_dim3A_336 {strides = array<i32>} : memref<25x128xf32, #tpu.memory_space<vmem>>, vector<16xf32>,
      %broadcast_in_dim3A_340 = arith.constant 0.000000e+00 : f32
      %broadcast_in_dim3A_341 = vector.broadcast %broadcast_in_dim3A_340 : f32 to vector<16xf32>
      %swap3A_342 = arith.index_cast %scan3A_325 : i32 to index
      %swap3A_343 = arith.constant 48 : index
      %swap3A_344 = tpu.vector_load %arg12[%swap3A_342, %swap3A_343] {strides = array<i32>} : memref<25x128xf32, #tpu.memory_space<vmem>>, vector<16xf32>,
      tpu.vector_store %arg12[%swap3A_342, %swap3A_343], %broadcast_in_dim3A_341 {strides = array<i32>} : memref<25x128xf32, #tpu.memory_space<vmem>>, vector<16xf32>,
      %broadcast_in_dim3A_345 = arith.constant 0.000000e+00 : f32
      %broadcast_in_dim3A_346 = vector.broadcast %broadcast_in_dim3A_345 : f32 to vector<16xf32>
      %swap3A_347 = arith.index_cast %scan3A_325 : i32 to index
      %swap3A_348 = arith.constant 64 : index
      %swap3A_349 = tpu.vector_load %arg12[%swap3A_347, %swap3A_348] {strides = array<i32>} : memref<25x128xf32, #tpu.memory_space<vmem>>, vector<16xf32>,
      tpu.vector_store %arg12[%swap3A_347, %swap3A_348], %broadcast_in_dim3A_346 {strides = array<i32>} : memref<25x128xf32, #tpu.memory_space<vmem>>, vector<16xf32>,
      %broadcast_in_dim3A_350 = arith.constant 0.000000e+00 : f32
      %broadcast_in_dim3A_351 = vector.broadcast %broadcast_in_dim3A_350 : f32 to vector<16xf32>
      %swap3A_352 = arith.index_cast %scan3A_325 : i32 to index
      %swap3A_353 = arith.constant 80 : index
      %swap3A_354 = tpu.vector_load %arg12[%swap3A_352, %swap3A_353] {strides = array<i32>} : memref<25x128xf32, #tpu.memory_space<vmem>>, vector<16xf32>,
      tpu.vector_store %arg12[%swap3A_352, %swap3A_353], %broadcast_in_dim3A_351 {strides = array<i32>} : memref<25x128xf32, #tpu.memory_space<vmem>>, vector<16xf32>,
      %broadcast_in_dim3A_355 = arith.constant 0.000000e+00 : f32
      %broadcast_in_dim3A_356 = vector.broadcast %broadcast_in_dim3A_355 : f32 to vector<16xf32>
      %swap3A_357 = arith.index_cast %scan3A_325 : i32 to index
      %swap3A_358 = arith.constant 96 : index
      %swap3A_359 = tpu.vector_load %arg12[%swap3A_357, %swap3A_358] {strides = array<i32>} : memref<25x128xf32, #tpu.memory_space<vmem>>, vector<16xf32>,
      tpu.vector_store %arg12[%swap3A_357, %swap3A_358], %broadcast_in_dim3A_356 {strides = array<i32>} : memref<25x128xf32, #tpu.memory_space<vmem>>, vector<16xf32>,
      %broadcast_in_dim3A_360 = arith.constant 0.000000e+00 : f32
      %broadcast_in_dim3A_361 = vector.broadcast %broadcast_in_dim3A_360 : f32 to vector<16xf32>
      %swap3A_362 = arith.index_cast %scan3A_325 : i32 to index
      %swap3A_363 = arith.constant 112 : index
      %swap3A_364 = tpu.vector_load %arg12[%swap3A_362, %swap3A_363] {strides = array<i32>} : memref<25x128xf32, #tpu.memory_space<vmem>>, vector<16xf32>,
      tpu.vector_store %arg12[%swap3A_362, %swap3A_363], %broadcast_in_dim3A_361 {strides = array<i32>} : memref<25x128xf32, #tpu.memory_space<vmem>>, vector<16xf32>,
      %scan3A_365 = arith.constant 0 : i32
      scf.yield %scan3A_365 : i32
    }
    %scan3A_6 = arith.constant 25 : i32
    %mul3A_7 = arith.constant 625 : i32
    %mul3A_8 = arith.muli %arg1, %mul3A_7 : i32
    %add3A_9 = arith.constant 0 : i32
    %add3A_10 = arith.addi %mul3A_8, %add3A_9 : i32
    "tpu.region"() ({
      %run_scoped3A_325 = tpu.sem_alloc : memref<!tpu.dma_semaphore, #tpu.memory_space<semaphore_mem>>
      %dma_start3A_326 = arith.constant 0 : i32
      %dma_start3A_327 = tpu.memref_slice %arg13[%add3A_10, %dma_start3A_326] : memref<10000x128xf32, #tpu.memory_space<vmem_shared>> -> memref<25x128xf32, #tpu.memory_space<vmem_shared>>
      %dma_start3A_328 = arith.constant 0 : i32
      %dma_start3A_329 = tpu.memref_slice %arg13[%add3A_10, %dma_start3A_328] : memref<10000x128xf32, #tpu.memory_space<vmem_shared>> -> memref<25x128xf32, #tpu.memory_space<vmem_shared>>
      tpu.enqueue_dma source(%arg12 : memref<25x128xf32, #tpu.memory_space<vmem>>) target(%dma_start3A_329 : memref<25x128xf32, #tpu.memory_space<vmem_shared>>) target_semaphore(%run_scoped3A_325 : memref<!tpu.dma_semaphore, #tpu.memory_space<semaphore_mem>>)
      %dma_wait3A_330 = arith.constant 0 : i32
      %dma_wait3A_331 = tpu.memref_slice %arg13[%add3A_10, %dma_wait3A_330] : memref<10000x128xf32, #tpu.memory_space<vmem_shared>> -> memref<25x128xf32, #tpu.memory_space<vmem_shared>>
      %dma_wait3A_332 = arith.constant 0 : i32
      %dma_wait3A_333 = tpu.memref_slice %arg13[%add3A_10, %dma_wait3A_332] : memref<10000x128xf32, #tpu.memory_space<vmem_shared>> -> memref<25x128xf32, #tpu.memory_space<vmem_shared>>
      tpu.wait_dma2 semaphore(%run_scoped3A_325 : memref<!tpu.dma_semaphore, #tpu.memory_space<semaphore_mem>>) src(%arg12 : memref<25x128xf32, #tpu.memory_space<vmem>>) dst(%dma_wait3A_333 : memref<25x128xf32, #tpu.memory_space<vmem_shared>>)
      tpu.yield
    }) : () -> ()
    %mul3A_11 = arith.constant 625 : i32
    %mul3A_12 = arith.muli %arg1, %mul3A_11 : i32
    %add3A_13 = arith.constant 25 : i32
    %add3A_14 = arith.addi %mul3A_12, %add3A_13 : i32
    "tpu.region"() ({
      %run_scoped3A_325 = tpu.sem_alloc : memref<!tpu.dma_semaphore, #tpu.memory_space<semaphore_mem>>
      %dma_start3A_326 = arith.constant 0 : i32
      %dma_start3A_327 = tpu.memref_slice %arg13[%add3A_14, %dma_start3A_326] : memref<10000x128xf32, #tpu.memory_space<vmem_shared>> -> memref<25x128xf32, #tpu.memory_space<vmem_shared>>
      %dma_start3A_328 = arith.constant 0 : i32
      %dma_start3A_329 = tpu.memref_slice %arg13[%add3A_14, %dma_start3A_328] : memref<10000x128xf32, #tpu.memory_space<vmem_shared>> -> memref<25x128xf32, #tpu.memory_space<vmem_shared>>
      tpu.enqueue_dma source(%arg12 : memref<25x128xf32, #tpu.memory_space<vmem>>) target(%dma_start3A_329 : memref<25x128xf32, #tpu.memory_space<vmem_shared>>) target_semaphore(%run_scoped3A_325 : memref<!tpu.dma_semaphore, #tpu.memory_space<semaphore_mem>>)
      %dma_wait3A_330 = arith.constant 0 : i32
      %dma_wait3A_331 = tpu.memref_slice %arg13[%add3A_14, %dma_wait3A_330] : memref<10000x128xf32, #tpu.memory_space<vmem_shared>> -> memref<25x128xf32, #tpu.memory_space<vmem_shared>>
      %dma_wait3A_332 = arith.constant 0 : i32
      %dma_wait3A_333 = tpu.memref_slice %arg13[%add3A_14, %dma_wait3A_332] : memref<10000x128xf32, #tpu.memory_space<vmem_shared>> -> memref<25x128xf32, #tpu.memory_space<vmem_shared>>
      tpu.wait_dma2 semaphore(%run_scoped3A_325 : memref<!tpu.dma_semaphore, #tpu.memory_space<semaphore_mem>>) src(%arg12 : memref<25x128xf32, #tpu.memory_space<vmem>>) dst(%dma_wait3A_333 : memref<25x128xf32, #tpu.memory_space<vmem_shared>>)
      tpu.yield
    }) : () -> ()
    %mul3A_15 = arith.constant 625 : i32
    %mul3A_16 = arith.muli %arg1, %mul3A_15 : i32
    %add3A_17 = arith.constant 50 : i32
    %add3A_18 = arith.addi %mul3A_16, %add3A_17 : i32
    "tpu.region"() ({
      %run_scoped3A_325 = tpu.sem_alloc : memref<!tpu.dma_semaphore, #tpu.memory_space<semaphore_mem>>
      %dma_start3A_326 = arith.constant 0 : i32
      %dma_start3A_327 = tpu.memref_slice %arg13[%add3A_18, %dma_start3A_326] : memref<10000x128xf32, #tpu.memory_space<vmem_shared>> -> memref<25x128xf32, #tpu.memory_space<vmem_shared>>
      %dma_start3A_328 = arith.constant 0 : i32
      %dma_start3A_329 = tpu.memref_slice %arg13[%add3A_18, %dma_start3A_328] : memref<10000x128xf32, #tpu.memory_space<vmem_shared>> -> memref<25x128xf32, #tpu.memory_space<vmem_shared>>
      tpu.enqueue_dma source(%arg12 : memref<25x128xf32, #tpu.memory_space<vmem>>) target(%dma_start3A_329 : memref<25x128xf32, #tpu.memory_space<vmem_shared>>) target_semaphore(%run_scoped3A_325 : memref<!tpu.dma_semaphore, #tpu.memory_space<semaphore_mem>>)
      %dma_wait3A_330 = arith.constant 0 : i32
      %dma_wait3A_331 = tpu.memref_slice %arg13[%add3A_18, %dma_wait3A_330] : memref<10000x128xf32, #tpu.memory_space<vmem_shared>> -> memref<25x128xf32, #tpu.memory_space<vmem_shared>>
      %dma_wait3A_332 = arith.constant 0 : i32
      %dma_wait3A_333 = tpu.memref_slice %arg13[%add3A_18, %dma_wait3A_332] : memref<10000x128xf32, #tpu.memory_space<vmem_shared>> -> memref<25x128xf32, #tpu.memory_space<vmem_shared>>
      tpu.wait_dma2 semaphore(%run_scoped3A_325 : memref<!tpu.dma_semaphore, #tpu.memory_space<semaphore_mem>>) src(%arg12 : memref<25x128xf32, #tpu.memory_space<vmem>>) dst(%dma_wait3A_333 : memref<25x128xf32, #tpu.memory_space<vmem_shared>>)
      tpu.yield
    }) : () -> ()
    %mul3A_19 = arith.constant 625 : i32
    %mul3A_20 = arith.muli %arg1, %mul3A_19 : i32
    %add3A_21 = arith.constant 75 : i32
    %add3A_22 = arith.addi %mul3A_20, %add3A_21 : i32
    "tpu.region"() ({
      %run_scoped3A_325 = tpu.sem_alloc : memref<!tpu.dma_semaphore, #tpu.memory_space<semaphore_mem>>
      %dma_start3A_326 = arith.constant 0 : i32
      %dma_start3A_327 = tpu.memref_slice %arg13[%add3A_22, %dma_start3A_326] : memref<10000x128xf32, #tpu.memory_space<vmem_shared>> -> memref<25x128xf32, #tpu.memory_space<vmem_shared>>
      %dma_start3A_328 = arith.constant 0 : i32
      %dma_start3A_329 = tpu.memref_slice %arg13[%add3A_22, %dma_start3A_328] : memref<10000x128xf32, #tpu.memory_space<vmem_shared>> -> memref<25x128xf32, #tpu.memory_space<vmem_shared>>
      tpu.enqueue_dma source(%arg12 : memref<25x128xf32, #tpu.memory_space<vmem>>) target(%dma_start3A_329 : memref<25x128xf32, #tpu.memory_space<vmem_shared>>) target_semaphore(%run_scoped3A_325 : memref<!tpu.dma_semaphore, #tpu.memory_space<semaphore_mem>>)
      %dma_wait3A_330 = arith.constant 0 : i32
      %dma_wait3A_331 = tpu.memref_slice %arg13[%add3A_22, %dma_wait3A_330] : memref<10000x128xf32, #tpu.memory_space<vmem_shared>> -> memref<25x128xf32, #tpu.memory_space<vmem_shared>>
      %dma_wait3A_332 = arith.constant 0 : i32
      %dma_wait3A_333 = tpu.memref_slice %arg13[%add3A_22, %dma_wait3A_332] : memref<10000x128xf32, #tpu.memory_space<vmem_shared>> -> memref<25x128xf32, #tpu.memory_space<vmem_shared>>
      tpu.wait_dma2 semaphore(%run_scoped3A_325 : memref<!tpu.dma_semaphore, #tpu.memory_space<semaphore_mem>>) src(%arg12 : memref<25x128xf32, #tpu.memory_space<vmem>>) dst(%dma_wait3A_333 : memref<25x128xf32, #tpu.memory_space<vmem_shared>>)
      tpu.yield
    }) : () -> ()
    %mul3A_23 = arith.constant 625 : i32
    %mul3A_24 = arith.muli %arg1, %mul3A_23 : i32
    %add3A_25 = arith.constant 100 : i32
    %add3A_26 = arith.addi %mul3A_24, %add3A_25 : i32
    "tpu.region"() ({
      %run_scoped3A_325 = tpu.sem_alloc : memref<!tpu.dma_semaphore, #tpu.memory_space<semaphore_mem>>
      %dma_start3A_326 = arith.constant 0 : i32
      %dma_start3A_327 = tpu.memref_slice %arg13[%add3A_26, %dma_start3A_326] : memref<10000x128xf32, #tpu.memory_space<vmem_shared>> -> memref<25x128xf32, #tpu.memory_space<vmem_shared>>
      %dma_start3A_328 = arith.constant 0 : i32
      %dma_start3A_329 = tpu.memref_slice %arg13[%add3A_26, %dma_start3A_328] : memref<10000x128xf32, #tpu.memory_space<vmem_shared>> -> memref<25x128xf32, #tpu.memory_space<vmem_shared>>
      tpu.enqueue_dma source(%arg12 : memref<25x128xf32, #tpu.memory_space<vmem>>) target(%dma_start3A_329 : memref<25x128xf32, #tpu.memory_space<vmem_shared>>) target_semaphore(%run_scoped3A_325 : memref<!tpu.dma_semaphore, #tpu.memory_space<semaphore_mem>>)
      %dma_wait3A_330 = arith.constant 0 : i32
      %dma_wait3A_331 = tpu.memref_slice %arg13[%add3A_26, %dma_wait3A_330] : memref<10000x128xf32, #tpu.memory_space<vmem_shared>> -> memref<25x128xf32, #tpu.memory_space<vmem_shared>>
      %dma_wait3A_332 = arith.constant 0 : i32
      %dma_wait3A_333 = tpu.memref_slice %arg13[%add3A_26, %dma_wait3A_332] : memref<10000x128xf32, #tpu.memory_space<vmem_shared>> -> memref<25x128xf32, #tpu.memory_space<vmem_shared>>
      tpu.wait_dma2 semaphore(%run_scoped3A_325 : memref<!tpu.dma_semaphore, #tpu.memory_space<semaphore_mem>>) src(%arg12 : memref<25x128xf32, #tpu.memory_space<vmem>>) dst(%dma_wait3A_333 : memref<25x128xf32, #tpu.memory_space<vmem_shared>>)
      tpu.yield
    }) : () -> ()
    %mul3A_27 = arith.constant 625 : i32
    %mul3A_28 = arith.muli %arg1, %mul3A_27 : i32
    %add3A_29 = arith.constant 125 : i32
    %add3A_30 = arith.addi %mul3A_28, %add3A_29 : i32
    "tpu.region"() ({
      %run_scoped3A_325 = tpu.sem_alloc : memref<!tpu.dma_semaphore, #tpu.memory_space<semaphore_mem>>
      %dma_start3A_326 = arith.constant 0 : i32
      %dma_start3A_327 = tpu.memref_slice %arg13[%add3A_30, %dma_start3A_326] : memref<10000x128xf32, #tpu.memory_space<vmem_shared>> -> memref<25x128xf32, #tpu.memory_space<vmem_shared>>
      %dma_start3A_328 = arith.constant 0 : i32
      %dma_start3A_329 = tpu.memref_slice %arg13[%add3A_30, %dma_start3A_328] : memref<10000x128xf32, #tpu.memory_space<vmem_shared>> -> memref<25x128xf32, #tpu.memory_space<vmem_shared>>
      tpu.enqueue_dma source(%arg12 : memref<25x128xf32, #tpu.memory_space<vmem>>) target(%dma_start3A_329 : memref<25x128xf32, #tpu.memory_space<vmem_shared>>) target_semaphore(%run_scoped3A_325 : memref<!tpu.dma_semaphore, #tpu.memory_space<semaphore_mem>>)
      %dma_wait3A_330 = arith.constant 0 : i32
      %dma_wait3A_331 = tpu.memref_slice %arg13[%add3A_30, %dma_wait3A_330] : memref<10000x128xf32, #tpu.memory_space<vmem_shared>> -> memref<25x128xf32, #tpu.memory_space<vmem_shared>>
      %dma_wait3A_332 = arith.constant 0 : i32
      %dma_wait3A_333 = tpu.memref_slice %arg13[%add3A_30, %dma_wait3A_332] : memref<10000x128xf32, #tpu.memory_space<vmem_shared>> -> memref<25x128xf32, #tpu.memory_space<vmem_shared>>
      tpu.wait_dma2 semaphore(%run_scoped3A_325 : memref<!tpu.dma_semaphore, #tpu.memory_space<semaphore_mem>>) src(%arg12 : memref<25x128xf32, #tpu.memory_space<vmem>>) dst(%dma_wait3A_333 : memref<25x128xf32, #tpu.memory_space<vmem_shared>>)
      tpu.yield
    }) : () -> ()
    %mul3A_31 = arith.constant 625 : i32
    %mul3A_32 = arith.muli %arg1, %mul3A_31 : i32
    %add3A_33 = arith.constant 150 : i32
    %add3A_34 = arith.addi %mul3A_32, %add3A_33 : i32
    "tpu.region"() ({
      %run_scoped3A_325 = tpu.sem_alloc : memref<!tpu.dma_semaphore, #tpu.memory_space<semaphore_mem>>
      %dma_start3A_326 = arith.constant 0 : i32
      %dma_start3A_327 = tpu.memref_slice %arg13[%add3A_34, %dma_start3A_326] : memref<10000x128xf32, #tpu.memory_space<vmem_shared>> -> memref<25x128xf32, #tpu.memory_space<vmem_shared>>
      %dma_start3A_328 = arith.constant 0 : i32
      %dma_start3A_329 = tpu.memref_slice %arg13[%add3A_34, %dma_start3A_328] : memref<10000x128xf32, #tpu.memory_space<vmem_shared>> -> memref<25x128xf32, #tpu.memory_space<vmem_shared>>
      tpu.enqueue_dma source(%arg12 : memref<25x128xf32, #tpu.memory_space<vmem>>) target(%dma_start3A_329 : memref<25x128xf32, #tpu.memory_space<vmem_shared>>) target_semaphore(%run_scoped3A_325 : memref<!tpu.dma_semaphore, #tpu.memory_space<semaphore_mem>>)
      %dma_wait3A_330 = arith.constant 0 : i32
      %dma_wait3A_331 = tpu.memref_slice %arg13[%add3A_34, %dma_wait3A_330] : memref<10000x128xf32, #tpu.memory_space<vmem_shared>> -> memref<25x128xf32, #tpu.memory_space<vmem_shared>>
      %dma_wait3A_332 = arith.constant 0 : i32
      %dma_wait3A_333 = tpu.memref_slice %arg13[%add3A_34, %dma_wait3A_332] : memref<10000x128xf32, #tpu.memory_space<vmem_shared>> -> memref<25x128xf32, #tpu.memory_space<vmem_shared>>
      tpu.wait_dma2 semaphore(%run_scoped3A_325 : memref<!tpu.dma_semaphore, #tpu.memory_space<semaphore_mem>>) src(%arg12 : memref<25x128xf32, #tpu.memory_space<vmem>>) dst(%dma_wait3A_333 : memref<25x128xf32, #tpu.memory_space<vmem_shared>>)
      tpu.yield
    }) : () -> ()
    %mul3A_35 = arith.constant 625 : i32
    %mul3A_36 = arith.muli %arg1, %mul3A_35 : i32
    %add3A_37 = arith.constant 175 : i32
    %add3A_38 = arith.addi %mul3A_36, %add3A_37 : i32
    "tpu.region"() ({
      %run_scoped3A_325 = tpu.sem_alloc : memref<!tpu.dma_semaphore, #tpu.memory_space<semaphore_mem>>
      %dma_start3A_326 = arith.constant 0 : i32
      %dma_start3A_327 = tpu.memref_slice %arg13[%add3A_38, %dma_start3A_326] : memref<10000x128xf32, #tpu.memory_space<vmem_shared>> -> memref<25x128xf32, #tpu.memory_space<vmem_shared>>
      %dma_start3A_328 = arith.constant 0 : i32
      %dma_start3A_329 = tpu.memref_slice %arg13[%add3A_38, %dma_start3A_328] : memref<10000x128xf32, #tpu.memory_space<vmem_shared>> -> memref<25x128xf32, #tpu.memory_space<vmem_shared>>
      tpu.enqueue_dma source(%arg12 : memref<25x128xf32, #tpu.memory_space<vmem>>) target(%dma_start3A_329 : memref<25x128xf32, #tpu.memory_space<vmem_shared>>) target_semaphore(%run_scoped3A_325 : memref<!tpu.dma_semaphore, #tpu.memory_space<semaphore_mem>>)
      %dma_wait3A_330 = arith.constant 0 : i32
      %dma_wait3A_331 = tpu.memref_slice %arg13[%add3A_38, %dma_wait3A_330] : memref<10000x128xf32, #tpu.memory_space<vmem_shared>> -> memref<25x128xf32, #tpu.memory_space<vmem_shared>>
      %dma_wait3A_332 = arith.constant 0 : i32
      %dma_wait3A_333 = tpu.memref_slice %arg13[%add3A_38, %dma_wait3A_332] : memref<10000x128xf32, #tpu.memory_space<vmem_shared>> -> memref<25x128xf32, #tpu.memory_space<vmem_shared>>
      tpu.wait_dma2 semaphore(%run_scoped3A_325 : memref<!tpu.dma_semaphore, #tpu.memory_space<semaphore_mem>>) src(%arg12 : memref<25x128xf32, #tpu.memory_space<vmem>>) dst(%dma_wait3A_333 : memref<25x128xf32, #tpu.memory_space<vmem_shared>>)
      tpu.yield
    }) : () -> ()
    %mul3A_39 = arith.constant 625 : i32
    %mul3A_40 = arith.muli %arg1, %mul3A_39 : i32
    %add3A_41 = arith.constant 200 : i32
    %add3A_42 = arith.addi %mul3A_40, %add3A_41 : i32
    "tpu.region"() ({
      %run_scoped3A_325 = tpu.sem_alloc : memref<!tpu.dma_semaphore, #tpu.memory_space<semaphore_mem>>
      %dma_start3A_326 = arith.constant 0 : i32
      %dma_start3A_327 = tpu.memref_slice %arg13[%add3A_42, %dma_start3A_326] : memref<10000x128xf32, #tpu.memory_space<vmem_shared>> -> memref<25x128xf32, #tpu.memory_space<vmem_shared>>
      %dma_start3A_328 = arith.constant 0 : i32
      %dma_start3A_329 = tpu.memref_slice %arg13[%add3A_42, %dma_start3A_328] : memref<10000x128xf32, #tpu.memory_space<vmem_shared>> -> memref<25x128xf32, #tpu.memory_space<vmem_shared>>
      tpu.enqueue_dma source(%arg12 : memref<25x128xf32, #tpu.memory_space<vmem>>) target(%dma_start3A_329 : memref<25x128xf32, #tpu.memory_space<vmem_shared>>) target_semaphore(%run_scoped3A_325 : memref<!tpu.dma_semaphore, #tpu.memory_space<semaphore_mem>>)
      %dma_wait3A_330 = arith.constant 0 : i32
      %dma_wait3A_331 = tpu.memref_slice %arg13[%add3A_42, %dma_wait3A_330] : memref<10000x128xf32, #tpu.memory_space<vmem_shared>> -> memref<25x128xf32, #tpu.memory_space<vmem_shared>>
      %dma_wait3A_332 = arith.constant 0 : i32
      %dma_wait3A_333 = tpu.memref_slice %arg13[%add3A_42, %dma_wait3A_332] : memref<10000x128xf32, #tpu.memory_space<vmem_shared>> -> memref<25x128xf32, #tpu.memory_space<vmem_shared>>
      tpu.wait_dma2 semaphore(%run_scoped3A_325 : memref<!tpu.dma_semaphore, #tpu.memory_space<semaphore_mem>>) src(%arg12 : memref<25x128xf32, #tpu.memory_space<vmem>>) dst(%dma_wait3A_333 : memref<25x128xf32, #tpu.memory_space<vmem_shared>>)
      tpu.yield
    }) : () -> ()
    %mul3A_43 = arith.constant 625 : i32
    %mul3A_44 = arith.muli %arg1, %mul3A_43 : i32
    %add3A_45 = arith.constant 225 : i32
    %add3A_46 = arith.addi %mul3A_44, %add3A_45 : i32
    "tpu.region"() ({
      %run_scoped3A_325 = tpu.sem_alloc : memref<!tpu.dma_semaphore, #tpu.memory_space<semaphore_mem>>
      %dma_start3A_326 = arith.constant 0 : i32
      %dma_start3A_327 = tpu.memref_slice %arg13[%add3A_46, %dma_start3A_326] : memref<10000x128xf32, #tpu.memory_space<vmem_shared>> -> memref<25x128xf32, #tpu.memory_space<vmem_shared>>
      %dma_start3A_328 = arith.constant 0 : i32
      %dma_start3A_329 = tpu.memref_slice %arg13[%add3A_46, %dma_start3A_328] : memref<10000x128xf32, #tpu.memory_space<vmem_shared>> -> memref<25x128xf32, #tpu.memory_space<vmem_shared>>
      tpu.enqueue_dma source(%arg12 : memref<25x128xf32, #tpu.memory_space<vmem>>) target(%dma_start3A_329 : memref<25x128xf32, #tpu.memory_space<vmem_shared>>) target_semaphore(%run_scoped3A_325 : memref<!tpu.dma_semaphore, #tpu.memory_space<semaphore_mem>>)
      %dma_wait3A_330 = arith.constant 0 : i32
      %dma_wait3A_331 = tpu.memref_slice %arg13[%add3A_46, %dma_wait3A_330] : memref<10000x128xf32, #tpu.memory_space<vmem_shared>> -> memref<25x128xf32, #tpu.memory_space<vmem_shared>>
      %dma_wait3A_332 = arith.constant 0 : i32
      %dma_wait3A_333 = tpu.memref_slice %arg13[%add3A_46, %dma_wait3A_332] : memref<10000x128xf32, #tpu.memory_space<vmem_shared>> -> memref<25x128xf32, #tpu.memory_space<vmem_shared>>
      tpu.wait_dma2 semaphore(%run_scoped3A_325 : memref<!tpu.dma_semaphore, #tpu.memory_space<semaphore_mem>>) src(%arg12 : memref<25x128xf32, #tpu.memory_space<vmem>>) dst(%dma_wait3A_333 : memref<25x128xf32, #tpu.memory_space<vmem_shared>>)
      tpu.yield
    }) : () -> ()
    %mul3A_47 = arith.constant 625 : i32
    %mul3A_48 = arith.muli %arg1, %mul3A_47 : i32
    %add3A_49 = arith.constant 250 : i32
    %add3A_50 = arith.addi %mul3A_48, %add3A_49 : i32
    "tpu.region"() ({
      %run_scoped3A_325 = tpu.sem_alloc : memref<!tpu.dma_semaphore, #tpu.memory_space<semaphore_mem>>
      %dma_start3A_326 = arith.constant 0 : i32
      %dma_start3A_327 = tpu.memref_slice %arg13[%add3A_50, %dma_start3A_326] : memref<10000x128xf32, #tpu.memory_space<vmem_shared>> -> memref<25x128xf32, #tpu.memory_space<vmem_shared>>
      %dma_start3A_328 = arith.constant 0 : i32
      %dma_start3A_329 = tpu.memref_slice %arg13[%add3A_50, %dma_start3A_328] : memref<10000x128xf32, #tpu.memory_space<vmem_shared>> -> memref<25x128xf32, #tpu.memory_space<vmem_shared>>
      tpu.enqueue_dma source(%arg12 : memref<25x128xf32, #tpu.memory_space<vmem>>) target(%dma_start3A_329 : memref<25x128xf32, #tpu.memory_space<vmem_shared>>) target_semaphore(%run_scoped3A_325 : memref<!tpu.dma_semaphore, #tpu.memory_space<semaphore_mem>>)
      %dma_wait3A_330 = arith.constant 0 : i32
      %dma_wait3A_331 = tpu.memref_slice %arg13[%add3A_50, %dma_wait3A_330] : memref<10000x128xf32, #tpu.memory_space<vmem_shared>> -> memref<25x128xf32, #tpu.memory_space<vmem_shared>>
      %dma_wait3A_332 = arith.constant 0 : i32
      %dma_wait3A_333 = tpu.memref_slice %arg13[%add3A_50, %dma_wait3A_332] : memref<10000x128xf32, #tpu.memory_space<vmem_shared>> -> memref<25x128xf32, #tpu.memory_space<vmem_shared>>
      tpu.wait_dma2 semaphore(%run_scoped3A_325 : memref<!tpu.dma_semaphore, #tpu.memory_space<semaphore_mem>>) src(%arg12 : memref<25x128xf32, #tpu.memory_space<vmem>>) dst(%dma_wait3A_333 : memref<25x128xf32, #tpu.memory_space<vmem_shared>>)
      tpu.yield
    }) : () -> ()
    %mul3A_51 = arith.constant 625 : i32
    %mul3A_52 = arith.muli %arg1, %mul3A_51 : i32
    %add3A_53 = arith.constant 275 : i32
    %add3A_54 = arith.addi %mul3A_52, %add3A_53 : i32
    "tpu.region"() ({
      %run_scoped3A_325 = tpu.sem_alloc : memref<!tpu.dma_semaphore, #tpu.memory_space<semaphore_mem>>
      %dma_start3A_326 = arith.constant 0 : i32
      %dma_start3A_327 = tpu.memref_slice %arg13[%add3A_54, %dma_start3A_326] : memref<10000x128xf32, #tpu.memory_space<vmem_shared>> -> memref<25x128xf32, #tpu.memory_space<vmem_shared>>
      %dma_start3A_328 = arith.constant 0 : i32
      %dma_start3A_329 = tpu.memref_slice %arg13[%add3A_54, %dma_start3A_328] : memref<10000x128xf32, #tpu.memory_space<vmem_shared>> -> memref<25x128xf32, #tpu.memory_space<vmem_shared>>
      tpu.enqueue_dma source(%arg12 : memref<25x128xf32, #tpu.memory_space<vmem>>) target(%dma_start3A_329 : memref<25x128xf32, #tpu.memory_space<vmem_shared>>) target_semaphore(%run_scoped3A_325 : memref<!tpu.dma_semaphore, #tpu.memory_space<semaphore_mem>>)
      %dma_wait3A_330 = arith.constant 0 : i32
      %dma_wait3A_331 = tpu.memref_slice %arg13[%add3A_54, %dma_wait3A_330] : memref<10000x128xf32, #tpu.memory_space<vmem_shared>> -> memref<25x128xf32, #tpu.memory_space<vmem_shared>>
      %dma_wait3A_332 = arith.constant 0 : i32
      %dma_wait3A_333 = tpu.memref_slice %arg13[%add3A_54, %dma_wait3A_332] : memref<10000x128xf32, #tpu.memory_space<vmem_shared>> -> memref<25x128xf32, #tpu.memory_space<vmem_shared>>
      tpu.wait_dma2 semaphore(%run_scoped3A_325 : memref<!tpu.dma_semaphore, #tpu.memory_space<semaphore_mem>>) src(%arg12 : memref<25x128xf32, #tpu.memory_space<vmem>>) dst(%dma_wait3A_333 : memref<25x128xf32, #tpu.memory_space<vmem_shared>>)
      tpu.yield
    }) : () -> ()
    %mul3A_55 = arith.constant 625 : i32
    %mul3A_56 = arith.muli %arg1, %mul3A_55 : i32
    %add3A_57 = arith.constant 300 : i32
    %add3A_58 = arith.addi %mul3A_56, %add3A_57 : i32
    "tpu.region"() ({
      %run_scoped3A_325 = tpu.sem_alloc : memref<!tpu.dma_semaphore, #tpu.memory_space<semaphore_mem>>
      %dma_start3A_326 = arith.constant 0 : i32
      %dma_start3A_327 = tpu.memref_slice %arg13[%add3A_58, %dma_start3A_326] : memref<10000x128xf32, #tpu.memory_space<vmem_shared>> -> memref<25x128xf32, #tpu.memory_space<vmem_shared>>
      %dma_start3A_328 = arith.constant 0 : i32
      %dma_start3A_329 = tpu.memref_slice %arg13[%add3A_58, %dma_start3A_328] : memref<10000x128xf32, #tpu.memory_space<vmem_shared>> -> memref<25x128xf32, #tpu.memory_space<vmem_shared>>
      tpu.enqueue_dma source(%arg12 : memref<25x128xf32, #tpu.memory_space<vmem>>) target(%dma_start3A_329 : memref<25x128xf32, #tpu.memory_space<vmem_shared>>) target_semaphore(%run_scoped3A_325 : memref<!tpu.dma_semaphore, #tpu.memory_space<semaphore_mem>>)
      %dma_wait3A_330 = arith.constant 0 : i32
      %dma_wait3A_331 = tpu.memref_slice %arg13[%add3A_58, %dma_wait3A_330] : memref<10000x128xf32, #tpu.memory_space<vmem_shared>> -> memref<25x128xf32, #tpu.memory_space<vmem_shared>>
      %dma_wait3A_332 = arith.constant 0 : i32
      %dma_wait3A_333 = tpu.memref_slice %arg13[%add3A_58, %dma_wait3A_332] : memref<10000x128xf32, #tpu.memory_space<vmem_shared>> -> memref<25x128xf32, #tpu.memory_space<vmem_shared>>
      tpu.wait_dma2 semaphore(%run_scoped3A_325 : memref<!tpu.dma_semaphore, #tpu.memory_space<semaphore_mem>>) src(%arg12 : memref<25x128xf32, #tpu.memory_space<vmem>>) dst(%dma_wait3A_333 : memref<25x128xf32, #tpu.memory_space<vmem_shared>>)
      tpu.yield
    }) : () -> ()
    %mul3A_59 = arith.constant 625 : i32
    %mul3A_60 = arith.muli %arg1, %mul3A_59 : i32
    %add3A_61 = arith.constant 325 : i32
    %add3A_62 = arith.addi %mul3A_60, %add3A_61 : i32
    "tpu.region"() ({
      %run_scoped3A_325 = tpu.sem_alloc : memref<!tpu.dma_semaphore, #tpu.memory_space<semaphore_mem>>
      %dma_start3A_326 = arith.constant 0 : i32
      %dma_start3A_327 = tpu.memref_slice %arg13[%add3A_62, %dma_start3A_326] : memref<10000x128xf32, #tpu.memory_space<vmem_shared>> -> memref<25x128xf32, #tpu.memory_space<vmem_shared>>
      %dma_start3A_328 = arith.constant 0 : i32
      %dma_start3A_329 = tpu.memref_slice %arg13[%add3A_62, %dma_start3A_328] : memref<10000x128xf32, #tpu.memory_space<vmem_shared>> -> memref<25x128xf32, #tpu.memory_space<vmem_shared>>
      tpu.enqueue_dma source(%arg12 : memref<25x128xf32, #tpu.memory_space<vmem>>) target(%dma_start3A_329 : memref<25x128xf32, #tpu.memory_space<vmem_shared>>) target_semaphore(%run_scoped3A_325 : memref<!tpu.dma_semaphore, #tpu.memory_space<semaphore_mem>>)
      %dma_wait3A_330 = arith.constant 0 : i32
      %dma_wait3A_331 = tpu.memref_slice %arg13[%add3A_62, %dma_wait3A_330] : memref<10000x128xf32, #tpu.memory_space<vmem_shared>> -> memref<25x128xf32, #tpu.memory_space<vmem_shared>>
      %dma_wait3A_332 = arith.constant 0 : i32
      %dma_wait3A_333 = tpu.memref_slice %arg13[%add3A_62, %dma_wait3A_332] : memref<10000x128xf32, #tpu.memory_space<vmem_shared>> -> memref<25x128xf32, #tpu.memory_space<vmem_shared>>
      tpu.wait_dma2 semaphore(%run_scoped3A_325 : memref<!tpu.dma_semaphore, #tpu.memory_space<semaphore_mem>>) src(%arg12 : memref<25x128xf32, #tpu.memory_space<vmem>>) dst(%dma_wait3A_333 : memref<25x128xf32, #tpu.memory_space<vmem_shared>>)
      tpu.yield
    }) : () -> ()
    %mul3A_63 = arith.constant 625 : i32
    %mul3A_64 = arith.muli %arg1, %mul3A_63 : i32
    %add3A_65 = arith.constant 350 : i32
    %add3A_66 = arith.addi %mul3A_64, %add3A_65 : i32
    "tpu.region"() ({
      %run_scoped3A_325 = tpu.sem_alloc : memref<!tpu.dma_semaphore, #tpu.memory_space<semaphore_mem>>
      %dma_start3A_326 = arith.constant 0 : i32
      %dma_start3A_327 = tpu.memref_slice %arg13[%add3A_66, %dma_start3A_326] : memref<10000x128xf32, #tpu.memory_space<vmem_shared>> -> memref<25x128xf32, #tpu.memory_space<vmem_shared>>
      %dma_start3A_328 = arith.constant 0 : i32
      %dma_start3A_329 = tpu.memref_slice %arg13[%add3A_66, %dma_start3A_328] : memref<10000x128xf32, #tpu.memory_space<vmem_shared>> -> memref<25x128xf32, #tpu.memory_space<vmem_shared>>
      tpu.enqueue_dma source(%arg12 : memref<25x128xf32, #tpu.memory_space<vmem>>) target(%dma_start3A_329 : memref<25x128xf32, #tpu.memory_space<vmem_shared>>) target_semaphore(%run_scoped3A_325 : memref<!tpu.dma_semaphore, #tpu.memory_space<semaphore_mem>>)
      %dma_wait3A_330 = arith.constant 0 : i32
      %dma_wait3A_331 = tpu.memref_slice %arg13[%add3A_66, %dma_wait3A_330] : memref<10000x128xf32, #tpu.memory_space<vmem_shared>> -> memref<25x128xf32, #tpu.memory_space<vmem_shared>>
      %dma_wait3A_332 = arith.constant 0 : i32
      %dma_wait3A_333 = tpu.memref_slice %arg13[%add3A_66, %dma_wait3A_332] : memref<10000x128xf32, #tpu.memory_space<vmem_shared>> -> memref<25x128xf32, #tpu.memory_space<vmem_shared>>
      tpu.wait_dma2 semaphore(%run_scoped3A_325 : memref<!tpu.dma_semaphore, #tpu.memory_space<semaphore_mem>>) src(%arg12 : memref<25x128xf32, #tpu.memory_space<vmem>>) dst(%dma_wait3A_333 : memref<25x128xf32, #tpu.memory_space<vmem_shared>>)
      tpu.yield
    }) : () -> ()
    %mul3A_67 = arith.constant 625 : i32
    %mul3A_68 = arith.muli %arg1, %mul3A_67 : i32
    %add3A_69 = arith.constant 375 : i32
    %add3A_70 = arith.addi %mul3A_68, %add3A_69 : i32
    "tpu.region"() ({
      %run_scoped3A_325 = tpu.sem_alloc : memref<!tpu.dma_semaphore, #tpu.memory_space<semaphore_mem>>
      %dma_start3A_326 = arith.constant 0 : i32
      %dma_start3A_327 = tpu.memref_slice %arg13[%add3A_70, %dma_start3A_326] : memref<10000x128xf32, #tpu.memory_space<vmem_shared>> -> memref<25x128xf32, #tpu.memory_space<vmem_shared>>
      %dma_start3A_328 = arith.constant 0 : i32
      %dma_start3A_329 = tpu.memref_slice %arg13[%add3A_70, %dma_start3A_328] : memref<10000x128xf32, #tpu.memory_space<vmem_shared>> -> memref<25x128xf32, #tpu.memory_space<vmem_shared>>
      tpu.enqueue_dma source(%arg12 : memref<25x128xf32, #tpu.memory_space<vmem>>) target(%dma_start3A_329 : memref<25x128xf32, #tpu.memory_space<vmem_shared>>) target_semaphore(%run_scoped3A_325 : memref<!tpu.dma_semaphore, #tpu.memory_space<semaphore_mem>>)
      %dma_wait3A_330 = arith.constant 0 : i32
      %dma_wait3A_331 = tpu.memref_slice %arg13[%add3A_70, %dma_wait3A_330] : memref<10000x128xf32, #tpu.memory_space<vmem_shared>> -> memref<25x128xf32, #tpu.memory_space<vmem_shared>>
      %dma_wait3A_332 = arith.constant 0 : i32
      %dma_wait3A_333 = tpu.memref_slice %arg13[%add3A_70, %dma_wait3A_332] : memref<10000x128xf32, #tpu.memory_space<vmem_shared>> -> memref<25x128xf32, #tpu.memory_space<vmem_shared>>
      tpu.wait_dma2 semaphore(%run_scoped3A_325 : memref<!tpu.dma_semaphore, #tpu.memory_space<semaphore_mem>>) src(%arg12 : memref<25x128xf32, #tpu.memory_space<vmem>>) dst(%dma_wait3A_333 : memref<25x128xf32, #tpu.memory_space<vmem_shared>>)
      tpu.yield
    }) : () -> ()
    %mul3A_71 = arith.constant 625 : i32
    %mul3A_72 = arith.muli %arg1, %mul3A_71 : i32
    %add3A_73 = arith.constant 400 : i32
    %add3A_74 = arith.addi %mul3A_72, %add3A_73 : i32
    "tpu.region"() ({
      %run_scoped3A_325 = tpu.sem_alloc : memref<!tpu.dma_semaphore, #tpu.memory_space<semaphore_mem>>
      %dma_start3A_326 = arith.constant 0 : i32
      %dma_start3A_327 = tpu.memref_slice %arg13[%add3A_74, %dma_start3A_326] : memref<10000x128xf32, #tpu.memory_space<vmem_shared>> -> memref<25x128xf32, #tpu.memory_space<vmem_shared>>
      %dma_start3A_328 = arith.constant 0 : i32
      %dma_start3A_329 = tpu.memref_slice %arg13[%add3A_74, %dma_start3A_328] : memref<10000x128xf32, #tpu.memory_space<vmem_shared>> -> memref<25x128xf32, #tpu.memory_space<vmem_shared>>
      tpu.enqueue_dma source(%arg12 : memref<25x128xf32, #tpu.memory_space<vmem>>) target(%dma_start3A_329 : memref<25x128xf32, #tpu.memory_space<vmem_shared>>) target_semaphore(%run_scoped3A_325 : memref<!tpu.dma_semaphore, #tpu.memory_space<semaphore_mem>>)
      %dma_wait3A_330 = arith.constant 0 : i32
      %dma_wait3A_331 = tpu.memref_slice %arg13[%add3A_74, %dma_wait3A_330] : memref<10000x128xf32, #tpu.memory_space<vmem_shared>> -> memref<25x128xf32, #tpu.memory_space<vmem_shared>>
      %dma_wait3A_332 = arith.constant 0 : i32
      %dma_wait3A_333 = tpu.memref_slice %arg13[%add3A_74, %dma_wait3A_332] : memref<10000x128xf32, #tpu.memory_space<vmem_shared>> -> memref<25x128xf32, #tpu.memory_space<vmem_shared>>
      tpu.wait_dma2 semaphore(%run_scoped3A_325 : memref<!tpu.dma_semaphore, #tpu.memory_space<semaphore_mem>>) src(%arg12 : memref<25x128xf32, #tpu.memory_space<vmem>>) dst(%dma_wait3A_333 : memref<25x128xf32, #tpu.memory_space<vmem_shared>>)
      tpu.yield
    }) : () -> ()
    %mul3A_75 = arith.constant 625 : i32
    %mul3A_76 = arith.muli %arg1, %mul3A_75 : i32
    %add3A_77 = arith.constant 425 : i32
    %add3A_78 = arith.addi %mul3A_76, %add3A_77 : i32
    "tpu.region"() ({
      %run_scoped3A_325 = tpu.sem_alloc : memref<!tpu.dma_semaphore, #tpu.memory_space<semaphore_mem>>
      %dma_start3A_326 = arith.constant 0 : i32
      %dma_start3A_327 = tpu.memref_slice %arg13[%add3A_78, %dma_start3A_326] : memref<10000x128xf32, #tpu.memory_space<vmem_shared>> -> memref<25x128xf32, #tpu.memory_space<vmem_shared>>
      %dma_start3A_328 = arith.constant 0 : i32
      %dma_start3A_329 = tpu.memref_slice %arg13[%add3A_78, %dma_start3A_328] : memref<10000x128xf32, #tpu.memory_space<vmem_shared>> -> memref<25x128xf32, #tpu.memory_space<vmem_shared>>
      tpu.enqueue_dma source(%arg12 : memref<25x128xf32, #tpu.memory_space<vmem>>) target(%dma_start3A_329 : memref<25x128xf32, #tpu.memory_space<vmem_shared>>) target_semaphore(%run_scoped3A_325 : memref<!tpu.dma_semaphore, #tpu.memory_space<semaphore_mem>>)
      %dma_wait3A_330 = arith.constant 0 : i32
      %dma_wait3A_331 = tpu.memref_slice %arg13[%add3A_78, %dma_wait3A_330] : memref<10000x128xf32, #tpu.memory_space<vmem_shared>> -> memref<25x128xf32, #tpu.memory_space<vmem_shared>>
      %dma_wait3A_332 = arith.constant 0 : i32
      %dma_wait3A_333 = tpu.memref_slice %arg13[%add3A_78, %dma_wait3A_332] : memref<10000x128xf32, #tpu.memory_space<vmem_shared>> -> memref<25x128xf32, #tpu.memory_space<vmem_shared>>
      tpu.wait_dma2 semaphore(%run_scoped3A_325 : memref<!tpu.dma_semaphore, #tpu.memory_space<semaphore_mem>>) src(%arg12 : memref<25x128xf32, #tpu.memory_space<vmem>>) dst(%dma_wait3A_333 : memref<25x128xf32, #tpu.memory_space<vmem_shared>>)
      tpu.yield
    }) : () -> ()
    %mul3A_79 = arith.constant 625 : i32
    %mul3A_80 = arith.muli %arg1, %mul3A_79 : i32
    %add3A_81 = arith.constant 450 : i32
    %add3A_82 = arith.addi %mul3A_80, %add3A_81 : i32
    "tpu.region"() ({
      %run_scoped3A_325 = tpu.sem_alloc : memref<!tpu.dma_semaphore, #tpu.memory_space<semaphore_mem>>
      %dma_start3A_326 = arith.constant 0 : i32
      %dma_start3A_327 = tpu.memref_slice %arg13[%add3A_82, %dma_start3A_326] : memref<10000x128xf32, #tpu.memory_space<vmem_shared>> -> memref<25x128xf32, #tpu.memory_space<vmem_shared>>
      %dma_start3A_328 = arith.constant 0 : i32
      %dma_start3A_329 = tpu.memref_slice %arg13[%add3A_82, %dma_start3A_328] : memref<10000x128xf32, #tpu.memory_space<vmem_shared>> -> memref<25x128xf32, #tpu.memory_space<vmem_shared>>
      tpu.enqueue_dma source(%arg12 : memref<25x128xf32, #tpu.memory_space<vmem>>) target(%dma_start3A_329 : memref<25x128xf32, #tpu.memory_space<vmem_shared>>) target_semaphore(%run_scoped3A_325 : memref<!tpu.dma_semaphore, #tpu.memory_space<semaphore_mem>>)
      %dma_wait3A_330 = arith.constant 0 : i32
      %dma_wait3A_331 = tpu.memref_slice %arg13[%add3A_82, %dma_wait3A_330] : memref<10000x128xf32, #tpu.memory_space<vmem_shared>> -> memref<25x128xf32, #tpu.memory_space<vmem_shared>>
      %dma_wait3A_332 = arith.constant 0 : i32
      %dma_wait3A_333 = tpu.memref_slice %arg13[%add3A_82, %dma_wait3A_332] : memref<10000x128xf32, #tpu.memory_space<vmem_shared>> -> memref<25x128xf32, #tpu.memory_space<vmem_shared>>
      tpu.wait_dma2 semaphore(%run_scoped3A_325 : memref<!tpu.dma_semaphore, #tpu.memory_space<semaphore_mem>>) src(%arg12 : memref<25x128xf32, #tpu.memory_space<vmem>>) dst(%dma_wait3A_333 : memref<25x128xf32, #tpu.memory_space<vmem_shared>>)
      tpu.yield
    }) : () -> ()
    %mul3A_83 = arith.constant 625 : i32
    %mul3A_84 = arith.muli %arg1, %mul3A_83 : i32
    %add3A_85 = arith.constant 475 : i32
    %add3A_86 = arith.addi %mul3A_84, %add3A_85 : i32
    "tpu.region"() ({
      %run_scoped3A_325 = tpu.sem_alloc : memref<!tpu.dma_semaphore, #tpu.memory_space<semaphore_mem>>
      %dma_start3A_326 = arith.constant 0 : i32
      %dma_start3A_327 = tpu.memref_slice %arg13[%add3A_86, %dma_start3A_326] : memref<10000x128xf32, #tpu.memory_space<vmem_shared>> -> memref<25x128xf32, #tpu.memory_space<vmem_shared>>
      %dma_start3A_328 = arith.constant 0 : i32
      %dma_start3A_329 = tpu.memref_slice %arg13[%add3A_86, %dma_start3A_328] : memref<10000x128xf32, #tpu.memory_space<vmem_shared>> -> memref<25x128xf32, #tpu.memory_space<vmem_shared>>
      tpu.enqueue_dma source(%arg12 : memref<25x128xf32, #tpu.memory_space<vmem>>) target(%dma_start3A_329 : memref<25x128xf32, #tpu.memory_space<vmem_shared>>) target_semaphore(%run_scoped3A_325 : memref<!tpu.dma_semaphore, #tpu.memory_space<semaphore_mem>>)
      %dma_wait3A_330 = arith.constant 0 : i32
      %dma_wait3A_331 = tpu.memref_slice %arg13[%add3A_86, %dma_wait3A_330] : memref<10000x128xf32, #tpu.memory_space<vmem_shared>> -> memref<25x128xf32, #tpu.memory_space<vmem_shared>>
      %dma_wait3A_332 = arith.constant 0 : i32
      %dma_wait3A_333 = tpu.memref_slice %arg13[%add3A_86, %dma_wait3A_332] : memref<10000x128xf32, #tpu.memory_space<vmem_shared>> -> memref<25x128xf32, #tpu.memory_space<vmem_shared>>
      tpu.wait_dma2 semaphore(%run_scoped3A_325 : memref<!tpu.dma_semaphore, #tpu.memory_space<semaphore_mem>>) src(%arg12 : memref<25x128xf32, #tpu.memory_space<vmem>>) dst(%dma_wait3A_333 : memref<25x128xf32, #tpu.memory_space<vmem_shared>>)
      tpu.yield
    }) : () -> ()
    %mul3A_87 = arith.constant 625 : i32
    %mul3A_88 = arith.muli %arg1, %mul3A_87 : i32
    %add3A_89 = arith.constant 500 : i32
    %add3A_90 = arith.addi %mul3A_88, %add3A_89 : i32
    "tpu.region"() ({
      %run_scoped3A_325 = tpu.sem_alloc : memref<!tpu.dma_semaphore, #tpu.memory_space<semaphore_mem>>
      %dma_start3A_326 = arith.constant 0 : i32
      %dma_start3A_327 = tpu.memref_slice %arg13[%add3A_90, %dma_start3A_326] : memref<10000x128xf32, #tpu.memory_space<vmem_shared>> -> memref<25x128xf32, #tpu.memory_space<vmem_shared>>
      %dma_start3A_328 = arith.constant 0 : i32
      %dma_start3A_329 = tpu.memref_slice %arg13[%add3A_90, %dma_start3A_328] : memref<10000x128xf32, #tpu.memory_space<vmem_shared>> -> memref<25x128xf32, #tpu.memory_space<vmem_shared>>
      tpu.enqueue_dma source(%arg12 : memref<25x128xf32, #tpu.memory_space<vmem>>) target(%dma_start3A_329 : memref<25x128xf32, #tpu.memory_space<vmem_shared>>) target_semaphore(%run_scoped3A_325 : memref<!tpu.dma_semaphore, #tpu.memory_space<semaphore_mem>>)
      %dma_wait3A_330 = arith.constant 0 : i32
      %dma_wait3A_331 = tpu.memref_slice %arg13[%add3A_90, %dma_wait3A_330] : memref<10000x128xf32, #tpu.memory_space<vmem_shared>> -> memref<25x128xf32, #tpu.memory_space<vmem_shared>>
      %dma_wait3A_332 = arith.constant 0 : i32
      %dma_wait3A_333 = tpu.memref_slice %arg13[%add3A_90, %dma_wait3A_332] : memref<10000x128xf32, #tpu.memory_space<vmem_shared>> -> memref<25x128xf32, #tpu.memory_space<vmem_shared>>
      tpu.wait_dma2 semaphore(%run_scoped3A_325 : memref<!tpu.dma_semaphore, #tpu.memory_space<semaphore_mem>>) src(%arg12 : memref<25x128xf32, #tpu.memory_space<vmem>>) dst(%dma_wait3A_333 : memref<25x128xf32, #tpu.memory_space<vmem_shared>>)
      tpu.yield
    }) : () -> ()
    %mul3A_91 = arith.constant 625 : i32
    %mul3A_92 = arith.muli %arg1, %mul3A_91 : i32
    %add3A_93 = arith.constant 525 : i32
    %add3A_94 = arith.addi %mul3A_92, %add3A_93 : i32
    "tpu.region"() ({
      %run_scoped3A_325 = tpu.sem_alloc : memref<!tpu.dma_semaphore, #tpu.memory_space<semaphore_mem>>
      %dma_start3A_326 = arith.constant 0 : i32
      %dma_start3A_327 = tpu.memref_slice %arg13[%add3A_94, %dma_start3A_326] : memref<10000x128xf32, #tpu.memory_space<vmem_shared>> -> memref<25x128xf32, #tpu.memory_space<vmem_shared>>
      %dma_start3A_328 = arith.constant 0 : i32
      %dma_start3A_329 = tpu.memref_slice %arg13[%add3A_94, %dma_start3A_328] : memref<10000x128xf32, #tpu.memory_space<vmem_shared>> -> memref<25x128xf32, #tpu.memory_space<vmem_shared>>
      tpu.enqueue_dma source(%arg12 : memref<25x128xf32, #tpu.memory_space<vmem>>) target(%dma_start3A_329 : memref<25x128xf32, #tpu.memory_space<vmem_shared>>) target_semaphore(%run_scoped3A_325 : memref<!tpu.dma_semaphore, #tpu.memory_space<semaphore_mem>>)
      %dma_wait3A_330 = arith.constant 0 : i32
      %dma_wait3A_331 = tpu.memref_slice %arg13[%add3A_94, %dma_wait3A_330] : memref<10000x128xf32, #tpu.memory_space<vmem_shared>> -> memref<25x128xf32, #tpu.memory_space<vmem_shared>>
      %dma_wait3A_332 = arith.constant 0 : i32
      %dma_wait3A_333 = tpu.memref_slice %arg13[%add3A_94, %dma_wait3A_332] : memref<10000x128xf32, #tpu.memory_space<vmem_shared>> -> memref<25x128xf32, #tpu.memory_space<vmem_shared>>
      tpu.wait_dma2 semaphore(%run_scoped3A_325 : memref<!tpu.dma_semaphore, #tpu.memory_space<semaphore_mem>>) src(%arg12 : memref<25x128xf32, #tpu.memory_space<vmem>>) dst(%dma_wait3A_333 : memref<25x128xf32, #tpu.memory_space<vmem_shared>>)
      tpu.yield
    }) : () -> ()
    %mul3A_95 = arith.constant 625 : i32
    %mul3A_96 = arith.muli %arg1, %mul3A_95 : i32
    %add3A_97 = arith.constant 550 : i32
    %add3A_98 = arith.addi %mul3A_96, %add3A_97 : i32
    "tpu.region"() ({
      %run_scoped3A_325 = tpu.sem_alloc : memref<!tpu.dma_semaphore, #tpu.memory_space<semaphore_mem>>
      %dma_start3A_326 = arith.constant 0 : i32
      %dma_start3A_327 = tpu.memref_slice %arg13[%add3A_98, %dma_start3A_326] : memref<10000x128xf32, #tpu.memory_space<vmem_shared>> -> memref<25x128xf32, #tpu.memory_space<vmem_shared>>
      %dma_start3A_328 = arith.constant 0 : i32
      %dma_start3A_329 = tpu.memref_slice %arg13[%add3A_98, %dma_start3A_328] : memref<10000x128xf32, #tpu.memory_space<vmem_shared>> -> memref<25x128xf32, #tpu.memory_space<vmem_shared>>
      tpu.enqueue_dma source(%arg12 : memref<25x128xf32, #tpu.memory_space<vmem>>) target(%dma_start3A_329 : memref<25x128xf32, #tpu.memory_space<vmem_shared>>) target_semaphore(%run_scoped3A_325 : memref<!tpu.dma_semaphore, #tpu.memory_space<semaphore_mem>>)
      %dma_wait3A_330 = arith.constant 0 : i32
      %dma_wait3A_331 = tpu.memref_slice %arg13[%add3A_98, %dma_wait3A_330] : memref<10000x128xf32, #tpu.memory_space<vmem_shared>> -> memref<25x128xf32, #tpu.memory_space<vmem_shared>>
      %dma_wait3A_332 = arith.constant 0 : i32
      %dma_wait3A_333 = tpu.memref_slice %arg13[%add3A_98, %dma_wait3A_332] : memref<10000x128xf32, #tpu.memory_space<vmem_shared>> -> memref<25x128xf32, #tpu.memory_space<vmem_shared>>
      tpu.wait_dma2 semaphore(%run_scoped3A_325 : memref<!tpu.dma_semaphore, #tpu.memory_space<semaphore_mem>>) src(%arg12 : memref<25x128xf32, #tpu.memory_space<vmem>>) dst(%dma_wait3A_333 : memref<25x128xf32, #tpu.memory_space<vmem_shared>>)
      tpu.yield
    }) : () -> ()
    %mul3A_99 = arith.constant 625 : i32
    %mul3A_100 = arith.muli %arg1, %mul3A_99 : i32
    %add3A_101 = arith.constant 575 : i32
    %add3A_102 = arith.addi %mul3A_100, %add3A_101 : i32
    "tpu.region"() ({
      %run_scoped3A_325 = tpu.sem_alloc : memref<!tpu.dma_semaphore, #tpu.memory_space<semaphore_mem>>
      %dma_start3A_326 = arith.constant 0 : i32
      %dma_start3A_327 = tpu.memref_slice %arg13[%add3A_102, %dma_start3A_326] : memref<10000x128xf32, #tpu.memory_space<vmem_shared>> -> memref<25x128xf32, #tpu.memory_space<vmem_shared>>
      %dma_start3A_328 = arith.constant 0 : i32
      %dma_start3A_329 = tpu.memref_slice %arg13[%add3A_102, %dma_start3A_328] : memref<10000x128xf32, #tpu.memory_space<vmem_shared>> -> memref<25x128xf32, #tpu.memory_space<vmem_shared>>
      tpu.enqueue_dma source(%arg12 : memref<25x128xf32, #tpu.memory_space<vmem>>) target(%dma_start3A_329 : memref<25x128xf32, #tpu.memory_space<vmem_shared>>) target_semaphore(%run_scoped3A_325 : memref<!tpu.dma_semaphore, #tpu.memory_space<semaphore_mem>>)
      %dma_wait3A_330 = arith.constant 0 : i32
      %dma_wait3A_331 = tpu.memref_slice %arg13[%add3A_102, %dma_wait3A_330] : memref<10000x128xf32, #tpu.memory_space<vmem_shared>> -> memref<25x128xf32, #tpu.memory_space<vmem_shared>>
      %dma_wait3A_332 = arith.constant 0 : i32
      %dma_wait3A_333 = tpu.memref_slice %arg13[%add3A_102, %dma_wait3A_332] : memref<10000x128xf32, #tpu.memory_space<vmem_shared>> -> memref<25x128xf32, #tpu.memory_space<vmem_shared>>
      tpu.wait_dma2 semaphore(%run_scoped3A_325 : memref<!tpu.dma_semaphore, #tpu.memory_space<semaphore_mem>>) src(%arg12 : memref<25x128xf32, #tpu.memory_space<vmem>>) dst(%dma_wait3A_333 : memref<25x128xf32, #tpu.memory_space<vmem_shared>>)
      tpu.yield
    }) : () -> ()
    %mul3A_103 = arith.constant 625 : i32
    %mul3A_104 = arith.muli %arg1, %mul3A_103 : i32
    %add3A_105 = arith.constant 600 : i32
    %add3A_106 = arith.addi %mul3A_104, %add3A_105 : i32
    "tpu.region"() ({
      %run_scoped3A_325 = tpu.sem_alloc : memref<!tpu.dma_semaphore, #tpu.memory_space<semaphore_mem>>
      %dma_start3A_326 = arith.constant 0 : i32
      %dma_start3A_327 = tpu.memref_slice %arg13[%add3A_106, %dma_start3A_326] : memref<10000x128xf32, #tpu.memory_space<vmem_shared>> -> memref<25x128xf32, #tpu.memory_space<vmem_shared>>
      %dma_start3A_328 = arith.constant 0 : i32
      %dma_start3A_329 = tpu.memref_slice %arg13[%add3A_106, %dma_start3A_328] : memref<10000x128xf32, #tpu.memory_space<vmem_shared>> -> memref<25x128xf32, #tpu.memory_space<vmem_shared>>
      tpu.enqueue_dma source(%arg12 : memref<25x128xf32, #tpu.memory_space<vmem>>) target(%dma_start3A_329 : memref<25x128xf32, #tpu.memory_space<vmem_shared>>) target_semaphore(%run_scoped3A_325 : memref<!tpu.dma_semaphore, #tpu.memory_space<semaphore_mem>>)
      %dma_wait3A_330 = arith.constant 0 : i32
      %dma_wait3A_331 = tpu.memref_slice %arg13[%add3A_106, %dma_wait3A_330] : memref<10000x128xf32, #tpu.memory_space<vmem_shared>> -> memref<25x128xf32, #tpu.memory_space<vmem_shared>>
      %dma_wait3A_332 = arith.constant 0 : i32
      %dma_wait3A_333 = tpu.memref_slice %arg13[%add3A_106, %dma_wait3A_332] : memref<10000x128xf32, #tpu.memory_space<vmem_shared>> -> memref<25x128xf32, #tpu.memory_space<vmem_shared>>
      tpu.wait_dma2 semaphore(%run_scoped3A_325 : memref<!tpu.dma_semaphore, #tpu.memory_space<semaphore_mem>>) src(%arg12 : memref<25x128xf32, #tpu.memory_space<vmem>>) dst(%dma_wait3A_333 : memref<25x128xf32, #tpu.memory_space<vmem_shared>>)
      tpu.yield
    }) : () -> ()
    %barrier3A = arith.constant 0 : index
    tpu.barrier barrier_id(%barrier3A)
    %mul3A_107 = arith.constant 10112 : i32
    %mul3A_108 = arith.muli %add3A, %mul3A_107 : i32
    "tpu.region"() ({
      %run_scoped3A_325 = tpu.sem_alloc : memref<!tpu.dma_semaphore, #tpu.memory_space<semaphore_mem>>
      %dma_start3A_326 = arith.constant 0 : i32
      %dma_start3A_327 = arith.constant 0 : i32
      %dma_start3A_328 = tpu.memref_slice %arg4[%add3A, %dma_start3A_326, %dma_start3A_327] : memref<32x79x128xi32, #tpu.memory_space<hbm>> -> memref<1x79x128xi32, #tpu.memory_space<hbm>>
      %dma_start3A_329 = tpu.memref_squeeze %dma_start3A_328 : memref<1x79x128xi32, #tpu.memory_space<hbm>> -> memref<79x128xi32, #tpu.memory_space<hbm>>
      %dma_start3A_330 = arith.constant 0 : i32
      %dma_start3A_331 = arith.constant 0 : i32
      %dma_start3A_332 = tpu.memref_slice %arg4[%add3A, %dma_start3A_330, %dma_start3A_331] : memref<32x79x128xi32, #tpu.memory_space<hbm>> -> memref<1x79x128xi32, #tpu.memory_space<hbm>>
      %dma_start3A_333 = tpu.memref_squeeze %dma_start3A_332 : memref<1x79x128xi32, #tpu.memory_space<hbm>> -> memref<79x128xi32, #tpu.memory_space<hbm>>
      tpu.enqueue_dma source(%dma_start3A_333 : memref<79x128xi32, #tpu.memory_space<hbm>>) target(%arg9 : memref<79x128xi32, #tpu.memory_space<vmem>>) target_semaphore(%run_scoped3A_325 : memref<!tpu.dma_semaphore, #tpu.memory_space<semaphore_mem>>)
      %dma_wait3A_334 = arith.constant 0 : i32
      %dma_wait3A_335 = arith.constant 0 : i32
      %dma_wait3A_336 = tpu.memref_slice %arg4[%add3A, %dma_wait3A_334, %dma_wait3A_335] : memref<32x79x128xi32, #tpu.memory_space<hbm>> -> memref<1x79x128xi32, #tpu.memory_space<hbm>>
      %dma_wait3A_337 = tpu.memref_squeeze %dma_wait3A_336 : memref<1x79x128xi32, #tpu.memory_space<hbm>> -> memref<79x128xi32, #tpu.memory_space<hbm>>
      %dma_wait3A_338 = arith.constant 0 : i32
      %dma_wait3A_339 = arith.constant 0 : i32
      %dma_wait3A_340 = tpu.memref_slice %arg4[%add3A, %dma_wait3A_338, %dma_wait3A_339] : memref<32x79x128xi32, #tpu.memory_space<hbm>> -> memref<1x79x128xi32, #tpu.memory_space<hbm>>
      %dma_wait3A_341 = tpu.memref_squeeze %dma_wait3A_340 : memref<1x79x128xi32, #tpu.memory_space<hbm>> -> memref<79x128xi32, #tpu.memory_space<hbm>>
      tpu.wait_dma2 semaphore(%run_scoped3A_325 : memref<!tpu.dma_semaphore, #tpu.memory_space<semaphore_mem>>) src(%dma_wait3A_341 : memref<79x128xi32, #tpu.memory_space<hbm>>) dst(%arg9 : memref<79x128xi32, #tpu.memory_space<vmem>>)
      tpu.yield
    }) : () -> ()
    %scan3A_109 = arith.constant 0 : i32
    %scan3A_110 = arith.constant 0 : i32
    %scan3A_111 = arith.constant 128 : i32
    %scan3A_112 = arith.addi %scan3A_110, %scan3A_111 : i32
    %scan3A_113 = arith.constant 1 : i32
    %scan3A_114 = scf.for %scan3A_325 = %scan3A_110 to %scan3A_112 step %scan3A_113 iter_args(%scan3A_326 = %scan3A_109) -> (i32)  : i32 {
      %broadcast_in_dim3A = arith.constant 0.000000e+00 : f32
      %broadcast_in_dim3A_327 = vector.broadcast %broadcast_in_dim3A : f32 to vector<16xf32>
      %swap3A = arith.index_cast %scan3A_325 : i32 to index
      %swap3A_328 = arith.constant 0 : index
      %swap3A_329 = tpu.vector_load %arg11[%swap3A, %swap3A_328] {strides = array<i32>} : memref<128x128xf32, #tpu.memory_space<vmem>>, vector<16xf32>,
      tpu.vector_store %arg11[%swap3A, %swap3A_328], %broadcast_in_dim3A_327 {strides = array<i32>} : memref<128x128xf32, #tpu.memory_space<vmem>>, vector<16xf32>,
      %broadcast_in_dim3A_330 = arith.constant 0.000000e+00 : f32
      %broadcast_in_dim3A_331 = vector.broadcast %broadcast_in_dim3A_330 : f32 to vector<16xf32>
      %swap3A_332 = arith.index_cast %scan3A_325 : i32 to index
      %swap3A_333 = arith.constant 16 : index
      %swap3A_334 = tpu.vector_load %arg11[%swap3A_332, %swap3A_333] {strides = array<i32>} : memref<128x128xf32, #tpu.memory_space<vmem>>, vector<16xf32>,
      tpu.vector_store %arg11[%swap3A_332, %swap3A_333], %broadcast_in_dim3A_331 {strides = array<i32>} : memref<128x128xf32, #tpu.memory_space<vmem>>, vector<16xf32>,
      %broadcast_in_dim3A_335 = arith.constant 0.000000e+00 : f32
      %broadcast_in_dim3A_336 = vector.broadcast %broadcast_in_dim3A_335 : f32 to vector<16xf32>
      %swap3A_337 = arith.index_cast %scan3A_325 : i32 to index
      %swap3A_338 = arith.constant 32 : index
      %swap3A_339 = tpu.vector_load %arg11[%swap3A_337, %swap3A_338] {strides = array<i32>} : memref<128x128xf32, #tpu.memory_space<vmem>>, vector<16xf32>,
      tpu.vector_store %arg11[%swap3A_337, %swap3A_338], %broadcast_in_dim3A_336 {strides = array<i32>} : memref<128x128xf32, #tpu.memory_space<vmem>>, vector<16xf32>,
      %broadcast_in_dim3A_340 = arith.constant 0.000000e+00 : f32
      %broadcast_in_dim3A_341 = vector.broadcast %broadcast_in_dim3A_340 : f32 to vector<16xf32>
      %swap3A_342 = arith.index_cast %scan3A_325 : i32 to index
      %swap3A_343 = arith.constant 48 : index
      %swap3A_344 = tpu.vector_load %arg11[%swap3A_342, %swap3A_343] {strides = array<i32>} : memref<128x128xf32, #tpu.memory_space<vmem>>, vector<16xf32>,
      tpu.vector_store %arg11[%swap3A_342, %swap3A_343], %broadcast_in_dim3A_341 {strides = array<i32>} : memref<128x128xf32, #tpu.memory_space<vmem>>, vector<16xf32>,
      %broadcast_in_dim3A_345 = arith.constant 0.000000e+00 : f32
      %broadcast_in_dim3A_346 = vector.broadcast %broadcast_in_dim3A_345 : f32 to vector<16xf32>
      %swap3A_347 = arith.index_cast %scan3A_325 : i32 to index
      %swap3A_348 = arith.constant 64 : index
      %swap3A_349 = tpu.vector_load %arg11[%swap3A_347, %swap3A_348] {strides = array<i32>} : memref<128x128xf32, #tpu.memory_space<vmem>>, vector<16xf32>,
      tpu.vector_store %arg11[%swap3A_347, %swap3A_348], %broadcast_in_dim3A_346 {strides = array<i32>} : memref<128x128xf32, #tpu.memory_space<vmem>>, vector<16xf32>,
      %broadcast_in_dim3A_350 = arith.constant 0.000000e+00 : f32
      %broadcast_in_dim3A_351 = vector.broadcast %broadcast_in_dim3A_350 : f32 to vector<16xf32>
      %swap3A_352 = arith.index_cast %scan3A_325 : i32 to index
      %swap3A_353 = arith.constant 80 : index
      %swap3A_354 = tpu.vector_load %arg11[%swap3A_352, %swap3A_353] {strides = array<i32>} : memref<128x128xf32, #tpu.memory_space<vmem>>, vector<16xf32>,
      tpu.vector_store %arg11[%swap3A_352, %swap3A_353], %broadcast_in_dim3A_351 {strides = array<i32>} : memref<128x128xf32, #tpu.memory_space<vmem>>, vector<16xf32>,
      %broadcast_in_dim3A_355 = arith.constant 0.000000e+00 : f32
      %broadcast_in_dim3A_356 = vector.broadcast %broadcast_in_dim3A_355 : f32 to vector<16xf32>
      %swap3A_357 = arith.index_cast %scan3A_325 : i32 to index
      %swap3A_358 = arith.constant 96 : index
      %swap3A_359 = tpu.vector_load %arg11[%swap3A_357, %swap3A_358] {strides = array<i32>} : memref<128x128xf32, #tpu.memory_space<vmem>>, vector<16xf32>,
      tpu.vector_store %arg11[%swap3A_357, %swap3A_358], %broadcast_in_dim3A_356 {strides = array<i32>} : memref<128x128xf32, #tpu.memory_space<vmem>>, vector<16xf32>,
      %broadcast_in_dim3A_360 = arith.constant 0.000000e+00 : f32
      %broadcast_in_dim3A_361 = vector.broadcast %broadcast_in_dim3A_360 : f32 to vector<16xf32>
      %swap3A_362 = arith.index_cast %scan3A_325 : i32 to index
      %swap3A_363 = arith.constant 112 : index
      %swap3A_364 = tpu.vector_load %arg11[%swap3A_362, %swap3A_363] {strides = array<i32>} : memref<128x128xf32, #tpu.memory_space<vmem>>, vector<16xf32>,
      tpu.vector_store %arg11[%swap3A_362, %swap3A_363], %broadcast_in_dim3A_361 {strides = array<i32>} : memref<128x128xf32, #tpu.memory_space<vmem>>, vector<16xf32>,
      %scan3A_365 = arith.constant 0 : i32
      scf.yield %scan3A_365 : i32
    }
    %scan3A_115 = arith.constant 128 : i32
    %add3A_116 = arith.constant 0 : i32
    %add3A_117 = arith.addi %mul3A_108, %add3A_116 : i32
    %run_scoped3A = arith.constant 0 : i32
    "tpu.region"() ({
      %run_scoped3A_325 = tpu.sem_alloc : memref<!tpu.dma_semaphore, #tpu.memory_space<semaphore_mem>>
      %dma_start3A_326 = arith.constant 0 : i32
      %dma_start3A_327 = tpu.memref_slice %arg7[%run_scoped3A, %dma_start3A_326] : memref<2x128xi32, #tpu.memory_space<vmem>> -> memref<1x128xi32, #tpu.memory_space<vmem>>
      %dma_start3A_328 = tpu.memref_squeeze %dma_start3A_327 : memref<1x128xi32, #tpu.memory_space<vmem>> -> memref<128xi32, #tpu.memory_space<vmem>>
      %dma_start3A_329 = tpu.memref_slice %arg3[%add3A_117] : memref<323584xi32, #tpu.memory_space<hbm>> -> memref<128xi32, #tpu.memory_space<hbm>>
      %dma_start3A_330 = arith.constant 0 : i32
      %dma_start3A_331 = tpu.memref_slice %arg7[%run_scoped3A, %dma_start3A_330] : memref<2x128xi32, #tpu.memory_space<vmem>> -> memref<1x128xi32, #tpu.memory_space<vmem>>
      %dma_start3A_332 = tpu.memref_squeeze %dma_start3A_331 : memref<1x128xi32, #tpu.memory_space<vmem>> -> memref<128xi32, #tpu.memory_space<vmem>>
      %dma_start3A_333 = tpu.memref_slice %arg3[%add3A_117] : memref<323584xi32, #tpu.memory_space<hbm>> -> memref<128xi32, #tpu.memory_space<hbm>>
      tpu.enqueue_dma source(%dma_start3A_333 : memref<128xi32, #tpu.memory_space<hbm>>) target(%dma_start3A_332 : memref<128xi32, #tpu.memory_space<vmem>>) target_semaphore(%run_scoped3A_325 : memref<!tpu.dma_semaphore, #tpu.memory_space<semaphore_mem>>)
      %dma_wait3A_334 = arith.constant 0 : i32
      %dma_wait3A_335 = tpu.memref_slice %arg7[%run_scoped3A, %dma_wait3A_334] : memref<2x128xi32, #tpu.memory_space<vmem>> -> memref<1x128xi32, #tpu.memory_space<vmem>>
      %dma_wait3A_336 = tpu.memref_squeeze %dma_wait3A_335 : memref<1x128xi32, #tpu.memory_space<vmem>> -> memref<128xi32, #tpu.memory_space<vmem>>
      %dma_wait3A_337 = tpu.memref_slice %arg3[%add3A_117] : memref<323584xi32, #tpu.memory_space<hbm>> -> memref<128xi32, #tpu.memory_space<hbm>>
      %dma_wait3A_338 = arith.constant 0 : i32
      %dma_wait3A_339 = tpu.memref_slice %arg7[%run_scoped3A, %dma_wait3A_338] : memref<2x128xi32, #tpu.memory_space<vmem>> -> memref<1x128xi32, #tpu.memory_space<vmem>>
      %dma_wait3A_340 = tpu.memref_squeeze %dma_wait3A_339 : memref<1x128xi32, #tpu.memory_space<vmem>> -> memref<128xi32, #tpu.memory_space<vmem>>
      %dma_wait3A_341 = tpu.memref_slice %arg3[%add3A_117] : memref<323584xi32, #tpu.memory_space<hbm>> -> memref<128xi32, #tpu.memory_space<hbm>>
      tpu.wait_dma2 semaphore(%run_scoped3A_325 : memref<!tpu.dma_semaphore, #tpu.memory_space<semaphore_mem>>) src(%dma_wait3A_341 : memref<128xi32, #tpu.memory_space<hbm>>) dst(%dma_wait3A_340 : memref<128xi32, #tpu.memory_space<vmem>>)
      tpu.yield
    }) : () -> ()
    %add3A_118 = arith.constant 0 : i32
    %add3A_119 = arith.addi %mul3A_108, %add3A_118 : i32
    "tpu.region"() ({
      %run_scoped3A_325 = tpu.sem_alloc : memref<!tpu.dma_semaphore, #tpu.memory_space<semaphore_mem>>
      %dma_start3A_326 = arith.constant 0 : i32
      %dma_start3A_327 = tpu.memref_slice %arg8[%dma_start3A_326] : memref<256xf32, #tpu.memory_space<vmem>> -> memref<128xf32, #tpu.memory_space<vmem>>
      %dma_start3A_328 = tpu.memref_slice %arg5[%add3A_119] : memref<323584xf32, #tpu.memory_space<hbm>> -> memref<128xf32, #tpu.memory_space<hbm>>
      %dma_start3A_329 = arith.constant 0 : i32
      %dma_start3A_330 = tpu.memref_slice %arg8[%dma_start3A_329] : memref<256xf32, #tpu.memory_space<vmem>> -> memref<128xf32, #tpu.memory_space<vmem>>
      %dma_start3A_331 = tpu.memref_slice %arg5[%add3A_119] : memref<323584xf32, #tpu.memory_space<hbm>> -> memref<128xf32, #tpu.memory_space<hbm>>
      tpu.enqueue_dma source(%dma_start3A_331 : memref<128xf32, #tpu.memory_space<hbm>>) target(%dma_start3A_330 : memref<128xf32, #tpu.memory_space<vmem>>) target_semaphore(%run_scoped3A_325 : memref<!tpu.dma_semaphore, #tpu.memory_space<semaphore_mem>>)
      %dma_wait3A_332 = arith.constant 0 : i32
      %dma_wait3A_333 = tpu.memref_slice %arg8[%dma_wait3A_332] : memref<256xf32, #tpu.memory_space<vmem>> -> memref<128xf32, #tpu.memory_space<vmem>>
      %dma_wait3A_334 = tpu.memref_slice %arg5[%add3A_119] : memref<323584xf32, #tpu.memory_space<hbm>> -> memref<128xf32, #tpu.memory_space<hbm>>
      %dma_wait3A_335 = arith.constant 0 : i32
      %dma_wait3A_336 = tpu.memref_slice %arg8[%dma_wait3A_335] : memref<256xf32, #tpu.memory_space<vmem>> -> memref<128xf32, #tpu.memory_space<vmem>>
      %dma_wait3A_337 = tpu.memref_slice %arg5[%add3A_119] : memref<323584xf32, #tpu.memory_space<hbm>> -> memref<128xf32, #tpu.memory_space<hbm>>
      tpu.wait_dma2 semaphore(%run_scoped3A_325 : memref<!tpu.dma_semaphore, #tpu.memory_space<semaphore_mem>>) src(%dma_wait3A_337 : memref<128xf32, #tpu.memory_space<hbm>>) dst(%dma_wait3A_336 : memref<128xf32, #tpu.memory_space<vmem>>)
      tpu.yield
    }) : () -> ()
    %dma_start3A = arith.constant 0 : i32
    %dma_start3A_120 = arith.constant 0 : i32
    %dma_start3A_121 = tpu.memref_slice %arg7[%dma_start3A, %dma_start3A_120] : memref<2x128xi32, #tpu.memory_space<vmem>> -> memref<1x128xi32, #tpu.memory_space<vmem>>
    %dma_start3A_122 = tpu.memref_squeeze %dma_start3A_121 : memref<1x128xi32, #tpu.memory_space<vmem>> -> memref<128xi32, #tpu.memory_space<vmem>>
    %dma_start3A_123 = arith.constant 0 : i32
    %dma_start3A_124 = arith.constant 0 : i32
    %dma_start3A_125 = tpu.memref_slice %arg2[%dma_start3A_123, %dma_start3A_124] : memref<10000x128xf32, #tpu.memory_space<hbm>> -> memref<10000x128xf32, #tpu.memory_space<hbm>>
    tpu.enqueue_indirect_dma source(%dma_start3A_125 : memref<10000x128xf32, #tpu.memory_space<hbm>>) target(%arg10 : memref<128x128xf32, #tpu.memory_space<vmem>>) offsets(%dma_start3A_122 : memref<128xi32, #tpu.memory_space<vmem>>) semaphore(%arg14 : memref<!tpu.dma_semaphore, #tpu.memory_space<semaphore_mem>>)
    %add3A_126 = arith.constant 128 : i32
    %add3A_127 = arith.addi %mul3A_108, %add3A_126 : i32
    %dma_start3A_128 = arith.constant 1 : i32
    %dma_start3A_129 = arith.constant 0 : i32
    %dma_start3A_130 = tpu.memref_slice %arg7[%dma_start3A_128, %dma_start3A_129] : memref<2x128xi32, #tpu.memory_space<vmem>> -> memref<1x128xi32, #tpu.memory_space<vmem>>
    %dma_start3A_131 = tpu.memref_squeeze %dma_start3A_130 : memref<1x128xi32, #tpu.memory_space<vmem>> -> memref<128xi32, #tpu.memory_space<vmem>>
    %dma_start3A_132 = tpu.memref_slice %arg3[%add3A_127] : memref<323584xi32, #tpu.memory_space<hbm>> -> memref<128xi32, #tpu.memory_space<hbm>>
    %dma_start3A_133 = arith.constant 0 : i32
    %dma_start3A_134 = tpu.memref_slice %arg7[%dma_start3A_128, %dma_start3A_133] : memref<2x128xi32, #tpu.memory_space<vmem>> -> memref<1x128xi32, #tpu.memory_space<vmem>>
    %dma_start3A_135 = tpu.memref_squeeze %dma_start3A_134 : memref<1x128xi32, #tpu.memory_space<vmem>> -> memref<128xi32, #tpu.memory_space<vmem>>
    %dma_start3A_136 = tpu.memref_slice %arg3[%add3A_127] : memref<323584xi32, #tpu.memory_space<hbm>> -> memref<128xi32, #tpu.memory_space<hbm>>
    tpu.enqueue_dma source(%dma_start3A_136 : memref<128xi32, #tpu.memory_space<hbm>>) target(%dma_start3A_135 : memref<128xi32, #tpu.memory_space<vmem>>) target_semaphore(%arg19 : memref<!tpu.dma_semaphore, #tpu.memory_space<semaphore_mem>>)
    %add3A_137 = arith.constant 128 : i32
    %add3A_138 = arith.addi %mul3A_108, %add3A_137 : i32
    %dma_start3A_139 = arith.constant 128 : i32
    %dma_start3A_140 = tpu.memref_slice %arg8[%dma_start3A_139] : memref<256xf32, #tpu.memory_space<vmem>> -> memref<128xf32, #tpu.memory_space<vmem>>
    %dma_start3A_141 = tpu.memref_slice %arg5[%add3A_138] : memref<323584xf32, #tpu.memory_space<hbm>> -> memref<128xf32, #tpu.memory_space<hbm>>
    %dma_start3A_142 = arith.constant 128 : i32
    %dma_start3A_143 = tpu.memref_slice %arg8[%dma_start3A_142] : memref<256xf32, #tpu.memory_space<vmem>> -> memref<128xf32, #tpu.memory_space<vmem>>
    %dma_start3A_144 = tpu.memref_slice %arg5[%add3A_138] : memref<323584xf32, #tpu.memory_space<hbm>> -> memref<128xf32, #tpu.memory_space<hbm>>
    tpu.enqueue_dma source(%dma_start3A_144 : memref<128xf32, #tpu.memory_space<hbm>>) target(%dma_start3A_143 : memref<128xf32, #tpu.memory_space<vmem>>) target_semaphore(%arg19 : memref<!tpu.dma_semaphore, #tpu.memory_space<semaphore_mem>>)
    %dma_start3A_145 = arith.constant 0 : i32
    %dma_start3A_146 = arith.constant 0 : i32
    %dma_start3A_147 = tpu.memref_slice %arg9[%dma_start3A_145, %dma_start3A_146] : memref<79x128xi32, #tpu.memory_space<vmem>> -> memref<1x128xi32, #tpu.memory_space<vmem>>
    %dma_start3A_148 = tpu.memref_squeeze %dma_start3A_147 : memref<1x128xi32, #tpu.memory_space<vmem>> -> memref<128xi32, #tpu.memory_space<vmem>>
    %dma_start3A_149 = arith.constant 0 : i32
    %dma_start3A_150 = arith.constant 0 : i32
    %dma_start3A_151 = tpu.memref_slice %arg13[%dma_start3A_149, %dma_start3A_150] : memref<10000x128xf32, #tpu.memory_space<vmem_shared>> -> memref<10000x128xf32, #tpu.memory_space<vmem_shared>>
    tpu.enqueue_indirect_dma source(%arg11 : memref<128x128xf32, #tpu.memory_space<vmem>>) target(%dma_start3A_151 : memref<10000x128xf32, #tpu.memory_space<vmem_shared>>) offsets(%dma_start3A_148 : memref<128xi32, #tpu.memory_space<vmem>>) semaphore(%arg17 : memref<!tpu.dma_semaphore, #tpu.memory_space<semaphore_mem>>) {add = true}
    %scan3A_152 = arith.constant 0 : i32
    %scan3A_153 = arith.constant 0 : i32
    %scan3A_154 = arith.constant 38 : i32
    %scan3A_155 = arith.addi %scan3A_153, %scan3A_154 : i32
    %scan3A_156 = arith.constant 1 : i32
    %scan3A_157 = scf.for %scan3A_325 = %scan3A_153 to %scan3A_155 step %scan3A_156 iter_args(%scan3A_326 = %scan3A_152) -> (i32)  : i32 {
      %dma_wait3A_327 = arith.constant 0 : i32
      %dma_wait3A_328 = arith.constant 0 : i32
      %dma_wait3A_329 = tpu.memref_slice %arg9[%dma_wait3A_327, %dma_wait3A_328] : memref<79x128xi32, #tpu.memory_space<vmem>> -> memref<1x128xi32, #tpu.memory_space<vmem>>
      %dma_wait3A_330 = tpu.memref_squeeze %dma_wait3A_329 : memref<1x128xi32, #tpu.memory_space<vmem>> -> memref<128xi32, #tpu.memory_space<vmem>>
      %dma_wait3A_331 = arith.constant 0 : i32
      %dma_wait3A_332 = arith.constant 0 : i32
      %dma_wait3A_333 = tpu.memref_slice %arg13[%dma_wait3A_331, %dma_wait3A_332] : memref<10000x128xf32, #tpu.memory_space<vmem_shared>> -> memref<10000x128xf32, #tpu.memory_space<vmem_shared>>
      tpu.wait_indirect_dma semaphore(%arg17 : memref<!tpu.dma_semaphore, #tpu.memory_space<semaphore_mem>>) src(%arg11 : memref<128x128xf32, #tpu.memory_space<vmem>>) dst(%dma_wait3A_333 : memref<10000x128xf32, #tpu.memory_space<vmem_shared>>)
      %dma_wait3A_334 = arith.constant 1 : i32
      %dma_wait3A_335 = arith.constant 0 : i32
      %dma_wait3A_336 = tpu.memref_slice %arg7[%dma_wait3A_334, %dma_wait3A_335] : memref<2x128xi32, #tpu.memory_space<vmem>> -> memref<1x128xi32, #tpu.memory_space<vmem>>
      %dma_wait3A_337 = tpu.memref_squeeze %dma_wait3A_336 : memref<1x128xi32, #tpu.memory_space<vmem>> -> memref<128xi32, #tpu.memory_space<vmem>>
      %dma_wait3A_338 = arith.constant 0 : i32
      %dma_wait3A_339 = tpu.memref_slice %arg3[%dma_wait3A_338] : memref<323584xi32, #tpu.memory_space<hbm>> -> memref<128xi32, #tpu.memory_space<hbm>>
      %dma_wait3A_340 = arith.constant 0 : i32
      %dma_wait3A_341 = tpu.memref_slice %arg7[%dma_wait3A_334, %dma_wait3A_340] : memref<2x128xi32, #tpu.memory_space<vmem>> -> memref<1x128xi32, #tpu.memory_space<vmem>>
      %dma_wait3A_342 = tpu.memref_squeeze %dma_wait3A_341 : memref<1x128xi32, #tpu.memory_space<vmem>> -> memref<128xi32, #tpu.memory_space<vmem>>
      %dma_wait3A_343 = arith.constant 0 : i32
      %dma_wait3A_344 = tpu.memref_slice %arg3[%dma_wait3A_343] : memref<323584xi32, #tpu.memory_space<hbm>> -> memref<128xi32, #tpu.memory_space<hbm>>
      tpu.wait_dma2 semaphore(%arg19 : memref<!tpu.dma_semaphore, #tpu.memory_space<semaphore_mem>>) src(%dma_wait3A_344 : memref<128xi32, #tpu.memory_space<hbm>>) dst(%dma_wait3A_342 : memref<128xi32, #tpu.memory_space<vmem>>)
      %dma_wait3A_345 = arith.constant 128 : i32
      %dma_wait3A_346 = tpu.memref_slice %arg8[%dma_wait3A_345] : memref<256xf32, #tpu.memory_space<vmem>> -> memref<128xf32, #tpu.memory_space<vmem>>
      %dma_wait3A_347 = arith.constant 0 : i32
      %dma_wait3A_348 = tpu.memref_slice %arg5[%dma_wait3A_347] : memref<323584xf32, #tpu.memory_space<hbm>> -> memref<128xf32, #tpu.memory_space<hbm>>
      %dma_wait3A_349 = arith.constant 128 : i32
      %dma_wait3A_350 = tpu.memref_slice %arg8[%dma_wait3A_349] : memref<256xf32, #tpu.memory_space<vmem>> -> memref<128xf32, #tpu.memory_space<vmem>>
      %dma_wait3A_351 = arith.constant 0 : i32
      %dma_wait3A_352 = tpu.memref_slice %arg5[%dma_wait3A_351] : memref<323584xf32, #tpu.memory_space<hbm>> -> memref<128xf32, #tpu.memory_space<hbm>>
      tpu.wait_dma2 semaphore(%arg19 : memref<!tpu.dma_semaphore, #tpu.memory_space<semaphore_mem>>) src(%dma_wait3A_352 : memref<128xf32, #tpu.memory_space<hbm>>) dst(%dma_wait3A_350 : memref<128xf32, #tpu.memory_space<vmem>>)
      %dma_start3A_353 = arith.constant 1 : i32
      %dma_start3A_354 = arith.constant 0 : i32
      %dma_start3A_355 = tpu.memref_slice %arg7[%dma_start3A_353, %dma_start3A_354] : memref<2x128xi32, #tpu.memory_space<vmem>> -> memref<1x128xi32, #tpu.memory_space<vmem>>
      %dma_start3A_356 = tpu.memref_squeeze %dma_start3A_355 : memref<1x128xi32, #tpu.memory_space<vmem>> -> memref<128xi32, #tpu.memory_space<vmem>>
      %dma_start3A_357 = arith.constant 0 : i32
      %dma_start3A_358 = arith.constant 0 : i32
      %dma_start3A_359 = tpu.memref_slice %arg2[%dma_start3A_357, %dma_start3A_358] : memref<10000x128xf32, #tpu.memory_space<hbm>> -> memref<10000x128xf32, #tpu.memory_space<hbm>>
      tpu.enqueue_indirect_dma source(%dma_start3A_359 : memref<10000x128xf32, #tpu.memory_space<hbm>>) target(%arg11 : memref<128x128xf32, #tpu.memory_space<vmem>>) offsets(%dma_start3A_356 : memref<128xi32, #tpu.memory_space<vmem>>) semaphore(%arg15 : memref<!tpu.dma_semaphore, #tpu.memory_space<semaphore_mem>>)
      %dma_wait3A_360 = arith.constant 0 : i32
      %dma_wait3A_361 = arith.constant 0 : i32
      %dma_wait3A_362 = tpu.memref_slice %arg7[%dma_wait3A_360, %dma_wait3A_361] : memref<2x128xi32, #tpu.memory_space<vmem>> -> memref<1x128xi32, #tpu.memory_space<vmem>>
      %dma_wait3A_363 = tpu.memref_squeeze %dma_wait3A_362 : memref<1x128xi32, #tpu.memory_space<vmem>> -> memref<128xi32, #tpu.memory_space<vmem>>
      %dma_wait3A_364 = arith.constant 0 : i32
      %dma_wait3A_365 = arith.constant 0 : i32
      %dma_wait3A_366 = tpu.memref_slice %arg2[%dma_wait3A_364, %dma_wait3A_365] : memref<10000x128xf32, #tpu.memory_space<hbm>> -> memref<10000x128xf32, #tpu.memory_space<hbm>>
      tpu.wait_indirect_dma semaphore(%arg14 : memref<!tpu.dma_semaphore, #tpu.memory_space<semaphore_mem>>) src(%dma_wait3A_366 : memref<10000x128xf32, #tpu.memory_space<hbm>>) dst(%arg10 : memref<128x128xf32, #tpu.memory_space<vmem>>)
      %scan3A_367 = arith.constant 0 : i32
      %scan3A_368 = arith.constant 0 : i32
      %scan3A_369 = arith.constant 128 : i32
      %scan3A_370 = arith.addi %scan3A_368, %scan3A_369 : i32
      %scan3A_371 = arith.constant 1 : i32
      %scan3A_372 = scf.for %scan3A_490 = %scan3A_368 to %scan3A_370 step %scan3A_371 iter_args(%scan3A_491 = %scan3A_367) -> (i32)  : i32 {
        %add3A_492 = arith.constant 0 : i32
        %add3A_493 = arith.addi %add3A_492, %scan3A_490 : i32
        %broadcast_in_dim3A = vector.broadcast %add3A_493 : i32 to vector<16xi32>
        %gather3A = tpu.vector_load_idx %arg8[%broadcast_in_dim3A] : memref<256xf32, #tpu.memory_space<vmem>>[vector<16xi32>], vector<16xf32>,
        %get3A = arith.index_cast %scan3A_490 : i32 to index
        %get3A_494 = arith.constant 0 : index
        %get3A_495 = tpu.vector_load %arg10[%get3A, %get3A_494] {strides = array<i32>} : memref<128x128xf32, #tpu.memory_space<vmem>>, vector<16xf32>,
        %mul3A_496 = arith.mulf %get3A_495, %gather3A : vector<16xf32>
        %swap3A = arith.index_cast %scan3A_490 : i32 to index
        %swap3A_497 = arith.constant 0 : index
        %swap3A_498 = tpu.vector_load %arg10[%swap3A, %swap3A_497] {strides = array<i32>} : memref<128x128xf32, #tpu.memory_space<vmem>>, vector<16xf32>,
        tpu.vector_store %arg10[%swap3A, %swap3A_497], %mul3A_496 {strides = array<i32>} : memref<128x128xf32, #tpu.memory_space<vmem>>, vector<16xf32>,
        %get3A_499 = arith.index_cast %scan3A_490 : i32 to index
        %get3A_500 = arith.constant 16 : index
        %get3A_501 = tpu.vector_load %arg10[%get3A_499, %get3A_500] {strides = array<i32>} : memref<128x128xf32, #tpu.memory_space<vmem>>, vector<16xf32>,
        %mul3A_502 = arith.mulf %get3A_501, %gather3A : vector<16xf32>
        %swap3A_503 = arith.index_cast %scan3A_490 : i32 to index
        %swap3A_504 = arith.constant 16 : index
        %swap3A_505 = tpu.vector_load %arg10[%swap3A_503, %swap3A_504] {strides = array<i32>} : memref<128x128xf32, #tpu.memory_space<vmem>>, vector<16xf32>,
        tpu.vector_store %arg10[%swap3A_503, %swap3A_504], %mul3A_502 {strides = array<i32>} : memref<128x128xf32, #tpu.memory_space<vmem>>, vector<16xf32>,
        %get3A_506 = arith.index_cast %scan3A_490 : i32 to index
        %get3A_507 = arith.constant 32 : index
        %get3A_508 = tpu.vector_load %arg10[%get3A_506, %get3A_507] {strides = array<i32>} : memref<128x128xf32, #tpu.memory_space<vmem>>, vector<16xf32>,
        %mul3A_509 = arith.mulf %get3A_508, %gather3A : vector<16xf32>
        %swap3A_510 = arith.index_cast %scan3A_490 : i32 to index
        %swap3A_511 = arith.constant 32 : index
        %swap3A_512 = tpu.vector_load %arg10[%swap3A_510, %swap3A_511] {strides = array<i32>} : memref<128x128xf32, #tpu.memory_space<vmem>>, vector<16xf32>,
        tpu.vector_store %arg10[%swap3A_510, %swap3A_511], %mul3A_509 {strides = array<i32>} : memref<128x128xf32, #tpu.memory_space<vmem>>, vector<16xf32>,
        %get3A_513 = arith.index_cast %scan3A_490 : i32 to index
        %get3A_514 = arith.constant 48 : index
        %get3A_515 = tpu.vector_load %arg10[%get3A_513, %get3A_514] {strides = array<i32>} : memref<128x128xf32, #tpu.memory_space<vmem>>, vector<16xf32>,
        %mul3A_516 = arith.mulf %get3A_515, %gather3A : vector<16xf32>
        %swap3A_517 = arith.index_cast %scan3A_490 : i32 to index
        %swap3A_518 = arith.constant 48 : index
        %swap3A_519 = tpu.vector_load %arg10[%swap3A_517, %swap3A_518] {strides = array<i32>} : memref<128x128xf32, #tpu.memory_space<vmem>>, vector<16xf32>,
        tpu.vector_store %arg10[%swap3A_517, %swap3A_518], %mul3A_516 {strides = array<i32>} : memref<128x128xf32, #tpu.memory_space<vmem>>, vector<16xf32>,
        %get3A_520 = arith.index_cast %scan3A_490 : i32 to index
        %get3A_521 = arith.constant 64 : index
        %get3A_522 = tpu.vector_load %arg10[%get3A_520, %get3A_521] {strides = array<i32>} : memref<128x128xf32, #tpu.memory_space<vmem>>, vector<16xf32>,
        %mul3A_523 = arith.mulf %get3A_522, %gather3A : vector<16xf32>
        %swap3A_524 = arith.index_cast %scan3A_490 : i32 to index
        %swap3A_525 = arith.constant 64 : index
        %swap3A_526 = tpu.vector_load %arg10[%swap3A_524, %swap3A_525] {strides = array<i32>} : memref<128x128xf32, #tpu.memory_space<vmem>>, vector<16xf32>,
        tpu.vector_store %arg10[%swap3A_524, %swap3A_525], %mul3A_523 {strides = array<i32>} : memref<128x128xf32, #tpu.memory_space<vmem>>, vector<16xf32>,
        %get3A_527 = arith.index_cast %scan3A_490 : i32 to index
        %get3A_528 = arith.constant 80 : index
        %get3A_529 = tpu.vector_load %arg10[%get3A_527, %get3A_528] {strides = array<i32>} : memref<128x128xf32, #tpu.memory_space<vmem>>, vector<16xf32>,
        %mul3A_530 = arith.mulf %get3A_529, %gather3A : vector<16xf32>
        %swap3A_531 = arith.index_cast %scan3A_490 : i32 to index
        %swap3A_532 = arith.constant 80 : index
        %swap3A_533 = tpu.vector_load %arg10[%swap3A_531, %swap3A_532] {strides = array<i32>} : memref<128x128xf32, #tpu.memory_space<vmem>>, vector<16xf32>,
        tpu.vector_store %arg10[%swap3A_531, %swap3A_532], %mul3A_530 {strides = array<i32>} : memref<128x128xf32, #tpu.memory_space<vmem>>, vector<16xf32>,
        %get3A_534 = arith.index_cast %scan3A_490 : i32 to index
        %get3A_535 = arith.constant 96 : index
        %get3A_536 = tpu.vector_load %arg10[%get3A_534, %get3A_535] {strides = array<i32>} : memref<128x128xf32, #tpu.memory_space<vmem>>, vector<16xf32>,
        %mul3A_537 = arith.mulf %get3A_536, %gather3A : vector<16xf32>
        %swap3A_538 = arith.index_cast %scan3A_490 : i32 to index
        %swap3A_539 = arith.constant 96 : index
        %swap3A_540 = tpu.vector_load %arg10[%swap3A_538, %swap3A_539] {strides = array<i32>} : memref<128x128xf32, #tpu.memory_space<vmem>>, vector<16xf32>,
        tpu.vector_store %arg10[%swap3A_538, %swap3A_539], %mul3A_537 {strides = array<i32>} : memref<128x128xf32, #tpu.memory_space<vmem>>, vector<16xf32>,
        %get3A_541 = arith.index_cast %scan3A_490 : i32 to index
        %get3A_542 = arith.constant 112 : index
        %get3A_543 = tpu.vector_load %arg10[%get3A_541, %get3A_542] {strides = array<i32>} : memref<128x128xf32, #tpu.memory_space<vmem>>, vector<16xf32>,
        %mul3A_544 = arith.mulf %get3A_543, %gather3A : vector<16xf32>
        %swap3A_545 = arith.index_cast %scan3A_490 : i32 to index
        %swap3A_546 = arith.constant 112 : index
        %swap3A_547 = tpu.vector_load %arg10[%swap3A_545, %swap3A_546] {strides = array<i32>} : memref<128x128xf32, #tpu.memory_space<vmem>>, vector<16xf32>,
        tpu.vector_store %arg10[%swap3A_545, %swap3A_546], %mul3A_544 {strides = array<i32>} : memref<128x128xf32, #tpu.memory_space<vmem>>, vector<16xf32>,
        %scan3A_548 = arith.constant 0 : i32
        scf.yield %scan3A_548 : i32
      }
      %scan3A_373 = arith.constant 128 : i32
      %mul3A_374 = arith.constant 2 : i32
      %mul3A_375 = arith.muli %mul3A_374, %scan3A_325 : i32
      %add3A_376 = arith.constant 2 : i32
      %add3A_377 = arith.addi %mul3A_375, %add3A_376 : i32
      %mul3A_378 = arith.constant 128 : i32
      %mul3A_379 = arith.muli %add3A_377, %mul3A_378 : i32
      %add3A_380 = arith.addi %mul3A_108, %mul3A_379 : i32
      %dma_start3A_381 = arith.constant 0 : i32
      %dma_start3A_382 = arith.constant 0 : i32
      %dma_start3A_383 = tpu.memref_slice %arg7[%dma_start3A_381, %dma_start3A_382] : memref<2x128xi32, #tpu.memory_space<vmem>> -> memref<1x128xi32, #tpu.memory_space<vmem>>
      %dma_start3A_384 = tpu.memref_squeeze %dma_start3A_383 : memref<1x128xi32, #tpu.memory_space<vmem>> -> memref<128xi32, #tpu.memory_space<vmem>>
      %dma_start3A_385 = tpu.memref_slice %arg3[%add3A_380] : memref<323584xi32, #tpu.memory_space<hbm>> -> memref<128xi32, #tpu.memory_space<hbm>>
      %dma_start3A_386 = arith.constant 0 : i32
      %dma_start3A_387 = tpu.memref_slice %arg7[%dma_start3A_381, %dma_start3A_386] : memref<2x128xi32, #tpu.memory_space<vmem>> -> memref<1x128xi32, #tpu.memory_space<vmem>>
      %dma_start3A_388 = tpu.memref_squeeze %dma_start3A_387 : memref<1x128xi32, #tpu.memory_space<vmem>> -> memref<128xi32, #tpu.memory_space<vmem>>
      %dma_start3A_389 = tpu.memref_slice %arg3[%add3A_380] : memref<323584xi32, #tpu.memory_space<hbm>> -> memref<128xi32, #tpu.memory_space<hbm>>
      tpu.enqueue_dma source(%dma_start3A_389 : memref<128xi32, #tpu.memory_space<hbm>>) target(%dma_start3A_388 : memref<128xi32, #tpu.memory_space<vmem>>) target_semaphore(%arg18 : memref<!tpu.dma_semaphore, #tpu.memory_space<semaphore_mem>>)
      %mul3A_390 = arith.constant 128 : i32
      %mul3A_391 = arith.muli %add3A_377, %mul3A_390 : i32
      %add3A_392 = arith.addi %mul3A_108, %mul3A_391 : i32
      %dma_start3A_393 = arith.constant 0 : i32
      %dma_start3A_394 = tpu.memref_slice %arg8[%dma_start3A_393] : memref<256xf32, #tpu.memory_space<vmem>> -> memref<128xf32, #tpu.memory_space<vmem>>
      %dma_start3A_395 = tpu.memref_slice %arg5[%add3A_392] : memref<323584xf32, #tpu.memory_space<hbm>> -> memref<128xf32, #tpu.memory_space<hbm>>
      %dma_start3A_396 = arith.constant 0 : i32
      %dma_start3A_397 = tpu.memref_slice %arg8[%dma_start3A_396] : memref<256xf32, #tpu.memory_space<vmem>> -> memref<128xf32, #tpu.memory_space<vmem>>
      %dma_start3A_398 = tpu.memref_slice %arg5[%add3A_392] : memref<323584xf32, #tpu.memory_space<hbm>> -> memref<128xf32, #tpu.memory_space<hbm>>
      tpu.enqueue_dma source(%dma_start3A_398 : memref<128xf32, #tpu.memory_space<hbm>>) target(%dma_start3A_397 : memref<128xf32, #tpu.memory_space<vmem>>) target_semaphore(%arg18 : memref<!tpu.dma_semaphore, #tpu.memory_space<semaphore_mem>>)
      %mul3A_399 = arith.constant 2 : i32
      %mul3A_400 = arith.muli %mul3A_399, %scan3A_325 : i32
      %dma_start3A_401 = arith.constant 0 : i32
      %dma_start3A_402 = tpu.memref_slice %arg9[%mul3A_400, %dma_start3A_401] : memref<79x128xi32, #tpu.memory_space<vmem>> -> memref<1x128xi32, #tpu.memory_space<vmem>>
      %dma_start3A_403 = tpu.memref_squeeze %dma_start3A_402 : memref<1x128xi32, #tpu.memory_space<vmem>> -> memref<128xi32, #tpu.memory_space<vmem>>
      %dma_start3A_404 = arith.constant 0 : i32
      %dma_start3A_405 = arith.constant 0 : i32
      %dma_start3A_406 = tpu.memref_slice %arg13[%dma_start3A_404, %dma_start3A_405] : memref<10000x128xf32, #tpu.memory_space<vmem_shared>> -> memref<10000x128xf32, #tpu.memory_space<vmem_shared>>
      tpu.enqueue_indirect_dma source(%arg10 : memref<128x128xf32, #tpu.memory_space<vmem>>) target(%dma_start3A_406 : memref<10000x128xf32, #tpu.memory_space<vmem_shared>>) offsets(%dma_start3A_403 : memref<128xi32, #tpu.memory_space<vmem>>) semaphore(%arg16 : memref<!tpu.dma_semaphore, #tpu.memory_space<semaphore_mem>>) {add = true}
      %dma_wait3A_407 = arith.constant 0 : i32
      %dma_wait3A_408 = arith.constant 0 : i32
      %dma_wait3A_409 = tpu.memref_slice %arg9[%dma_wait3A_407, %dma_wait3A_408] : memref<79x128xi32, #tpu.memory_space<vmem>> -> memref<1x128xi32, #tpu.memory_space<vmem>>
      %dma_wait3A_410 = tpu.memref_squeeze %dma_wait3A_409 : memref<1x128xi32, #tpu.memory_space<vmem>> -> memref<128xi32, #tpu.memory_space<vmem>>
      %dma_wait3A_411 = arith.constant 0 : i32
      %dma_wait3A_412 = arith.constant 0 : i32
      %dma_wait3A_413 = tpu.memref_slice %arg13[%dma_wait3A_411, %dma_wait3A_412] : memref<10000x128xf32, #tpu.memory_space<vmem_shared>> -> memref<10000x128xf32, #tpu.memory_space<vmem_shared>>
      tpu.wait_indirect_dma semaphore(%arg16 : memref<!tpu.dma_semaphore, #tpu.memory_space<semaphore_mem>>) src(%arg10 : memref<128x128xf32, #tpu.memory_space<vmem>>) dst(%dma_wait3A_413 : memref<10000x128xf32, #tpu.memory_space<vmem_shared>>)
      %dma_wait3A_414 = arith.constant 0 : i32
      %dma_wait3A_415 = arith.constant 0 : i32
      %dma_wait3A_416 = tpu.memref_slice %arg7[%dma_wait3A_414, %dma_wait3A_415] : memref<2x128xi32, #tpu.memory_space<vmem>> -> memref<1x128xi32, #tpu.memory_space<vmem>>
      %dma_wait3A_417 = tpu.memref_squeeze %dma_wait3A_416 : memref<1x128xi32, #tpu.memory_space<vmem>> -> memref<128xi32, #tpu.memory_space<vmem>>
      %dma_wait3A_418 = arith.constant 0 : i32
      %dma_wait3A_419 = tpu.memref_slice %arg3[%dma_wait3A_418] : memref<323584xi32, #tpu.memory_space<hbm>> -> memref<128xi32, #tpu.memory_space<hbm>>
      %dma_wait3A_420 = arith.constant 0 : i32
      %dma_wait3A_421 = tpu.memref_slice %arg7[%dma_wait3A_414, %dma_wait3A_420] : memref<2x128xi32, #tpu.memory_space<vmem>> -> memref<1x128xi32, #tpu.memory_space<vmem>>
      %dma_wait3A_422 = tpu.memref_squeeze %dma_wait3A_421 : memref<1x128xi32, #tpu.memory_space<vmem>> -> memref<128xi32, #tpu.memory_space<vmem>>
      %dma_wait3A_423 = arith.constant 0 : i32
      %dma_wait3A_424 = tpu.memref_slice %arg3[%dma_wait3A_423] : memref<323584xi32, #tpu.memory_space<hbm>> -> memref<128xi32, #tpu.memory_space<hbm>>
      tpu.wait_dma2 semaphore(%arg18 : memref<!tpu.dma_semaphore, #tpu.memory_space<semaphore_mem>>) src(%dma_wait3A_424 : memref<128xi32, #tpu.memory_space<hbm>>) dst(%dma_wait3A_422 : memref<128xi32, #tpu.memory_space<vmem>>)
      %dma_wait3A_425 = arith.constant 0 : i32
      %dma_wait3A_426 = tpu.memref_slice %arg8[%dma_wait3A_425] : memref<256xf32, #tpu.memory_space<vmem>> -> memref<128xf32, #tpu.memory_space<vmem>>
      %dma_wait3A_427 = arith.constant 0 : i32
      %dma_wait3A_428 = tpu.memref_slice %arg5[%dma_wait3A_427] : memref<323584xf32, #tpu.memory_space<hbm>> -> memref<128xf32, #tpu.memory_space<hbm>>
      %dma_wait3A_429 = arith.constant 0 : i32
      %dma_wait3A_430 = tpu.memref_slice %arg8[%dma_wait3A_429] : memref<256xf32, #tpu.memory_space<vmem>> -> memref<128xf32, #tpu.memory_space<vmem>>
      %dma_wait3A_431 = arith.constant 0 : i32
      %dma_wait3A_432 = tpu.memref_slice %arg5[%dma_wait3A_431] : memref<323584xf32, #tpu.memory_space<hbm>> -> memref<128xf32, #tpu.memory_space<hbm>>
      tpu.wait_dma2 semaphore(%arg18 : memref<!tpu.dma_semaphore, #tpu.memory_space<semaphore_mem>>) src(%dma_wait3A_432 : memref<128xf32, #tpu.memory_space<hbm>>) dst(%dma_wait3A_430 : memref<128xf32, #tpu.memory_space<vmem>>)
      %dma_start3A_433 = arith.constant 0 : i32
      %dma_start3A_434 = arith.constant 0 : i32
      %dma_start3A_435 = tpu.memref_slice %arg7[%dma_start3A_433, %dma_start3A_434] : memref<2x128xi32, #tpu.memory_space<vmem>> -> memref<1x128xi32, #tpu.memory_space<vmem>>
      %dma_start3A_436 = tpu.memref_squeeze %dma_start3A_435 : memref<1x128xi32, #tpu.memory_space<vmem>> -> memref<128xi32, #tpu.memory_space<vmem>>
      %dma_start3A_437 = arith.constant 0 : i32
      %dma_start3A_438 = arith.constant 0 : i32
      %dma_start3A_439 = tpu.memref_slice %arg2[%dma_start3A_437, %dma_start3A_438] : memref<10000x128xf32, #tpu.memory_space<hbm>> -> memref<10000x128xf32, #tpu.memory_space<hbm>>
      tpu.enqueue_indirect_dma source(%dma_start3A_439 : memref<10000x128xf32, #tpu.memory_space<hbm>>) target(%arg10 : memref<128x128xf32, #tpu.memory_space<vmem>>) offsets(%dma_start3A_436 : memref<128xi32, #tpu.memory_space<vmem>>) semaphore(%arg14 : memref<!tpu.dma_semaphore, #tpu.memory_space<semaphore_mem>>)
      %dma_wait3A_440 = arith.constant 1 : i32
      %dma_wait3A_441 = arith.constant 0 : i32
      %dma_wait3A_442 = tpu.memref_slice %arg7[%dma_wait3A_440, %dma_wait3A_441] : memref<2x128xi32, #tpu.memory_space<vmem>> -> memref<1x128xi32, #tpu.memory_space<vmem>>
      %dma_wait3A_443 = tpu.memref_squeeze %dma_wait3A_442 : memref<1x128xi32, #tpu.memory_space<vmem>> -> memref<128xi32, #tpu.memory_space<vmem>>
      %dma_wait3A_444 = arith.constant 0 : i32
      %dma_wait3A_445 = arith.constant 0 : i32
      %dma_wait3A_446 = tpu.memref_slice %arg2[%dma_wait3A_444, %dma_wait3A_445] : memref<10000x128xf32, #tpu.memory_space<hbm>> -> memref<10000x128xf32, #tpu.memory_space<hbm>>
      tpu.wait_indirect_dma semaphore(%arg15 : memref<!tpu.dma_semaphore, #tpu.memory_space<semaphore_mem>>) src(%dma_wait3A_446 : memref<10000x128xf32, #tpu.memory_space<hbm>>) dst(%arg11 : memref<128x128xf32, #tpu.memory_space<vmem>>)
      %scan3A_447 = arith.constant 0 : i32
      %scan3A_448 = arith.constant 0 : i32
      %scan3A_449 = arith.constant 128 : i32
      %scan3A_450 = arith.addi %scan3A_448, %scan3A_449 : i32
      %scan3A_451 = arith.constant 1 : i32
      %scan3A_452 = scf.for %scan3A_490 = %scan3A_448 to %scan3A_450 step %scan3A_451 iter_args(%scan3A_491 = %scan3A_447) -> (i32)  : i32 {
        %add3A_492 = arith.constant 128 : i32
        %add3A_493 = arith.addi %add3A_492, %scan3A_490 : i32
        %broadcast_in_dim3A = vector.broadcast %add3A_493 : i32 to vector<16xi32>
        %gather3A = tpu.vector_load_idx %arg8[%broadcast_in_dim3A] : memref<256xf32, #tpu.memory_space<vmem>>[vector<16xi32>], vector<16xf32>,
        %get3A = arith.index_cast %scan3A_490 : i32 to index
        %get3A_494 = arith.constant 0 : index
        %get3A_495 = tpu.vector_load %arg11[%get3A, %get3A_494] {strides = array<i32>} : memref<128x128xf32, #tpu.memory_space<vmem>>, vector<16xf32>,
        %mul3A_496 = arith.mulf %get3A_495, %gather3A : vector<16xf32>
        %swap3A = arith.index_cast %scan3A_490 : i32 to index
        %swap3A_497 = arith.constant 0 : index
        %swap3A_498 = tpu.vector_load %arg11[%swap3A, %swap3A_497] {strides = array<i32>} : memref<128x128xf32, #tpu.memory_space<vmem>>, vector<16xf32>,
        tpu.vector_store %arg11[%swap3A, %swap3A_497], %mul3A_496 {strides = array<i32>} : memref<128x128xf32, #tpu.memory_space<vmem>>, vector<16xf32>,
        %get3A_499 = arith.index_cast %scan3A_490 : i32 to index
        %get3A_500 = arith.constant 16 : index
        %get3A_501 = tpu.vector_load %arg11[%get3A_499, %get3A_500] {strides = array<i32>} : memref<128x128xf32, #tpu.memory_space<vmem>>, vector<16xf32>,
        %mul3A_502 = arith.mulf %get3A_501, %gather3A : vector<16xf32>
        %swap3A_503 = arith.index_cast %scan3A_490 : i32 to index
        %swap3A_504 = arith.constant 16 : index
        %swap3A_505 = tpu.vector_load %arg11[%swap3A_503, %swap3A_504] {strides = array<i32>} : memref<128x128xf32, #tpu.memory_space<vmem>>, vector<16xf32>,
        tpu.vector_store %arg11[%swap3A_503, %swap3A_504], %mul3A_502 {strides = array<i32>} : memref<128x128xf32, #tpu.memory_space<vmem>>, vector<16xf32>,
        %get3A_506 = arith.index_cast %scan3A_490 : i32 to index
        %get3A_507 = arith.constant 32 : index
        %get3A_508 = tpu.vector_load %arg11[%get3A_506, %get3A_507] {strides = array<i32>} : memref<128x128xf32, #tpu.memory_space<vmem>>, vector<16xf32>,
        %mul3A_509 = arith.mulf %get3A_508, %gather3A : vector<16xf32>
        %swap3A_510 = arith.index_cast %scan3A_490 : i32 to index
        %swap3A_511 = arith.constant 32 : index
        %swap3A_512 = tpu.vector_load %arg11[%swap3A_510, %swap3A_511] {strides = array<i32>} : memref<128x128xf32, #tpu.memory_space<vmem>>, vector<16xf32>,
        tpu.vector_store %arg11[%swap3A_510, %swap3A_511], %mul3A_509 {strides = array<i32>} : memref<128x128xf32, #tpu.memory_space<vmem>>, vector<16xf32>,
        %get3A_513 = arith.index_cast %scan3A_490 : i32 to index
        %get3A_514 = arith.constant 48 : index
        %get3A_515 = tpu.vector_load %arg11[%get3A_513, %get3A_514] {strides = array<i32>} : memref<128x128xf32, #tpu.memory_space<vmem>>, vector<16xf32>,
        %mul3A_516 = arith.mulf %get3A_515, %gather3A : vector<16xf32>
        %swap3A_517 = arith.index_cast %scan3A_490 : i32 to index
        %swap3A_518 = arith.constant 48 : index
        %swap3A_519 = tpu.vector_load %arg11[%swap3A_517, %swap3A_518] {strides = array<i32>} : memref<128x128xf32, #tpu.memory_space<vmem>>, vector<16xf32>,
        tpu.vector_store %arg11[%swap3A_517, %swap3A_518], %mul3A_516 {strides = array<i32>} : memref<128x128xf32, #tpu.memory_space<vmem>>, vector<16xf32>,
        %get3A_520 = arith.index_cast %scan3A_490 : i32 to index
        %get3A_521 = arith.constant 64 : index
        %get3A_522 = tpu.vector_load %arg11[%get3A_520, %get3A_521] {strides = array<i32>} : memref<128x128xf32, #tpu.memory_space<vmem>>, vector<16xf32>,
        %mul3A_523 = arith.mulf %get3A_522, %gather3A : vector<16xf32>
        %swap3A_524 = arith.index_cast %scan3A_490 : i32 to index
        %swap3A_525 = arith.constant 64 : index
        %swap3A_526 = tpu.vector_load %arg11[%swap3A_524, %swap3A_525] {strides = array<i32>} : memref<128x128xf32, #tpu.memory_space<vmem>>, vector<16xf32>,
        tpu.vector_store %arg11[%swap3A_524, %swap3A_525], %mul3A_523 {strides = array<i32>} : memref<128x128xf32, #tpu.memory_space<vmem>>, vector<16xf32>,
        %get3A_527 = arith.index_cast %scan3A_490 : i32 to index
        %get3A_528 = arith.constant 80 : index
        %get3A_529 = tpu.vector_load %arg11[%get3A_527, %get3A_528] {strides = array<i32>} : memref<128x128xf32, #tpu.memory_space<vmem>>, vector<16xf32>,
        %mul3A_530 = arith.mulf %get3A_529, %gather3A : vector<16xf32>
        %swap3A_531 = arith.index_cast %scan3A_490 : i32 to index
        %swap3A_532 = arith.constant 80 : index
        %swap3A_533 = tpu.vector_load %arg11[%swap3A_531, %swap3A_532] {strides = array<i32>} : memref<128x128xf32, #tpu.memory_space<vmem>>, vector<16xf32>,
        tpu.vector_store %arg11[%swap3A_531, %swap3A_532], %mul3A_530 {strides = array<i32>} : memref<128x128xf32, #tpu.memory_space<vmem>>, vector<16xf32>,
        %get3A_534 = arith.index_cast %scan3A_490 : i32 to index
        %get3A_535 = arith.constant 96 : index
        %get3A_536 = tpu.vector_load %arg11[%get3A_534, %get3A_535] {strides = array<i32>} : memref<128x128xf32, #tpu.memory_space<vmem>>, vector<16xf32>,
        %mul3A_537 = arith.mulf %get3A_536, %gather3A : vector<16xf32>
        %swap3A_538 = arith.index_cast %scan3A_490 : i32 to index
        %swap3A_539 = arith.constant 96 : index
        %swap3A_540 = tpu.vector_load %arg11[%swap3A_538, %swap3A_539] {strides = array<i32>} : memref<128x128xf32, #tpu.memory_space<vmem>>, vector<16xf32>,
        tpu.vector_store %arg11[%swap3A_538, %swap3A_539], %mul3A_537 {strides = array<i32>} : memref<128x128xf32, #tpu.memory_space<vmem>>, vector<16xf32>,
        %get3A_541 = arith.index_cast %scan3A_490 : i32 to index
        %get3A_542 = arith.constant 112 : index
        %get3A_543 = tpu.vector_load %arg11[%get3A_541, %get3A_542] {strides = array<i32>} : memref<128x128xf32, #tpu.memory_space<vmem>>, vector<16xf32>,
        %mul3A_544 = arith.mulf %get3A_543, %gather3A : vector<16xf32>
        %swap3A_545 = arith.index_cast %scan3A_490 : i32 to index
        %swap3A_546 = arith.constant 112 : index
        %swap3A_547 = tpu.vector_load %arg11[%swap3A_545, %swap3A_546] {strides = array<i32>} : memref<128x128xf32, #tpu.memory_space<vmem>>, vector<16xf32>,
        tpu.vector_store %arg11[%swap3A_545, %swap3A_546], %mul3A_544 {strides = array<i32>} : memref<128x128xf32, #tpu.memory_space<vmem>>, vector<16xf32>,
        %scan3A_548 = arith.constant 0 : i32
        scf.yield %scan3A_548 : i32
      }
      %scan3A_453 = arith.constant 128 : i32
      %mul3A_454 = arith.constant 2 : i32
      %mul3A_455 = arith.muli %mul3A_454, %scan3A_325 : i32
      %add3A_456 = arith.constant 3 : i32
      %add3A_457 = arith.addi %mul3A_455, %add3A_456 : i32
      %mul3A_458 = arith.constant 128 : i32
      %mul3A_459 = arith.muli %add3A_457, %mul3A_458 : i32
      %add3A_460 = arith.addi %mul3A_108, %mul3A_459 : i32
      %dma_start3A_461 = arith.constant 1 : i32
      %dma_start3A_462 = arith.constant 0 : i32
      %dma_start3A_463 = tpu.memref_slice %arg7[%dma_start3A_461, %dma_start3A_462] : memref<2x128xi32, #tpu.memory_space<vmem>> -> memref<1x128xi32, #tpu.memory_space<vmem>>
      %dma_start3A_464 = tpu.memref_squeeze %dma_start3A_463 : memref<1x128xi32, #tpu.memory_space<vmem>> -> memref<128xi32, #tpu.memory_space<vmem>>
      %dma_start3A_465 = tpu.memref_slice %arg3[%add3A_460] : memref<323584xi32, #tpu.memory_space<hbm>> -> memref<128xi32, #tpu.memory_space<hbm>>
      %dma_start3A_466 = arith.constant 0 : i32
      %dma_start3A_467 = tpu.memref_slice %arg7[%dma_start3A_461, %dma_start3A_466] : memref<2x128xi32, #tpu.memory_space<vmem>> -> memref<1x128xi32, #tpu.memory_space<vmem>>
      %dma_start3A_468 = tpu.memref_squeeze %dma_start3A_467 : memref<1x128xi32, #tpu.memory_space<vmem>> -> memref<128xi32, #tpu.memory_space<vmem>>
      %dma_start3A_469 = tpu.memref_slice %arg3[%add3A_460] : memref<323584xi32, #tpu.memory_space<hbm>> -> memref<128xi32, #tpu.memory_space<hbm>>
      tpu.enqueue_dma source(%dma_start3A_469 : memref<128xi32, #tpu.memory_space<hbm>>) target(%dma_start3A_468 : memref<128xi32, #tpu.memory_space<vmem>>) target_semaphore(%arg19 : memref<!tpu.dma_semaphore, #tpu.memory_space<semaphore_mem>>)
      %mul3A_470 = arith.constant 128 : i32
      %mul3A_471 = arith.muli %add3A_457, %mul3A_470 : i32
      %add3A_472 = arith.addi %mul3A_108, %mul3A_471 : i32
      %dma_start3A_473 = arith.constant 128 : i32
      %dma_start3A_474 = tpu.memref_slice %arg8[%dma_start3A_473] : memref<256xf32, #tpu.memory_space<vmem>> -> memref<128xf32, #tpu.memory_space<vmem>>
      %dma_start3A_475 = tpu.memref_slice %arg5[%add3A_472] : memref<323584xf32, #tpu.memory_space<hbm>> -> memref<128xf32, #tpu.memory_space<hbm>>
      %dma_start3A_476 = arith.constant 128 : i32
      %dma_start3A_477 = tpu.memref_slice %arg8[%dma_start3A_476] : memref<256xf32, #tpu.memory_space<vmem>> -> memref<128xf32, #tpu.memory_space<vmem>>
      %dma_start3A_478 = tpu.memref_slice %arg5[%add3A_472] : memref<323584xf32, #tpu.memory_space<hbm>> -> memref<128xf32, #tpu.memory_space<hbm>>
      tpu.enqueue_dma source(%dma_start3A_478 : memref<128xf32, #tpu.memory_space<hbm>>) target(%dma_start3A_477 : memref<128xf32, #tpu.memory_space<vmem>>) target_semaphore(%arg19 : memref<!tpu.dma_semaphore, #tpu.memory_space<semaphore_mem>>)
      %mul3A_479 = arith.constant 2 : i32
      %mul3A_480 = arith.muli %mul3A_479, %scan3A_325 : i32
      %add3A_481 = arith.constant 1 : i32
      %add3A_482 = arith.addi %mul3A_480, %add3A_481 : i32
      %dma_start3A_483 = arith.constant 0 : i32
      %dma_start3A_484 = tpu.memref_slice %arg9[%add3A_482, %dma_start3A_483] : memref<79x128xi32, #tpu.memory_space<vmem>> -> memref<1x128xi32, #tpu.memory_space<vmem>>
      %dma_start3A_485 = tpu.memref_squeeze %dma_start3A_484 : memref<1x128xi32, #tpu.memory_space<vmem>> -> memref<128xi32, #tpu.memory_space<vmem>>
      %dma_start3A_486 = arith.constant 0 : i32
      %dma_start3A_487 = arith.constant 0 : i32
      %dma_start3A_488 = tpu.memref_slice %arg13[%dma_start3A_486, %dma_start3A_487] : memref<10000x128xf32, #tpu.memory_space<vmem_shared>> -> memref<10000x128xf32, #tpu.memory_space<vmem_shared>>
      tpu.enqueue_indirect_dma source(%arg11 : memref<128x128xf32, #tpu.memory_space<vmem>>) target(%dma_start3A_488 : memref<10000x128xf32, #tpu.memory_space<vmem_shared>>) offsets(%dma_start3A_485 : memref<128xi32, #tpu.memory_space<vmem>>) semaphore(%arg17 : memref<!tpu.dma_semaphore, #tpu.memory_space<semaphore_mem>>) {add = true}
      %scan3A_489 = arith.constant 0 : i32
      scf.yield %scan3A_489 : i32
    }
    %scan3A_158 = arith.constant 38 : i32
    %dma_wait3A = arith.constant 0 : i32
    %dma_wait3A_159 = arith.constant 0 : i32
    %dma_wait3A_160 = tpu.memref_slice %arg9[%dma_wait3A, %dma_wait3A_159] : memref<79x128xi32, #tpu.memory_space<vmem>> -> memref<1x128xi32, #tpu.memory_space<vmem>>
    %dma_wait3A_161 = tpu.memref_squeeze %dma_wait3A_160 : memref<1x128xi32, #tpu.memory_space<vmem>> -> memref<128xi32, #tpu.memory_space<vmem>>
    %dma_wait3A_162 = arith.constant 0 : i32
    %dma_wait3A_163 = arith.constant 0 : i32
    %dma_wait3A_164 = tpu.memref_slice %arg13[%dma_wait3A_162, %dma_wait3A_163] : memref<10000x128xf32, #tpu.memory_space<vmem_shared>> -> memref<10000x128xf32, #tpu.memory_space<vmem_shared>>
    tpu.wait_indirect_dma semaphore(%arg17 : memref<!tpu.dma_semaphore, #tpu.memory_space<semaphore_mem>>) src(%arg11 : memref<128x128xf32, #tpu.memory_space<vmem>>) dst(%dma_wait3A_164 : memref<10000x128xf32, #tpu.memory_space<vmem_shared>>)
    %dma_wait3A_165 = arith.constant 1 : i32
    %dma_wait3A_166 = arith.constant 0 : i32
    %dma_wait3A_167 = tpu.memref_slice %arg7[%dma_wait3A_165, %dma_wait3A_166] : memref<2x128xi32, #tpu.memory_space<vmem>> -> memref<1x128xi32, #tpu.memory_space<vmem>>
    %dma_wait3A_168 = tpu.memref_squeeze %dma_wait3A_167 : memref<1x128xi32, #tpu.memory_space<vmem>> -> memref<128xi32, #tpu.memory_space<vmem>>
    %dma_wait3A_169 = arith.constant 0 : i32
    %dma_wait3A_170 = tpu.memref_slice %arg3[%dma_wait3A_169] : memref<323584xi32, #tpu.memory_space<hbm>> -> memref<128xi32, #tpu.memory_space<hbm>>
    %dma_wait3A_171 = arith.constant 0 : i32
    %dma_wait3A_172 = tpu.memref_slice %arg7[%dma_wait3A_165, %dma_wait3A_171] : memref<2x128xi32, #tpu.memory_space<vmem>> -> memref<1x128xi32, #tpu.memory_space<vmem>>
    %dma_wait3A_173 = tpu.memref_squeeze %dma_wait3A_172 : memref<1x128xi32, #tpu.memory_space<vmem>> -> memref<128xi32, #tpu.memory_space<vmem>>
    %dma_wait3A_174 = arith.constant 0 : i32
    %dma_wait3A_175 = tpu.memref_slice %arg3[%dma_wait3A_174] : memref<323584xi32, #tpu.memory_space<hbm>> -> memref<128xi32, #tpu.memory_space<hbm>>
    tpu.wait_dma2 semaphore(%arg19 : memref<!tpu.dma_semaphore, #tpu.memory_space<semaphore_mem>>) src(%dma_wait3A_175 : memref<128xi32, #tpu.memory_space<hbm>>) dst(%dma_wait3A_173 : memref<128xi32, #tpu.memory_space<vmem>>)
    %dma_wait3A_176 = arith.constant 128 : i32
    %dma_wait3A_177 = tpu.memref_slice %arg8[%dma_wait3A_176] : memref<256xf32, #tpu.memory_space<vmem>> -> memref<128xf32, #tpu.memory_space<vmem>>
    %dma_wait3A_178 = arith.constant 0 : i32
    %dma_wait3A_179 = tpu.memref_slice %arg5[%dma_wait3A_178] : memref<323584xf32, #tpu.memory_space<hbm>> -> memref<128xf32, #tpu.memory_space<hbm>>
    %dma_wait3A_180 = arith.constant 128 : i32
    %dma_wait3A_181 = tpu.memref_slice %arg8[%dma_wait3A_180] : memref<256xf32, #tpu.memory_space<vmem>> -> memref<128xf32, #tpu.memory_space<vmem>>
    %dma_wait3A_182 = arith.constant 0 : i32
    %dma_wait3A_183 = tpu.memref_slice %arg5[%dma_wait3A_182] : memref<323584xf32, #tpu.memory_space<hbm>> -> memref<128xf32, #tpu.memory_space<hbm>>
    tpu.wait_dma2 semaphore(%arg19 : memref<!tpu.dma_semaphore, #tpu.memory_space<semaphore_mem>>) src(%dma_wait3A_183 : memref<128xf32, #tpu.memory_space<hbm>>) dst(%dma_wait3A_181 : memref<128xf32, #tpu.memory_space<vmem>>)
    %dma_start3A_184 = arith.constant 1 : i32
    %dma_start3A_185 = arith.constant 0 : i32
    %dma_start3A_186 = tpu.memref_slice %arg7[%dma_start3A_184, %dma_start3A_185] : memref<2x128xi32, #tpu.memory_space<vmem>> -> memref<1x128xi32, #tpu.memory_space<vmem>>
    %dma_start3A_187 = tpu.memref_squeeze %dma_start3A_186 : memref<1x128xi32, #tpu.memory_space<vmem>> -> memref<128xi32, #tpu.memory_space<vmem>>
    %dma_start3A_188 = arith.constant 0 : i32
    %dma_start3A_189 = arith.constant 0 : i32
    %dma_start3A_190 = tpu.memref_slice %arg2[%dma_start3A_188, %dma_start3A_189] : memref<10000x128xf32, #tpu.memory_space<hbm>> -> memref<10000x128xf32, #tpu.memory_space<hbm>>
    tpu.enqueue_indirect_dma source(%dma_start3A_190 : memref<10000x128xf32, #tpu.memory_space<hbm>>) target(%arg11 : memref<128x128xf32, #tpu.memory_space<vmem>>) offsets(%dma_start3A_187 : memref<128xi32, #tpu.memory_space<vmem>>) semaphore(%arg15 : memref<!tpu.dma_semaphore, #tpu.memory_space<semaphore_mem>>)
    %dma_wait3A_191 = arith.constant 0 : i32
    %dma_wait3A_192 = arith.constant 0 : i32
    %dma_wait3A_193 = tpu.memref_slice %arg7[%dma_wait3A_191, %dma_wait3A_192] : memref<2x128xi32, #tpu.memory_space<vmem>> -> memref<1x128xi32, #tpu.memory_space<vmem>>
    %dma_wait3A_194 = tpu.memref_squeeze %dma_wait3A_193 : memref<1x128xi32, #tpu.memory_space<vmem>> -> memref<128xi32, #tpu.memory_space<vmem>>
    %dma_wait3A_195 = arith.constant 0 : i32
    %dma_wait3A_196 = arith.constant 0 : i32
    %dma_wait3A_197 = tpu.memref_slice %arg2[%dma_wait3A_195, %dma_wait3A_196] : memref<10000x128xf32, #tpu.memory_space<hbm>> -> memref<10000x128xf32, #tpu.memory_space<hbm>>
    tpu.wait_indirect_dma semaphore(%arg14 : memref<!tpu.dma_semaphore, #tpu.memory_space<semaphore_mem>>) src(%dma_wait3A_197 : memref<10000x128xf32, #tpu.memory_space<hbm>>) dst(%arg10 : memref<128x128xf32, #tpu.memory_space<vmem>>)
    %scan3A_198 = arith.constant 0 : i32
    %scan3A_199 = arith.constant 0 : i32
    %scan3A_200 = arith.constant 128 : i32
    %scan3A_201 = arith.addi %scan3A_199, %scan3A_200 : i32
    %scan3A_202 = arith.constant 1 : i32
    %scan3A_203 = scf.for %scan3A_325 = %scan3A_199 to %scan3A_201 step %scan3A_202 iter_args(%scan3A_326 = %scan3A_198) -> (i32)  : i32 {
      %add3A_327 = arith.constant 0 : i32
      %add3A_328 = arith.addi %add3A_327, %scan3A_325 : i32
      %broadcast_in_dim3A = vector.broadcast %add3A_328 : i32 to vector<16xi32>
      %gather3A = tpu.vector_load_idx %arg8[%broadcast_in_dim3A] : memref<256xf32, #tpu.memory_space<vmem>>[vector<16xi32>], vector<16xf32>,
      %get3A = arith.index_cast %scan3A_325 : i32 to index
      %get3A_329 = arith.constant 0 : index
      %get3A_330 = tpu.vector_load %arg10[%get3A, %get3A_329] {strides = array<i32>} : memref<128x128xf32, #tpu.memory_space<vmem>>, vector<16xf32>,
      %mul3A_331 = arith.mulf %get3A_330, %gather3A : vector<16xf32>
      %swap3A = arith.index_cast %scan3A_325 : i32 to index
      %swap3A_332 = arith.constant 0 : index
      %swap3A_333 = tpu.vector_load %arg10[%swap3A, %swap3A_332] {strides = array<i32>} : memref<128x128xf32, #tpu.memory_space<vmem>>, vector<16xf32>,
      tpu.vector_store %arg10[%swap3A, %swap3A_332], %mul3A_331 {strides = array<i32>} : memref<128x128xf32, #tpu.memory_space<vmem>>, vector<16xf32>,
      %get3A_334 = arith.index_cast %scan3A_325 : i32 to index
      %get3A_335 = arith.constant 16 : index
      %get3A_336 = tpu.vector_load %arg10[%get3A_334, %get3A_335] {strides = array<i32>} : memref<128x128xf32, #tpu.memory_space<vmem>>, vector<16xf32>,
      %mul3A_337 = arith.mulf %get3A_336, %gather3A : vector<16xf32>
      %swap3A_338 = arith.index_cast %scan3A_325 : i32 to index
      %swap3A_339 = arith.constant 16 : index
      %swap3A_340 = tpu.vector_load %arg10[%swap3A_338, %swap3A_339] {strides = array<i32>} : memref<128x128xf32, #tpu.memory_space<vmem>>, vector<16xf32>,
      tpu.vector_store %arg10[%swap3A_338, %swap3A_339], %mul3A_337 {strides = array<i32>} : memref<128x128xf32, #tpu.memory_space<vmem>>, vector<16xf32>,
      %get3A_341 = arith.index_cast %scan3A_325 : i32 to index
      %get3A_342 = arith.constant 32 : index
      %get3A_343 = tpu.vector_load %arg10[%get3A_341, %get3A_342] {strides = array<i32>} : memref<128x128xf32, #tpu.memory_space<vmem>>, vector<16xf32>,
      %mul3A_344 = arith.mulf %get3A_343, %gather3A : vector<16xf32>
      %swap3A_345 = arith.index_cast %scan3A_325 : i32 to index
      %swap3A_346 = arith.constant 32 : index
      %swap3A_347 = tpu.vector_load %arg10[%swap3A_345, %swap3A_346] {strides = array<i32>} : memref<128x128xf32, #tpu.memory_space<vmem>>, vector<16xf32>,
      tpu.vector_store %arg10[%swap3A_345, %swap3A_346], %mul3A_344 {strides = array<i32>} : memref<128x128xf32, #tpu.memory_space<vmem>>, vector<16xf32>,
      %get3A_348 = arith.index_cast %scan3A_325 : i32 to index
      %get3A_349 = arith.constant 48 : index
      %get3A_350 = tpu.vector_load %arg10[%get3A_348, %get3A_349] {strides = array<i32>} : memref<128x128xf32, #tpu.memory_space<vmem>>, vector<16xf32>,
      %mul3A_351 = arith.mulf %get3A_350, %gather3A : vector<16xf32>
      %swap3A_352 = arith.index_cast %scan3A_325 : i32 to index
      %swap3A_353 = arith.constant 48 : index
      %swap3A_354 = tpu.vector_load %arg10[%swap3A_352, %swap3A_353] {strides = array<i32>} : memref<128x128xf32, #tpu.memory_space<vmem>>, vector<16xf32>,
      tpu.vector_store %arg10[%swap3A_352, %swap3A_353], %mul3A_351 {strides = array<i32>} : memref<128x128xf32, #tpu.memory_space<vmem>>, vector<16xf32>,
      %get3A_355 = arith.index_cast %scan3A_325 : i32 to index
      %get3A_356 = arith.constant 64 : index
      %get3A_357 = tpu.vector_load %arg10[%get3A_355, %get3A_356] {strides = array<i32>} : memref<128x128xf32, #tpu.memory_space<vmem>>, vector<16xf32>,
      %mul3A_358 = arith.mulf %get3A_357, %gather3A : vector<16xf32>
      %swap3A_359 = arith.index_cast %scan3A_325 : i32 to index
      %swap3A_360 = arith.constant 64 : index
      %swap3A_361 = tpu.vector_load %arg10[%swap3A_359, %swap3A_360] {strides = array<i32>} : memref<128x128xf32, #tpu.memory_space<vmem>>, vector<16xf32>,
      tpu.vector_store %arg10[%swap3A_359, %swap3A_360], %mul3A_358 {strides = array<i32>} : memref<128x128xf32, #tpu.memory_space<vmem>>, vector<16xf32>,
      %get3A_362 = arith.index_cast %scan3A_325 : i32 to index
      %get3A_363 = arith.constant 80 : index
      %get3A_364 = tpu.vector_load %arg10[%get3A_362, %get3A_363] {strides = array<i32>} : memref<128x128xf32, #tpu.memory_space<vmem>>, vector<16xf32>,
      %mul3A_365 = arith.mulf %get3A_364, %gather3A : vector<16xf32>
      %swap3A_366 = arith.index_cast %scan3A_325 : i32 to index
      %swap3A_367 = arith.constant 80 : index
      %swap3A_368 = tpu.vector_load %arg10[%swap3A_366, %swap3A_367] {strides = array<i32>} : memref<128x128xf32, #tpu.memory_space<vmem>>, vector<16xf32>,
      tpu.vector_store %arg10[%swap3A_366, %swap3A_367], %mul3A_365 {strides = array<i32>} : memref<128x128xf32, #tpu.memory_space<vmem>>, vector<16xf32>,
      %get3A_369 = arith.index_cast %scan3A_325 : i32 to index
      %get3A_370 = arith.constant 96 : index
      %get3A_371 = tpu.vector_load %arg10[%get3A_369, %get3A_370] {strides = array<i32>} : memref<128x128xf32, #tpu.memory_space<vmem>>, vector<16xf32>,
      %mul3A_372 = arith.mulf %get3A_371, %gather3A : vector<16xf32>
      %swap3A_373 = arith.index_cast %scan3A_325 : i32 to index
      %swap3A_374 = arith.constant 96 : index
      %swap3A_375 = tpu.vector_load %arg10[%swap3A_373, %swap3A_374] {strides = array<i32>} : memref<128x128xf32, #tpu.memory_space<vmem>>, vector<16xf32>,
      tpu.vector_store %arg10[%swap3A_373, %swap3A_374], %mul3A_372 {strides = array<i32>} : memref<128x128xf32, #tpu.memory_space<vmem>>, vector<16xf32>,
      %get3A_376 = arith.index_cast %scan3A_325 : i32 to index
      %get3A_377 = arith.constant 112 : index
      %get3A_378 = tpu.vector_load %arg10[%get3A_376, %get3A_377] {strides = array<i32>} : memref<128x128xf32, #tpu.memory_space<vmem>>, vector<16xf32>,
      %mul3A_379 = arith.mulf %get3A_378, %gather3A : vector<16xf32>
      %swap3A_380 = arith.index_cast %scan3A_325 : i32 to index
      %swap3A_381 = arith.constant 112 : index
      %swap3A_382 = tpu.vector_load %arg10[%swap3A_380, %swap3A_381] {strides = array<i32>} : memref<128x128xf32, #tpu.memory_space<vmem>>, vector<16xf32>,
      tpu.vector_store %arg10[%swap3A_380, %swap3A_381], %mul3A_379 {strides = array<i32>} : memref<128x128xf32, #tpu.memory_space<vmem>>, vector<16xf32>,
      %scan3A_383 = arith.constant 0 : i32
      scf.yield %scan3A_383 : i32
    }
    %scan3A_204 = arith.constant 128 : i32
    %add3A_205 = arith.constant 9984 : i32
    %add3A_206 = arith.addi %mul3A_108, %add3A_205 : i32
    %dma_start3A_207 = arith.constant 0 : i32
    %dma_start3A_208 = arith.constant 0 : i32
    %dma_start3A_209 = tpu.memref_slice %arg7[%dma_start3A_207, %dma_start3A_208] : memref<2x128xi32, #tpu.memory_space<vmem>> -> memref<1x128xi32, #tpu.memory_space<vmem>>
    %dma_start3A_210 = tpu.memref_squeeze %dma_start3A_209 : memref<1x128xi32, #tpu.memory_space<vmem>> -> memref<128xi32, #tpu.memory_space<vmem>>
    %dma_start3A_211 = tpu.memref_slice %arg3[%add3A_206] : memref<323584xi32, #tpu.memory_space<hbm>> -> memref<128xi32, #tpu.memory_space<hbm>>
    %dma_start3A_212 = arith.constant 0 : i32
    %dma_start3A_213 = tpu.memref_slice %arg7[%dma_start3A_207, %dma_start3A_212] : memref<2x128xi32, #tpu.memory_space<vmem>> -> memref<1x128xi32, #tpu.memory_space<vmem>>
    %dma_start3A_214 = tpu.memref_squeeze %dma_start3A_213 : memref<1x128xi32, #tpu.memory_space<vmem>> -> memref<128xi32, #tpu.memory_space<vmem>>
    %dma_start3A_215 = tpu.memref_slice %arg3[%add3A_206] : memref<323584xi32, #tpu.memory_space<hbm>> -> memref<128xi32, #tpu.memory_space<hbm>>
    tpu.enqueue_dma source(%dma_start3A_215 : memref<128xi32, #tpu.memory_space<hbm>>) target(%dma_start3A_214 : memref<128xi32, #tpu.memory_space<vmem>>) target_semaphore(%arg18 : memref<!tpu.dma_semaphore, #tpu.memory_space<semaphore_mem>>)
    %add3A_216 = arith.constant 9984 : i32
    %add3A_217 = arith.addi %mul3A_108, %add3A_216 : i32
    %dma_start3A_218 = arith.constant 0 : i32
    %dma_start3A_219 = tpu.memref_slice %arg8[%dma_start3A_218] : memref<256xf32, #tpu.memory_space<vmem>> -> memref<128xf32, #tpu.memory_space<vmem>>
    %dma_start3A_220 = tpu.memref_slice %arg5[%add3A_217] : memref<323584xf32, #tpu.memory_space<hbm>> -> memref<128xf32, #tpu.memory_space<hbm>>
    %dma_start3A_221 = arith.constant 0 : i32
    %dma_start3A_222 = tpu.memref_slice %arg8[%dma_start3A_221] : memref<256xf32, #tpu.memory_space<vmem>> -> memref<128xf32, #tpu.memory_space<vmem>>
    %dma_start3A_223 = tpu.memref_slice %arg5[%add3A_217] : memref<323584xf32, #tpu.memory_space<hbm>> -> memref<128xf32, #tpu.memory_space<hbm>>
    tpu.enqueue_dma source(%dma_start3A_223 : memref<128xf32, #tpu.memory_space<hbm>>) target(%dma_start3A_222 : memref<128xf32, #tpu.memory_space<vmem>>) target_semaphore(%arg18 : memref<!tpu.dma_semaphore, #tpu.memory_space<semaphore_mem>>)
    %dma_start3A_224 = arith.constant 76 : i32
    %dma_start3A_225 = arith.constant 0 : i32
    %dma_start3A_226 = tpu.memref_slice %arg9[%dma_start3A_224, %dma_start3A_225] : memref<79x128xi32, #tpu.memory_space<vmem>> -> memref<1x128xi32, #tpu.memory_space<vmem>>
    %dma_start3A_227 = tpu.memref_squeeze %dma_start3A_226 : memref<1x128xi32, #tpu.memory_space<vmem>> -> memref<128xi32, #tpu.memory_space<vmem>>
    %dma_start3A_228 = arith.constant 0 : i32
    %dma_start3A_229 = arith.constant 0 : i32
    %dma_start3A_230 = tpu.memref_slice %arg13[%dma_start3A_228, %dma_start3A_229] : memref<10000x128xf32, #tpu.memory_space<vmem_shared>> -> memref<10000x128xf32, #tpu.memory_space<vmem_shared>>
    tpu.enqueue_indirect_dma source(%arg10 : memref<128x128xf32, #tpu.memory_space<vmem>>) target(%dma_start3A_230 : memref<10000x128xf32, #tpu.memory_space<vmem_shared>>) offsets(%dma_start3A_227 : memref<128xi32, #tpu.memory_space<vmem>>) semaphore(%arg16 : memref<!tpu.dma_semaphore, #tpu.memory_space<semaphore_mem>>) {add = true}
    %dma_wait3A_231 = arith.constant 0 : i32
    %dma_wait3A_232 = arith.constant 0 : i32
    %dma_wait3A_233 = tpu.memref_slice %arg9[%dma_wait3A_231, %dma_wait3A_232] : memref<79x128xi32, #tpu.memory_space<vmem>> -> memref<1x128xi32, #tpu.memory_space<vmem>>
    %dma_wait3A_234 = tpu.memref_squeeze %dma_wait3A_233 : memref<1x128xi32, #tpu.memory_space<vmem>> -> memref<128xi32, #tpu.memory_space<vmem>>
    %dma_wait3A_235 = arith.constant 0 : i32
    %dma_wait3A_236 = arith.constant 0 : i32
    %dma_wait3A_237 = tpu.memref_slice %arg13[%dma_wait3A_235, %dma_wait3A_236] : memref<10000x128xf32, #tpu.memory_space<vmem_shared>> -> memref<10000x128xf32, #tpu.memory_space<vmem_shared>>
    tpu.wait_indirect_dma semaphore(%arg16 : memref<!tpu.dma_semaphore, #tpu.memory_space<semaphore_mem>>) src(%arg10 : memref<128x128xf32, #tpu.memory_space<vmem>>) dst(%dma_wait3A_237 : memref<10000x128xf32, #tpu.memory_space<vmem_shared>>)
    %dma_wait3A_238 = arith.constant 0 : i32
    %dma_wait3A_239 = arith.constant 0 : i32
    %dma_wait3A_240 = tpu.memref_slice %arg7[%dma_wait3A_238, %dma_wait3A_239] : memref<2x128xi32, #tpu.memory_space<vmem>> -> memref<1x128xi32, #tpu.memory_space<vmem>>
    %dma_wait3A_241 = tpu.memref_squeeze %dma_wait3A_240 : memref<1x128xi32, #tpu.memory_space<vmem>> -> memref<128xi32, #tpu.memory_space<vmem>>
    %dma_wait3A_242 = arith.constant 0 : i32
    %dma_wait3A_243 = tpu.memref_slice %arg3[%dma_wait3A_242] : memref<323584xi32, #tpu.memory_space<hbm>> -> memref<128xi32, #tpu.memory_space<hbm>>
    %dma_wait3A_244 = arith.constant 0 : i32
    %dma_wait3A_245 = tpu.memref_slice %arg7[%dma_wait3A_238, %dma_wait3A_244] : memref<2x128xi32, #tpu.memory_space<vmem>> -> memref<1x128xi32, #tpu.memory_space<vmem>>
    %dma_wait3A_246 = tpu.memref_squeeze %dma_wait3A_245 : memref<1x128xi32, #tpu.memory_space<vmem>> -> memref<128xi32, #tpu.memory_space<vmem>>
    %dma_wait3A_247 = arith.constant 0 : i32
    %dma_wait3A_248 = tpu.memref_slice %arg3[%dma_wait3A_247] : memref<323584xi32, #tpu.memory_space<hbm>> -> memref<128xi32, #tpu.memory_space<hbm>>
    tpu.wait_dma2 semaphore(%arg18 : memref<!tpu.dma_semaphore, #tpu.memory_space<semaphore_mem>>) src(%dma_wait3A_248 : memref<128xi32, #tpu.memory_space<hbm>>) dst(%dma_wait3A_246 : memref<128xi32, #tpu.memory_space<vmem>>)
    %dma_wait3A_249 = arith.constant 0 : i32
    %dma_wait3A_250 = tpu.memref_slice %arg8[%dma_wait3A_249] : memref<256xf32, #tpu.memory_space<vmem>> -> memref<128xf32, #tpu.memory_space<vmem>>
    %dma_wait3A_251 = arith.constant 0 : i32
    %dma_wait3A_252 = tpu.memref_slice %arg5[%dma_wait3A_251] : memref<323584xf32, #tpu.memory_space<hbm>> -> memref<128xf32, #tpu.memory_space<hbm>>
    %dma_wait3A_253 = arith.constant 0 : i32
    %dma_wait3A_254 = tpu.memref_slice %arg8[%dma_wait3A_253] : memref<256xf32, #tpu.memory_space<vmem>> -> memref<128xf32, #tpu.memory_space<vmem>>
    %dma_wait3A_255 = arith.constant 0 : i32
    %dma_wait3A_256 = tpu.memref_slice %arg5[%dma_wait3A_255] : memref<323584xf32, #tpu.memory_space<hbm>> -> memref<128xf32, #tpu.memory_space<hbm>>
    tpu.wait_dma2 semaphore(%arg18 : memref<!tpu.dma_semaphore, #tpu.memory_space<semaphore_mem>>) src(%dma_wait3A_256 : memref<128xf32, #tpu.memory_space<hbm>>) dst(%dma_wait3A_254 : memref<128xf32, #tpu.memory_space<vmem>>)
    %dma_start3A_257 = arith.constant 0 : i32
    %dma_start3A_258 = arith.constant 0 : i32
    %dma_start3A_259 = tpu.memref_slice %arg7[%dma_start3A_257, %dma_start3A_258] : memref<2x128xi32, #tpu.memory_space<vmem>> -> memref<1x128xi32, #tpu.memory_space<vmem>>
    %dma_start3A_260 = tpu.memref_squeeze %dma_start3A_259 : memref<1x128xi32, #tpu.memory_space<vmem>> -> memref<128xi32, #tpu.memory_space<vmem>>
    %dma_start3A_261 = arith.constant 0 : i32
    %dma_start3A_262 = arith.constant 0 : i32
    %dma_start3A_263 = tpu.memref_slice %arg2[%dma_start3A_261, %dma_start3A_262] : memref<10000x128xf32, #tpu.memory_space<hbm>> -> memref<10000x128xf32, #tpu.memory_space<hbm>>
    tpu.enqueue_indirect_dma source(%dma_start3A_263 : memref<10000x128xf32, #tpu.memory_space<hbm>>) target(%arg10 : memref<128x128xf32, #tpu.memory_space<vmem>>) offsets(%dma_start3A_260 : memref<128xi32, #tpu.memory_space<vmem>>) semaphore(%arg14 : memref<!tpu.dma_semaphore, #tpu.memory_space<semaphore_mem>>)
    %dma_wait3A_264 = arith.constant 1 : i32
    %dma_wait3A_265 = arith.constant 0 : i32
    %dma_wait3A_266 = tpu.memref_slice %arg7[%dma_wait3A_264, %dma_wait3A_265] : memref<2x128xi32, #tpu.memory_space<vmem>> -> memref<1x128xi32, #tpu.memory_space<vmem>>
    %dma_wait3A_267 = tpu.memref_squeeze %dma_wait3A_266 : memref<1x128xi32, #tpu.memory_space<vmem>> -> memref<128xi32, #tpu.memory_space<vmem>>
    %dma_wait3A_268 = arith.constant 0 : i32
    %dma_wait3A_269 = arith.constant 0 : i32
    %dma_wait3A_270 = tpu.memref_slice %arg2[%dma_wait3A_268, %dma_wait3A_269] : memref<10000x128xf32, #tpu.memory_space<hbm>> -> memref<10000x128xf32, #tpu.memory_space<hbm>>
    tpu.wait_indirect_dma semaphore(%arg15 : memref<!tpu.dma_semaphore, #tpu.memory_space<semaphore_mem>>) src(%dma_wait3A_270 : memref<10000x128xf32, #tpu.memory_space<hbm>>) dst(%arg11 : memref<128x128xf32, #tpu.memory_space<vmem>>)
    %scan3A_271 = arith.constant 0 : i32
    %scan3A_272 = arith.constant 0 : i32
    %scan3A_273 = arith.constant 128 : i32
    %scan3A_274 = arith.addi %scan3A_272, %scan3A_273 : i32
    %scan3A_275 = arith.constant 1 : i32
    %scan3A_276 = scf.for %scan3A_325 = %scan3A_272 to %scan3A_274 step %scan3A_275 iter_args(%scan3A_326 = %scan3A_271) -> (i32)  : i32 {
      %add3A_327 = arith.constant 128 : i32
      %add3A_328 = arith.addi %add3A_327, %scan3A_325 : i32
      %broadcast_in_dim3A = vector.broadcast %add3A_328 : i32 to vector<16xi32>
      %gather3A = tpu.vector_load_idx %arg8[%broadcast_in_dim3A] : memref<256xf32, #tpu.memory_space<vmem>>[vector<16xi32>], vector<16xf32>,
      %get3A = arith.index_cast %scan3A_325 : i32 to index
      %get3A_329 = arith.constant 0 : index
      %get3A_330 = tpu.vector_load %arg11[%get3A, %get3A_329] {strides = array<i32>} : memref<128x128xf32, #tpu.memory_space<vmem>>, vector<16xf32>,
      %mul3A_331 = arith.mulf %get3A_330, %gather3A : vector<16xf32>
      %swap3A = arith.index_cast %scan3A_325 : i32 to index
      %swap3A_332 = arith.constant 0 : index
      %swap3A_333 = tpu.vector_load %arg11[%swap3A, %swap3A_332] {strides = array<i32>} : memref<128x128xf32, #tpu.memory_space<vmem>>, vector<16xf32>,
      tpu.vector_store %arg11[%swap3A, %swap3A_332], %mul3A_331 {strides = array<i32>} : memref<128x128xf32, #tpu.memory_space<vmem>>, vector<16xf32>,
      %get3A_334 = arith.index_cast %scan3A_325 : i32 to index
      %get3A_335 = arith.constant 16 : index
      %get3A_336 = tpu.vector_load %arg11[%get3A_334, %get3A_335] {strides = array<i32>} : memref<128x128xf32, #tpu.memory_space<vmem>>, vector<16xf32>,
      %mul3A_337 = arith.mulf %get3A_336, %gather3A : vector<16xf32>
      %swap3A_338 = arith.index_cast %scan3A_325 : i32 to index
      %swap3A_339 = arith.constant 16 : index
      %swap3A_340 = tpu.vector_load %arg11[%swap3A_338, %swap3A_339] {strides = array<i32>} : memref<128x128xf32, #tpu.memory_space<vmem>>, vector<16xf32>,
      tpu.vector_store %arg11[%swap3A_338, %swap3A_339], %mul3A_337 {strides = array<i32>} : memref<128x128xf32, #tpu.memory_space<vmem>>, vector<16xf32>,
      %get3A_341 = arith.index_cast %scan3A_325 : i32 to index
      %get3A_342 = arith.constant 32 : index
      %get3A_343 = tpu.vector_load %arg11[%get3A_341, %get3A_342] {strides = array<i32>} : memref<128x128xf32, #tpu.memory_space<vmem>>, vector<16xf32>,
      %mul3A_344 = arith.mulf %get3A_343, %gather3A : vector<16xf32>
      %swap3A_345 = arith.index_cast %scan3A_325 : i32 to index
      %swap3A_346 = arith.constant 32 : index
      %swap3A_347 = tpu.vector_load %arg11[%swap3A_345, %swap3A_346] {strides = array<i32>} : memref<128x128xf32, #tpu.memory_space<vmem>>, vector<16xf32>,
      tpu.vector_store %arg11[%swap3A_345, %swap3A_346], %mul3A_344 {strides = array<i32>} : memref<128x128xf32, #tpu.memory_space<vmem>>, vector<16xf32>,
      %get3A_348 = arith.index_cast %scan3A_325 : i32 to index
      %get3A_349 = arith.constant 48 : index
      %get3A_350 = tpu.vector_load %arg11[%get3A_348, %get3A_349] {strides = array<i32>} : memref<128x128xf32, #tpu.memory_space<vmem>>, vector<16xf32>,
      %mul3A_351 = arith.mulf %get3A_350, %gather3A : vector<16xf32>
      %swap3A_352 = arith.index_cast %scan3A_325 : i32 to index
      %swap3A_353 = arith.constant 48 : index
      %swap3A_354 = tpu.vector_load %arg11[%swap3A_352, %swap3A_353] {strides = array<i32>} : memref<128x128xf32, #tpu.memory_space<vmem>>, vector<16xf32>,
      tpu.vector_store %arg11[%swap3A_352, %swap3A_353], %mul3A_351 {strides = array<i32>} : memref<128x128xf32, #tpu.memory_space<vmem>>, vector<16xf32>,
      %get3A_355 = arith.index_cast %scan3A_325 : i32 to index
      %get3A_356 = arith.constant 64 : index
      %get3A_357 = tpu.vector_load %arg11[%get3A_355, %get3A_356] {strides = array<i32>} : memref<128x128xf32, #tpu.memory_space<vmem>>, vector<16xf32>,
      %mul3A_358 = arith.mulf %get3A_357, %gather3A : vector<16xf32>
      %swap3A_359 = arith.index_cast %scan3A_325 : i32 to index
      %swap3A_360 = arith.constant 64 : index
      %swap3A_361 = tpu.vector_load %arg11[%swap3A_359, %swap3A_360] {strides = array<i32>} : memref<128x128xf32, #tpu.memory_space<vmem>>, vector<16xf32>,
      tpu.vector_store %arg11[%swap3A_359, %swap3A_360], %mul3A_358 {strides = array<i32>} : memref<128x128xf32, #tpu.memory_space<vmem>>, vector<16xf32>,
      %get3A_362 = arith.index_cast %scan3A_325 : i32 to index
      %get3A_363 = arith.constant 80 : index
      %get3A_364 = tpu.vector_load %arg11[%get3A_362, %get3A_363] {strides = array<i32>} : memref<128x128xf32, #tpu.memory_space<vmem>>, vector<16xf32>,
      %mul3A_365 = arith.mulf %get3A_364, %gather3A : vector<16xf32>
      %swap3A_366 = arith.index_cast %scan3A_325 : i32 to index
      %swap3A_367 = arith.constant 80 : index
      %swap3A_368 = tpu.vector_load %arg11[%swap3A_366, %swap3A_367] {strides = array<i32>} : memref<128x128xf32, #tpu.memory_space<vmem>>, vector<16xf32>,
      tpu.vector_store %arg11[%swap3A_366, %swap3A_367], %mul3A_365 {strides = array<i32>} : memref<128x128xf32, #tpu.memory_space<vmem>>, vector<16xf32>,
      %get3A_369 = arith.index_cast %scan3A_325 : i32 to index
      %get3A_370 = arith.constant 96 : index
      %get3A_371 = tpu.vector_load %arg11[%get3A_369, %get3A_370] {strides = array<i32>} : memref<128x128xf32, #tpu.memory_space<vmem>>, vector<16xf32>,
      %mul3A_372 = arith.mulf %get3A_371, %gather3A : vector<16xf32>
      %swap3A_373 = arith.index_cast %scan3A_325 : i32 to index
      %swap3A_374 = arith.constant 96 : index
      %swap3A_375 = tpu.vector_load %arg11[%swap3A_373, %swap3A_374] {strides = array<i32>} : memref<128x128xf32, #tpu.memory_space<vmem>>, vector<16xf32>,
      tpu.vector_store %arg11[%swap3A_373, %swap3A_374], %mul3A_372 {strides = array<i32>} : memref<128x128xf32, #tpu.memory_space<vmem>>, vector<16xf32>,
      %get3A_376 = arith.index_cast %scan3A_325 : i32 to index
      %get3A_377 = arith.constant 112 : index
      %get3A_378 = tpu.vector_load %arg11[%get3A_376, %get3A_377] {strides = array<i32>} : memref<128x128xf32, #tpu.memory_space<vmem>>, vector<16xf32>,
      %mul3A_379 = arith.mulf %get3A_378, %gather3A : vector<16xf32>
      %swap3A_380 = arith.index_cast %scan3A_325 : i32 to index
      %swap3A_381 = arith.constant 112 : index
      %swap3A_382 = tpu.vector_load %arg11[%swap3A_380, %swap3A_381] {strides = array<i32>} : memref<128x128xf32, #tpu.memory_space<vmem>>, vector<16xf32>,
      tpu.vector_store %arg11[%swap3A_380, %swap3A_381], %mul3A_379 {strides = array<i32>} : memref<128x128xf32, #tpu.memory_space<vmem>>, vector<16xf32>,
      %scan3A_383 = arith.constant 0 : i32
      scf.yield %scan3A_383 : i32
    }
    %scan3A_277 = arith.constant 128 : i32
    %dma_start3A_278 = arith.constant 77 : i32
    %dma_start3A_279 = arith.constant 0 : i32
    %dma_start3A_280 = tpu.memref_slice %arg9[%dma_start3A_278, %dma_start3A_279] : memref<79x128xi32, #tpu.memory_space<vmem>> -> memref<1x128xi32, #tpu.memory_space<vmem>>
    %dma_start3A_281 = tpu.memref_squeeze %dma_start3A_280 : memref<1x128xi32, #tpu.memory_space<vmem>> -> memref<128xi32, #tpu.memory_space<vmem>>
    %dma_start3A_282 = arith.constant 0 : i32
    %dma_start3A_283 = arith.constant 0 : i32
    %dma_start3A_284 = tpu.memref_slice %arg13[%dma_start3A_282, %dma_start3A_283] : memref<10000x128xf32, #tpu.memory_space<vmem_shared>> -> memref<10000x128xf32, #tpu.memory_space<vmem_shared>>
    tpu.enqueue_indirect_dma source(%arg11 : memref<128x128xf32, #tpu.memory_space<vmem>>) target(%dma_start3A_284 : memref<10000x128xf32, #tpu.memory_space<vmem_shared>>) offsets(%dma_start3A_281 : memref<128xi32, #tpu.memory_space<vmem>>) semaphore(%arg17 : memref<!tpu.dma_semaphore, #tpu.memory_space<semaphore_mem>>) {add = true}
    %dma_wait3A_285 = arith.constant 0 : i32
    %dma_wait3A_286 = arith.constant 0 : i32
    %dma_wait3A_287 = tpu.memref_slice %arg7[%dma_wait3A_285, %dma_wait3A_286] : memref<2x128xi32, #tpu.memory_space<vmem>> -> memref<1x128xi32, #tpu.memory_space<vmem>>
    %dma_wait3A_288 = tpu.memref_squeeze %dma_wait3A_287 : memref<1x128xi32, #tpu.memory_space<vmem>> -> memref<128xi32, #tpu.memory_space<vmem>>
    %dma_wait3A_289 = arith.constant 0 : i32
    %dma_wait3A_290 = arith.constant 0 : i32
    %dma_wait3A_291 = tpu.memref_slice %arg2[%dma_wait3A_289, %dma_wait3A_290] : memref<10000x128xf32, #tpu.memory_space<hbm>> -> memref<10000x128xf32, #tpu.memory_space<hbm>>
    tpu.wait_indirect_dma semaphore(%arg14 : memref<!tpu.dma_semaphore, #tpu.memory_space<semaphore_mem>>) src(%dma_wait3A_291 : memref<10000x128xf32, #tpu.memory_space<hbm>>) dst(%arg10 : memref<128x128xf32, #tpu.memory_space<vmem>>)
    %scan3A_292 = arith.constant 0 : i32
    %scan3A_293 = arith.constant 0 : i32
    %scan3A_294 = arith.constant 128 : i32
    %scan3A_295 = arith.addi %scan3A_293, %scan3A_294 : i32
    %scan3A_296 = arith.constant 1 : i32
    %scan3A_297 = scf.for %scan3A_325 = %scan3A_293 to %scan3A_295 step %scan3A_296 iter_args(%scan3A_326 = %scan3A_292) -> (i32)  : i32 {
      %add3A_327 = arith.constant 0 : i32
      %add3A_328 = arith.addi %add3A_327, %scan3A_325 : i32
      %broadcast_in_dim3A = vector.broadcast %add3A_328 : i32 to vector<16xi32>
      %gather3A = tpu.vector_load_idx %arg8[%broadcast_in_dim3A] : memref<256xf32, #tpu.memory_space<vmem>>[vector<16xi32>], vector<16xf32>,
      %get3A = arith.index_cast %scan3A_325 : i32 to index
      %get3A_329 = arith.constant 0 : index
      %get3A_330 = tpu.vector_load %arg10[%get3A, %get3A_329] {strides = array<i32>} : memref<128x128xf32, #tpu.memory_space<vmem>>, vector<16xf32>,
      %mul3A_331 = arith.mulf %get3A_330, %gather3A : vector<16xf32>
      %swap3A = arith.index_cast %scan3A_325 : i32 to index
      %swap3A_332 = arith.constant 0 : index
      %swap3A_333 = tpu.vector_load %arg10[%swap3A, %swap3A_332] {strides = array<i32>} : memref<128x128xf32, #tpu.memory_space<vmem>>, vector<16xf32>,
      tpu.vector_store %arg10[%swap3A, %swap3A_332], %mul3A_331 {strides = array<i32>} : memref<128x128xf32, #tpu.memory_space<vmem>>, vector<16xf32>,
      %get3A_334 = arith.index_cast %scan3A_325 : i32 to index
      %get3A_335 = arith.constant 16 : index
      %get3A_336 = tpu.vector_load %arg10[%get3A_334, %get3A_335] {strides = array<i32>} : memref<128x128xf32, #tpu.memory_space<vmem>>, vector<16xf32>,
      %mul3A_337 = arith.mulf %get3A_336, %gather3A : vector<16xf32>
      %swap3A_338 = arith.index_cast %scan3A_325 : i32 to index
      %swap3A_339 = arith.constant 16 : index
      %swap3A_340 = tpu.vector_load %arg10[%swap3A_338, %swap3A_339] {strides = array<i32>} : memref<128x128xf32, #tpu.memory_space<vmem>>, vector<16xf32>,
      tpu.vector_store %arg10[%swap3A_338, %swap3A_339], %mul3A_337 {strides = array<i32>} : memref<128x128xf32, #tpu.memory_space<vmem>>, vector<16xf32>,
      %get3A_341 = arith.index_cast %scan3A_325 : i32 to index
      %get3A_342 = arith.constant 32 : index
      %get3A_343 = tpu.vector_load %arg10[%get3A_341, %get3A_342] {strides = array<i32>} : memref<128x128xf32, #tpu.memory_space<vmem>>, vector<16xf32>,
      %mul3A_344 = arith.mulf %get3A_343, %gather3A : vector<16xf32>
      %swap3A_345 = arith.index_cast %scan3A_325 : i32 to index
      %swap3A_346 = arith.constant 32 : index
      %swap3A_347 = tpu.vector_load %arg10[%swap3A_345, %swap3A_346] {strides = array<i32>} : memref<128x128xf32, #tpu.memory_space<vmem>>, vector<16xf32>,
      tpu.vector_store %arg10[%swap3A_345, %swap3A_346], %mul3A_344 {strides = array<i32>} : memref<128x128xf32, #tpu.memory_space<vmem>>, vector<16xf32>,
      %get3A_348 = arith.index_cast %scan3A_325 : i32 to index
      %get3A_349 = arith.constant 48 : index
      %get3A_350 = tpu.vector_load %arg10[%get3A_348, %get3A_349] {strides = array<i32>} : memref<128x128xf32, #tpu.memory_space<vmem>>, vector<16xf32>,
      %mul3A_351 = arith.mulf %get3A_350, %gather3A : vector<16xf32>
      %swap3A_352 = arith.index_cast %scan3A_325 : i32 to index
      %swap3A_353 = arith.constant 48 : index
      %swap3A_354 = tpu.vector_load %arg10[%swap3A_352, %swap3A_353] {strides = array<i32>} : memref<128x128xf32, #tpu.memory_space<vmem>>, vector<16xf32>,
      tpu.vector_store %arg10[%swap3A_352, %swap3A_353], %mul3A_351 {strides = array<i32>} : memref<128x128xf32, #tpu.memory_space<vmem>>, vector<16xf32>,
      %get3A_355 = arith.index_cast %scan3A_325 : i32 to index
      %get3A_356 = arith.constant 64 : index
      %get3A_357 = tpu.vector_load %arg10[%get3A_355, %get3A_356] {strides = array<i32>} : memref<128x128xf32, #tpu.memory_space<vmem>>, vector<16xf32>,
      %mul3A_358 = arith.mulf %get3A_357, %gather3A : vector<16xf32>
      %swap3A_359 = arith.index_cast %scan3A_325 : i32 to index
      %swap3A_360 = arith.constant 64 : index
      %swap3A_361 = tpu.vector_load %arg10[%swap3A_359, %swap3A_360] {strides = array<i32>} : memref<128x128xf32, #tpu.memory_space<vmem>>, vector<16xf32>,
      tpu.vector_store %arg10[%swap3A_359, %swap3A_360], %mul3A_358 {strides = array<i32>} : memref<128x128xf32, #tpu.memory_space<vmem>>, vector<16xf32>,
      %get3A_362 = arith.index_cast %scan3A_325 : i32 to index
      %get3A_363 = arith.constant 80 : index
      %get3A_364 = tpu.vector_load %arg10[%get3A_362, %get3A_363] {strides = array<i32>} : memref<128x128xf32, #tpu.memory_space<vmem>>, vector<16xf32>,
      %mul3A_365 = arith.mulf %get3A_364, %gather3A : vector<16xf32>
      %swap3A_366 = arith.index_cast %scan3A_325 : i32 to index
      %swap3A_367 = arith.constant 80 : index
      %swap3A_368 = tpu.vector_load %arg10[%swap3A_366, %swap3A_367] {strides = array<i32>} : memref<128x128xf32, #tpu.memory_space<vmem>>, vector<16xf32>,
      tpu.vector_store %arg10[%swap3A_366, %swap3A_367], %mul3A_365 {strides = array<i32>} : memref<128x128xf32, #tpu.memory_space<vmem>>, vector<16xf32>,
      %get3A_369 = arith.index_cast %scan3A_325 : i32 to index
      %get3A_370 = arith.constant 96 : index
      %get3A_371 = tpu.vector_load %arg10[%get3A_369, %get3A_370] {strides = array<i32>} : memref<128x128xf32, #tpu.memory_space<vmem>>, vector<16xf32>,
      %mul3A_372 = arith.mulf %get3A_371, %gather3A : vector<16xf32>
      %swap3A_373 = arith.index_cast %scan3A_325 : i32 to index
      %swap3A_374 = arith.constant 96 : index
      %swap3A_375 = tpu.vector_load %arg10[%swap3A_373, %swap3A_374] {strides = array<i32>} : memref<128x128xf32, #tpu.memory_space<vmem>>, vector<16xf32>,
      tpu.vector_store %arg10[%swap3A_373, %swap3A_374], %mul3A_372 {strides = array<i32>} : memref<128x128xf32, #tpu.memory_space<vmem>>, vector<16xf32>,
      %get3A_376 = arith.index_cast %scan3A_325 : i32 to index
      %get3A_377 = arith.constant 112 : index
      %get3A_378 = tpu.vector_load %arg10[%get3A_376, %get3A_377] {strides = array<i32>} : memref<128x128xf32, #tpu.memory_space<vmem>>, vector<16xf32>,
      %mul3A_379 = arith.mulf %get3A_378, %gather3A : vector<16xf32>
      %swap3A_380 = arith.index_cast %scan3A_325 : i32 to index
      %swap3A_381 = arith.constant 112 : index
      %swap3A_382 = tpu.vector_load %arg10[%swap3A_380, %swap3A_381] {strides = array<i32>} : memref<128x128xf32, #tpu.memory_space<vmem>>, vector<16xf32>,
      tpu.vector_store %arg10[%swap3A_380, %swap3A_381], %mul3A_379 {strides = array<i32>} : memref<128x128xf32, #tpu.memory_space<vmem>>, vector<16xf32>,
      %scan3A_383 = arith.constant 0 : i32
      scf.yield %scan3A_383 : i32
    }
    %scan3A_298 = arith.constant 128 : i32
    %dma_start3A_299 = arith.constant 78 : i32
    %dma_start3A_300 = arith.constant 0 : i32
    %dma_start3A_301 = tpu.memref_slice %arg9[%dma_start3A_299, %dma_start3A_300] : memref<79x128xi32, #tpu.memory_space<vmem>> -> memref<1x128xi32, #tpu.memory_space<vmem>>
    %dma_start3A_302 = tpu.memref_squeeze %dma_start3A_301 : memref<1x128xi32, #tpu.memory_space<vmem>> -> memref<128xi32, #tpu.memory_space<vmem>>
    %dma_start3A_303 = arith.constant 0 : i32
    %dma_start3A_304 = arith.constant 0 : i32
    %dma_start3A_305 = tpu.memref_slice %arg13[%dma_start3A_303, %dma_start3A_304] : memref<10000x128xf32, #tpu.memory_space<vmem_shared>> -> memref<10000x128xf32, #tpu.memory_space<vmem_shared>>
    tpu.enqueue_indirect_dma source(%arg10 : memref<128x128xf32, #tpu.memory_space<vmem>>) target(%dma_start3A_305 : memref<10000x128xf32, #tpu.memory_space<vmem_shared>>) offsets(%dma_start3A_302 : memref<128xi32, #tpu.memory_space<vmem>>) semaphore(%arg16 : memref<!tpu.dma_semaphore, #tpu.memory_space<semaphore_mem>>) {add = true}
    %dma_wait3A_306 = arith.constant 0 : i32
    %dma_wait3A_307 = arith.constant 0 : i32
    %dma_wait3A_308 = tpu.memref_slice %arg9[%dma_wait3A_306, %dma_wait3A_307] : memref<79x128xi32, #tpu.memory_space<vmem>> -> memref<1x128xi32, #tpu.memory_space<vmem>>
    %dma_wait3A_309 = tpu.memref_squeeze %dma_wait3A_308 : memref<1x128xi32, #tpu.memory_space<vmem>> -> memref<128xi32, #tpu.memory_space<vmem>>
    %dma_wait3A_310 = arith.constant 0 : i32
    %dma_wait3A_311 = arith.constant 0 : i32
    %dma_wait3A_312 = tpu.memref_slice %arg13[%dma_wait3A_310, %dma_wait3A_311] : memref<10000x128xf32, #tpu.memory_space<vmem_shared>> -> memref<10000x128xf32, #tpu.memory_space<vmem_shared>>
    tpu.wait_indirect_dma semaphore(%arg16 : memref<!tpu.dma_semaphore, #tpu.memory_space<semaphore_mem>>) src(%arg10 : memref<128x128xf32, #tpu.memory_space<vmem>>) dst(%dma_wait3A_312 : memref<10000x128xf32, #tpu.memory_space<vmem_shared>>)
    %dma_wait3A_313 = arith.constant 0 : i32
    %dma_wait3A_314 = arith.constant 0 : i32
    %dma_wait3A_315 = tpu.memref_slice %arg9[%dma_wait3A_313, %dma_wait3A_314] : memref<79x128xi32, #tpu.memory_space<vmem>> -> memref<1x128xi32, #tpu.memory_space<vmem>>
    %dma_wait3A_316 = tpu.memref_squeeze %dma_wait3A_315 : memref<1x128xi32, #tpu.memory_space<vmem>> -> memref<128xi32, #tpu.memory_space<vmem>>
    %dma_wait3A_317 = arith.constant 0 : i32
    %dma_wait3A_318 = arith.constant 0 : i32
    %dma_wait3A_319 = tpu.memref_slice %arg13[%dma_wait3A_317, %dma_wait3A_318] : memref<10000x128xf32, #tpu.memory_space<vmem_shared>> -> memref<10000x128xf32, #tpu.memory_space<vmem_shared>>
    tpu.wait_indirect_dma semaphore(%arg17 : memref<!tpu.dma_semaphore, #tpu.memory_space<semaphore_mem>>) src(%arg11 : memref<128x128xf32, #tpu.memory_space<vmem>>) dst(%dma_wait3A_319 : memref<10000x128xf32, #tpu.memory_space<vmem_shared>>)
    %barrier3A_320 = arith.constant 0 : index
    tpu.barrier barrier_id(%barrier3A_320)
    %mul3A_321 = arith.constant 625 : i32
    %mul3A_322 = arith.muli %arg1, %mul3A_321 : i32
    %mul3A_323 = arith.constant 625 : i32
    %mul3A_324 = arith.muli %arg1, %mul3A_323 : i32
    "tpu.region"() ({
      %run_scoped3A_325 = tpu.sem_alloc : memref<!tpu.dma_semaphore, #tpu.memory_space<semaphore_mem>>
      %dma_start3A_326 = arith.constant 0 : i32
      %dma_start3A_327 = tpu.memref_slice %arg6[%arg0, %mul3A_324, %dma_start3A_326] : memref<2x10000x128xf32, #tpu.memory_space<hbm>> -> memref<1x625x128xf32, #tpu.memory_space<hbm>>
      %dma_start3A_328 = tpu.memref_squeeze %dma_start3A_327 : memref<1x625x128xf32, #tpu.memory_space<hbm>> -> memref<625x128xf32, #tpu.memory_space<hbm>>
      %dma_start3A_329 = arith.constant 0 : i32
      %dma_start3A_330 = tpu.memref_slice %arg13[%mul3A_322, %dma_start3A_329] : memref<10000x128xf32, #tpu.memory_space<vmem_shared>> -> memref<625x128xf32, #tpu.memory_space<vmem_shared>>
      tpu.enqueue_dma source(%dma_start3A_330 : memref<625x128xf32, #tpu.memory_space<vmem_shared>>) target(%dma_start3A_328 : memref<625x128xf32, #tpu.memory_space<hbm>>) target_semaphore(%run_scoped3A_325 : memref<!tpu.dma_semaphore, #tpu.memory_space<semaphore_mem>>)
      %dma_wait3A_331 = arith.constant 0 : i32
      %dma_wait3A_332 = tpu.memref_slice %arg6[%arg0, %mul3A_324, %dma_wait3A_331] : memref<2x10000x128xf32, #tpu.memory_space<hbm>> -> memref<1x625x128xf32, #tpu.memory_space<hbm>>
      %dma_wait3A_333 = tpu.memref_squeeze %dma_wait3A_332 : memref<1x625x128xf32, #tpu.memory_space<hbm>> -> memref<625x128xf32, #tpu.memory_space<hbm>>
      %dma_wait3A_334 = arith.constant 0 : i32
      %dma_wait3A_335 = tpu.memref_slice %arg13[%mul3A_322, %dma_wait3A_334] : memref<10000x128xf32, #tpu.memory_space<vmem_shared>> -> memref<625x128xf32, #tpu.memory_space<vmem_shared>>
      tpu.wait_dma2 semaphore(%run_scoped3A_325 : memref<!tpu.dma_semaphore, #tpu.memory_space<semaphore_mem>>) src(%dma_wait3A_335 : memref<625x128xf32, #tpu.memory_space<vmem_shared>>) dst(%dma_wait3A_333 : memref<625x128xf32, #tpu.memory_space<hbm>>)
      tpu.yield
    }) : () -> ()
    return
  }
}

module attributes {stable_mosaic.version = 14 : i64} {
  func.func @_mlp_body(%arg0: memref<10000x128xf32, #tpu.memory_space<vmem>>, %arg1: memref<128x128xf32, #tpu.memory_space<vmem>>, %arg2: memref<128xf32, #tpu.memory_space<vmem>>, %arg3: memref<128xf32, #tpu.memory_space<vmem>>, %arg4: memref<128xf32, #tpu.memory_space<vmem>>, %arg5: memref<128x128xf32, #tpu.memory_space<vmem>>, %arg6: memref<128xf32, #tpu.memory_space<vmem>>, %arg7: memref<128xf32, #tpu.memory_space<vmem>>, %arg8: memref<128xf32, #tpu.memory_space<vmem>>, %arg9: memref<10000x128xf32, #tpu.memory_space<vmem>>) attributes {dimension_semantics = [], scalar_prefetch = 0 : i64, scratch_operands = 0 : i64, tpu.core_type = #tpu.core_type<tc>} {
    %get3A = arith.constant 0 : index
    %get3A_0 = arith.constant 0 : index
    %get3A_1 = vector.load %arg0[%get3A, %get3A_0] : memref<10000x128xf32, #tpu.memory_space<vmem>>, vector<10000x128xf32>
    %get3A_2 = arith.constant 0 : index
    %get3A_3 = arith.constant 0 : index
    %get3A_4 = vector.load %arg1[%get3A_2, %get3A_3] : memref<128x128xf32, #tpu.memory_space<vmem>>, vector<128x128xf32>
    %dot_general3A = arith.constant dense<0.000000e+00> : vector<10000x128xf32>
    %dot_general3A_5 = tpu.matmul %get3A_1, %get3A_4, %dot_general3A {dimension_numbers = #tpu.dot_dimension_numbers<[1], [0], [0], [1], [0, 0, 1, 1], [], []>, transpose_lhs_hint = false} : vector<10000x128xf32>, vector<128x128xf32>, vector<10000x128xf32> -> vector<10000x128xf32>
    %get3A_6 = arith.constant 0 : index
    %get3A_7 = vector.load %arg2[%get3A_6] : memref<128xf32, #tpu.memory_space<vmem>>, vector<128xf32>
    %broadcast_in_dim3A = vector.shape_cast %get3A_7 : vector<128xf32> to vector<1x128xf32>
    %add3A = vector.broadcast %broadcast_in_dim3A : vector<1x128xf32> to vector<10000x128xf32>
    %add3A_8 = arith.addf %dot_general3A_5, %add3A : vector<10000x128xf32>
    %reduce_sum3A = arith.constant dense<0.000000e+00> : vector<128xf32>
    %reduce_sum3A_9 = vector.multi_reduction <add>, %add3A_8, %reduce_sum3A [0] : vector<10000x128xf32> to vector<128xf32>
    %broadcast_in_dim3A_10 = vector.shape_cast %reduce_sum3A_9 : vector<128xf32> to vector<1x128xf32>
    %div3A = arith.constant 1.000000e+04 : f32
    %div3A_11 = vector.broadcast %div3A : f32 to vector<1x128xf32>
    %div3A_12 = arith.divf %broadcast_in_dim3A_10, %div3A_11 : vector<1x128xf32>
    %sub3A = vector.broadcast %div3A_12 : vector<1x128xf32> to vector<10000x128xf32>
    %sub3A_13 = arith.subf %add3A_8, %sub3A : vector<10000x128xf32>
    %sub3A_14 = vector.broadcast %div3A_12 : vector<1x128xf32> to vector<10000x128xf32>
    %sub3A_15 = arith.subf %add3A_8, %sub3A_14 : vector<10000x128xf32>
    %mul3A = arith.mulf %sub3A_13, %sub3A_15 : vector<10000x128xf32>
    %reduce_sum3A_16 = arith.constant dense<0.000000e+00> : vector<128xf32>
    %reduce_sum3A_17 = vector.multi_reduction <add>, %mul3A, %reduce_sum3A_16 [0] : vector<10000x128xf32> to vector<128xf32>
    %broadcast_in_dim3A_18 = vector.shape_cast %reduce_sum3A_17 : vector<128xf32> to vector<1x128xf32>
    %div3A_19 = arith.constant 1.000000e+04 : f32
    %div3A_20 = vector.broadcast %div3A_19 : f32 to vector<1x128xf32>
    %div3A_21 = arith.divf %broadcast_in_dim3A_18, %div3A_20 : vector<1x128xf32>
    %sub3A_22 = vector.broadcast %div3A_12 : vector<1x128xf32> to vector<10000x128xf32>
    %sub3A_23 = arith.subf %add3A_8, %sub3A_22 : vector<10000x128xf32>
    %add3A_24 = arith.constant 9.99999974E-6 : f32
    %add3A_25 = vector.broadcast %add3A_24 : f32 to vector<1x128xf32>
    %add3A_26 = arith.addf %div3A_21, %add3A_25 : vector<1x128xf32>
    %rsqrt3A = math.rsqrt %add3A_26 : vector<1x128xf32>
    %mul3A_27 = vector.broadcast %rsqrt3A : vector<1x128xf32> to vector<10000x128xf32>
    %mul3A_28 = arith.mulf %sub3A_23, %mul3A_27 : vector<10000x128xf32>
    %get3A_29 = arith.constant 0 : index
    %get3A_30 = vector.load %arg3[%get3A_29] : memref<128xf32, #tpu.memory_space<vmem>>, vector<128xf32>
    %broadcast_in_dim3A_31 = vector.shape_cast %get3A_30 : vector<128xf32> to vector<1x128xf32>
    %mul3A_32 = vector.broadcast %broadcast_in_dim3A_31 : vector<1x128xf32> to vector<10000x128xf32>
    %mul3A_33 = arith.mulf %mul3A_28, %mul3A_32 : vector<10000x128xf32>
    %get3A_34 = arith.constant 0 : index
    %get3A_35 = vector.load %arg4[%get3A_34] : memref<128xf32, #tpu.memory_space<vmem>>, vector<128xf32>
    %broadcast_in_dim3A_36 = vector.shape_cast %get3A_35 : vector<128xf32> to vector<1x128xf32>
    %add3A_37 = vector.broadcast %broadcast_in_dim3A_36 : vector<1x128xf32> to vector<10000x128xf32>
    %add3A_38 = arith.addf %mul3A_33, %add3A_37 : vector<10000x128xf32>
    %max3A = arith.constant 0.000000e+00 : f32
    %max3A_39 = vector.broadcast %max3A : f32 to vector<10000x128xf32>
    %max3A_40 = arith.maximumf %add3A_38, %max3A_39 : vector<10000x128xf32>
    %get3A_41 = arith.constant 0 : index
    %get3A_42 = arith.constant 0 : index
    %get3A_43 = vector.load %arg5[%get3A_41, %get3A_42] : memref<128x128xf32, #tpu.memory_space<vmem>>, vector<128x128xf32>
    %dot_general3A_44 = arith.constant dense<0.000000e+00> : vector<10000x128xf32>
    %dot_general3A_45 = tpu.matmul %max3A_40, %get3A_43, %dot_general3A_44 {dimension_numbers = #tpu.dot_dimension_numbers<[1], [0], [0], [1], [0, 0, 1, 1], [], []>, transpose_lhs_hint = false} : vector<10000x128xf32>, vector<128x128xf32>, vector<10000x128xf32> -> vector<10000x128xf32>
    %get3A_46 = arith.constant 0 : index
    %get3A_47 = vector.load %arg6[%get3A_46] : memref<128xf32, #tpu.memory_space<vmem>>, vector<128xf32>
    %broadcast_in_dim3A_48 = vector.shape_cast %get3A_47 : vector<128xf32> to vector<1x128xf32>
    %add3A_49 = vector.broadcast %broadcast_in_dim3A_48 : vector<1x128xf32> to vector<10000x128xf32>
    %add3A_50 = arith.addf %dot_general3A_45, %add3A_49 : vector<10000x128xf32>
    %reduce_sum3A_51 = arith.constant dense<0.000000e+00> : vector<128xf32>
    %reduce_sum3A_52 = vector.multi_reduction <add>, %add3A_50, %reduce_sum3A_51 [0] : vector<10000x128xf32> to vector<128xf32>
    %broadcast_in_dim3A_53 = vector.shape_cast %reduce_sum3A_52 : vector<128xf32> to vector<1x128xf32>
    %div3A_54 = arith.constant 1.000000e+04 : f32
    %div3A_55 = vector.broadcast %div3A_54 : f32 to vector<1x128xf32>
    %div3A_56 = arith.divf %broadcast_in_dim3A_53, %div3A_55 : vector<1x128xf32>
    %sub3A_57 = vector.broadcast %div3A_56 : vector<1x128xf32> to vector<10000x128xf32>
    %sub3A_58 = arith.subf %add3A_50, %sub3A_57 : vector<10000x128xf32>
    %sub3A_59 = vector.broadcast %div3A_56 : vector<1x128xf32> to vector<10000x128xf32>
    %sub3A_60 = arith.subf %add3A_50, %sub3A_59 : vector<10000x128xf32>
    %mul3A_61 = arith.mulf %sub3A_58, %sub3A_60 : vector<10000x128xf32>
    %reduce_sum3A_62 = arith.constant dense<0.000000e+00> : vector<128xf32>
    %reduce_sum3A_63 = vector.multi_reduction <add>, %mul3A_61, %reduce_sum3A_62 [0] : vector<10000x128xf32> to vector<128xf32>
    %broadcast_in_dim3A_64 = vector.shape_cast %reduce_sum3A_63 : vector<128xf32> to vector<1x128xf32>
    %div3A_65 = arith.constant 1.000000e+04 : f32
    %div3A_66 = vector.broadcast %div3A_65 : f32 to vector<1x128xf32>
    %div3A_67 = arith.divf %broadcast_in_dim3A_64, %div3A_66 : vector<1x128xf32>
    %sub3A_68 = vector.broadcast %div3A_56 : vector<1x128xf32> to vector<10000x128xf32>
    %sub3A_69 = arith.subf %add3A_50, %sub3A_68 : vector<10000x128xf32>
    %add3A_70 = arith.constant 9.99999974E-6 : f32
    %add3A_71 = vector.broadcast %add3A_70 : f32 to vector<1x128xf32>
    %add3A_72 = arith.addf %div3A_67, %add3A_71 : vector<1x128xf32>
    %rsqrt3A_73 = math.rsqrt %add3A_72 : vector<1x128xf32>
    %mul3A_74 = vector.broadcast %rsqrt3A_73 : vector<1x128xf32> to vector<10000x128xf32>
    %mul3A_75 = arith.mulf %sub3A_69, %mul3A_74 : vector<10000x128xf32>
    %get3A_76 = arith.constant 0 : index
    %get3A_77 = vector.load %arg7[%get3A_76] : memref<128xf32, #tpu.memory_space<vmem>>, vector<128xf32>
    %broadcast_in_dim3A_78 = vector.shape_cast %get3A_77 : vector<128xf32> to vector<1x128xf32>
    %mul3A_79 = vector.broadcast %broadcast_in_dim3A_78 : vector<1x128xf32> to vector<10000x128xf32>
    %mul3A_80 = arith.mulf %mul3A_75, %mul3A_79 : vector<10000x128xf32>
    %get3A_81 = arith.constant 0 : index
    %get3A_82 = vector.load %arg8[%get3A_81] : memref<128xf32, #tpu.memory_space<vmem>>, vector<128xf32>
    %broadcast_in_dim3A_83 = vector.shape_cast %get3A_82 : vector<128xf32> to vector<1x128xf32>
    %add3A_84 = vector.broadcast %broadcast_in_dim3A_83 : vector<1x128xf32> to vector<10000x128xf32>
    %add3A_85 = arith.addf %mul3A_80, %add3A_84 : vector<10000x128xf32>
    %max3A_86 = arith.constant 0.000000e+00 : f32
    %max3A_87 = vector.broadcast %max3A_86 : f32 to vector<10000x128xf32>
    %max3A_88 = arith.maximumf %add3A_85, %max3A_87 : vector<10000x128xf32>
    %swap3A = arith.constant 0 : index
    %swap3A_89 = arith.constant 0 : index
    %swap3A_90 = vector.load %arg9[%swap3A, %swap3A_89] : memref<10000x128xf32, #tpu.memory_space<vmem>>, vector<10000x128xf32>
    tpu.vector_store %arg9[%swap3A, %swap3A_89], %max3A_88 {strides = array<i32>} : memref<10000x128xf32, #tpu.memory_space<vmem>>, vector<10000x128xf32>,
    return
  }
}

module attributes {stable_mosaic.version = 14 : i64} {
  func.func @_combine_body(%arg0: memref<2x10000x128xf32, #tpu.memory_space<vmem>>, %arg1: memref<10000x128xf32, #tpu.memory_space<vmem>>) attributes {dimension_semantics = [], scalar_prefetch = 0 : i64, scratch_operands = 0 : i64, tpu.core_type = #tpu.core_type<tc>} {
    %get3A = arith.constant 0 : index
    %get3A_0 = arith.constant 0 : index
    %get3A_1 = arith.constant 0 : index
    %get3A_2 = vector.load %arg0[%get3A, %get3A_0, %get3A_1] : memref<2x10000x128xf32, #tpu.memory_space<vmem>>, vector<1x10000x128xf32>
    %get3A_3 = vector.shape_cast %get3A_2 : vector<1x10000x128xf32> to vector<10000x128xf32>
    %get3A_4 = arith.constant 1 : index
    %get3A_5 = arith.constant 0 : index
    %get3A_6 = arith.constant 0 : index
    %get3A_7 = vector.load %arg0[%get3A_4, %get3A_5, %get3A_6] : memref<2x10000x128xf32, #tpu.memory_space<vmem>>, vector<1x10000x128xf32>
    %get3A_8 = vector.shape_cast %get3A_7 : vector<1x10000x128xf32> to vector<10000x128xf32>
    %add3A = arith.addf %get3A_3, %get3A_8 : vector<10000x128xf32>
    %swap3A = arith.constant 0 : index
    %swap3A_9 = arith.constant 0 : index
    %swap3A_10 = vector.load %arg1[%swap3A, %swap3A_9] : memref<10000x128xf32, #tpu.memory_space<vmem>>, vector<10000x128xf32>
    tpu.vector_store %arg1[%swap3A, %swap3A_9], %add3A {strides = array<i32>} : memref<10000x128xf32, #tpu.memory_space<vmem>>, vector<10000x128xf32>,
    return
  }
}

module attributes {stable_mosaic.version = 14 : i64} {
  func.func @_combine_body(%arg0: memref<2x10000x128xf32, #tpu.memory_space<vmem>>, %arg1: memref<10000x128xf32, #tpu.memory_space<vmem>>) attributes {dimension_semantics = [], scalar_prefetch = 0 : i64, scratch_operands = 0 : i64, tpu.core_type = #tpu.core_type<tc>} {
    %get3A = arith.constant 0 : index
    %get3A_0 = arith.constant 0 : index
    %get3A_1 = arith.constant 0 : index
    %get3A_2 = vector.load %arg0[%get3A, %get3A_0, %get3A_1] : memref<2x10000x128xf32, #tpu.memory_space<vmem>>, vector<1x10000x128xf32>
    %get3A_3 = vector.shape_cast %get3A_2 : vector<1x10000x128xf32> to vector<10000x128xf32>
    %get3A_4 = arith.constant 1 : index
    %get3A_5 = arith.constant 0 : index
    %get3A_6 = arith.constant 0 : index
    %get3A_7 = vector.load %arg0[%get3A_4, %get3A_5, %get3A_6] : memref<2x10000x128xf32, #tpu.memory_space<vmem>>, vector<1x10000x128xf32>
    %get3A_8 = vector.shape_cast %get3A_7 : vector<1x10000x128xf32> to vector<10000x128xf32>
    %add3A = arith.addf %get3A_3, %get3A_8 : vector<10000x128xf32>
    %swap3A = arith.constant 0 : index
    %swap3A_9 = arith.constant 0 : index
    %swap3A_10 = vector.load %arg1[%swap3A, %swap3A_9] : memref<10000x128xf32, #tpu.memory_space<vmem>>, vector<10000x128xf32>
    tpu.vector_store %arg1[%swap3A, %swap3A_9], %add3A {strides = array<i32>} : memref<10000x128xf32, #tpu.memory_space<vmem>>, vector<10000x128xf32>,
    return
  }
}

</mosaic_0001>

<sc_bundles>
// kernel: kernel.11.cloned.1.call-start
scs
__scs_entry_jumppad:
0x0: {  	(pc) =	sbr.rel $0x88, $3  }
0x1: {  	(tag) =	ssettag $0x0;
	lr =	simm.s32 $0x1  }
0x2: {  	[smem:$0x3F96] =	sst lr;
	_ =	strace $0xD0000000  }
0x3: {  	_ = 	snop  }
0x4: {  	_ = 	snop  }
0x5: {  	_ = 	snop  }
0x6: {  	_ = 	snop  }
0x7: {  	_ = 	snop  }
__scs_overlays_trampoline_lowered:
0x8: {  	[smem:$0x3FA5] =	sst s0  }
0x9: {  	[smem:$0x3FA6] =	sst s1  }
0xa: {  	[smem:$0x3FA7] =	sst s2  }
0xb: {  	[smem:$0x3FA8] =	sst s3  }
0xc: {  	[smem:$0x3FA9] =	sst s4  }
0xd: {  	[smem:$0x3FAA] =	sst s5  }
0xe: {  	[smem:$0x3FAB] =	sst s6  }
0xf: {  	[smem:$0x3FAC] =	sst s7  }
0x10: {  	[smem:$0x3FAD] =	sst s8  }
0x11: {  	[smem:$0x3FAE] =	sst s9;
	s0 =	simm.s32 @!p0 $0x0  }
0x12: {  	s1 =	sld [smem:$0x3F94];
	s0 =	simm.s32 @p0 $0x1  }
0x13: {  	[smem:$0x3FAF] =	sst s0;
	s0 =	simm.s32 @!p1 $0x0  }
0x14: {  	s2 =	sld [smem:$0x3F93];
	s0 =	simm.s32 @p1 $0x1  }
0x15: {  	[smem:$0x3FB0] =	sst s0;
	s0 =	simm.s32 @!p2 $0x0  }
0x16: {  	s3 =	sld [smem:$0x3FDB];
	s0 =	simm.s32 @p2 $0x1  }
0x17: {  	s4 =	simm.s32 $0x1BF5;
	[smem:$0x3FB2] =	sst s0  }
0x18: {  	s0 =	sld [smem:$0x3F95];
	_ =	swait.ge [sflag:s4], $0x0  }
0x19: {  	s7 =	sld [smem:$0x3F96]  }
0x1a: {  	s8 =	sadd.s32 $0xFFFFE003, lr  }
0x1b: {  	s9 =	sadd.s32 $0xFFFFFEF7, lr;
	s5 =	simm.s32 $0xFFFFFFFF;
	p2 =	slt.u32 s8, $0xFFFFF086  }
0x1c: {  	p1 =	slt.u32 s9, $0xF7A;
	s5 =	simm.s32 @!p2 $0x0  }
0x1d: {  	s5 =	simm.s32 @p1 $0x1;
	p0 =	seq.s32 s7, s2  }
0x1e: {  	s7 =	smul.u32 @!p0 $0xF7A, s2;
	p2 =	seq.s32 @!p0 s5, $0x0  }
0x1f: {  	s9 =	smul.u32 $0xF7A, s1;
	s8 =	simm.s32 @!p0 $0x1BF5;
	p2 =	por !p2, p0  }
0x20: {  	[sflag:s8] =	ssyncset.s32 @!p0 $0xFFFFF086;
	s6 =	sadd.s32 @!p0 s3, s7;
	s7 =	simm.s32 @!p0 $0x108  }
0x21: {  	s3 =	sadd.s32 s3, s9;
	s6 =	sadd.s32 @!p0 $0x88, s6;
	s7 =	simm.s32 @p2 $0x1082  }
0x22: {  	[simem:s7], [sflag:s8] =	dma.local @!p0 [hbm:s6], $0xF7A  }
0x23: {  	s9 =	sor.u32 $0xD0000000, s2;
	s6 =	simm.s32 $0x108;
	_ =	swait.ge @!p0 [sflag:s8], $0x0  }
0x24: {  	s3 =	sadd.s32 $0x88, s3;
	s6 =	simm.s32 @!p1 $0x1082;
	[sflag:s4] =	ssyncset.s32 $0xFFFFF086  }
0x25: {  	[simem:s6], [sflag:s4] =	dma.local [hbm:s3], $0xF7A  }
0x26: {  	[smem:$0x3F96] =	sst s1;
	(tag) =	ssettag s2;
	_ =	strace s9  }
0x27: {  	s1 =	sld [smem:$0x3FA6]  }
0x28: {  	s2 =	sld [smem:$0x3FA7]  }
0x29: {  	s4 =	sld [smem:$0x3FA9]  }
0x2a: {  	p0 =	seq.s32 s5, $0x0;
	s5 =	sld [smem:$0x3FAA]  }
0x2b: {  	s6 =	sld [smem:$0x3FAB]  }
0x2c: {  	s7 =	sld [smem:$0x3FAC]  }
0x2d: {  	s3 =	simm.s32 $0x108;
	s8 =	sld [smem:$0x3FAD]  }
0x2e: {  	s3 =	simm.s32 @!p0 $0x1082;
	s9 =	sld [smem:$0x3FAE]  }
0x2f: {  	lr =	sadd.s32 s0, s3;
	s0 =	sld [smem:$0x3FA5]  }
0x30: {  	s3 =	sld [smem:$0x3FA8]  }
0x31: {  	[smem:$0x3FB1] =	sst s10  }
0x32: {  	s10 =	sld [smem:$0x3FAF];
	_ =	sdelay $0x3  }
0x33: {  	p0 =	seq.s32 s10, $0x1;
	s10 =	sld [smem:$0x3FB1];
	_ =	sdelay $0x3  }
0x34: {  	[smem:$0x3FB1] =	sst s10  }
0x35: {  	s10 =	sld [smem:$0x3FB0];
	_ =	sdelay $0x3  }
0x36: {  	p1 =	seq.s32 s10, $0x1;
	s10 =	sld [smem:$0x3FB1];
	_ =	sdelay $0x3  }
0x37: {  	[smem:$0x3FB1] =	sst s10  }
0x38: {  	s10 =	sld [smem:$0x3FB2]  }
0x39: {  	_ = 	snop;
	(pc) =	sbr.ind lr, $3  }
0x3a: {  	_ = 	snop  }
0x3b: {  	_ = 	snop  }
0x3c: {  	p2 =	seq.s32 s10, $0x1;
	s10 =	sld [smem:$0x3FB1]  }
0x3d: {  	_ =	shalt  }
0x3e: {  	_ =	shalt  }
0x3f: {  	_ =	shalt  }
0x40: {  	_ =	shalt  }
0x41: {  	_ =	shalt  }
0x42: {  	_ =	shalt  }
0x43: {  	_ =	shalt  }
0x44: {  	_ =	shalt  }
0x45: {  	_ =	shalt  }
0x46: {  	_ =	shalt  }
0x47: {  	_ =	shalt  }
0x48: {  	_ =	shalt  }
0x49: {  	_ =	shalt  }
0x4a: {  	_ =	shalt  }
0x4b: {  	_ =	shalt  }
0x4c: {  	_ =	shalt  }
0x4d: {  	_ =	shalt  }
0x4e: {  	_ =	shalt  }
0x4f: {  	_ =	shalt  }
0x50: {  	_ =	shalt  }
0x51: {  	_ =	shalt  }
0x52: {  	_ =	shalt  }
0x53: {  	_ =	shalt  }
0x54: {  	_ =	shalt  }
0x55: {  	_ =	shalt  }
0x56: {  	_ =	shalt  }
0x57: {  	_ =	shalt  }
0x58: {  	_ =	shalt  }
0x59: {  	_ =	shalt  }
0x5a: {  	_ =	shalt  }
0x5b: {  	_ =	shalt  }
0x5c: {  	_ =	shalt  }
0x5d: {  	_ =	shalt  }
0x5e: {  	_ =	shalt  }
0x5f: {  	_ =	shalt  }
0x60: {  	_ =	shalt  }
0x61: {  	_ =	shalt  }
0x62: {  	_ =	shalt  }
0x63: {  	_ =	shalt  }
0x64: {  	_ =	shalt  }
0x65: {  	_ =	shalt  }
0x66: {  	_ =	shalt  }
0x67: {  	_ =	shalt  }
0x68: {  	_ =	shalt  }
0x69: {  	_ =	shalt  }
0x6a: {  	_ =	shalt  }
0x6b: {  	_ =	shalt  }
0x6c: {  	_ =	shalt  }
0x6d: {  	_ =	shalt  }
0x6e: {  	_ =	shalt  }
0x6f: {  	_ =	shalt  }
0x70: {  	_ =	shalt  }
0x71: {  	_ =	shalt  }
0x72: {  	_ =	shalt  }
0x73: {  	_ =	shalt  }
0x74: {  	_ =	shalt  }
0x75: {  	_ =	shalt  }
0x76: {  	_ =	shalt  }
0x77: {  	_ =	shalt  }
0x78: {  	_ =	shalt  }
0x79: {  	_ =	shalt  }
0x7a: {  	_ =	shalt  }
0x7b: {  	_ =	shalt  }
0x7c: {  	_ =	shalt  }
0x7d: {  	_ =	shalt  }
0x7e: {  	_ =	shalt  }
0x7f: {  	_ =	shalt  }
0x80: {  	_ =	shalt  }
0x81: {  	_ =	shalt  }
0x82: {  	_ =	shalt  }
0x83: {  	_ =	shalt  }
0x84: {  	_ =	shalt  }
0x85: {  	_ =	shalt  }
0x86: {  	_ =	shalt  }
0x87: {  	_ =	shalt  }
.Lfunc_end0:
.L_simem_size_0:
called_computation.1_lowered:
.L_overlay_start_0:
0x88: {  	s2 =	sld [smem:$0x3FD9]  }
0x89: {  	s3 =	sld [smem:$0x3FFE];
	_ =	sdelay $0x1  }
0x8a: {  	s1 =	srdreg.scid  }
0x8b: {  	s0 =	sand.u32 $0x1, s1  }
0x8c: {  	s17 =	sshll.u32 s0, $0xA;
	s2 =	sadd.s32 s3, s2  }
0x8d: {  	s2 =	sadd.s32 s2, s17  }
0x8e: {  	[smem:$0x3FBD] =	sst s2  }
0x8f: {  	_ = 	snop  }
0x90: {  	s2 =	sld [smem:$0x3FD0];
	(tm) =	ssettm $0x1  }
0x91: {  	s18 =	sld [smem:$0x3FFB];
	_ =	sdelay $0x3  }
0x92: {  	_ =	strace s18  }
0x93: {  	s3 =	sld [smem:$0x3FFC];
	_ =	sdelay $0x3  }
0x94: {  	_ =	strace s3  }
0x95: {  	s3 =	sld [smem:$0x3FFD];
	_ =	sdelay $0x3  }
0x96: {  	_ =	strace s3  }
0x97: {  	_ =	strace $0x8FFFFFFF  }
0x98: {  	s19 =	sld [smem:$0x3FDB];
	_ =	sdelay $0x1  }
0x99: {  	s4 =	simm.s32 $_scs_section_size  }
0x9a: {  	s5 =	simm.s32 $_size__tile_overlayer_lowered;
	s6 =	simm.s32 $_tile_overlayer_lowered  }
0x9b: {  	s22 =	simm.s32 $0x1BFF;
	s21 =	sshll.u32 s6, $0x1;
	s3 =	sadd.s32 s4, s19  }
0x9c: {  	s7 =	simm.s32 $0x0;
	s20 =	sshll.u32 s5, $0x1;
	s5 =	sadd.s32 s21, s3  }
0x9d: {  	[timem:s7], [sflag:s22] =	dma.local [hbm:s5], s20  }
0x9e: {  	_ =	swait.ge [sflag:s22], s20  }
0x9f: {  	s4 =	ssub.s32 $0x0, s20;
	[sflag:s22] =	ssyncset.done $0x0  }
0xa0: {  	[sflag:s22] =	ssyncadd.s32 s4;
	_ =	sdelay $0x1  }
0xa1: {  	s23 =	simm.s32 $0x1B8B  }
0xa2: {  	_ =	swait.ge [sflag:s23], $0x1  }
0xa3: {  	[sflag:s23] =	ssyncset.done $0x0  }
0xa4: {  	s25 =	simm.s32 $0x1B8E;
	s24 =	sld [smem:$0x3FFE];
	[sflag:s23] =	ssyncadd.s32 $0xFFFFFFFF  }
0xa5: {  	s26 =	simm.s32 $execute0_lowered;
	[smem:$0x3FD2] =	sst s25  }
0xa6: {  	s5 =	sshll.u32 s26, $0x1;
	_ =	strace $0x80000049;
	[dreg:$0x1] =	wrdreg $0xFFFFFFFF  }
0xa7: {  	s28 =	simm.s32 $_size_execute0_lowered;
	s3 =	sadd.s32 s3, s5;
	[dreg:$0x0] =	wrdreg $0x0  }
0xa8: {  	s5 =	sshll.u32 s28, $0x1;
	[dreg:$0x2] =	wrdreg s3  }
0xa9: {  	[dreg:$0x3] =	wrdreg s5  }
0xaa: {  	[dreg:$0x4] =	wrdreg $0xC0  }
0xab: {  	_ =	task [dreg:s7], $0x5FFFF  }
0xac: {  	[dreg:$0x1] =	wrdreg $0xFFFFFFFF  }
0xad: {  	[dreg:$0x0] =	wrdreg $0x60  }
0xae: {  	[dreg:$0x2] =	wrdreg s2  }
0xaf: {  	[dreg:$0x3] =	wrdreg s24  }
0xb0: {  	[dreg:$0x4] =	wrdreg $0xB6000  }
0xb1: {  	[dreg:$0x5] =	wrdreg $0x9  }
0xb2: {  	_ =	task.clear_ibuf [dreg:s7], $0x6FFFF;
	_ =	strace $0x90000049  }
0xb3: {  	s29 =	simm.s32 $0x9;
	_ =	strace $0x8000004B  }
0xb4: {  	_ =	swait.ge [sflag:s29], $0x1  }
0xb5: {  	[sflag:s29] =	ssyncadd.s32 $0xFFFFFFFF  }
0xb6: {  	_ =	strace $0x9000004B  }
0xb7: {  	_ =	sfence  }
0xb8: {  	s30 =	sld [smem:$0x0];
	_ =	sdelay $0x2  }
0xb9: {  	s31 =	sshll.u32 s1, $0xD;
	s1 =	sshrl.u32 s1, $0x2  }
0xba: {  	s3 =	sand.u32 $0x4000, s31;
	s1 =	sadd.s32 s1, s30  }
0xbb: {  	s0 =	sor.u32 s3, s0;
	s1 =	sshll.u32 s1, $0x11  }
0xbc: {  	s0 =	sor.u32 s1, s0  }
0xbd: {  	s0 =	sadd.s32 $0x8F2B, s0  }
0xbe: {  	[sflag:s0] =	ssyncadd.remote.s32 $0x1  }
0xbf: {  	_ =	sfence.sel $0xFFFF  }
0xc0: {  	[dreg:$0x0] =	wrdreg $0xFFFFFFFF;
	(pc) =	sbr.abs _section_cstart, $3  }
0xc1: {  	[dreg:$0x1] =	wrdreg $0xFFFFFFFF  }
0xc2: {  	_ =	task.clear_ibuf [dreg:s7], $0x2FFFF;
	_ =	strace $0x9FFFFFFF  }
0xc3: {  	(tm) =	ssettm $0x7FFFFFFF  }
tec
execute0_lowered:
.L_overlay_start_1:
0x0: {  	(tag) =	ssettag $0x1  }
0x1: {  	s0 =	srdreg.scid;
	s6 =	stileid.u32  }
0x2: {  	s1 =	rddreg [dreg:$0x0];
	s11 =	smul.u32 $0x4E200, s6  }
0x3: {  	s2 =	rddreg [dreg:$0x1];
	s0 =	sand.u32 $0x1, s0  }
0x4: {  	s3 =	rddreg [dreg:$0x2];
	s4 =	sshll.u32 s0, $0x4;
	s11 =	sshrl.u32 s11, $0x2  }
0x5: {  	s5 =	sor.u32 s6, s4;
	s4 =	simm.s32 $0x0;
	s11 =	sadd.s32 s11, s3  }
0x6: {  	[smem:$0x7FF] =	sst s4;
	s23 =	sadd.s32 $0xC80, s11  }
0x7: {  	_ =	strace $0x8000004A;
	s24 =	sadd.s32 $0x1900, s11;
	[dreg:$0x4] =	wrdreg s23  }
0x8: {  	s25 =	sadd.s32 $0x2580, s11;
	[dreg:$0x5] =	wrdreg s24  }
0x9: {  	s26 =	sadd.s32 $0x3200, s11;
	[dreg:$0x6] =	wrdreg s25  }
0xa: {  	s13 =	sadd.s32 $0x3E80, s11;
	[dreg:$0x7] =	wrdreg s26  }
0xb: {  	s14 =	sadd.s32 $0x4B00, s11;
	[dreg:$0x8] =	wrdreg s13  }
0xc: {  	s28 =	simm.s32 $0x6;
	s15 =	sadd.s32 $0x5780, s11;
	[dreg:$0x9] =	wrdreg s14  }
0xd: {  	s29 =	simm.s32 $0x1;
	s16 =	sadd.s32 $0x6400, s11;
	[dreg:$0xa] =	wrdreg s15  }
0xe: {  	s30 =	simm.s32 $0x3;
	s17 =	sadd.s32 $0x7080, s11;
	[dreg:$0xb] =	wrdreg s16  }
0xf: {  	s31 =	simm.s32 $0x5;
	s18 =	sadd.s32 $0x7D00, s11;
	[dreg:$0xc] =	wrdreg s17  }
0x10: {  	s9 =	smul.u32 $0x138800, s0;
	s19 =	sadd.s32 $0x8980, s11;
	[dreg:$0xd] =	wrdreg s18  }
0x11: {  	s0 =	ssub.s32 $0x2, s0;
	s20 =	sadd.s32 $0x9600, s11;
	[dreg:$0xe] =	wrdreg s19  }
0x12: {  	s22 =	sshrl.u32 s0, $0x1;
	s21 =	sadd.s32 $0xA280, s11;
	[dreg:$0xf] =	wrdreg s20  }
0x13: {  	s0 =	ssub.s32 s0, s22;
	s22 =	sadd.s32 $0xAF00, s11;
	[dreg:$0x10] =	wrdreg s21  }
0x14: {  	s7 =	smul.u32 $0x13880, s6;
	[dreg:$0x11] =	wrdreg s22;
	s23 =	sadd.s32 $0xBB80, s11  }
0x15: {  	s6 =	sadd.s32 $0x20000, s2;
	s24 =	sadd.s32 $0xC800, s11;
	[dreg:$0x12] =	wrdreg s23  }
0x16: {  	s8 =	smul.u32 $0x2780, s5;
	s25 =	sadd.s32 $0xD480, s11;
	[dreg:$0x13] =	wrdreg s24  }
0x17: {  	s5 =	sadd.s32 $0xC400, s2;
	s26 =	sadd.s32 $0xE100, s11;
	[dreg:$0x14] =	wrdreg s25  }
0x18: {  	s9 =	sadd.s32 s7, s9;
	s13 =	sadd.s32 $0xED80, s11;
	[dreg:$0x15] =	wrdreg s26  }
0x19: {  	s7 =	sadd.s32 s7, s3;
	s14 =	sadd.s32 $0xFA00, s11;
	[dreg:$0x16] =	wrdreg s13  }
0x1a: {  	s9 =	sshrl.u32 s9, $0x3;
	s15 =	sadd.s32 $0x10680, s11;
	[dreg:$0x17] =	wrdreg s14  }
0x1b: {  	s10 =	sshrl.u32 s8, $0x3;
	s16 =	sadd.s32 $0x11300, s11;
	[dreg:$0x18] =	wrdreg s15  }
0x1c: {  	s17 =	sadd.s32 $0x11F80, s11;
	s18 =	sadd.s32 $0x12C00, s11;
	[dreg:$0x19] =	wrdreg s16  }
0x1d: {  	s12 =	sadd.s32 s10, s2;
	s2 =	sadd.s32 s9, s2;
	[dreg:$0x1a] =	wrdreg s17  }
0x1e: {  	[dreg:$0x1b] =	wrdreg s18;
	s19 =	sadd.s32 $0x10, s10;
	s22 =	sadd.s32 s5, s10  }
0x1f: {  	s23 =	sadd.s32 s6, s10;
	s24 =	sadd.s32 $0x4E0, s10;
	s13 =	sadd.s32 $0x180, s8  }
0x20: {  	s17 =	smax.u32 s0, $0x1;
	s18 =	simm.s32 $0xA980;
	[dreg:$0x1f] =	wrdreg s22  }
0x21: {  	s10 =	simm.s32 $0x200;
	s20 =	sadd.s32 $0x2600, s12;
	[smem:$0x7FA] =	sst s23  }
0x22: {  	s0 =	simm.s32 $0x0;
	s21 =	sadd.s32 s5, s19;
	[dreg:$0x1c] =	wrdreg s20  }
0x23: {  	s9 =	sadd.s32 s6, s19;
	s12 =	sadd.s32 $0x100, s8;
	[dreg:$0x1d] =	wrdreg s21  }
0x24: {  	s25 =	sadd.s32 s5, s24;
	s26 =	sadd.s32 s6, s24;
	[dreg:$0x1e] =	wrdreg s9  }
0x25: {  	s2 =	sadd.s32 $0x29E00, s2;
	s19 =	simm.s32 $0x7;
	[smem:$0x7FB] =	sst s25  }
0x26: {  	s22 =	simm.s32 $0x80;
	s23 =	simm.s32 $0x2980;
	[smem:$0x7FC] =	sst s26  }
0x27: {  	s24 =	simm.s32 $0x180;
	[smem:$0x7FD] =	sst s2;
	s21 =	simm.s32 $0x100  }
0x28: {  	v0 =	vimm.f32 $0.0e+00;
	s25 =	simm.s32 $0x6980;
	s26 =	simm.s32 $0x4;
	s2 =	simm.s32 $0x2  }
.LBB2_1:
0x29: {  	s8 =	simm.s32 $0x0;
	s9 =	simm.s32 $0x200  }
.LBB2_2:
0x2a: {  	p0 =	sne.s32 s9, $0x3000;
	[tilespmem:s8+$0xA9F0] =	vst v0  }
0x2b: {  	[tilespmem:s8+$0xA980] =	vst v0  }
0x2c: {  	[tilespmem:s8+$0xA990] =	vst v0  }
.Ltmp0:
0x2d: {  	[tilespmem:s8+$0xA9A0] =	vst v0;
	(pc) =	sbr.rel @p0 .LBB2_2-.Ltmp0, $4  }
0x2e: {  	[tilespmem:s8+$0xA9B0] =	vst v0  }
0x2f: {  	[tilespmem:s8+$0xA9C0] =	vst v0  }
0x30: {  	[tilespmem:s8+$0xA9D0] =	vst v0  }
0x31: {  	[tilespmem:s8+$0xA9E0] =	vst v0;
	s8 =	sshra.s32 s9, $0x2;
	s9 =	sadd.s32 $0x200, s9  }
0x32: {  	[tilespmem:s8+$0xA9F0] =	vst v0  }
0x33: {  	[tilespmem:s8+$0xA980] =	vst v0  }
0x34: {  	[tilespmem:s8+$0xA990] =	vst v0  }
0x35: {  	[tilespmem:s8+$0xA9A0] =	vst v0  }
0x36: {  	[tilespmem:s8+$0xA9B0] =	vst v0  }
0x37: {  	[tilespmem:s8+$0xA9C0] =	vst v0  }
0x38: {  	[tilespmem:s8+$0xA9D0] =	vst v0  }
0x39: {  	[tilespmem:s8+$0xA9E0] =	vst v0  }
0x3a: {  	[spmem:s7] =	stream.linear.scatter [tilespmem:s18], [sflag:$0x7], $0xC80, $0x38;
	[tilespmem:$0x1EE80] =	vst v63  }
0x3b: {  	_ =	swait.ge [sflag:s19], $0xC80  }
0x3c: {  	[sflag:s19] =	ssyncset.done $0x0  }
0x3d: {  	s20 =	rddreg [dreg:$0x4];
	[sflag:s19] =	ssyncadd.s32 $0xFFFFF380  }
0x3e: {  	[spmem:s20] =	stream.linear.scatter [tilespmem:s18], [sflag:$0x7], $0xC80, $0x38;
	[tilespmem:$0x1EE80] =	vst v63  }
0x3f: {  	_ =	swait.ge [sflag:s19], $0xC80  }
0x40: {  	[sflag:s19] =	ssyncset.done $0x0  }
0x41: {  	s9 =	rddreg [dreg:$0x5];
	[sflag:s19] =	ssyncadd.s32 $0xFFFFF380  }
0x42: {  	[spmem:s9] =	stream.linear.scatter [tilespmem:s18], [sflag:$0x7], $0xC80, $0x38;
	[tilespmem:$0x1EE80] =	vst v63  }
0x43: {  	_ =	swait.ge [sflag:s19], $0xC80  }
0x44: {  	[sflag:s19] =	ssyncset.done $0x0  }
0x45: {  	s11 =	rddreg [dreg:$0x6];
	[sflag:s19] =	ssyncadd.s32 $0xFFFFF380  }
0x46: {  	[spmem:s11] =	stream.linear.scatter [tilespmem:s18], [sflag:$0x7], $0xC80, $0x38;
	[tilespmem:$0x1EE80] =	vst v63  }
0x47: {  	_ =	swait.ge [sflag:s19], $0xC80  }
0x48: {  	[sflag:s19] =	ssyncset.done $0x0  }
0x49: {  	s14 =	rddreg [dreg:$0x7];
	[sflag:s19] =	ssyncadd.s32 $0xFFFFF380  }
0x4a: {  	[spmem:s14] =	stream.linear.scatter [tilespmem:s18], [sflag:$0x7], $0xC80, $0x38;
	[tilespmem:$0x1EE80] =	vst v63  }
0x4b: {  	_ =	swait.ge [sflag:s19], $0xC80  }
0x4c: {  	[sflag:s19] =	ssyncset.done $0x0  }
0x4d: {  	s15 =	rddreg [dreg:$0x8];
	[sflag:s19] =	ssyncadd.s32 $0xFFFFF380  }
0x4e: {  	[spmem:s15] =	stream.linear.scatter [tilespmem:s18], [sflag:$0x7], $0xC80, $0x38;
	[tilespmem:$0x1EE80] =	vst v63  }
0x4f: {  	_ =	swait.ge [sflag:s19], $0xC80  }
0x50: {  	[sflag:s19] =	ssyncset.done $0x0  }
0x51: {  	s16 =	rddreg [dreg:$0x9];
	[sflag:s19] =	ssyncadd.s32 $0xFFFFF380  }
0x52: {  	[spmem:s16] =	stream.linear.scatter [tilespmem:s18], [sflag:$0x7], $0xC80, $0x38;
	[tilespmem:$0x1EE80] =	vst v63  }
0x53: {  	_ =	swait.ge [sflag:s19], $0xC80  }
0x54: {  	[sflag:s19] =	ssyncset.done $0x0  }
0x55: {  	s20 =	rddreg [dreg:$0xa];
	[sflag:s19] =	ssyncadd.s32 $0xFFFFF380  }
0x56: {  	[spmem:s20] =	stream.linear.scatter [tilespmem:s18], [sflag:$0x7], $0xC80, $0x38;
	[tilespmem:$0x1EE80] =	vst v63  }
0x57: {  	_ =	swait.ge [sflag:s19], $0xC80  }
0x58: {  	[sflag:s19] =	ssyncset.done $0x0  }
0x59: {  	s9 =	rddreg [dreg:$0xb];
	[sflag:s19] =	ssyncadd.s32 $0xFFFFF380  }
0x5a: {  	[spmem:s9] =	stream.linear.scatter [tilespmem:s18], [sflag:$0x7], $0xC80, $0x38;
	[tilespmem:$0x1EE80] =	vst v63  }
0x5b: {  	_ =	swait.ge [sflag:s19], $0xC80  }
0x5c: {  	[sflag:s19] =	ssyncset.done $0x0  }
0x5d: {  	s11 =	rddreg [dreg:$0xc];
	[sflag:s19] =	ssyncadd.s32 $0xFFFFF380  }
0x5e: {  	[spmem:s11] =	stream.linear.scatter [tilespmem:s18], [sflag:$0x7], $0xC80, $0x38;
	[tilespmem:$0x1EE80] =	vst v63  }
0x5f: {  	_ =	swait.ge [sflag:s19], $0xC80  }
0x60: {  	[sflag:s19] =	ssyncset.done $0x0  }
0x61: {  	s14 =	rddreg [dreg:$0xd];
	[sflag:s19] =	ssyncadd.s32 $0xFFFFF380  }
0x62: {  	[spmem:s14] =	stream.linear.scatter [tilespmem:s18], [sflag:$0x7], $0xC80, $0x38;
	[tilespmem:$0x1EE80] =	vst v63  }
0x63: {  	_ =	swait.ge [sflag:s19], $0xC80  }
0x64: {  	[sflag:s19] =	ssyncset.done $0x0  }
0x65: {  	s15 =	rddreg [dreg:$0xe];
	[sflag:s19] =	ssyncadd.s32 $0xFFFFF380  }
0x66: {  	[spmem:s15] =	stream.linear.scatter [tilespmem:s18], [sflag:$0x7], $0xC80, $0x38;
	[tilespmem:$0x1EE80] =	vst v63  }
0x67: {  	_ =	swait.ge [sflag:s19], $0xC80  }
0x68: {  	[sflag:s19] =	ssyncset.done $0x0  }
0x69: {  	s16 =	rddreg [dreg:$0xf];
	[sflag:s19] =	ssyncadd.s32 $0xFFFFF380  }
0x6a: {  	[spmem:s16] =	stream.linear.scatter [tilespmem:s18], [sflag:$0x7], $0xC80, $0x38;
	[tilespmem:$0x1EE80] =	vst v63  }
0x6b: {  	_ =	swait.ge [sflag:s19], $0xC80  }
0x6c: {  	[sflag:s19] =	ssyncset.done $0x0  }
0x6d: {  	s20 =	rddreg [dreg:$0x10];
	[sflag:s19] =	ssyncadd.s32 $0xFFFFF380  }
0x6e: {  	[spmem:s20] =	stream.linear.scatter [tilespmem:s18], [sflag:$0x7], $0xC80, $0x38;
	[tilespmem:$0x1EE80] =	vst v63  }
0x6f: {  	_ =	swait.ge [sflag:s19], $0xC80  }
0x70: {  	[sflag:s19] =	ssyncset.done $0x0  }
0x71: {  	s9 =	rddreg [dreg:$0x11];
	[sflag:s19] =	ssyncadd.s32 $0xFFFFF380  }
0x72: {  	[spmem:s9] =	stream.linear.scatter [tilespmem:s18], [sflag:$0x7], $0xC80, $0x38;
	[tilespmem:$0x1EE80] =	vst v63  }
0x73: {  	_ =	swait.ge [sflag:s19], $0xC80  }
0x74: {  	[sflag:s19] =	ssyncset.done $0x0  }
0x75: {  	s11 =	rddreg [dreg:$0x12];
	[sflag:s19] =	ssyncadd.s32 $0xFFFFF380  }
0x76: {  	[spmem:s11] =	stream.linear.scatter [tilespmem:s18], [sflag:$0x7], $0xC80, $0x38;
	[tilespmem:$0x1EE80] =	vst v63  }
0x77: {  	_ =	swait.ge [sflag:s19], $0xC80  }
0x78: {  	[sflag:s19] =	ssyncset.done $0x0  }
0x79: {  	s14 =	rddreg [dreg:$0x13];
	[sflag:s19] =	ssyncadd.s32 $0xFFFFF380  }
0x7a: {  	[spmem:s14] =	stream.linear.scatter [tilespmem:s18], [sflag:$0x7], $0xC80, $0x38;
	[tilespmem:$0x1EE80] =	vst v63  }
0x7b: {  	_ =	swait.ge [sflag:s19], $0xC80  }
0x7c: {  	[sflag:s19] =	ssyncset.done $0x0  }
0x7d: {  	s15 =	rddreg [dreg:$0x14];
	[sflag:s19] =	ssyncadd.s32 $0xFFFFF380  }
0x7e: {  	[spmem:s15] =	stream.linear.scatter [tilespmem:s18], [sflag:$0x7], $0xC80, $0x38;
	[tilespmem:$0x1EE80] =	vst v63  }
0x7f: {  	_ =	swait.ge [sflag:s19], $0xC80  }
0x80: {  	[sflag:s19] =	ssyncset.done $0x0  }
0x81: {  	s16 =	rddreg [dreg:$0x15];
	[sflag:s19] =	ssyncadd.s32 $0xFFFFF380  }
0x82: {  	[spmem:s16] =	stream.linear.scatter [tilespmem:s18], [sflag:$0x7], $0xC80, $0x38;
	[tilespmem:$0x1EE80] =	vst v63  }
0x83: {  	_ =	swait.ge [sflag:s19], $0xC80  }
0x84: {  	[sflag:s19] =	ssyncset.done $0x0  }
0x85: {  	s20 =	rddreg [dreg:$0x16];
	[sflag:s19] =	ssyncadd.s32 $0xFFFFF380  }
0x86: {  	[spmem:s20] =	stream.linear.scatter [tilespmem:s18], [sflag:$0x7], $0xC80, $0x38;
	[tilespmem:$0x1EE80] =	vst v63  }
0x87: {  	_ =	swait.ge [sflag:s19], $0xC80  }
0x88: {  	[sflag:s19] =	ssyncset.done $0x0  }
0x89: {  	s9 =	rddreg [dreg:$0x17];
	[sflag:s19] =	ssyncadd.s32 $0xFFFFF380  }
0x8a: {  	[spmem:s9] =	stream.linear.scatter [tilespmem:s18], [sflag:$0x7], $0xC80, $0x38;
	[tilespmem:$0x1EE80] =	vst v63  }
0x8b: {  	_ =	swait.ge [sflag:s19], $0xC80  }
0x8c: {  	[sflag:s19] =	ssyncset.done $0x0  }
0x8d: {  	s11 =	rddreg [dreg:$0x18];
	[sflag:s19] =	ssyncadd.s32 $0xFFFFF380  }
0x8e: {  	[spmem:s11] =	stream.linear.scatter [tilespmem:s18], [sflag:$0x7], $0xC80, $0x38;
	[tilespmem:$0x1EE80] =	vst v63  }
0x8f: {  	_ =	swait.ge [sflag:s19], $0xC80  }
0x90: {  	[sflag:s19] =	ssyncset.done $0x0  }
0x91: {  	s14 =	rddreg [dreg:$0x19];
	[sflag:s19] =	ssyncadd.s32 $0xFFFFF380  }
0x92: {  	[spmem:s14] =	stream.linear.scatter [tilespmem:s18], [sflag:$0x7], $0xC80, $0x38;
	[tilespmem:$0x1EE80] =	vst v63  }
0x93: {  	_ =	swait.ge [sflag:s19], $0xC80  }
0x94: {  	[sflag:s19] =	ssyncset.done $0x0  }
0x95: {  	s15 =	rddreg [dreg:$0x1a];
	[sflag:s19] =	ssyncadd.s32 $0xFFFFF380  }
0x96: {  	[spmem:s15] =	stream.linear.scatter [tilespmem:s18], [sflag:$0x7], $0xC80, $0x38;
	[tilespmem:$0x1EE80] =	vst v63  }
0x97: {  	_ =	swait.ge [sflag:s19], $0xC80  }
0x98: {  	[sflag:s19] =	ssyncset.done $0x0  }
0x99: {  	s16 =	rddreg [dreg:$0x1b];
	[sflag:s19] =	ssyncadd.s32 $0xFFFFF380  }
0x9a: {  	[spmem:s16] =	stream.linear.scatter [tilespmem:s18], [sflag:$0x7], $0xC80, $0x38;
	[tilespmem:$0x1EE80] =	vst v63  }
0x9b: {  	_ =	swait.ge [sflag:s19], $0xC80  }
0x9c: {  	[sflag:s19] =	ssyncset.done $0x0  }
0x9d: {  	[sflag:s19] =	ssyncadd.s32 $0xFFFFF380  }
0x9e: {  	[bflag:$0x0] =	sbarrier.arrive $0xFFFF  }
0x9f: {  	s20 =	simm.s32 $0x0;
	s9 =	rddreg [dreg:$0x1c]  }
0xa0: {  	[tilespmem:s10], [sflag:$0x7] =	stream.linear.gather [hbm4b:s9+s20], $0x2780, $0x38;
	[tilespmem:$0x1EE80] =	vst v63  }
0xa1: {  	_ =	swait.ge [sflag:s19], $0x2780  }
0xa2: {  	[sflag:s19] =	ssyncset.done $0x0  }
0xa3: {  	s8 =	simm.s32 $0x0;
	s9 =	simm.s32 $0x200;
	[sflag:s19] =	ssyncadd.s32 $0xFFFFD880  }
.LBB2_4:
0xa4: {  	p0 =	sne.s32 s9, $0xFE00;
	[tilespmem:s8+$0x69F0] =	vst v0  }
0xa5: {  	[tilespmem:s8+$0x6980] =	vst v0  }
0xa6: {  	[tilespmem:s8+$0x6990] =	vst v0  }
.Ltmp1:
0xa7: {  	[tilespmem:s8+$0x69A0] =	vst v0;
	(pc) =	sbr.rel @p0 .LBB2_4-.Ltmp1, $4  }
0xa8: {  	[tilespmem:s8+$0x69B0] =	vst v0  }
0xa9: {  	[tilespmem:s8+$0x69C0] =	vst v0  }
0xaa: {  	[tilespmem:s8+$0x69D0] =	vst v0  }
0xab: {  	[tilespmem:s8+$0x69E0] =	vst v0;
	s8 =	sshra.s32 s9, $0x2;
	s9 =	sadd.s32 $0x200, s9  }
0xac: {  	[tilespmem:s8+$0x69F0] =	vst v0  }
0xad: {  	[tilespmem:s8+$0x6980] =	vst v0  }
0xae: {  	[tilespmem:s8+$0x6990] =	vst v0  }
0xaf: {  	[tilespmem:s8+$0x69A0] =	vst v0  }
0xb0: {  	[tilespmem:s8+$0x69B0] =	vst v0  }
0xb1: {  	[tilespmem:s8+$0x69C0] =	vst v0  }
0xb2: {  	[tilespmem:s8+$0x69D0] =	vst v0  }
0xb3: {  	[tilespmem:s8+$0x69E0] =	vst v0;
	s8 =	simm.s32 $0x0;
	s9 =	rddreg [dreg:$0x1f]  }
0xb4: {  	[tilespmem:s8], [sflag:$0x7] =	stream.linear.gather [hbm4b:s9+s8], $0x80, $0x38;
	[tilespmem:$0x1EE80] =	vst v63  }
0xb5: {  	_ =	swait.ge [sflag:s19], $0x80  }
0xb6: {  	s15 =	sld [smem:$0x7FA]  }
0xb7: {  	[sflag:s19] =	ssyncset.done $0x0  }
0xb8: {  	[sflag:s19] =	ssyncadd.s32 $0xFFFFFF80  }
0xb9: {  	[tilespmem:s21], [sflag:$0x7] =	stream.linear.gather [hbm4b:s15+s8], $0x80, $0x38;
	[tilespmem:$0x1EE80] =	vst v63  }
0xba: {  	_ =	swait.ge [sflag:s19], $0x80  }
0xbb: {  	[sflag:s19] =	ssyncset.done $0x0  }
0xbc: {  	[sflag:s19] =	ssyncadd.s32 $0xFFFFFF80  }
0xbd: {  	[tilespmem:s23], [sflag:$0x1] =	stream.indirect.gather [hbm4b:s1+s22], $0x80, s8, s22, $0xb8;
	[tilespmem:$0x1EE80] =	vst v63  }
0xbe: {  	s16 =	rddreg [dreg:$0x1d]  }
0xbf: {  	[tilespmem:s22], [sflag:$0x6] =	stream.linear.gather [hbm4b:s16+s8], $0x80, $0x38;
	[tilespmem:$0x1EE80] =	vst v63  }
0xc0: {  	s20 =	rddreg [dreg:$0x1e]  }
0xc1: {  	[tilespmem:s24], [sflag:$0x6] =	stream.linear.gather [hbm4b:s20+s8], $0x80, $0x38;
	[tilespmem:$0x1EE80] =	vst v63  }
0xc2: {  	s9 =	simm.s32 $0x0  }
0xc3: {  	[spmem:s3] =	stream.indirect.scatter.add.f32 [tilespmem:s25], [sflag:$0x4], $0x80, s10, s22, $0xb8;
	[tilespmem:$0x1EE80] =	vst v63  }
.LBB2_6:
0xc4: {  	_ =	swait.ge [sflag:s26], $0x4000  }
0xc5: {  	[sflag:s26] =	ssyncset.done $0x0  }
0xc6: {  	[sflag:s26] =	ssyncadd.s32 $0xFFFFC000  }
0xc7: {  	_ =	swait.ge [sflag:s28], $0x80  }
0xc8: {  	[sflag:s28] =	ssyncset.done $0x0  }
0xc9: {  	[sflag:s28] =	ssyncadd.s32 $0xFFFFFF80  }
0xca: {  	_ =	swait.ge [sflag:s28], $0x80  }
0xcb: {  	[sflag:s28] =	ssyncset.done $0x0  }
0xcc: {  	[sflag:s28] =	ssyncadd.s32 $0xFFFFFF80  }
0xcd: {  	[tilespmem:s25], [sflag:$0x2] =	stream.indirect.gather [hbm4b:s1+s22], $0x80, s22, s22, $0xb8;
	[tilespmem:$0x1EE80] =	vst v63  }
0xce: {  	_ =	swait.ge [sflag:s29], $0x4000  }
0xcf: {  	v1 =	vmov s8;
	[sflag:s29] =	ssyncset.done $0x0  }
0xd0: {  	s10 =	simm.s32 $0x29C0;
	[sflag:s29] =	ssyncadd.s32 $0xFFFFC000  }
0xd1: {  	v5 =	vld [tilespmem:s10+$0x30]  }
0xd2: {  	v8 =	vld [tilespmem:s10+$0x10]  }
0xd3: {  	v6 =	vld [tilespmem:s10+$0xFFFFFFC0]  }
0xd4: {  	v2 =	vld.idx.msk [tilespmem:v1+s21+$0x0], $0xffff  }
0xd5: {  	v10 =	vld [tilespmem:s10+$0xFFFFFFE0]  }
0xd6: {  	v1 =	vld [tilespmem:s10+$0xFFFFFFF0]  }
0xd7: {  	v3 =	vld [tilespmem:s10+$0x20]  }
0xd8: {  	v4 =	vld [tilespmem:s10+$0xFFFFFFD0]  }
0xd9: {  	v9 =	vmul.f32 v5, v2;
	v5 =	vld [tilespmem:s10+$0x0]  }
0xda: {  	v7 =	vmul.f32 v6, v2  }
0xdb: {  	s11 =	simm.s32 $0x1;
	s14 =	simm.s32 $0x29C0;
	v6 =	vmul.f32 v10, v2;
	v8 =	vmul.f32 v8, v2  }
.LBB2_7:
0xdc: {  	p0 =	sne.s32 s11, $0x7F  }
0xdd: {  	v4 =	vmul.f32 v4, v2;
	v3 =	vmul.f32 v3, v2;
	[tilespmem:s10+$0x30] =	vst v9;
	s14 =	sadd.s32 $0x80, s14;
	s15 =	smov.u32 s11;
	s11 =	sadd.s32 $0x1, s11  }
0xde: {  	[tilespmem:s10+$0xFFFFFFC0] =	vst v7;
	v7 =	vmul.f32 v1, v2;
	v2 =	vmul.f32 v5, v2  }
0xdf: {  	[tilespmem:s10+$0x10] =	vst v8  }
0xe0: {  	v5 =	vmov s15;
	[tilespmem:s10+$0xFFFFFFE0] =	vst v6  }
0xe1: {  	v1 =	vld [tilespmem:s14+$0xFFFFFFF0];
	[tilespmem:s10+$0xFFFFFFF0] =	vst v7  }
0xe2: {  	v6 =	vld [tilespmem:s14+$0x30];
	[tilespmem:s10+$0x0] =	vst v2  }
0xe3: {  	v8 =	vld [tilespmem:s14+$0x10];
	[tilespmem:s10+$0x20] =	vst v3  }
0xe4: {  	v7 =	vld [tilespmem:s14+$0xFFFFFFC0];
	[tilespmem:s10+$0xFFFFFFD0] =	vst v4;
	s10 =	smov.u32 s14  }
0xe5: {  	v2 =	vld.idx.msk [tilespmem:v5+s21+$0x0], $0xffff  }
0xe6: {  	v10 =	vld [tilespmem:s14+$0xFFFFFFE0]  }
0xe7: {  	v3 =	vld [tilespmem:s14+$0x20]  }
.Ltmp2:
0xe8: {  	v4 =	vld [tilespmem:s14+$0xFFFFFFD0];
	(pc) =	sbr.rel @p0 .LBB2_7-.Ltmp2, $3  }
0xe9: {  	v5 =	vld [tilespmem:s14+$0x0];
	_ =	sdelay $0x1  }
0xea: {  	v7 =	vmul.f32 v7, v2;
	v9 =	vmul.f32 v6, v2  }
0xeb: {  	v8 =	vmul.f32 v8, v2;
	v6 =	vmul.f32 v10, v2  }
0xec: {  	[tilespmem:s10+$0x30] =	vst v9  }
0xed: {  	[tilespmem:s10+$0xFFFFFFC0] =	vst v7  }
0xee: {  	v1 =	vmul.f32 v1, v2;
	[tilespmem:s10+$0x10] =	vst v8  }
0xef: {  	v3 =	vmul.f32 v3, v2;
	[tilespmem:s10+$0xFFFFFFE0] =	vst v6  }
0xf0: {  	s20 =	sshll.u32 s9, $0x8;
	v5 =	vmul.f32 v5, v2;
	[tilespmem:s10+$0xFFFFFFF0] =	vst v1  }
0xf1: {  	s11 =	sadd.s32 s20, s12;
	v1 =	vmul.f32 v4, v2;
	[tilespmem:s10+$0x20] =	vst v3  }
0xf2: {  	s11 =	sshrl.u32 s11, $0x3;
	[tilespmem:s10+$0x0] =	vst v5  }
0xf3: {  	s14 =	sadd.s32 s5, s11;
	[tilespmem:s10+$0xFFFFFFD0] =	vst v1  }
0xf4: {  	[tilespmem:s4], [sflag:$0x5] =	stream.linear.gather [hbm4b:s14+s4], $0x80, $0x38;
	[tilespmem:$0x1EE80] =	vst v63  }
0xf5: {  	s15 =	sadd.s32 s6, s11;
	s10 =	sand.u32 $0x3FFFFF00, s20  }
0xf6: {  	[tilespmem:s21], [sflag:$0x5] =	stream.linear.gather [hbm4b:s15+s4], $0x80, $0x38;
	[tilespmem:$0x1EE80] =	vst v63  }
0xf7: {  	s16 =	sadd.s32 $0x200, s10;
	s14 =	simm.s32 $0x80  }
0xf8: {  	[spmem:s3] =	stream.indirect.scatter.add.f32 [tilespmem:s23], [sflag:$0x3], $0x80, s16, s14, $0xb8;
	[tilespmem:$0x1EE80] =	vst v63  }
0xf9: {  	_ =	swait.ge [sflag:s30], $0x4000  }
0xfa: {  	[sflag:s30] =	ssyncset.done $0x0  }
0xfb: {  	[sflag:s30] =	ssyncadd.s32 $0xFFFFC000  }
0xfc: {  	_ =	swait.ge [sflag:s31], $0x80  }
0xfd: {  	[sflag:s31] =	ssyncset.done $0x0  }
0xfe: {  	[sflag:s31] =	ssyncadd.s32 $0xFFFFFF80  }
0xff: {  	_ =	swait.ge [sflag:s31], $0x80  }
0x100: {  	[sflag:s31] =	ssyncset.done $0x0  }
0x101: {  	[sflag:s31] =	ssyncadd.s32 $0xFFFFFF80  }
0x102: {  	[tilespmem:s23], [sflag:$0x1] =	stream.indirect.gather [hbm4b:s1+s14], $0x80, s4, s14, $0xb8;
	[tilespmem:$0x1EE80] =	vst v63  }
0x103: {  	_ =	swait.ge [sflag:s2], $0x4000  }
0x104: {  	v1 =	vmov s14;
	[sflag:s2] =	ssyncset.done $0x0  }
0x105: {  	s11 =	simm.s32 $0x69C0;
	[sflag:s2] =	ssyncadd.s32 $0xFFFFC000  }
0x106: {  	v5 =	vld [tilespmem:s11+$0x30]  }
0x107: {  	v8 =	vld [tilespmem:s11+$0x10]  }
0x108: {  	v6 =	vld [tilespmem:s11+$0xFFFFFFC0]  }
0x109: {  	v2 =	vld.idx.msk [tilespmem:v1+s21+$0x0], $0xffff  }
0x10a: {  	v10 =	vld [tilespmem:s11+$0xFFFFFFE0]  }
0x10b: {  	v1 =	vld [tilespmem:s11+$0xFFFFFFF0]  }
0x10c: {  	v3 =	vld [tilespmem:s11+$0x20]  }
0x10d: {  	v4 =	vld [tilespmem:s11+$0xFFFFFFD0]  }
0x10e: {  	v9 =	vmul.f32 v5, v2;
	v5 =	vld [tilespmem:s11+$0x0]  }
0x10f: {  	v7 =	vmul.f32 v6, v2  }
0x110: {  	s15 =	simm.s32 $0x69C0;
	s14 =	simm.s32 $0x81;
	v6 =	vmul.f32 v10, v2;
	v8 =	vmul.f32 v8, v2  }
.LBB2_9:
0x111: {  	p0 =	sne.s32 s14, $0xFF  }
0x112: {  	v4 =	vmul.f32 v4, v2;
	v3 =	vmul.f32 v3, v2;
	[tilespmem:s11+$0x30] =	vst v9;
	s15 =	sadd.s32 $0x80, s15;
	s16 =	smov.u32 s14;
	s14 =	sadd.s32 $0x1, s14  }
0x113: {  	[tilespmem:s11+$0xFFFFFFC0] =	vst v7;
	v7 =	vmul.f32 v1, v2;
	v2 =	vmul.f32 v5, v2  }
0x114: {  	[tilespmem:s11+$0x10] =	vst v8  }
0x115: {  	v5 =	vmov s16;
	[tilespmem:s11+$0xFFFFFFE0] =	vst v6  }
0x116: {  	v1 =	vld [tilespmem:s15+$0xFFFFFFF0];
	[tilespmem:s11+$0xFFFFFFF0] =	vst v7  }
0x117: {  	v6 =	vld [tilespmem:s15+$0x30];
	[tilespmem:s11+$0x0] =	vst v2  }
0x118: {  	v8 =	vld [tilespmem:s15+$0x10];
	[tilespmem:s11+$0x20] =	vst v3  }
0x119: {  	v7 =	vld [tilespmem:s15+$0xFFFFFFC0];
	[tilespmem:s11+$0xFFFFFFD0] =	vst v4;
	s11 =	smov.u32 s15  }
0x11a: {  	v2 =	vld.idx.msk [tilespmem:v5+s21+$0x0], $0xffff  }
0x11b: {  	v10 =	vld [tilespmem:s15+$0xFFFFFFE0]  }
0x11c: {  	v3 =	vld [tilespmem:s15+$0x20]  }
.Ltmp3:
0x11d: {  	v4 =	vld [tilespmem:s15+$0xFFFFFFD0];
	(pc) =	sbr.rel @p0 .LBB2_9-.Ltmp3, $3  }
0x11e: {  	v5 =	vld [tilespmem:s15+$0x0];
	_ =	sdelay $0x1  }
0x11f: {  	v7 =	vmul.f32 v7, v2;
	v9 =	vmul.f32 v6, v2  }
0x120: {  	v8 =	vmul.f32 v8, v2;
	v6 =	vmul.f32 v10, v2  }
0x121: {  	[tilespmem:s11+$0x30] =	vst v9  }
0x122: {  	[tilespmem:s11+$0xFFFFFFC0] =	vst v7  }
0x123: {  	v1 =	vmul.f32 v1, v2;
	[tilespmem:s11+$0x10] =	vst v8  }
0x124: {  	v3 =	vmul.f32 v3, v2;
	[tilespmem:s11+$0xFFFFFFE0] =	vst v6  }
0x125: {  	v5 =	vmul.f32 v5, v2;
	[tilespmem:s11+$0xFFFFFFF0] =	vst v1  }
0x126: {  	s14 =	sadd.s32 s20, s13;
	v1 =	vmul.f32 v4, v2;
	[tilespmem:s11+$0x20] =	vst v3  }
0x127: {  	s9 =	sadd.s32 $0x1, s9;
	s14 =	sshrl.u32 s14, $0x3;
	[tilespmem:s11+$0x0] =	vst v5  }
0x128: {  	p0 =	sne.s32 s9, $0x26;
	s16 =	sadd.s32 s5, s14;
	[tilespmem:s11+$0xFFFFFFD0] =	vst v1  }
0x129: {  	[tilespmem:s22], [sflag:$0x6] =	stream.linear.gather [hbm4b:s16+s4], $0x80, $0x38;
	[tilespmem:$0x1EE80] =	vst v63  }
.Ltmp4:
0x12a: {  	_ = 	snop;
	(pc) =	sbr.rel @p0 .LBB2_6-.Ltmp4, $4  }
0x12b: {  	s20 =	sadd.s32 s6, s14  }
0x12c: {  	[tilespmem:s24], [sflag:$0x6] =	stream.linear.gather [hbm4b:s20+s4], $0x80, $0x38;
	[tilespmem:$0x1EE80] =	vst v63  }
0x12d: {  	s10 =	sadd.s32 $0x280, s10  }
0x12e: {  	[spmem:s3] =	stream.indirect.scatter.add.f32 [tilespmem:s25], [sflag:$0x4], $0x80, s10, s22, $0xb8;
	[tilespmem:$0x1EE80] =	vst v63  }
0x12f: {  	_ =	swait.ge [sflag:s26], $0x4000  }
0x130: {  	[sflag:s26] =	ssyncset.done $0x0  }
0x131: {  	[sflag:s26] =	ssyncadd.s32 $0xFFFFC000  }
0x132: {  	_ =	swait.ge [sflag:s28], $0x80  }
0x133: {  	[sflag:s28] =	ssyncset.done $0x0  }
0x134: {  	[sflag:s28] =	ssyncadd.s32 $0xFFFFFF80  }
0x135: {  	_ =	swait.ge [sflag:s28], $0x80  }
0x136: {  	[sflag:s28] =	ssyncset.done $0x0  }
0x137: {  	[sflag:s28] =	ssyncadd.s32 $0xFFFFFF80  }
0x138: {  	[tilespmem:s25], [sflag:$0x2] =	stream.indirect.gather [hbm4b:s1+s22], $0x80, s22, s22, $0xb8;
	[tilespmem:$0x1EE80] =	vst v63  }
0x139: {  	s8 =	simm.s32 $0x0;
	_ =	swait.ge [sflag:s29], $0x4000  }
0x13a: {  	v1 =	vmov s8;
	[sflag:s29] =	ssyncset.done $0x0  }
0x13b: {  	s8 =	simm.s32 $0x29C0;
	[sflag:s29] =	ssyncadd.s32 $0xFFFFC000  }
0x13c: {  	v5 =	vld [tilespmem:s8+$0x30]  }
0x13d: {  	v8 =	vld [tilespmem:s8+$0x10]  }
0x13e: {  	v6 =	vld [tilespmem:s8+$0xFFFFFFC0]  }
0x13f: {  	v2 =	vld.idx.msk [tilespmem:v1+s21+$0x0], $0xffff  }
0x140: {  	v10 =	vld [tilespmem:s8+$0xFFFFFFE0]  }
0x141: {  	v1 =	vld [tilespmem:s8+$0xFFFFFFF0]  }
0x142: {  	v3 =	vld [tilespmem:s8+$0x20]  }
0x143: {  	v4 =	vld [tilespmem:s8+$0xFFFFFFD0]  }
0x144: {  	v9 =	vmul.f32 v5, v2;
	v5 =	vld [tilespmem:s8+$0x0]  }
0x145: {  	v7 =	vmul.f32 v6, v2  }
0x146: {  	s9 =	simm.s32 $0x1;
	s10 =	simm.s32 $0x29C0;
	v6 =	vmul.f32 v10, v2;
	v8 =	vmul.f32 v8, v2  }
.LBB2_12:
0x147: {  	p0 =	sne.s32 s9, $0x7F  }
0x148: {  	v4 =	vmul.f32 v4, v2;
	v3 =	vmul.f32 v3, v2;
	[tilespmem:s8+$0x30] =	vst v9;
	s10 =	sadd.s32 $0x80, s10;
	s11 =	smov.u32 s9;
	s9 =	sadd.s32 $0x1, s9  }
0x149: {  	[tilespmem:s8+$0xFFFFFFC0] =	vst v7;
	v7 =	vmul.f32 v1, v2;
	v2 =	vmul.f32 v5, v2  }
0x14a: {  	[tilespmem:s8+$0x10] =	vst v8  }
0x14b: {  	v5 =	vmov s11;
	[tilespmem:s8+$0xFFFFFFE0] =	vst v6  }
0x14c: {  	v1 =	vld [tilespmem:s10+$0xFFFFFFF0];
	[tilespmem:s8+$0xFFFFFFF0] =	vst v7  }
0x14d: {  	v6 =	vld [tilespmem:s10+$0x30];
	[tilespmem:s8+$0x0] =	vst v2  }
0x14e: {  	v8 =	vld [tilespmem:s10+$0x10];
	[tilespmem:s8+$0x20] =	vst v3  }
0x14f: {  	v7 =	vld [tilespmem:s10+$0xFFFFFFC0];
	[tilespmem:s8+$0xFFFFFFD0] =	vst v4;
	s8 =	smov.u32 s10  }
0x150: {  	v2 =	vld.idx.msk [tilespmem:v5+s21+$0x0], $0xffff  }
0x151: {  	v10 =	vld [tilespmem:s10+$0xFFFFFFE0]  }
0x152: {  	v3 =	vld [tilespmem:s10+$0x20]  }
.Ltmp5:
0x153: {  	v4 =	vld [tilespmem:s10+$0xFFFFFFD0];
	(pc) =	sbr.rel @p0 .LBB2_12-.Ltmp5, $3  }
0x154: {  	v5 =	vld [tilespmem:s10+$0x0];
	_ =	sdelay $0x1  }
0x155: {  	v7 =	vmul.f32 v7, v2;
	v9 =	vmul.f32 v6, v2  }
0x156: {  	v8 =	vmul.f32 v8, v2;
	v6 =	vmul.f32 v10, v2  }
0x157: {  	[tilespmem:s8+$0x30] =	vst v9  }
0x158: {  	[tilespmem:s8+$0xFFFFFFC0] =	vst v7  }
0x159: {  	v1 =	vmul.f32 v1, v2;
	[tilespmem:s8+$0x10] =	vst v8  }
0x15a: {  	v3 =	vmul.f32 v3, v2;
	[tilespmem:s8+$0xFFFFFFE0] =	vst v6  }
0x15b: {  	v5 =	vmul.f32 v5, v2;
	[tilespmem:s8+$0xFFFFFFF0] =	vst v1  }
0x15c: {  	s15 =	sld [smem:$0x7FB];
	v1 =	vmul.f32 v4, v2;
	[tilespmem:s8+$0x20] =	vst v3  }
0x15d: {  	[tilespmem:s8+$0x0] =	vst v5  }
0x15e: {  	s16 =	sld [smem:$0x7FC];
	[tilespmem:s8+$0xFFFFFFD0] =	vst v1  }
0x15f: {  	[tilespmem:s4], [sflag:$0x5] =	stream.linear.gather [hbm4b:s15+s4], $0x80, $0x38;
	[tilespmem:$0x1EE80] =	vst v63  }
0x160: {  	_ = 	snop  }
0x161: {  	[tilespmem:s21], [sflag:$0x5] =	stream.linear.gather [hbm4b:s16+s4], $0x80, $0x38;
	[tilespmem:$0x1EE80] =	vst v63  }
0x162: {  	s20 =	simm.s32 $0x80;
	s9 =	simm.s32 $0x2800  }
0x163: {  	[spmem:s3] =	stream.indirect.scatter.add.f32 [tilespmem:s23], [sflag:$0x3], $0x80, s9, s20, $0xb8;
	[tilespmem:$0x1EE80] =	vst v63  }
0x164: {  	_ =	swait.ge [sflag:s30], $0x4000  }
0x165: {  	[sflag:s30] =	ssyncset.done $0x0  }
0x166: {  	[sflag:s30] =	ssyncadd.s32 $0xFFFFC000  }
0x167: {  	_ =	swait.ge [sflag:s31], $0x80  }
0x168: {  	[sflag:s31] =	ssyncset.done $0x0  }
0x169: {  	[sflag:s31] =	ssyncadd.s32 $0xFFFFFF80  }
0x16a: {  	_ =	swait.ge [sflag:s31], $0x80  }
0x16b: {  	[sflag:s31] =	ssyncset.done $0x0  }
0x16c: {  	[sflag:s31] =	ssyncadd.s32 $0xFFFFFF80  }
0x16d: {  	[tilespmem:s23], [sflag:$0x1] =	stream.indirect.gather [hbm4b:s1+s20], $0x80, s4, s20, $0xb8;
	[tilespmem:$0x1EE80] =	vst v63  }
0x16e: {  	_ =	swait.ge [sflag:s2], $0x4000  }
0x16f: {  	v1 =	vmov s20;
	[sflag:s2] =	ssyncset.done $0x0  }
0x170: {  	s8 =	simm.s32 $0x69C0;
	[sflag:s2] =	ssyncadd.s32 $0xFFFFC000  }
0x171: {  	v5 =	vld [tilespmem:s8+$0x30]  }
0x172: {  	v8 =	vld [tilespmem:s8+$0x10]  }
0x173: {  	v6 =	vld [tilespmem:s8+$0xFFFFFFC0]  }
0x174: {  	v2 =	vld.idx.msk [tilespmem:v1+s21+$0x0], $0xffff  }
0x175: {  	v10 =	vld [tilespmem:s8+$0xFFFFFFE0]  }
0x176: {  	v1 =	vld [tilespmem:s8+$0xFFFFFFF0]  }
0x177: {  	v3 =	vld [tilespmem:s8+$0x20]  }
0x178: {  	v4 =	vld [tilespmem:s8+$0xFFFFFFD0]  }
0x179: {  	v9 =	vmul.f32 v5, v2;
	v5 =	vld [tilespmem:s8+$0x0]  }
0x17a: {  	v7 =	vmul.f32 v6, v2  }
0x17b: {  	s10 =	simm.s32 $0x69C0;
	s9 =	simm.s32 $0x81;
	v6 =	vmul.f32 v10, v2;
	v8 =	vmul.f32 v8, v2  }
.LBB2_14:
0x17c: {  	p0 =	sne.s32 s9, $0xFF  }
0x17d: {  	v4 =	vmul.f32 v4, v2;
	v3 =	vmul.f32 v3, v2;
	[tilespmem:s8+$0x30] =	vst v9;
	s10 =	sadd.s32 $0x80, s10;
	s11 =	smov.u32 s9;
	s9 =	sadd.s32 $0x1, s9  }
0x17e: {  	[tilespmem:s8+$0xFFFFFFC0] =	vst v7;
	v7 =	vmul.f32 v1, v2;
	v2 =	vmul.f32 v5, v2  }
0x17f: {  	[tilespmem:s8+$0x10] =	vst v8  }
0x180: {  	v5 =	vmov s11;
	[tilespmem:s8+$0xFFFFFFE0] =	vst v6  }
0x181: {  	v1 =	vld [tilespmem:s10+$0xFFFFFFF0];
	[tilespmem:s8+$0xFFFFFFF0] =	vst v7  }
0x182: {  	v6 =	vld [tilespmem:s10+$0x30];
	[tilespmem:s8+$0x0] =	vst v2  }
0x183: {  	v8 =	vld [tilespmem:s10+$0x10];
	[tilespmem:s8+$0x20] =	vst v3  }
0x184: {  	v7 =	vld [tilespmem:s10+$0xFFFFFFC0];
	[tilespmem:s8+$0xFFFFFFD0] =	vst v4;
	s8 =	smov.u32 s10  }
0x185: {  	v2 =	vld.idx.msk [tilespmem:v5+s21+$0x0], $0xffff  }
0x186: {  	v10 =	vld [tilespmem:s10+$0xFFFFFFE0]  }
0x187: {  	v3 =	vld [tilespmem:s10+$0x20]  }
.Ltmp6:
0x188: {  	v4 =	vld [tilespmem:s10+$0xFFFFFFD0];
	(pc) =	sbr.rel @p0 .LBB2_14-.Ltmp6, $3  }
0x189: {  	v5 =	vld [tilespmem:s10+$0x0];
	_ =	sdelay $0x1  }
0x18a: {  	v7 =	vmul.f32 v7, v2;
	v9 =	vmul.f32 v6, v2  }
0x18b: {  	v8 =	vmul.f32 v8, v2;
	v6 =	vmul.f32 v10, v2  }
0x18c: {  	[tilespmem:s8+$0x30] =	vst v9  }
0x18d: {  	[tilespmem:s8+$0xFFFFFFC0] =	vst v7  }
0x18e: {  	v1 =	vmul.f32 v1, v2;
	[tilespmem:s8+$0x10] =	vst v8  }
0x18f: {  	v3 =	vmul.f32 v3, v2;
	[tilespmem:s8+$0xFFFFFFE0] =	vst v6  }
0x190: {  	v5 =	vmul.f32 v5, v2;
	[tilespmem:s8+$0xFFFFFFF0] =	vst v1  }
0x191: {  	v1 =	vmul.f32 v4, v2;
	[tilespmem:s8+$0x20] =	vst v3  }
0x192: {  	[tilespmem:s8+$0x0] =	vst v5  }
0x193: {  	s16 =	simm.s32 $0x2880;
	[tilespmem:s8+$0xFFFFFFD0] =	vst v1  }
0x194: {  	[spmem:s3] =	stream.indirect.scatter.add.f32 [tilespmem:s25], [sflag:$0x4], $0x80, s16, s22, $0xb8;
	[tilespmem:$0x1EE80] =	vst v63  }
0x195: {  	s20 =	simm.s32 $0x0;
	_ =	swait.ge [sflag:s29], $0x4000  }
0x196: {  	v1 =	vmov s20;
	[sflag:s29] =	ssyncset.done $0x0  }
0x197: {  	s8 =	simm.s32 $0x29C0;
	[sflag:s29] =	ssyncadd.s32 $0xFFFFC000  }
0x198: {  	v5 =	vld [tilespmem:s8+$0x30]  }
0x199: {  	v8 =	vld [tilespmem:s8+$0x10]  }
0x19a: {  	v6 =	vld [tilespmem:s8+$0xFFFFFFC0]  }
0x19b: {  	v2 =	vld.idx.msk [tilespmem:v1+s21+$0x0], $0xffff  }
0x19c: {  	v10 =	vld [tilespmem:s8+$0xFFFFFFE0]  }
0x19d: {  	v1 =	vld [tilespmem:s8+$0xFFFFFFF0]  }
0x19e: {  	v3 =	vld [tilespmem:s8+$0x20]  }
0x19f: {  	v4 =	vld [tilespmem:s8+$0xFFFFFFD0]  }
0x1a0: {  	v9 =	vmul.f32 v5, v2;
	v5 =	vld [tilespmem:s8+$0x0]  }
0x1a1: {  	v7 =	vmul.f32 v6, v2  }
0x1a2: {  	s9 =	simm.s32 $0x1;
	s10 =	simm.s32 $0x29C0;
	v6 =	vmul.f32 v10, v2;
	v8 =	vmul.f32 v8, v2  }
.LBB2_16:
0x1a3: {  	p0 =	sne.s32 s9, $0x7F  }
0x1a4: {  	v4 =	vmul.f32 v4, v2;
	v3 =	vmul.f32 v3, v2;
	[tilespmem:s8+$0x30] =	vst v9;
	s10 =	sadd.s32 $0x80, s10;
	s11 =	smov.u32 s9;
	s9 =	sadd.s32 $0x1, s9  }
0x1a5: {  	[tilespmem:s8+$0xFFFFFFC0] =	vst v7;
	v7 =	vmul.f32 v1, v2;
	v2 =	vmul.f32 v5, v2  }
0x1a6: {  	[tilespmem:s8+$0x10] =	vst v8  }
0x1a7: {  	v5 =	vmov s11;
	[tilespmem:s8+$0xFFFFFFE0] =	vst v6  }
0x1a8: {  	v1 =	vld [tilespmem:s10+$0xFFFFFFF0];
	[tilespmem:s8+$0xFFFFFFF0] =	vst v7  }
0x1a9: {  	v6 =	vld [tilespmem:s10+$0x30];
	[tilespmem:s8+$0x0] =	vst v2  }
0x1aa: {  	v8 =	vld [tilespmem:s10+$0x10];
	[tilespmem:s8+$0x20] =	vst v3  }
0x1ab: {  	v7 =	vld [tilespmem:s10+$0xFFFFFFC0];
	[tilespmem:s8+$0xFFFFFFD0] =	vst v4;
	s8 =	smov.u32 s10  }
0x1ac: {  	v2 =	vld.idx.msk [tilespmem:v5+s21+$0x0], $0xffff  }
0x1ad: {  	v10 =	vld [tilespmem:s10+$0xFFFFFFE0]  }
0x1ae: {  	v3 =	vld [tilespmem:s10+$0x20]  }
.Ltmp7:
0x1af: {  	v4 =	vld [tilespmem:s10+$0xFFFFFFD0];
	(pc) =	sbr.rel @p0 .LBB2_16-.Ltmp7, $3  }
0x1b0: {  	v5 =	vld [tilespmem:s10+$0x0];
	_ =	sdelay $0x1  }
0x1b1: {  	v7 =	vmul.f32 v7, v2;
	v9 =	vmul.f32 v6, v2  }
0x1b2: {  	v8 =	vmul.f32 v8, v2;
	v6 =	vmul.f32 v10, v2  }
0x1b3: {  	[tilespmem:s8+$0x30] =	vst v9  }
0x1b4: {  	[tilespmem:s8+$0xFFFFFFC0] =	vst v7  }
0x1b5: {  	v1 =	vmul.f32 v1, v2;
	[tilespmem:s8+$0x10] =	vst v8  }
0x1b6: {  	v3 =	vmul.f32 v3, v2;
	[tilespmem:s8+$0xFFFFFFE0] =	vst v6  }
0x1b7: {  	v5 =	vmul.f32 v5, v2;
	[tilespmem:s8+$0xFFFFFFF0] =	vst v1  }
0x1b8: {  	v1 =	vmul.f32 v4, v2;
	[tilespmem:s8+$0x20] =	vst v3  }
0x1b9: {  	[tilespmem:s8+$0x0] =	vst v5  }
0x1ba: {  	s16 =	simm.s32 $0x2900;
	[tilespmem:s8+$0xFFFFFFD0] =	vst v1  }
0x1bb: {  	[spmem:s3] =	stream.indirect.scatter.add.f32 [tilespmem:s23], [sflag:$0x3], $0x80, s16, s22, $0xb8;
	[tilespmem:$0x1EE80] =	vst v63  }
0x1bc: {  	_ =	swait.ge [sflag:s30], $0x4000  }
0x1bd: {  	[sflag:s30] =	ssyncset.done $0x0  }
0x1be: {  	[sflag:s30] =	ssyncadd.s32 $0xFFFFC000  }
0x1bf: {  	_ =	swait.ge [sflag:s26], $0x4000  }
0x1c0: {  	[sflag:s26] =	ssyncset.done $0x0  }
0x1c1: {  	[sflag:s26] =	ssyncadd.s32 $0xFFFFC000  }
0x1c2: {  	[bflag:$0x0] =	sbarrier.arrive $0xFFFF  }
0x1c3: {  	s20 =	stileid.u32;
	s0 =	sadd.s32 $0x1, s0;
	s10 =	sld [smem:$0x7FD]  }
0x1c4: {  	p0 =	sne.s32 s0, s17;
	s8 =	sshll.u32 s20, $0x6  }
.Ltmp8:
0x1c5: {  	s9 =	sshrl.u32 s7, $0x3;
	s8 =	sor.u32 $0x1C07, s8;
	(pc) =	sbr.rel @p0 .LBB2_1-.Ltmp8, $4  }
0x1c6: {  	[hbm:s10], [sflag:s8] =	dma.local [spmem:s9], $0x2710  }
0x1c7: {  	_ =	swait.ge [sflag:s19], $0x2710  }
0x1c8: {  	[sflag:s19] =	ssyncset.done $0x0  }
0x1c9: {  	s10 =	simm.s32 $0x200;
	[sflag:s19] =	ssyncadd.s32 $0xFFFFD8F0  }
0x1ca: {  	_ =	sfence.sel $0x180000  }
0x1cb: {  	[bflag:$0x0] =	sbarrier.arrive $0xFFFF  }
0x1cc: {  	_ =	strace $0x9000004A  }
0x1cd: {  	s0 =	stileid.u32;
	[bflag:$0x2] =	sbarrier.arrive $0xFFFF  }
0x1ce: {  	p0 =	sne.s32 s0, $0x0;
	s0 =	rddreg [dreg:$0x3]  }
0x1cf: {  	s0 =	sadd.s32 @!p0 $0x100000, s0  }
0x1d0: {  	[sflag:s0] =	ssyncadd.tile.s32 @!p0 $0x1;
	_ =	shalt  }
.Lfunc_end2:
_tile_overlayer_lowered:
.L_overlay_start_2:
0x1d1: {  	(tag) =	ssettag $0x2  }
0x1d2: {  	s0 =	rddreg [dreg:$0x0];
	s2 =	stileid.u32  }
0x1d3: {  	s1 =	rddreg [dreg:$0x1];
	p0 =	sne.s32 s2, $0x0  }
0x1d4: {  	s3 =	rddreg [dreg:$0x2];
	[bflag:$0x3] =	sbarrier.arrive $0xFFFF;
	s2 =	simm.s32 @!p0 $0x1C07  }
0x1d5: {  	[timem:s3], [sflag:s2] =	dma.local @!p0 [hbm:s0], s1  }
0x1d6: {  	s0 =	simm.s32 @!p0 $0x7  }
0x1d7: {  	_ =	swait.ge @!p0 [sflag:s0], s1  }
0x1d8: {  	s1 =	ssub.s32 @!p0 $0x0, s1;
	[sflag:s0] =	ssyncset.done @!p0 $0x0  }
0x1d9: {  	[sflag:s0] =	ssyncadd.s32 @!p0 s1  }
0x1da: {  	[bflag:$0x3] =	sbarrier.arrive $0xFFFF  }
0x1db: {  	_ =	shalt  }

// kernel: kernel.14.cloned.1.call-start
scs
__scs_entry_jumppad:
0x0: {  	(pc) =	sbr.rel $0x88, $3  }
0x1: {  	(tag) =	ssettag $0x0;
	lr =	simm.s32 $0x1  }
0x2: {  	[smem:$0x3F96] =	sst lr;
	_ =	strace $0xD0000000  }
0x3: {  	_ = 	snop  }
0x4: {  	_ = 	snop  }
0x5: {  	_ = 	snop  }
0x6: {  	_ = 	snop  }
0x7: {  	_ = 	snop  }
__scs_overlays_trampoline_lowered:
0x8: {  	[smem:$0x3FA5] =	sst s0  }
0x9: {  	[smem:$0x3FA6] =	sst s1  }
0xa: {  	[smem:$0x3FA7] =	sst s2  }
0xb: {  	[smem:$0x3FA8] =	sst s3  }
0xc: {  	[smem:$0x3FA9] =	sst s4  }
0xd: {  	[smem:$0x3FAA] =	sst s5  }
0xe: {  	[smem:$0x3FAB] =	sst s6  }
0xf: {  	[smem:$0x3FAC] =	sst s7  }
0x10: {  	[smem:$0x3FAD] =	sst s8  }
0x11: {  	[smem:$0x3FAE] =	sst s9;
	s0 =	simm.s32 @!p0 $0x0  }
0x12: {  	s1 =	sld [smem:$0x3F94];
	s0 =	simm.s32 @p0 $0x1  }
0x13: {  	[smem:$0x3FAF] =	sst s0;
	s0 =	simm.s32 @!p1 $0x0  }
0x14: {  	s2 =	sld [smem:$0x3F93];
	s0 =	simm.s32 @p1 $0x1  }
0x15: {  	[smem:$0x3FB0] =	sst s0;
	s0 =	simm.s32 @!p2 $0x0  }
0x16: {  	s3 =	sld [smem:$0x3FDB];
	s0 =	simm.s32 @p2 $0x1  }
0x17: {  	s4 =	simm.s32 $0x1BF5;
	[smem:$0x3FB2] =	sst s0  }
0x18: {  	s0 =	sld [smem:$0x3F95];
	_ =	swait.ge [sflag:s4], $0x0  }
0x19: {  	s7 =	sld [smem:$0x3F96]  }
0x1a: {  	s8 =	sadd.s32 $0xFFFFE003, lr  }
0x1b: {  	s9 =	sadd.s32 $0xFFFFFEF7, lr;
	s5 =	simm.s32 $0xFFFFFFFF;
	p2 =	slt.u32 s8, $0xFFFFF086  }
0x1c: {  	p1 =	slt.u32 s9, $0xF7A;
	s5 =	simm.s32 @!p2 $0x0  }
0x1d: {  	s5 =	simm.s32 @p1 $0x1;
	p0 =	seq.s32 s7, s2  }
0x1e: {  	s7 =	smul.u32 @!p0 $0xF7A, s2;
	p2 =	seq.s32 @!p0 s5, $0x0  }
0x1f: {  	s9 =	smul.u32 $0xF7A, s1;
	s8 =	simm.s32 @!p0 $0x1BF5;
	p2 =	por !p2, p0  }
0x20: {  	[sflag:s8] =	ssyncset.s32 @!p0 $0xFFFFF086;
	s6 =	sadd.s32 @!p0 s3, s7;
	s7 =	simm.s32 @!p0 $0x108  }
0x21: {  	s3 =	sadd.s32 s3, s9;
	s6 =	sadd.s32 @!p0 $0x88, s6;
	s7 =	simm.s32 @p2 $0x1082  }
0x22: {  	[simem:s7], [sflag:s8] =	dma.local @!p0 [hbm:s6], $0xF7A  }
0x23: {  	s9 =	sor.u32 $0xD0000000, s2;
	s6 =	simm.s32 $0x108;
	_ =	swait.ge @!p0 [sflag:s8], $0x0  }
0x24: {  	s3 =	sadd.s32 $0x88, s3;
	s6 =	simm.s32 @!p1 $0x1082;
	[sflag:s4] =	ssyncset.s32 $0xFFFFF086  }
0x25: {  	[simem:s6], [sflag:s4] =	dma.local [hbm:s3], $0xF7A  }
0x26: {  	[smem:$0x3F96] =	sst s1;
	(tag) =	ssettag s2;
	_ =	strace s9  }
0x27: {  	s1 =	sld [smem:$0x3FA6]  }
0x28: {  	s2 =	sld [smem:$0x3FA7]  }
0x29: {  	s4 =	sld [smem:$0x3FA9]  }
0x2a: {  	p0 =	seq.s32 s5, $0x0;
	s5 =	sld [smem:$0x3FAA]  }
0x2b: {  	s6 =	sld [smem:$0x3FAB]  }
0x2c: {  	s7 =	sld [smem:$0x3FAC]  }
0x2d: {  	s3 =	simm.s32 $0x108;
	s8 =	sld [smem:$0x3FAD]  }
0x2e: {  	s3 =	simm.s32 @!p0 $0x1082;
	s9 =	sld [smem:$0x3FAE]  }
0x2f: {  	lr =	sadd.s32 s0, s3;
	s0 =	sld [smem:$0x3FA5]  }
0x30: {  	s3 =	sld [smem:$0x3FA8]  }
0x31: {  	[smem:$0x3FB1] =	sst s10  }
0x32: {  	s10 =	sld [smem:$0x3FAF];
	_ =	sdelay $0x3  }
0x33: {  	p0 =	seq.s32 s10, $0x1;
	s10 =	sld [smem:$0x3FB1];
	_ =	sdelay $0x3  }
0x34: {  	[smem:$0x3FB1] =	sst s10  }
0x35: {  	s10 =	sld [smem:$0x3FB0];
	_ =	sdelay $0x3  }
0x36: {  	p1 =	seq.s32 s10, $0x1;
	s10 =	sld [smem:$0x3FB1];
	_ =	sdelay $0x3  }
0x37: {  	[smem:$0x3FB1] =	sst s10  }
0x38: {  	s10 =	sld [smem:$0x3FB2]  }
0x39: {  	_ = 	snop;
	(pc) =	sbr.ind lr, $3  }
0x3a: {  	_ = 	snop  }
0x3b: {  	_ = 	snop  }
0x3c: {  	p2 =	seq.s32 s10, $0x1;
	s10 =	sld [smem:$0x3FB1]  }
0x3d: {  	_ =	shalt  }
0x3e: {  	_ =	shalt  }
0x3f: {  	_ =	shalt  }
0x40: {  	_ =	shalt  }
0x41: {  	_ =	shalt  }
0x42: {  	_ =	shalt  }
0x43: {  	_ =	shalt  }
0x44: {  	_ =	shalt  }
0x45: {  	_ =	shalt  }
0x46: {  	_ =	shalt  }
0x47: {  	_ =	shalt  }
0x48: {  	_ =	shalt  }
0x49: {  	_ =	shalt  }
0x4a: {  	_ =	shalt  }
0x4b: {  	_ =	shalt  }
0x4c: {  	_ =	shalt  }
0x4d: {  	_ =	shalt  }
0x4e: {  	_ =	shalt  }
0x4f: {  	_ =	shalt  }
0x50: {  	_ =	shalt  }
0x51: {  	_ =	shalt  }
0x52: {  	_ =	shalt  }
0x53: {  	_ =	shalt  }
0x54: {  	_ =	shalt  }
0x55: {  	_ =	shalt  }
0x56: {  	_ =	shalt  }
0x57: {  	_ =	shalt  }
0x58: {  	_ =	shalt  }
0x59: {  	_ =	shalt  }
0x5a: {  	_ =	shalt  }
0x5b: {  	_ =	shalt  }
0x5c: {  	_ =	shalt  }
0x5d: {  	_ =	shalt  }
0x5e: {  	_ =	shalt  }
0x5f: {  	_ =	shalt  }
0x60: {  	_ =	shalt  }
0x61: {  	_ =	shalt  }
0x62: {  	_ =	shalt  }
0x63: {  	_ =	shalt  }
0x64: {  	_ =	shalt  }
0x65: {  	_ =	shalt  }
0x66: {  	_ =	shalt  }
0x67: {  	_ =	shalt  }
0x68: {  	_ =	shalt  }
0x69: {  	_ =	shalt  }
0x6a: {  	_ =	shalt  }
0x6b: {  	_ =	shalt  }
0x6c: {  	_ =	shalt  }
0x6d: {  	_ =	shalt  }
0x6e: {  	_ =	shalt  }
0x6f: {  	_ =	shalt  }
0x70: {  	_ =	shalt  }
0x71: {  	_ =	shalt  }
0x72: {  	_ =	shalt  }
0x73: {  	_ =	shalt  }
0x74: {  	_ =	shalt  }
0x75: {  	_ =	shalt  }
0x76: {  	_ =	shalt  }
0x77: {  	_ =	shalt  }
0x78: {  	_ =	shalt  }
0x79: {  	_ =	shalt  }
0x7a: {  	_ =	shalt  }
0x7b: {  	_ =	shalt  }
0x7c: {  	_ =	shalt  }
0x7d: {  	_ =	shalt  }
0x7e: {  	_ =	shalt  }
0x7f: {  	_ =	shalt  }
0x80: {  	_ =	shalt  }
0x81: {  	_ =	shalt  }
0x82: {  	_ =	shalt  }
0x83: {  	_ =	shalt  }
0x84: {  	_ =	shalt  }
0x85: {  	_ =	shalt  }
0x86: {  	_ =	shalt  }
0x87: {  	_ =	shalt  }
.Lfunc_end0:
.L_simem_size_0:
called_computation.2_lowered:
.L_overlay_start_0:
0x88: {  	s2 =	sld [smem:$0x3FD9]  }
0x89: {  	s3 =	sld [smem:$0x3FFE];
	_ =	sdelay $0x1  }
0x8a: {  	s1 =	srdreg.scid  }
0x8b: {  	s0 =	sand.u32 $0x1, s1  }
0x8c: {  	s17 =	sshll.u32 s0, $0xA;
	s2 =	sadd.s32 s3, s2  }
0x8d: {  	s2 =	sadd.s32 s2, s17  }
0x8e: {  	[smem:$0x3FBD] =	sst s2  }
0x8f: {  	_ = 	snop  }
0x90: {  	s2 =	sld [smem:$0x3FD0];
	(tm) =	ssettm $0x1  }
0x91: {  	s18 =	sld [smem:$0x3FFB];
	_ =	sdelay $0x3  }
0x92: {  	_ =	strace s18  }
0x93: {  	s3 =	sld [smem:$0x3FFC];
	_ =	sdelay $0x3  }
0x94: {  	_ =	strace s3  }
0x95: {  	s3 =	sld [smem:$0x3FFD];
	_ =	sdelay $0x3  }
0x96: {  	_ =	strace s3  }
0x97: {  	_ =	strace $0x8FFFFFFF  }
0x98: {  	s19 =	sld [smem:$0x3FDB];
	_ =	sdelay $0x1  }
0x99: {  	s4 =	simm.s32 $_scs_section_size  }
0x9a: {  	s5 =	simm.s32 $_size__tile_overlayer_lowered;
	s6 =	simm.s32 $_tile_overlayer_lowered  }
0x9b: {  	s22 =	simm.s32 $0x1BFF;
	s21 =	sshll.u32 s6, $0x1;
	s3 =	sadd.s32 s4, s19  }
0x9c: {  	s7 =	simm.s32 $0x0;
	s20 =	sshll.u32 s5, $0x1;
	s5 =	sadd.s32 s21, s3  }
0x9d: {  	[timem:s7], [sflag:s22] =	dma.local [hbm:s5], s20  }
0x9e: {  	_ =	swait.ge [sflag:s22], s20  }
0x9f: {  	s4 =	ssub.s32 $0x0, s20;
	[sflag:s22] =	ssyncset.done $0x0  }
0xa0: {  	[sflag:s22] =	ssyncadd.s32 s4;
	_ =	sdelay $0x1  }
0xa1: {  	s23 =	simm.s32 $0x1B8B  }
0xa2: {  	_ =	swait.ge [sflag:s23], $0x1  }
0xa3: {  	[sflag:s23] =	ssyncset.done $0x0  }
0xa4: {  	s25 =	simm.s32 $0x1B8E;
	s24 =	sld [smem:$0x3FFE];
	[sflag:s23] =	ssyncadd.s32 $0xFFFFFFFF  }
0xa5: {  	s26 =	simm.s32 $execute0_lowered;
	[smem:$0x3FD2] =	sst s25  }
0xa6: {  	s5 =	sshll.u32 s26, $0x1;
	_ =	strace $0x8000004C;
	[dreg:$0x1] =	wrdreg $0xFFFFFFFF  }
0xa7: {  	s28 =	simm.s32 $_size_execute0_lowered;
	s3 =	sadd.s32 s3, s5;
	[dreg:$0x0] =	wrdreg $0x0  }
0xa8: {  	s5 =	sshll.u32 s28, $0x1;
	[dreg:$0x2] =	wrdreg s3  }
0xa9: {  	[dreg:$0x3] =	wrdreg s5  }
0xaa: {  	[dreg:$0x4] =	wrdreg $0xC0  }
0xab: {  	_ =	task [dreg:s7], $0x5FFFF  }
0xac: {  	[dreg:$0x1] =	wrdreg $0xFFFFFFFF  }
0xad: {  	[dreg:$0x0] =	wrdreg $0x60  }
0xae: {  	[dreg:$0x2] =	wrdreg s2  }
0xaf: {  	[dreg:$0x3] =	wrdreg s24  }
0xb0: {  	[dreg:$0x4] =	wrdreg $0xB6000  }
0xb1: {  	[dreg:$0x5] =	wrdreg $0x9  }
0xb2: {  	_ =	task.clear_ibuf [dreg:s7], $0x6FFFF;
	_ =	strace $0x9000004C  }
0xb3: {  	s29 =	simm.s32 $0x9;
	_ =	strace $0x8000004E  }
0xb4: {  	_ =	swait.ge [sflag:s29], $0x1  }
0xb5: {  	[sflag:s29] =	ssyncadd.s32 $0xFFFFFFFF  }
0xb6: {  	_ =	strace $0x9000004E  }
0xb7: {  	_ =	sfence  }
0xb8: {  	s30 =	sld [smem:$0x0];
	_ =	sdelay $0x2  }
0xb9: {  	s31 =	sshll.u32 s1, $0xD;
	s1 =	sshrl.u32 s1, $0x2  }
0xba: {  	s3 =	sand.u32 $0x4000, s31;
	s1 =	sadd.s32 s1, s30  }
0xbb: {  	s0 =	sor.u32 s3, s0;
	s1 =	sshll.u32 s1, $0x11  }
0xbc: {  	s0 =	sor.u32 s1, s0  }
0xbd: {  	s0 =	sadd.s32 $0x8F2B, s0  }
0xbe: {  	[sflag:s0] =	ssyncadd.remote.s32 $0x1  }
0xbf: {  	_ =	sfence.sel $0xFFFF  }
0xc0: {  	[dreg:$0x0] =	wrdreg $0xFFFFFFFF;
	(pc) =	sbr.abs _section_cstart, $3  }
0xc1: {  	[dreg:$0x1] =	wrdreg $0xFFFFFFFF  }
0xc2: {  	_ =	task.clear_ibuf [dreg:s7], $0x2FFFF;
	_ =	strace $0x9FFFFFFF  }
0xc3: {  	(tm) =	ssettm $0x7FFFFFFF  }
tec
execute0_lowered:
.L_overlay_start_1:
0x0: {  	(tag) =	ssettag $0x1  }
0x1: {  	s0 =	srdreg.scid;
	s6 =	stileid.u32  }
0x2: {  	s1 =	rddreg [dreg:$0x0];
	s11 =	smul.u32 $0x4E200, s6  }
0x3: {  	s2 =	rddreg [dreg:$0x1];
	s0 =	sand.u32 $0x1, s0  }
0x4: {  	s3 =	rddreg [dreg:$0x2];
	s4 =	sshll.u32 s0, $0x4;
	s11 =	sshrl.u32 s11, $0x2  }
0x5: {  	s5 =	sor.u32 s6, s4;
	s4 =	simm.s32 $0x0;
	s11 =	sadd.s32 s11, s3  }
0x6: {  	[smem:$0x7FF] =	sst s4;
	s23 =	sadd.s32 $0xC80, s11  }
0x7: {  	_ =	strace $0x8000004D;
	s24 =	sadd.s32 $0x1900, s11;
	[dreg:$0x4] =	wrdreg s23  }
0x8: {  	s25 =	sadd.s32 $0x2580, s11;
	[dreg:$0x5] =	wrdreg s24  }
0x9: {  	s26 =	sadd.s32 $0x3200, s11;
	[dreg:$0x6] =	wrdreg s25  }
0xa: {  	s13 =	sadd.s32 $0x3E80, s11;
	[dreg:$0x7] =	wrdreg s26  }
0xb: {  	s14 =	sadd.s32 $0x4B00, s11;
	[dreg:$0x8] =	wrdreg s13  }
0xc: {  	s28 =	simm.s32 $0x6;
	s15 =	sadd.s32 $0x5780, s11;
	[dreg:$0x9] =	wrdreg s14  }
0xd: {  	s29 =	simm.s32 $0x1;
	s16 =	sadd.s32 $0x6400, s11;
	[dreg:$0xa] =	wrdreg s15  }
0xe: {  	s30 =	simm.s32 $0x3;
	s17 =	sadd.s32 $0x7080, s11;
	[dreg:$0xb] =	wrdreg s16  }
0xf: {  	s31 =	simm.s32 $0x5;
	s18 =	sadd.s32 $0x7D00, s11;
	[dreg:$0xc] =	wrdreg s17  }
0x10: {  	s9 =	smul.u32 $0x138800, s0;
	s19 =	sadd.s32 $0x8980, s11;
	[dreg:$0xd] =	wrdreg s18  }
0x11: {  	s0 =	ssub.s32 $0x2, s0;
	s20 =	sadd.s32 $0x9600, s11;
	[dreg:$0xe] =	wrdreg s19  }
0x12: {  	s22 =	sshrl.u32 s0, $0x1;
	s21 =	sadd.s32 $0xA280, s11;
	[dreg:$0xf] =	wrdreg s20  }
0x13: {  	s0 =	ssub.s32 s0, s22;
	s22 =	sadd.s32 $0xAF00, s11;
	[dreg:$0x10] =	wrdreg s21  }
0x14: {  	s7 =	smul.u32 $0x13880, s6;
	[dreg:$0x11] =	wrdreg s22;
	s23 =	sadd.s32 $0xBB80, s11  }
0x15: {  	s6 =	sadd.s32 $0x20000, s2;
	s24 =	sadd.s32 $0xC800, s11;
	[dreg:$0x12] =	wrdreg s23  }
0x16: {  	s8 =	smul.u32 $0x2780, s5;
	s25 =	sadd.s32 $0xD480, s11;
	[dreg:$0x13] =	wrdreg s24  }
0x17: {  	s5 =	sadd.s32 $0xC400, s2;
	s26 =	sadd.s32 $0xE100, s11;
	[dreg:$0x14] =	wrdreg s25  }
0x18: {  	s9 =	sadd.s32 s7, s9;
	s13 =	sadd.s32 $0xED80, s11;
	[dreg:$0x15] =	wrdreg s26  }
0x19: {  	s7 =	sadd.s32 s7, s3;
	s14 =	sadd.s32 $0xFA00, s11;
	[dreg:$0x16] =	wrdreg s13  }
0x1a: {  	s9 =	sshrl.u32 s9, $0x3;
	s15 =	sadd.s32 $0x10680, s11;
	[dreg:$0x17] =	wrdreg s14  }
0x1b: {  	s10 =	sshrl.u32 s8, $0x3;
	s16 =	sadd.s32 $0x11300, s11;
	[dreg:$0x18] =	wrdreg s15  }
0x1c: {  	s17 =	sadd.s32 $0x11F80, s11;
	s18 =	sadd.s32 $0x12C00, s11;
	[dreg:$0x19] =	wrdreg s16  }
0x1d: {  	s12 =	sadd.s32 s10, s2;
	s2 =	sadd.s32 s9, s2;
	[dreg:$0x1a] =	wrdreg s17  }
0x1e: {  	[dreg:$0x1b] =	wrdreg s18;
	s19 =	sadd.s32 $0x10, s10;
	s22 =	sadd.s32 s5, s10  }
0x1f: {  	s23 =	sadd.s32 s6, s10;
	s24 =	sadd.s32 $0x4E0, s10;
	s13 =	sadd.s32 $0x180, s8  }
0x20: {  	s17 =	smax.u32 s0, $0x1;
	s18 =	simm.s32 $0xA980;
	[dreg:$0x1f] =	wrdreg s22  }
0x21: {  	s10 =	simm.s32 $0x200;
	s20 =	sadd.s32 $0x2600, s12;
	[smem:$0x7FA] =	sst s23  }
0x22: {  	s0 =	simm.s32 $0x0;
	s21 =	sadd.s32 s5, s19;
	[dreg:$0x1c] =	wrdreg s20  }
0x23: {  	s9 =	sadd.s32 s6, s19;
	s12 =	sadd.s32 $0x100, s8;
	[dreg:$0x1d] =	wrdreg s21  }
0x24: {  	s25 =	sadd.s32 s5, s24;
	s26 =	sadd.s32 s6, s24;
	[dreg:$0x1e] =	wrdreg s9  }
0x25: {  	s2 =	sadd.s32 $0x29E00, s2;
	s19 =	simm.s32 $0x7;
	[smem:$0x7FB] =	sst s25  }
0x26: {  	s22 =	simm.s32 $0x80;
	s23 =	simm.s32 $0x2980;
	[smem:$0x7FC] =	sst s26  }
0x27: {  	s24 =	simm.s32 $0x180;
	[smem:$0x7FD] =	sst s2;
	s21 =	simm.s32 $0x100  }
0x28: {  	v0 =	vimm.f32 $0.0e+00;
	s25 =	simm.s32 $0x6980;
	s26 =	simm.s32 $0x4;
	s2 =	simm.s32 $0x2  }
.LBB2_1:
0x29: {  	s8 =	simm.s32 $0x0;
	s9 =	simm.s32 $0x200  }
.LBB2_2:
0x2a: {  	p0 =	sne.s32 s9, $0x3000;
	[tilespmem:s8+$0xA9F0] =	vst v0  }
0x2b: {  	[tilespmem:s8+$0xA980] =	vst v0  }
0x2c: {  	[tilespmem:s8+$0xA990] =	vst v0  }
.Ltmp0:
0x2d: {  	[tilespmem:s8+$0xA9A0] =	vst v0;
	(pc) =	sbr.rel @p0 .LBB2_2-.Ltmp0, $4  }
0x2e: {  	[tilespmem:s8+$0xA9B0] =	vst v0  }
0x2f: {  	[tilespmem:s8+$0xA9C0] =	vst v0  }
0x30: {  	[tilespmem:s8+$0xA9D0] =	vst v0  }
0x31: {  	[tilespmem:s8+$0xA9E0] =	vst v0;
	s8 =	sshra.s32 s9, $0x2;
	s9 =	sadd.s32 $0x200, s9  }
0x32: {  	[tilespmem:s8+$0xA9F0] =	vst v0  }
0x33: {  	[tilespmem:s8+$0xA980] =	vst v0  }
0x34: {  	[tilespmem:s8+$0xA990] =	vst v0  }
0x35: {  	[tilespmem:s8+$0xA9A0] =	vst v0  }
0x36: {  	[tilespmem:s8+$0xA9B0] =	vst v0  }
0x37: {  	[tilespmem:s8+$0xA9C0] =	vst v0  }
0x38: {  	[tilespmem:s8+$0xA9D0] =	vst v0  }
0x39: {  	[tilespmem:s8+$0xA9E0] =	vst v0  }
0x3a: {  	[spmem:s7] =	stream.linear.scatter [tilespmem:s18], [sflag:$0x7], $0xC80, $0x38;
	[tilespmem:$0x1EE80] =	vst v63  }
0x3b: {  	_ =	swait.ge [sflag:s19], $0xC80  }
0x3c: {  	[sflag:s19] =	ssyncset.done $0x0  }
0x3d: {  	s20 =	rddreg [dreg:$0x4];
	[sflag:s19] =	ssyncadd.s32 $0xFFFFF380  }
0x3e: {  	[spmem:s20] =	stream.linear.scatter [tilespmem:s18], [sflag:$0x7], $0xC80, $0x38;
	[tilespmem:$0x1EE80] =	vst v63  }
0x3f: {  	_ =	swait.ge [sflag:s19], $0xC80  }
0x40: {  	[sflag:s19] =	ssyncset.done $0x0  }
0x41: {  	s9 =	rddreg [dreg:$0x5];
	[sflag:s19] =	ssyncadd.s32 $0xFFFFF380  }
0x42: {  	[spmem:s9] =	stream.linear.scatter [tilespmem:s18], [sflag:$0x7], $0xC80, $0x38;
	[tilespmem:$0x1EE80] =	vst v63  }
0x43: {  	_ =	swait.ge [sflag:s19], $0xC80  }
0x44: {  	[sflag:s19] =	ssyncset.done $0x0  }
0x45: {  	s11 =	rddreg [dreg:$0x6];
	[sflag:s19] =	ssyncadd.s32 $0xFFFFF380  }
0x46: {  	[spmem:s11] =	stream.linear.scatter [tilespmem:s18], [sflag:$0x7], $0xC80, $0x38;
	[tilespmem:$0x1EE80] =	vst v63  }
0x47: {  	_ =	swait.ge [sflag:s19], $0xC80  }
0x48: {  	[sflag:s19] =	ssyncset.done $0x0  }
0x49: {  	s14 =	rddreg [dreg:$0x7];
	[sflag:s19] =	ssyncadd.s32 $0xFFFFF380  }
0x4a: {  	[spmem:s14] =	stream.linear.scatter [tilespmem:s18], [sflag:$0x7], $0xC80, $0x38;
	[tilespmem:$0x1EE80] =	vst v63  }
0x4b: {  	_ =	swait.ge [sflag:s19], $0xC80  }
0x4c: {  	[sflag:s19] =	ssyncset.done $0x0  }
0x4d: {  	s15 =	rddreg [dreg:$0x8];
	[sflag:s19] =	ssyncadd.s32 $0xFFFFF380  }
0x4e: {  	[spmem:s15] =	stream.linear.scatter [tilespmem:s18], [sflag:$0x7], $0xC80, $0x38;
	[tilespmem:$0x1EE80] =	vst v63  }
0x4f: {  	_ =	swait.ge [sflag:s19], $0xC80  }
0x50: {  	[sflag:s19] =	ssyncset.done $0x0  }
0x51: {  	s16 =	rddreg [dreg:$0x9];
	[sflag:s19] =	ssyncadd.s32 $0xFFFFF380  }
0x52: {  	[spmem:s16] =	stream.linear.scatter [tilespmem:s18], [sflag:$0x7], $0xC80, $0x38;
	[tilespmem:$0x1EE80] =	vst v63  }
0x53: {  	_ =	swait.ge [sflag:s19], $0xC80  }
0x54: {  	[sflag:s19] =	ssyncset.done $0x0  }
0x55: {  	s20 =	rddreg [dreg:$0xa];
	[sflag:s19] =	ssyncadd.s32 $0xFFFFF380  }
0x56: {  	[spmem:s20] =	stream.linear.scatter [tilespmem:s18], [sflag:$0x7], $0xC80, $0x38;
	[tilespmem:$0x1EE80] =	vst v63  }
0x57: {  	_ =	swait.ge [sflag:s19], $0xC80  }
0x58: {  	[sflag:s19] =	ssyncset.done $0x0  }
0x59: {  	s9 =	rddreg [dreg:$0xb];
	[sflag:s19] =	ssyncadd.s32 $0xFFFFF380  }
0x5a: {  	[spmem:s9] =	stream.linear.scatter [tilespmem:s18], [sflag:$0x7], $0xC80, $0x38;
	[tilespmem:$0x1EE80] =	vst v63  }
0x5b: {  	_ =	swait.ge [sflag:s19], $0xC80  }
0x5c: {  	[sflag:s19] =	ssyncset.done $0x0  }
0x5d: {  	s11 =	rddreg [dreg:$0xc];
	[sflag:s19] =	ssyncadd.s32 $0xFFFFF380  }
0x5e: {  	[spmem:s11] =	stream.linear.scatter [tilespmem:s18], [sflag:$0x7], $0xC80, $0x38;
	[tilespmem:$0x1EE80] =	vst v63  }
0x5f: {  	_ =	swait.ge [sflag:s19], $0xC80  }
0x60: {  	[sflag:s19] =	ssyncset.done $0x0  }
0x61: {  	s14 =	rddreg [dreg:$0xd];
	[sflag:s19] =	ssyncadd.s32 $0xFFFFF380  }
0x62: {  	[spmem:s14] =	stream.linear.scatter [tilespmem:s18], [sflag:$0x7], $0xC80, $0x38;
	[tilespmem:$0x1EE80] =	vst v63  }
0x63: {  	_ =	swait.ge [sflag:s19], $0xC80  }
0x64: {  	[sflag:s19] =	ssyncset.done $0x0  }
0x65: {  	s15 =	rddreg [dreg:$0xe];
	[sflag:s19] =	ssyncadd.s32 $0xFFFFF380  }
0x66: {  	[spmem:s15] =	stream.linear.scatter [tilespmem:s18], [sflag:$0x7], $0xC80, $0x38;
	[tilespmem:$0x1EE80] =	vst v63  }
0x67: {  	_ =	swait.ge [sflag:s19], $0xC80  }
0x68: {  	[sflag:s19] =	ssyncset.done $0x0  }
0x69: {  	s16 =	rddreg [dreg:$0xf];
	[sflag:s19] =	ssyncadd.s32 $0xFFFFF380  }
0x6a: {  	[spmem:s16] =	stream.linear.scatter [tilespmem:s18], [sflag:$0x7], $0xC80, $0x38;
	[tilespmem:$0x1EE80] =	vst v63  }
0x6b: {  	_ =	swait.ge [sflag:s19], $0xC80  }
0x6c: {  	[sflag:s19] =	ssyncset.done $0x0  }
0x6d: {  	s20 =	rddreg [dreg:$0x10];
	[sflag:s19] =	ssyncadd.s32 $0xFFFFF380  }
0x6e: {  	[spmem:s20] =	stream.linear.scatter [tilespmem:s18], [sflag:$0x7], $0xC80, $0x38;
	[tilespmem:$0x1EE80] =	vst v63  }
0x6f: {  	_ =	swait.ge [sflag:s19], $0xC80  }
0x70: {  	[sflag:s19] =	ssyncset.done $0x0  }
0x71: {  	s9 =	rddreg [dreg:$0x11];
	[sflag:s19] =	ssyncadd.s32 $0xFFFFF380  }
0x72: {  	[spmem:s9] =	stream.linear.scatter [tilespmem:s18], [sflag:$0x7], $0xC80, $0x38;
	[tilespmem:$0x1EE80] =	vst v63  }
0x73: {  	_ =	swait.ge [sflag:s19], $0xC80  }
0x74: {  	[sflag:s19] =	ssyncset.done $0x0  }
0x75: {  	s11 =	rddreg [dreg:$0x12];
	[sflag:s19] =	ssyncadd.s32 $0xFFFFF380  }
0x76: {  	[spmem:s11] =	stream.linear.scatter [tilespmem:s18], [sflag:$0x7], $0xC80, $0x38;
	[tilespmem:$0x1EE80] =	vst v63  }
0x77: {  	_ =	swait.ge [sflag:s19], $0xC80  }
0x78: {  	[sflag:s19] =	ssyncset.done $0x0  }
0x79: {  	s14 =	rddreg [dreg:$0x13];
	[sflag:s19] =	ssyncadd.s32 $0xFFFFF380  }
0x7a: {  	[spmem:s14] =	stream.linear.scatter [tilespmem:s18], [sflag:$0x7], $0xC80, $0x38;
	[tilespmem:$0x1EE80] =	vst v63  }
0x7b: {  	_ =	swait.ge [sflag:s19], $0xC80  }
0x7c: {  	[sflag:s19] =	ssyncset.done $0x0  }
0x7d: {  	s15 =	rddreg [dreg:$0x14];
	[sflag:s19] =	ssyncadd.s32 $0xFFFFF380  }
0x7e: {  	[spmem:s15] =	stream.linear.scatter [tilespmem:s18], [sflag:$0x7], $0xC80, $0x38;
	[tilespmem:$0x1EE80] =	vst v63  }
0x7f: {  	_ =	swait.ge [sflag:s19], $0xC80  }
0x80: {  	[sflag:s19] =	ssyncset.done $0x0  }
0x81: {  	s16 =	rddreg [dreg:$0x15];
	[sflag:s19] =	ssyncadd.s32 $0xFFFFF380  }
0x82: {  	[spmem:s16] =	stream.linear.scatter [tilespmem:s18], [sflag:$0x7], $0xC80, $0x38;
	[tilespmem:$0x1EE80] =	vst v63  }
0x83: {  	_ =	swait.ge [sflag:s19], $0xC80  }
0x84: {  	[sflag:s19] =	ssyncset.done $0x0  }
0x85: {  	s20 =	rddreg [dreg:$0x16];
	[sflag:s19] =	ssyncadd.s32 $0xFFFFF380  }
0x86: {  	[spmem:s20] =	stream.linear.scatter [tilespmem:s18], [sflag:$0x7], $0xC80, $0x38;
	[tilespmem:$0x1EE80] =	vst v63  }
0x87: {  	_ =	swait.ge [sflag:s19], $0xC80  }
0x88: {  	[sflag:s19] =	ssyncset.done $0x0  }
0x89: {  	s9 =	rddreg [dreg:$0x17];
	[sflag:s19] =	ssyncadd.s32 $0xFFFFF380  }
0x8a: {  	[spmem:s9] =	stream.linear.scatter [tilespmem:s18], [sflag:$0x7], $0xC80, $0x38;
	[tilespmem:$0x1EE80] =	vst v63  }
0x8b: {  	_ =	swait.ge [sflag:s19], $0xC80  }
0x8c: {  	[sflag:s19] =	ssyncset.done $0x0  }
0x8d: {  	s11 =	rddreg [dreg:$0x18];
	[sflag:s19] =	ssyncadd.s32 $0xFFFFF380  }
0x8e: {  	[spmem:s11] =	stream.linear.scatter [tilespmem:s18], [sflag:$0x7], $0xC80, $0x38;
	[tilespmem:$0x1EE80] =	vst v63  }
0x8f: {  	_ =	swait.ge [sflag:s19], $0xC80  }
0x90: {  	[sflag:s19] =	ssyncset.done $0x0  }
0x91: {  	s14 =	rddreg [dreg:$0x19];
	[sflag:s19] =	ssyncadd.s32 $0xFFFFF380  }
0x92: {  	[spmem:s14] =	stream.linear.scatter [tilespmem:s18], [sflag:$0x7], $0xC80, $0x38;
	[tilespmem:$0x1EE80] =	vst v63  }
0x93: {  	_ =	swait.ge [sflag:s19], $0xC80  }
0x94: {  	[sflag:s19] =	ssyncset.done $0x0  }
0x95: {  	s15 =	rddreg [dreg:$0x1a];
	[sflag:s19] =	ssyncadd.s32 $0xFFFFF380  }
0x96: {  	[spmem:s15] =	stream.linear.scatter [tilespmem:s18], [sflag:$0x7], $0xC80, $0x38;
	[tilespmem:$0x1EE80] =	vst v63  }
0x97: {  	_ =	swait.ge [sflag:s19], $0xC80  }
0x98: {  	[sflag:s19] =	ssyncset.done $0x0  }
0x99: {  	s16 =	rddreg [dreg:$0x1b];
	[sflag:s19] =	ssyncadd.s32 $0xFFFFF380  }
0x9a: {  	[spmem:s16] =	stream.linear.scatter [tilespmem:s18], [sflag:$0x7], $0xC80, $0x38;
	[tilespmem:$0x1EE80] =	vst v63  }
0x9b: {  	_ =	swait.ge [sflag:s19], $0xC80  }
0x9c: {  	[sflag:s19] =	ssyncset.done $0x0  }
0x9d: {  	[sflag:s19] =	ssyncadd.s32 $0xFFFFF380  }
0x9e: {  	[bflag:$0x0] =	sbarrier.arrive $0xFFFF  }
0x9f: {  	s20 =	simm.s32 $0x0;
	s9 =	rddreg [dreg:$0x1c]  }
0xa0: {  	[tilespmem:s10], [sflag:$0x7] =	stream.linear.gather [hbm4b:s9+s20], $0x2780, $0x38;
	[tilespmem:$0x1EE80] =	vst v63  }
0xa1: {  	_ =	swait.ge [sflag:s19], $0x2780  }
0xa2: {  	[sflag:s19] =	ssyncset.done $0x0  }
0xa3: {  	s8 =	simm.s32 $0x0;
	s9 =	simm.s32 $0x200;
	[sflag:s19] =	ssyncadd.s32 $0xFFFFD880  }
.LBB2_4:
0xa4: {  	p0 =	sne.s32 s9, $0xFE00;
	[tilespmem:s8+$0x69F0] =	vst v0  }
0xa5: {  	[tilespmem:s8+$0x6980] =	vst v0  }
0xa6: {  	[tilespmem:s8+$0x6990] =	vst v0  }
.Ltmp1:
0xa7: {  	[tilespmem:s8+$0x69A0] =	vst v0;
	(pc) =	sbr.rel @p0 .LBB2_4-.Ltmp1, $4  }
0xa8: {  	[tilespmem:s8+$0x69B0] =	vst v0  }
0xa9: {  	[tilespmem:s8+$0x69C0] =	vst v0  }
0xaa: {  	[tilespmem:s8+$0x69D0] =	vst v0  }
0xab: {  	[tilespmem:s8+$0x69E0] =	vst v0;
	s8 =	sshra.s32 s9, $0x2;
	s9 =	sadd.s32 $0x200, s9  }
0xac: {  	[tilespmem:s8+$0x69F0] =	vst v0  }
0xad: {  	[tilespmem:s8+$0x6980] =	vst v0  }
0xae: {  	[tilespmem:s8+$0x6990] =	vst v0  }
0xaf: {  	[tilespmem:s8+$0x69A0] =	vst v0  }
0xb0: {  	[tilespmem:s8+$0x69B0] =	vst v0  }
0xb1: {  	[tilespmem:s8+$0x69C0] =	vst v0  }
0xb2: {  	[tilespmem:s8+$0x69D0] =	vst v0  }
0xb3: {  	[tilespmem:s8+$0x69E0] =	vst v0;
	s8 =	simm.s32 $0x0;
	s9 =	rddreg [dreg:$0x1f]  }
0xb4: {  	[tilespmem:s8], [sflag:$0x7] =	stream.linear.gather [hbm4b:s9+s8], $0x80, $0x38;
	[tilespmem:$0x1EE80] =	vst v63  }
0xb5: {  	_ =	swait.ge [sflag:s19], $0x80  }
0xb6: {  	s15 =	sld [smem:$0x7FA]  }
0xb7: {  	[sflag:s19] =	ssyncset.done $0x0  }
0xb8: {  	[sflag:s19] =	ssyncadd.s32 $0xFFFFFF80  }
0xb9: {  	[tilespmem:s21], [sflag:$0x7] =	stream.linear.gather [hbm4b:s15+s8], $0x80, $0x38;
	[tilespmem:$0x1EE80] =	vst v63  }
0xba: {  	_ =	swait.ge [sflag:s19], $0x80  }
0xbb: {  	[sflag:s19] =	ssyncset.done $0x0  }
0xbc: {  	[sflag:s19] =	ssyncadd.s32 $0xFFFFFF80  }
0xbd: {  	[tilespmem:s23], [sflag:$0x1] =	stream.indirect.gather [hbm4b:s1+s22], $0x80, s8, s22, $0xb8;
	[tilespmem:$0x1EE80] =	vst v63  }
0xbe: {  	s16 =	rddreg [dreg:$0x1d]  }
0xbf: {  	[tilespmem:s22], [sflag:$0x6] =	stream.linear.gather [hbm4b:s16+s8], $0x80, $0x38;
	[tilespmem:$0x1EE80] =	vst v63  }
0xc0: {  	s20 =	rddreg [dreg:$0x1e]  }
0xc1: {  	[tilespmem:s24], [sflag:$0x6] =	stream.linear.gather [hbm4b:s20+s8], $0x80, $0x38;
	[tilespmem:$0x1EE80] =	vst v63  }
0xc2: {  	s9 =	simm.s32 $0x0  }
0xc3: {  	[spmem:s3] =	stream.indirect.scatter.add.f32 [tilespmem:s25], [sflag:$0x4], $0x80, s10, s22, $0xb8;
	[tilespmem:$0x1EE80] =	vst v63  }
.LBB2_6:
0xc4: {  	_ =	swait.ge [sflag:s26], $0x4000  }
0xc5: {  	[sflag:s26] =	ssyncset.done $0x0  }
0xc6: {  	[sflag:s26] =	ssyncadd.s32 $0xFFFFC000  }
0xc7: {  	_ =	swait.ge [sflag:s28], $0x80  }
0xc8: {  	[sflag:s28] =	ssyncset.done $0x0  }
0xc9: {  	[sflag:s28] =	ssyncadd.s32 $0xFFFFFF80  }
0xca: {  	_ =	swait.ge [sflag:s28], $0x80  }
0xcb: {  	[sflag:s28] =	ssyncset.done $0x0  }
0xcc: {  	[sflag:s28] =	ssyncadd.s32 $0xFFFFFF80  }
0xcd: {  	[tilespmem:s25], [sflag:$0x2] =	stream.indirect.gather [hbm4b:s1+s22], $0x80, s22, s22, $0xb8;
	[tilespmem:$0x1EE80] =	vst v63  }
0xce: {  	_ =	swait.ge [sflag:s29], $0x4000  }
0xcf: {  	v1 =	vmov s8;
	[sflag:s29] =	ssyncset.done $0x0  }
0xd0: {  	s10 =	simm.s32 $0x29C0;
	[sflag:s29] =	ssyncadd.s32 $0xFFFFC000  }
0xd1: {  	v5 =	vld [tilespmem:s10+$0x30]  }
0xd2: {  	v8 =	vld [tilespmem:s10+$0x10]  }
0xd3: {  	v6 =	vld [tilespmem:s10+$0xFFFFFFC0]  }
0xd4: {  	v2 =	vld.idx.msk [tilespmem:v1+s21+$0x0], $0xffff  }
0xd5: {  	v10 =	vld [tilespmem:s10+$0xFFFFFFE0]  }
0xd6: {  	v1 =	vld [tilespmem:s10+$0xFFFFFFF0]  }
0xd7: {  	v3 =	vld [tilespmem:s10+$0x20]  }
0xd8: {  	v4 =	vld [tilespmem:s10+$0xFFFFFFD0]  }
0xd9: {  	v9 =	vmul.f32 v5, v2;
	v5 =	vld [tilespmem:s10+$0x0]  }
0xda: {  	v7 =	vmul.f32 v6, v2  }
0xdb: {  	s11 =	simm.s32 $0x1;
	s14 =	simm.s32 $0x29C0;
	v6 =	vmul.f32 v10, v2;
	v8 =	vmul.f32 v8, v2  }
.LBB2_7:
0xdc: {  	p0 =	sne.s32 s11, $0x7F  }
0xdd: {  	v4 =	vmul.f32 v4, v2;
	v3 =	vmul.f32 v3, v2;
	[tilespmem:s10+$0x30] =	vst v9;
	s14 =	sadd.s32 $0x80, s14;
	s15 =	smov.u32 s11;
	s11 =	sadd.s32 $0x1, s11  }
0xde: {  	[tilespmem:s10+$0xFFFFFFC0] =	vst v7;
	v7 =	vmul.f32 v1, v2;
	v2 =	vmul.f32 v5, v2  }
0xdf: {  	[tilespmem:s10+$0x10] =	vst v8  }
0xe0: {  	v5 =	vmov s15;
	[tilespmem:s10+$0xFFFFFFE0] =	vst v6  }
0xe1: {  	v1 =	vld [tilespmem:s14+$0xFFFFFFF0];
	[tilespmem:s10+$0xFFFFFFF0] =	vst v7  }
0xe2: {  	v6 =	vld [tilespmem:s14+$0x30];
	[tilespmem:s10+$0x0] =	vst v2  }
0xe3: {  	v8 =	vld [tilespmem:s14+$0x10];
	[tilespmem:s10+$0x20] =	vst v3  }
0xe4: {  	v7 =	vld [tilespmem:s14+$0xFFFFFFC0];
	[tilespmem:s10+$0xFFFFFFD0] =	vst v4;
	s10 =	smov.u32 s14  }
0xe5: {  	v2 =	vld.idx.msk [tilespmem:v5+s21+$0x0], $0xffff  }
0xe6: {  	v10 =	vld [tilespmem:s14+$0xFFFFFFE0]  }
0xe7: {  	v3 =	vld [tilespmem:s14+$0x20]  }
.Ltmp2:
0xe8: {  	v4 =	vld [tilespmem:s14+$0xFFFFFFD0];
	(pc) =	sbr.rel @p0 .LBB2_7-.Ltmp2, $3  }
0xe9: {  	v5 =	vld [tilespmem:s14+$0x0];
	_ =	sdelay $0x1  }
0xea: {  	v7 =	vmul.f32 v7, v2;
	v9 =	vmul.f32 v6, v2  }
0xeb: {  	v8 =	vmul.f32 v8, v2;
	v6 =	vmul.f32 v10, v2  }
0xec: {  	[tilespmem:s10+$0x30] =	vst v9  }
0xed: {  	[tilespmem:s10+$0xFFFFFFC0] =	vst v7  }
0xee: {  	v1 =	vmul.f32 v1, v2;
	[tilespmem:s10+$0x10] =	vst v8  }
0xef: {  	v3 =	vmul.f32 v3, v2;
	[tilespmem:s10+$0xFFFFFFE0] =	vst v6  }
0xf0: {  	s20 =	sshll.u32 s9, $0x8;
	v5 =	vmul.f32 v5, v2;
	[tilespmem:s10+$0xFFFFFFF0] =	vst v1  }
0xf1: {  	s11 =	sadd.s32 s20, s12;
	v1 =	vmul.f32 v4, v2;
	[tilespmem:s10+$0x20] =	vst v3  }
0xf2: {  	s11 =	sshrl.u32 s11, $0x3;
	[tilespmem:s10+$0x0] =	vst v5  }
0xf3: {  	s14 =	sadd.s32 s5, s11;
	[tilespmem:s10+$0xFFFFFFD0] =	vst v1  }
0xf4: {  	[tilespmem:s4], [sflag:$0x5] =	stream.linear.gather [hbm4b:s14+s4], $0x80, $0x38;
	[tilespmem:$0x1EE80] =	vst v63  }
0xf5: {  	s15 =	sadd.s32 s6, s11;
	s10 =	sand.u32 $0x3FFFFF00, s20  }
0xf6: {  	[tilespmem:s21], [sflag:$0x5] =	stream.linear.gather [hbm4b:s15+s4], $0x80, $0x38;
	[tilespmem:$0x1EE80] =	vst v63  }
0xf7: {  	s16 =	sadd.s32 $0x200, s10;
	s14 =	simm.s32 $0x80  }
0xf8: {  	[spmem:s3] =	stream.indirect.scatter.add.f32 [tilespmem:s23], [sflag:$0x3], $0x80, s16, s14, $0xb8;
	[tilespmem:$0x1EE80] =	vst v63  }
0xf9: {  	_ =	swait.ge [sflag:s30], $0x4000  }
0xfa: {  	[sflag:s30] =	ssyncset.done $0x0  }
0xfb: {  	[sflag:s30] =	ssyncadd.s32 $0xFFFFC000  }
0xfc: {  	_ =	swait.ge [sflag:s31], $0x80  }
0xfd: {  	[sflag:s31] =	ssyncset.done $0x0  }
0xfe: {  	[sflag:s31] =	ssyncadd.s32 $0xFFFFFF80  }
0xff: {  	_ =	swait.ge [sflag:s31], $0x80  }
0x100: {  	[sflag:s31] =	ssyncset.done $0x0  }
0x101: {  	[sflag:s31] =	ssyncadd.s32 $0xFFFFFF80  }
0x102: {  	[tilespmem:s23], [sflag:$0x1] =	stream.indirect.gather [hbm4b:s1+s14], $0x80, s4, s14, $0xb8;
	[tilespmem:$0x1EE80] =	vst v63  }
0x103: {  	_ =	swait.ge [sflag:s2], $0x4000  }
0x104: {  	v1 =	vmov s14;
	[sflag:s2] =	ssyncset.done $0x0  }
0x105: {  	s11 =	simm.s32 $0x69C0;
	[sflag:s2] =	ssyncadd.s32 $0xFFFFC000  }
0x106: {  	v5 =	vld [tilespmem:s11+$0x30]  }
0x107: {  	v8 =	vld [tilespmem:s11+$0x10]  }
0x108: {  	v6 =	vld [tilespmem:s11+$0xFFFFFFC0]  }
0x109: {  	v2 =	vld.idx.msk [tilespmem:v1+s21+$0x0], $0xffff  }
0x10a: {  	v10 =	vld [tilespmem:s11+$0xFFFFFFE0]  }
0x10b: {  	v1 =	vld [tilespmem:s11+$0xFFFFFFF0]  }
0x10c: {  	v3 =	vld [tilespmem:s11+$0x20]  }
0x10d: {  	v4 =	vld [tilespmem:s11+$0xFFFFFFD0]  }
0x10e: {  	v9 =	vmul.f32 v5, v2;
	v5 =	vld [tilespmem:s11+$0x0]  }
0x10f: {  	v7 =	vmul.f32 v6, v2  }
0x110: {  	s15 =	simm.s32 $0x69C0;
	s14 =	simm.s32 $0x81;
	v6 =	vmul.f32 v10, v2;
	v8 =	vmul.f32 v8, v2  }
.LBB2_9:
0x111: {  	p0 =	sne.s32 s14, $0xFF  }
0x112: {  	v4 =	vmul.f32 v4, v2;
	v3 =	vmul.f32 v3, v2;
	[tilespmem:s11+$0x30] =	vst v9;
	s15 =	sadd.s32 $0x80, s15;
	s16 =	smov.u32 s14;
	s14 =	sadd.s32 $0x1, s14  }
0x113: {  	[tilespmem:s11+$0xFFFFFFC0] =	vst v7;
	v7 =	vmul.f32 v1, v2;
	v2 =	vmul.f32 v5, v2  }
0x114: {  	[tilespmem:s11+$0x10] =	vst v8  }
0x115: {  	v5 =	vmov s16;
	[tilespmem:s11+$0xFFFFFFE0] =	vst v6  }
0x116: {  	v1 =	vld [tilespmem:s15+$0xFFFFFFF0];
	[tilespmem:s11+$0xFFFFFFF0] =	vst v7  }
0x117: {  	v6 =	vld [tilespmem:s15+$0x30];
	[tilespmem:s11+$0x0] =	vst v2  }
0x118: {  	v8 =	vld [tilespmem:s15+$0x10];
	[tilespmem:s11+$0x20] =	vst v3  }
0x119: {  	v7 =	vld [tilespmem:s15+$0xFFFFFFC0];
	[tilespmem:s11+$0xFFFFFFD0] =	vst v4;
	s11 =	smov.u32 s15  }
0x11a: {  	v2 =	vld.idx.msk [tilespmem:v5+s21+$0x0], $0xffff  }
0x11b: {  	v10 =	vld [tilespmem:s15+$0xFFFFFFE0]  }
0x11c: {  	v3 =	vld [tilespmem:s15+$0x20]  }
.Ltmp3:
0x11d: {  	v4 =	vld [tilespmem:s15+$0xFFFFFFD0];
	(pc) =	sbr.rel @p0 .LBB2_9-.Ltmp3, $3  }
0x11e: {  	v5 =	vld [tilespmem:s15+$0x0];
	_ =	sdelay $0x1  }
0x11f: {  	v7 =	vmul.f32 v7, v2;
	v9 =	vmul.f32 v6, v2  }
0x120: {  	v8 =	vmul.f32 v8, v2;
	v6 =	vmul.f32 v10, v2  }
0x121: {  	[tilespmem:s11+$0x30] =	vst v9  }
0x122: {  	[tilespmem:s11+$0xFFFFFFC0] =	vst v7  }
0x123: {  	v1 =	vmul.f32 v1, v2;
	[tilespmem:s11+$0x10] =	vst v8  }
0x124: {  	v3 =	vmul.f32 v3, v2;
	[tilespmem:s11+$0xFFFFFFE0] =	vst v6  }
0x125: {  	v5 =	vmul.f32 v5, v2;
	[tilespmem:s11+$0xFFFFFFF0] =	vst v1  }
0x126: {  	s14 =	sadd.s32 s20, s13;
	v1 =	vmul.f32 v4, v2;
	[tilespmem:s11+$0x20] =	vst v3  }
0x127: {  	s9 =	sadd.s32 $0x1, s9;
	s14 =	sshrl.u32 s14, $0x3;
	[tilespmem:s11+$0x0] =	vst v5  }
0x128: {  	p0 =	sne.s32 s9, $0x26;
	s16 =	sadd.s32 s5, s14;
	[tilespmem:s11+$0xFFFFFFD0] =	vst v1  }
0x129: {  	[tilespmem:s22], [sflag:$0x6] =	stream.linear.gather [hbm4b:s16+s4], $0x80, $0x38;
	[tilespmem:$0x1EE80] =	vst v63  }
.Ltmp4:
0x12a: {  	_ = 	snop;
	(pc) =	sbr.rel @p0 .LBB2_6-.Ltmp4, $4  }
0x12b: {  	s20 =	sadd.s32 s6, s14  }
0x12c: {  	[tilespmem:s24], [sflag:$0x6] =	stream.linear.gather [hbm4b:s20+s4], $0x80, $0x38;
	[tilespmem:$0x1EE80] =	vst v63  }
0x12d: {  	s10 =	sadd.s32 $0x280, s10  }
0x12e: {  	[spmem:s3] =	stream.indirect.scatter.add.f32 [tilespmem:s25], [sflag:$0x4], $0x80, s10, s22, $0xb8;
	[tilespmem:$0x1EE80] =	vst v63  }
0x12f: {  	_ =	swait.ge [sflag:s26], $0x4000  }
0x130: {  	[sflag:s26] =	ssyncset.done $0x0  }
0x131: {  	[sflag:s26] =	ssyncadd.s32 $0xFFFFC000  }
0x132: {  	_ =	swait.ge [sflag:s28], $0x80  }
0x133: {  	[sflag:s28] =	ssyncset.done $0x0  }
0x134: {  	[sflag:s28] =	ssyncadd.s32 $0xFFFFFF80  }
0x135: {  	_ =	swait.ge [sflag:s28], $0x80  }
0x136: {  	[sflag:s28] =	ssyncset.done $0x0  }
0x137: {  	[sflag:s28] =	ssyncadd.s32 $0xFFFFFF80  }
0x138: {  	[tilespmem:s25], [sflag:$0x2] =	stream.indirect.gather [hbm4b:s1+s22], $0x80, s22, s22, $0xb8;
	[tilespmem:$0x1EE80] =	vst v63  }
0x139: {  	s8 =	simm.s32 $0x0;
	_ =	swait.ge [sflag:s29], $0x4000  }
0x13a: {  	v1 =	vmov s8;
	[sflag:s29] =	ssyncset.done $0x0  }
0x13b: {  	s8 =	simm.s32 $0x29C0;
	[sflag:s29] =	ssyncadd.s32 $0xFFFFC000  }
0x13c: {  	v5 =	vld [tilespmem:s8+$0x30]  }
0x13d: {  	v8 =	vld [tilespmem:s8+$0x10]  }
0x13e: {  	v6 =	vld [tilespmem:s8+$0xFFFFFFC0]  }
0x13f: {  	v2 =	vld.idx.msk [tilespmem:v1+s21+$0x0], $0xffff  }
0x140: {  	v10 =	vld [tilespmem:s8+$0xFFFFFFE0]  }
0x141: {  	v1 =	vld [tilespmem:s8+$0xFFFFFFF0]  }
0x142: {  	v3 =	vld [tilespmem:s8+$0x20]  }
0x143: {  	v4 =	vld [tilespmem:s8+$0xFFFFFFD0]  }
0x144: {  	v9 =	vmul.f32 v5, v2;
	v5 =	vld [tilespmem:s8+$0x0]  }
0x145: {  	v7 =	vmul.f32 v6, v2  }
0x146: {  	s9 =	simm.s32 $0x1;
	s10 =	simm.s32 $0x29C0;
	v6 =	vmul.f32 v10, v2;
	v8 =	vmul.f32 v8, v2  }
.LBB2_12:
0x147: {  	p0 =	sne.s32 s9, $0x7F  }
0x148: {  	v4 =	vmul.f32 v4, v2;
	v3 =	vmul.f32 v3, v2;
	[tilespmem:s8+$0x30] =	vst v9;
	s10 =	sadd.s32 $0x80, s10;
	s11 =	smov.u32 s9;
	s9 =	sadd.s32 $0x1, s9  }
0x149: {  	[tilespmem:s8+$0xFFFFFFC0] =	vst v7;
	v7 =	vmul.f32 v1, v2;
	v2 =	vmul.f32 v5, v2  }
0x14a: {  	[tilespmem:s8+$0x10] =	vst v8  }
0x14b: {  	v5 =	vmov s11;
	[tilespmem:s8+$0xFFFFFFE0] =	vst v6  }
0x14c: {  	v1 =	vld [tilespmem:s10+$0xFFFFFFF0];
	[tilespmem:s8+$0xFFFFFFF0] =	vst v7  }
0x14d: {  	v6 =	vld [tilespmem:s10+$0x30];
	[tilespmem:s8+$0x0] =	vst v2  }
0x14e: {  	v8 =	vld [tilespmem:s10+$0x10];
	[tilespmem:s8+$0x20] =	vst v3  }
0x14f: {  	v7 =	vld [tilespmem:s10+$0xFFFFFFC0];
	[tilespmem:s8+$0xFFFFFFD0] =	vst v4;
	s8 =	smov.u32 s10  }
0x150: {  	v2 =	vld.idx.msk [tilespmem:v5+s21+$0x0], $0xffff  }
0x151: {  	v10 =	vld [tilespmem:s10+$0xFFFFFFE0]  }
0x152: {  	v3 =	vld [tilespmem:s10+$0x20]  }
.Ltmp5:
0x153: {  	v4 =	vld [tilespmem:s10+$0xFFFFFFD0];
	(pc) =	sbr.rel @p0 .LBB2_12-.Ltmp5, $3  }
0x154: {  	v5 =	vld [tilespmem:s10+$0x0];
	_ =	sdelay $0x1  }
0x155: {  	v7 =	vmul.f32 v7, v2;
	v9 =	vmul.f32 v6, v2  }
0x156: {  	v8 =	vmul.f32 v8, v2;
	v6 =	vmul.f32 v10, v2  }
0x157: {  	[tilespmem:s8+$0x30] =	vst v9  }
0x158: {  	[tilespmem:s8+$0xFFFFFFC0] =	vst v7  }
0x159: {  	v1 =	vmul.f32 v1, v2;
	[tilespmem:s8+$0x10] =	vst v8  }
0x15a: {  	v3 =	vmul.f32 v3, v2;
	[tilespmem:s8+$0xFFFFFFE0] =	vst v6  }
0x15b: {  	v5 =	vmul.f32 v5, v2;
	[tilespmem:s8+$0xFFFFFFF0] =	vst v1  }
0x15c: {  	s15 =	sld [smem:$0x7FB];
	v1 =	vmul.f32 v4, v2;
	[tilespmem:s8+$0x20] =	vst v3  }
0x15d: {  	[tilespmem:s8+$0x0] =	vst v5  }
0x15e: {  	s16 =	sld [smem:$0x7FC];
	[tilespmem:s8+$0xFFFFFFD0] =	vst v1  }
0x15f: {  	[tilespmem:s4], [sflag:$0x5] =	stream.linear.gather [hbm4b:s15+s4], $0x80, $0x38;
	[tilespmem:$0x1EE80] =	vst v63  }
0x160: {  	_ = 	snop  }
0x161: {  	[tilespmem:s21], [sflag:$0x5] =	stream.linear.gather [hbm4b:s16+s4], $0x80, $0x38;
	[tilespmem:$0x1EE80] =	vst v63  }
0x162: {  	s20 =	simm.s32 $0x80;
	s9 =	simm.s32 $0x2800  }
0x163: {  	[spmem:s3] =	stream.indirect.scatter.add.f32 [tilespmem:s23], [sflag:$0x3], $0x80, s9, s20, $0xb8;
	[tilespmem:$0x1EE80] =	vst v63  }
0x164: {  	_ =	swait.ge [sflag:s30], $0x4000  }
0x165: {  	[sflag:s30] =	ssyncset.done $0x0  }
0x166: {  	[sflag:s30] =	ssyncadd.s32 $0xFFFFC000  }
0x167: {  	_ =	swait.ge [sflag:s31], $0x80  }
0x168: {  	[sflag:s31] =	ssyncset.done $0x0  }
0x169: {  	[sflag:s31] =	ssyncadd.s32 $0xFFFFFF80  }
0x16a: {  	_ =	swait.ge [sflag:s31], $0x80  }
0x16b: {  	[sflag:s31] =	ssyncset.done $0x0  }
0x16c: {  	[sflag:s31] =	ssyncadd.s32 $0xFFFFFF80  }
0x16d: {  	[tilespmem:s23], [sflag:$0x1] =	stream.indirect.gather [hbm4b:s1+s20], $0x80, s4, s20, $0xb8;
	[tilespmem:$0x1EE80] =	vst v63  }
0x16e: {  	_ =	swait.ge [sflag:s2], $0x4000  }
0x16f: {  	v1 =	vmov s20;
	[sflag:s2] =	ssyncset.done $0x0  }
0x170: {  	s8 =	simm.s32 $0x69C0;
	[sflag:s2] =	ssyncadd.s32 $0xFFFFC000  }
0x171: {  	v5 =	vld [tilespmem:s8+$0x30]  }
0x172: {  	v8 =	vld [tilespmem:s8+$0x10]  }
0x173: {  	v6 =	vld [tilespmem:s8+$0xFFFFFFC0]  }
0x174: {  	v2 =	vld.idx.msk [tilespmem:v1+s21+$0x0], $0xffff  }
0x175: {  	v10 =	vld [tilespmem:s8+$0xFFFFFFE0]  }
0x176: {  	v1 =	vld [tilespmem:s8+$0xFFFFFFF0]  }
0x177: {  	v3 =	vld [tilespmem:s8+$0x20]  }
0x178: {  	v4 =	vld [tilespmem:s8+$0xFFFFFFD0]  }
0x179: {  	v9 =	vmul.f32 v5, v2;
	v5 =	vld [tilespmem:s8+$0x0]  }
0x17a: {  	v7 =	vmul.f32 v6, v2  }
0x17b: {  	s10 =	simm.s32 $0x69C0;
	s9 =	simm.s32 $0x81;
	v6 =	vmul.f32 v10, v2;
	v8 =	vmul.f32 v8, v2  }
.LBB2_14:
0x17c: {  	p0 =	sne.s32 s9, $0xFF  }
0x17d: {  	v4 =	vmul.f32 v4, v2;
	v3 =	vmul.f32 v3, v2;
	[tilespmem:s8+$0x30] =	vst v9;
	s10 =	sadd.s32 $0x80, s10;
	s11 =	smov.u32 s9;
	s9 =	sadd.s32 $0x1, s9  }
0x17e: {  	[tilespmem:s8+$0xFFFFFFC0] =	vst v7;
	v7 =	vmul.f32 v1, v2;
	v2 =	vmul.f32 v5, v2  }
0x17f: {  	[tilespmem:s8+$0x10] =	vst v8  }
0x180: {  	v5 =	vmov s11;
	[tilespmem:s8+$0xFFFFFFE0] =	vst v6  }
0x181: {  	v1 =	vld [tilespmem:s10+$0xFFFFFFF0];
	[tilespmem:s8+$0xFFFFFFF0] =	vst v7  }
0x182: {  	v6 =	vld [tilespmem:s10+$0x30];
	[tilespmem:s8+$0x0] =	vst v2  }
0x183: {  	v8 =	vld [tilespmem:s10+$0x10];
	[tilespmem:s8+$0x20] =	vst v3  }
0x184: {  	v7 =	vld [tilespmem:s10+$0xFFFFFFC0];
	[tilespmem:s8+$0xFFFFFFD0] =	vst v4;
	s8 =	smov.u32 s10  }
0x185: {  	v2 =	vld.idx.msk [tilespmem:v5+s21+$0x0], $0xffff  }
0x186: {  	v10 =	vld [tilespmem:s10+$0xFFFFFFE0]  }
0x187: {  	v3 =	vld [tilespmem:s10+$0x20]  }
.Ltmp6:
0x188: {  	v4 =	vld [tilespmem:s10+$0xFFFFFFD0];
	(pc) =	sbr.rel @p0 .LBB2_14-.Ltmp6, $3  }
0x189: {  	v5 =	vld [tilespmem:s10+$0x0];
	_ =	sdelay $0x1  }
0x18a: {  	v7 =	vmul.f32 v7, v2;
	v9 =	vmul.f32 v6, v2  }
0x18b: {  	v8 =	vmul.f32 v8, v2;
	v6 =	vmul.f32 v10, v2  }
0x18c: {  	[tilespmem:s8+$0x30] =	vst v9  }
0x18d: {  	[tilespmem:s8+$0xFFFFFFC0] =	vst v7  }
0x18e: {  	v1 =	vmul.f32 v1, v2;
	[tilespmem:s8+$0x10] =	vst v8  }
0x18f: {  	v3 =	vmul.f32 v3, v2;
	[tilespmem:s8+$0xFFFFFFE0] =	vst v6  }
0x190: {  	v5 =	vmul.f32 v5, v2;
	[tilespmem:s8+$0xFFFFFFF0] =	vst v1  }
0x191: {  	v1 =	vmul.f32 v4, v2;
	[tilespmem:s8+$0x20] =	vst v3  }
0x192: {  	[tilespmem:s8+$0x0] =	vst v5  }
0x193: {  	s16 =	simm.s32 $0x2880;
	[tilespmem:s8+$0xFFFFFFD0] =	vst v1  }
0x194: {  	[spmem:s3] =	stream.indirect.scatter.add.f32 [tilespmem:s25], [sflag:$0x4], $0x80, s16, s22, $0xb8;
	[tilespmem:$0x1EE80] =	vst v63  }
0x195: {  	s20 =	simm.s32 $0x0;
	_ =	swait.ge [sflag:s29], $0x4000  }
0x196: {  	v1 =	vmov s20;
	[sflag:s29] =	ssyncset.done $0x0  }
0x197: {  	s8 =	simm.s32 $0x29C0;
	[sflag:s29] =	ssyncadd.s32 $0xFFFFC000  }
0x198: {  	v5 =	vld [tilespmem:s8+$0x30]  }
0x199: {  	v8 =	vld [tilespmem:s8+$0x10]  }
0x19a: {  	v6 =	vld [tilespmem:s8+$0xFFFFFFC0]  }
0x19b: {  	v2 =	vld.idx.msk [tilespmem:v1+s21+$0x0], $0xffff  }
0x19c: {  	v10 =	vld [tilespmem:s8+$0xFFFFFFE0]  }
0x19d: {  	v1 =	vld [tilespmem:s8+$0xFFFFFFF0]  }
0x19e: {  	v3 =	vld [tilespmem:s8+$0x20]  }
0x19f: {  	v4 =	vld [tilespmem:s8+$0xFFFFFFD0]  }
0x1a0: {  	v9 =	vmul.f32 v5, v2;
	v5 =	vld [tilespmem:s8+$0x0]  }
0x1a1: {  	v7 =	vmul.f32 v6, v2  }
0x1a2: {  	s9 =	simm.s32 $0x1;
	s10 =	simm.s32 $0x29C0;
	v6 =	vmul.f32 v10, v2;
	v8 =	vmul.f32 v8, v2  }
.LBB2_16:
0x1a3: {  	p0 =	sne.s32 s9, $0x7F  }
0x1a4: {  	v4 =	vmul.f32 v4, v2;
	v3 =	vmul.f32 v3, v2;
	[tilespmem:s8+$0x30] =	vst v9;
	s10 =	sadd.s32 $0x80, s10;
	s11 =	smov.u32 s9;
	s9 =	sadd.s32 $0x1, s9  }
0x1a5: {  	[tilespmem:s8+$0xFFFFFFC0] =	vst v7;
	v7 =	vmul.f32 v1, v2;
	v2 =	vmul.f32 v5, v2  }
0x1a6: {  	[tilespmem:s8+$0x10] =	vst v8  }
0x1a7: {  	v5 =	vmov s11;
	[tilespmem:s8+$0xFFFFFFE0] =	vst v6  }
0x1a8: {  	v1 =	vld [tilespmem:s10+$0xFFFFFFF0];
	[tilespmem:s8+$0xFFFFFFF0] =	vst v7  }
0x1a9: {  	v6 =	vld [tilespmem:s10+$0x30];
	[tilespmem:s8+$0x0] =	vst v2  }
0x1aa: {  	v8 =	vld [tilespmem:s10+$0x10];
	[tilespmem:s8+$0x20] =	vst v3  }
0x1ab: {  	v7 =	vld [tilespmem:s10+$0xFFFFFFC0];
	[tilespmem:s8+$0xFFFFFFD0] =	vst v4;
	s8 =	smov.u32 s10  }
0x1ac: {  	v2 =	vld.idx.msk [tilespmem:v5+s21+$0x0], $0xffff  }
0x1ad: {  	v10 =	vld [tilespmem:s10+$0xFFFFFFE0]  }
0x1ae: {  	v3 =	vld [tilespmem:s10+$0x20]  }
.Ltmp7:
0x1af: {  	v4 =	vld [tilespmem:s10+$0xFFFFFFD0];
	(pc) =	sbr.rel @p0 .LBB2_16-.Ltmp7, $3  }
0x1b0: {  	v5 =	vld [tilespmem:s10+$0x0];
	_ =	sdelay $0x1  }
0x1b1: {  	v7 =	vmul.f32 v7, v2;
	v9 =	vmul.f32 v6, v2  }
0x1b2: {  	v8 =	vmul.f32 v8, v2;
	v6 =	vmul.f32 v10, v2  }
0x1b3: {  	[tilespmem:s8+$0x30] =	vst v9  }
0x1b4: {  	[tilespmem:s8+$0xFFFFFFC0] =	vst v7  }
0x1b5: {  	v1 =	vmul.f32 v1, v2;
	[tilespmem:s8+$0x10] =	vst v8  }
0x1b6: {  	v3 =	vmul.f32 v3, v2;
	[tilespmem:s8+$0xFFFFFFE0] =	vst v6  }
0x1b7: {  	v5 =	vmul.f32 v5, v2;
	[tilespmem:s8+$0xFFFFFFF0] =	vst v1  }
0x1b8: {  	v1 =	vmul.f32 v4, v2;
	[tilespmem:s8+$0x20] =	vst v3  }
0x1b9: {  	[tilespmem:s8+$0x0] =	vst v5  }
0x1ba: {  	s16 =	simm.s32 $0x2900;
	[tilespmem:s8+$0xFFFFFFD0] =	vst v1  }
0x1bb: {  	[spmem:s3] =	stream.indirect.scatter.add.f32 [tilespmem:s23], [sflag:$0x3], $0x80, s16, s22, $0xb8;
	[tilespmem:$0x1EE80] =	vst v63  }
0x1bc: {  	_ =	swait.ge [sflag:s30], $0x4000  }
0x1bd: {  	[sflag:s30] =	ssyncset.done $0x0  }
0x1be: {  	[sflag:s30] =	ssyncadd.s32 $0xFFFFC000  }
0x1bf: {  	_ =	swait.ge [sflag:s26], $0x4000  }
0x1c0: {  	[sflag:s26] =	ssyncset.done $0x0  }
0x1c1: {  	[sflag:s26] =	ssyncadd.s32 $0xFFFFC000  }
0x1c2: {  	[bflag:$0x0] =	sbarrier.arrive $0xFFFF  }
0x1c3: {  	s20 =	stileid.u32;
	s0 =	sadd.s32 $0x1, s0;
	s10 =	sld [smem:$0x7FD]  }
0x1c4: {  	p0 =	sne.s32 s0, s17;
	s8 =	sshll.u32 s20, $0x6  }
.Ltmp8:
0x1c5: {  	s9 =	sshrl.u32 s7, $0x3;
	s8 =	sor.u32 $0x1C07, s8;
	(pc) =	sbr.rel @p0 .LBB2_1-.Ltmp8, $4  }
0x1c6: {  	[hbm:s10], [sflag:s8] =	dma.local [spmem:s9], $0x2710  }
0x1c7: {  	_ =	swait.ge [sflag:s19], $0x2710  }
0x1c8: {  	[sflag:s19] =	ssyncset.done $0x0  }
0x1c9: {  	s10 =	simm.s32 $0x200;
	[sflag:s19] =	ssyncadd.s32 $0xFFFFD8F0  }
0x1ca: {  	_ =	sfence.sel $0x180000  }
0x1cb: {  	[bflag:$0x0] =	sbarrier.arrive $0xFFFF  }
0x1cc: {  	_ =	strace $0x9000004D  }
0x1cd: {  	s0 =	stileid.u32;
	[bflag:$0x2] =	sbarrier.arrive $0xFFFF  }
0x1ce: {  	p0 =	sne.s32 s0, $0x0;
	s0 =	rddreg [dreg:$0x3]  }
0x1cf: {  	s0 =	sadd.s32 @!p0 $0x100000, s0  }
0x1d0: {  	[sflag:s0] =	ssyncadd.tile.s32 @!p0 $0x1;
	_ =	shalt  }
.Lfunc_end2:
_tile_overlayer_lowered:
.L_overlay_start_2:
0x1d1: {  	(tag) =	ssettag $0x2  }
0x1d2: {  	s0 =	rddreg [dreg:$0x0];
	s2 =	stileid.u32  }
0x1d3: {  	s1 =	rddreg [dreg:$0x1];
	p0 =	sne.s32 s2, $0x0  }
0x1d4: {  	s3 =	rddreg [dreg:$0x2];
	[bflag:$0x3] =	sbarrier.arrive $0xFFFF;
	s2 =	simm.s32 @!p0 $0x1C07  }
0x1d5: {  	[timem:s3], [sflag:s2] =	dma.local @!p0 [hbm:s0], s1  }
0x1d6: {  	s0 =	simm.s32 @!p0 $0x7  }
0x1d7: {  	_ =	swait.ge @!p0 [sflag:s0], s1  }
0x1d8: {  	s1 =	ssub.s32 @!p0 $0x0, s1;
	[sflag:s0] =	ssyncset.done @!p0 $0x0  }
0x1d9: {  	[sflag:s0] =	ssyncadd.s32 @!p0 s1  }
0x1da: {  	[bflag:$0x3] =	sbarrier.arrive $0xFFFF  }
0x1db: {  	_ =	shalt  }

// kernel: kernel.8.cloned.1.call-start
scs
__scs_entry_jumppad:
0x0: {  	(pc) =	sbr.rel $0x88, $3  }
0x1: {  	(tag) =	ssettag $0x0;
	lr =	simm.s32 $0x1  }
0x2: {  	[smem:$0x3F96] =	sst lr;
	_ =	strace $0xD0000000  }
0x3: {  	_ = 	snop  }
0x4: {  	_ = 	snop  }
0x5: {  	_ = 	snop  }
0x6: {  	_ = 	snop  }
0x7: {  	_ = 	snop  }
__scs_overlays_trampoline_lowered:
0x8: {  	[smem:$0x3FA5] =	sst s0  }
0x9: {  	[smem:$0x3FA6] =	sst s1  }
0xa: {  	[smem:$0x3FA7] =	sst s2  }
0xb: {  	[smem:$0x3FA8] =	sst s3  }
0xc: {  	[smem:$0x3FA9] =	sst s4  }
0xd: {  	[smem:$0x3FAA] =	sst s5  }
0xe: {  	[smem:$0x3FAB] =	sst s6  }
0xf: {  	[smem:$0x3FAC] =	sst s7  }
0x10: {  	[smem:$0x3FAD] =	sst s8  }
0x11: {  	[smem:$0x3FAE] =	sst s9;
	s0 =	simm.s32 @!p0 $0x0  }
0x12: {  	s1 =	sld [smem:$0x3F94];
	s0 =	simm.s32 @p0 $0x1  }
0x13: {  	[smem:$0x3FAF] =	sst s0;
	s0 =	simm.s32 @!p1 $0x0  }
0x14: {  	s2 =	sld [smem:$0x3F93];
	s0 =	simm.s32 @p1 $0x1  }
0x15: {  	[smem:$0x3FB0] =	sst s0;
	s0 =	simm.s32 @!p2 $0x0  }
0x16: {  	s3 =	sld [smem:$0x3FDB];
	s0 =	simm.s32 @p2 $0x1  }
0x17: {  	s4 =	simm.s32 $0x1BF5;
	[smem:$0x3FB2] =	sst s0  }
0x18: {  	s0 =	sld [smem:$0x3F95];
	_ =	swait.ge [sflag:s4], $0x0  }
0x19: {  	s7 =	sld [smem:$0x3F96]  }
0x1a: {  	s8 =	sadd.s32 $0xFFFFE003, lr  }
0x1b: {  	s9 =	sadd.s32 $0xFFFFFEF7, lr;
	s5 =	simm.s32 $0xFFFFFFFF;
	p2 =	slt.u32 s8, $0xFFFFF086  }
0x1c: {  	p1 =	slt.u32 s9, $0xF7A;
	s5 =	simm.s32 @!p2 $0x0  }
0x1d: {  	s5 =	simm.s32 @p1 $0x1;
	p0 =	seq.s32 s7, s2  }
0x1e: {  	s7 =	smul.u32 @!p0 $0xF7A, s2;
	p2 =	seq.s32 @!p0 s5, $0x0  }
0x1f: {  	s9 =	smul.u32 $0xF7A, s1;
	s8 =	simm.s32 @!p0 $0x1BF5;
	p2 =	por !p2, p0  }
0x20: {  	[sflag:s8] =	ssyncset.s32 @!p0 $0xFFFFF086;
	s6 =	sadd.s32 @!p0 s3, s7;
	s7 =	simm.s32 @!p0 $0x108  }
0x21: {  	s3 =	sadd.s32 s3, s9;
	s6 =	sadd.s32 @!p0 $0x88, s6;
	s7 =	simm.s32 @p2 $0x1082  }
0x22: {  	[simem:s7], [sflag:s8] =	dma.local @!p0 [hbm:s6], $0xF7A  }
0x23: {  	s9 =	sor.u32 $0xD0000000, s2;
	s6 =	simm.s32 $0x108;
	_ =	swait.ge @!p0 [sflag:s8], $0x0  }
0x24: {  	s3 =	sadd.s32 $0x88, s3;
	s6 =	simm.s32 @!p1 $0x1082;
	[sflag:s4] =	ssyncset.s32 $0xFFFFF086  }
0x25: {  	[simem:s6], [sflag:s4] =	dma.local [hbm:s3], $0xF7A  }
0x26: {  	[smem:$0x3F96] =	sst s1;
	(tag) =	ssettag s2;
	_ =	strace s9  }
0x27: {  	s1 =	sld [smem:$0x3FA6]  }
0x28: {  	s2 =	sld [smem:$0x3FA7]  }
0x29: {  	s4 =	sld [smem:$0x3FA9]  }
0x2a: {  	p0 =	seq.s32 s5, $0x0;
	s5 =	sld [smem:$0x3FAA]  }
0x2b: {  	s6 =	sld [smem:$0x3FAB]  }
0x2c: {  	s7 =	sld [smem:$0x3FAC]  }
0x2d: {  	s3 =	simm.s32 $0x108;
	s8 =	sld [smem:$0x3FAD]  }
0x2e: {  	s3 =	simm.s32 @!p0 $0x1082;
	s9 =	sld [smem:$0x3FAE]  }
0x2f: {  	lr =	sadd.s32 s0, s3;
	s0 =	sld [smem:$0x3FA5]  }
0x30: {  	s3 =	sld [smem:$0x3FA8]  }
0x31: {  	[smem:$0x3FB1] =	sst s10  }
0x32: {  	s10 =	sld [smem:$0x3FAF];
	_ =	sdelay $0x3  }
0x33: {  	p0 =	seq.s32 s10, $0x1;
	s10 =	sld [smem:$0x3FB1];
	_ =	sdelay $0x3  }
0x34: {  	[smem:$0x3FB1] =	sst s10  }
0x35: {  	s10 =	sld [smem:$0x3FB0];
	_ =	sdelay $0x3  }
0x36: {  	p1 =	seq.s32 s10, $0x1;
	s10 =	sld [smem:$0x3FB1];
	_ =	sdelay $0x3  }
0x37: {  	[smem:$0x3FB1] =	sst s10  }
0x38: {  	s10 =	sld [smem:$0x3FB2]  }
0x39: {  	_ = 	snop;
	(pc) =	sbr.ind lr, $3  }
0x3a: {  	_ = 	snop  }
0x3b: {  	_ = 	snop  }
0x3c: {  	p2 =	seq.s32 s10, $0x1;
	s10 =	sld [smem:$0x3FB1]  }
0x3d: {  	_ =	shalt  }
0x3e: {  	_ =	shalt  }
0x3f: {  	_ =	shalt  }
0x40: {  	_ =	shalt  }
0x41: {  	_ =	shalt  }
0x42: {  	_ =	shalt  }
0x43: {  	_ =	shalt  }
0x44: {  	_ =	shalt  }
0x45: {  	_ =	shalt  }
0x46: {  	_ =	shalt  }
0x47: {  	_ =	shalt  }
0x48: {  	_ =	shalt  }
0x49: {  	_ =	shalt  }
0x4a: {  	_ =	shalt  }
0x4b: {  	_ =	shalt  }
0x4c: {  	_ =	shalt  }
0x4d: {  	_ =	shalt  }
0x4e: {  	_ =	shalt  }
0x4f: {  	_ =	shalt  }
0x50: {  	_ =	shalt  }
0x51: {  	_ =	shalt  }
0x52: {  	_ =	shalt  }
0x53: {  	_ =	shalt  }
0x54: {  	_ =	shalt  }
0x55: {  	_ =	shalt  }
0x56: {  	_ =	shalt  }
0x57: {  	_ =	shalt  }
0x58: {  	_ =	shalt  }
0x59: {  	_ =	shalt  }
0x5a: {  	_ =	shalt  }
0x5b: {  	_ =	shalt  }
0x5c: {  	_ =	shalt  }
0x5d: {  	_ =	shalt  }
0x5e: {  	_ =	shalt  }
0x5f: {  	_ =	shalt  }
0x60: {  	_ =	shalt  }
0x61: {  	_ =	shalt  }
0x62: {  	_ =	shalt  }
0x63: {  	_ =	shalt  }
0x64: {  	_ =	shalt  }
0x65: {  	_ =	shalt  }
0x66: {  	_ =	shalt  }
0x67: {  	_ =	shalt  }
0x68: {  	_ =	shalt  }
0x69: {  	_ =	shalt  }
0x6a: {  	_ =	shalt  }
0x6b: {  	_ =	shalt  }
0x6c: {  	_ =	shalt  }
0x6d: {  	_ =	shalt  }
0x6e: {  	_ =	shalt  }
0x6f: {  	_ =	shalt  }
0x70: {  	_ =	shalt  }
0x71: {  	_ =	shalt  }
0x72: {  	_ =	shalt  }
0x73: {  	_ =	shalt  }
0x74: {  	_ =	shalt  }
0x75: {  	_ =	shalt  }
0x76: {  	_ =	shalt  }
0x77: {  	_ =	shalt  }
0x78: {  	_ =	shalt  }
0x79: {  	_ =	shalt  }
0x7a: {  	_ =	shalt  }
0x7b: {  	_ =	shalt  }
0x7c: {  	_ =	shalt  }
0x7d: {  	_ =	shalt  }
0x7e: {  	_ =	shalt  }
0x7f: {  	_ =	shalt  }
0x80: {  	_ =	shalt  }
0x81: {  	_ =	shalt  }
0x82: {  	_ =	shalt  }
0x83: {  	_ =	shalt  }
0x84: {  	_ =	shalt  }
0x85: {  	_ =	shalt  }
0x86: {  	_ =	shalt  }
0x87: {  	_ =	shalt  }
.Lfunc_end0:
.L_simem_size_0:
called_computation_lowered:
.L_overlay_start_0:
0x88: {  	s2 =	sld [smem:$0x3FD9]  }
0x89: {  	s3 =	sld [smem:$0x3FFE];
	_ =	sdelay $0x1  }
0x8a: {  	s1 =	srdreg.scid  }
0x8b: {  	s0 =	sand.u32 $0x1, s1  }
0x8c: {  	s16 =	sshll.u32 s0, $0xA;
	s2 =	sadd.s32 s3, s2  }
0x8d: {  	s2 =	sadd.s32 s2, s16  }
0x8e: {  	[smem:$0x3FBD] =	sst s2  }
0x8f: {  	_ = 	snop  }
0x90: {  	(tm) =	ssettm $0x1  }
0x91: {  	s17 =	sld [smem:$0x3FFB];
	_ =	sdelay $0x3  }
0x92: {  	_ =	strace s17  }
0x93: {  	s2 =	sld [smem:$0x3FFC];
	_ =	sdelay $0x3  }
0x94: {  	_ =	strace s2  }
0x95: {  	s2 =	sld [smem:$0x3FFD];
	_ =	sdelay $0x3  }
0x96: {  	_ =	strace s2  }
0x97: {  	_ =	strace $0x8FFFFFFF  }
0x98: {  	s18 =	sld [smem:$0x3FDB];
	_ =	sdelay $0x1  }
0x99: {  	s19 =	simm.s32 $_scs_section_size  }
0x9a: {  	s4 =	simm.s32 $_size__tile_overlayer_lowered;
	s5 =	simm.s32 $_tile_overlayer_lowered  }
0x9b: {  	s22 =	simm.s32 $0x1BFF;
	s21 =	sshll.u32 s5, $0x1;
	s2 =	sadd.s32 s19, s18  }
0x9c: {  	s6 =	simm.s32 $0x0;
	s20 =	sshll.u32 s4, $0x1;
	s4 =	sadd.s32 s21, s2  }
0x9d: {  	[timem:s6], [sflag:s22] =	dma.local [hbm:s4], s20  }
0x9e: {  	_ =	swait.ge [sflag:s22], s20  }
0x9f: {  	s3 =	ssub.s32 $0x0, s20;
	[sflag:s22] =	ssyncset.done $0x0  }
0xa0: {  	[sflag:s22] =	ssyncadd.s32 s3;
	_ =	sdelay $0x1  }
0xa1: {  	s23 =	simm.s32 $0x1B8B  }
0xa2: {  	_ =	swait.ge [sflag:s23], $0x1  }
0xa3: {  	[sflag:s23] =	ssyncset.done $0x0  }
0xa4: {  	s25 =	simm.s32 $0x1B8E;
	s24 =	sld [smem:$0x3FFE];
	[sflag:s23] =	ssyncadd.s32 $0xFFFFFFFF  }
0xa5: {  	s26 =	simm.s32 $execute0_lowered;
	[smem:$0x3FD2] =	sst s25  }
0xa6: {  	s4 =	sshll.u32 s26, $0x1;
	_ =	strace $0x80000046;
	[dreg:$0x1] =	wrdreg $0xFFFFFFFF  }
0xa7: {  	s28 =	simm.s32 $_size_execute0_lowered;
	s2 =	sadd.s32 s2, s4;
	[dreg:$0x0] =	wrdreg $0x0  }
0xa8: {  	s4 =	sshll.u32 s28, $0x1;
	[dreg:$0x2] =	wrdreg s2  }
0xa9: {  	[dreg:$0x3] =	wrdreg s4  }
0xaa: {  	[dreg:$0x4] =	wrdreg $0xC0  }
0xab: {  	_ =	task [dreg:s6], $0x5FFFF  }
0xac: {  	[dreg:$0x1] =	wrdreg $0xFFFFFFFF  }
0xad: {  	[dreg:$0x0] =	wrdreg $0x60  }
0xae: {  	[dreg:$0x2] =	wrdreg s24  }
0xaf: {  	[dreg:$0x3] =	wrdreg $0x18E800  }
0xb0: {  	[dreg:$0x4] =	wrdreg $0x9  }
0xb1: {  	_ =	task.clear_ibuf [dreg:s6], $0x5FFFF;
	_ =	strace $0x90000046  }
0xb2: {  	s29 =	simm.s32 $0x9;
	_ =	strace $0x80000048  }
0xb3: {  	_ =	swait.ge [sflag:s29], $0x1  }
0xb4: {  	[sflag:s29] =	ssyncadd.s32 $0xFFFFFFFF  }
0xb5: {  	_ =	strace $0x90000048  }
0xb6: {  	_ =	sfence  }
0xb7: {  	s30 =	sld [smem:$0x0];
	_ =	sdelay $0x2  }
0xb8: {  	s31 =	sshll.u32 s1, $0xD;
	s1 =	sshrl.u32 s1, $0x2  }
0xb9: {  	s3 =	sand.u32 $0x4000, s31;
	s1 =	sadd.s32 s1, s30  }
0xba: {  	s0 =	sor.u32 s3, s0;
	s1 =	sshll.u32 s1, $0x11  }
0xbb: {  	s0 =	sor.u32 s1, s0  }
0xbc: {  	s0 =	sadd.s32 $0x8F2B, s0  }
0xbd: {  	[sflag:s0] =	ssyncadd.remote.s32 $0x1  }
0xbe: {  	_ =	sfence.sel $0xFFFF  }
0xbf: {  	[dreg:$0x0] =	wrdreg $0xFFFFFFFF;
	(pc) =	sbr.abs _section_cstart, $3  }
0xc0: {  	[dreg:$0x1] =	wrdreg $0xFFFFFFFF  }
0xc1: {  	_ =	task.clear_ibuf [dreg:s6], $0x2FFFF;
	_ =	strace $0x9FFFFFFF  }
0xc2: {  	(tm) =	ssettm $0x7FFFFFFF  }
0xc3: {  	_ =	shalt  }
tec
execute0_lowered:
.L_overlay_start_1:
0x0: {  	(tag) =	ssettag $0x1  }
0x1: {  	s0 =	rddreg [dreg:$0x0]  }
0x2: {  	s1 =	rddreg [dreg:$0x1];
	v0 =	vimm.f32 $0.0e+00;
	v1 =	vlaneseq.u32  }
0x3: {  	s2 =	srdreg.scid;
	s4 =	simm.s32 $0x0;
	s10 =	stileid.u32;
	v2 =	vor.u32 $0x10, v1;
	v3 =	vor.u32 $0x20, v1;
	v4 =	vor.u32 $0x30, v1  }
0x4: {  	s12 =	simm.s32 $0x9E00;
	s13 =	simm.s32 $0x80;
	s15 =	simm.s32 $0xC600;
	v5 =	vor.u32 $0x40, v1;
	v6 =	vor.u32 $0x50, v1;
	v7 =	vor.u32 $0x60, v1  }
0x5: {  	s18 =	simm.s32 $0xEF00;
	s19 =	simm.s32 $0xD600;
	s20 =	simm.s32 $0xEF80;
	v8 =	vor.u32 $0x70, v1;
	v9 =	vor.u32 $0x80, v1;
	v10 =	vor.u32 $0x90, v1  }
0x6: {  	s21 =	simm.s32 $0xDE00;
	s22 =	simm.s32 $0xF000;
	s23 =	simm.s32 $0xE600;
	v11 =	vor.u32 $0xA0, v1;
	v12 =	vor.u32 $0xB0, v1;
	v13 =	vor.u32 $0xC0, v1  }
0x7: {  	s24 =	simm.s32 $0xF080;
	s25 =	simm.s32 $0x11800;
	s26 =	simm.s32 $0x13F80;
	v14 =	vor.u32 $0xD0, v1;
	v15 =	vor.u32 $0xE0, v1;
	v16 =	vor.u32 $0xF0, v1  }
0x8: {  	s28 =	simm.s32 $0x16700;
	s29 =	simm.s32 $0x0;
	s2 =	sand.u32 $0x1, s2;
	v17 =	vor.u32 $0x100, v1;
	v18 =	vor.u32 $0x110, v1;
	v19 =	vor.u32 $0x120, v1  }
0x9: {  	[smem:$0x7FF] =	sst s4;
	s6 =	sadd.s32 $0x2600, s0;
	s31 =	smul.u32 $0x9E0, s10;
	v20 =	vor.u32 $0x130, v1;
	v21 =	vor.u32 $0x140, v1;
	v22 =	vor.u32 $0x150, v1  }
0xa: {  	s8 =	sadd.s32 $0x16200, s0;
	p0 =	sne.s32 s10, $0x0;
	v23 =	vor.u32 $0x160, v1;
	v24 =	vor.u32 $0x170, v1;
	v25 =	vor.u32 $0x180, v1;
	s3 =	sshll.u32 s2, $0x4  }
0xb: {  	v26 =	vor.u32 $0x190, v1;
	v27 =	vor.u32 $0x1A0, v1;
	v28 =	vor.u32 $0x1B0, v1;
	_ =	strace $0x80000047;
	s2 =	ssub.s32 $0x2, s2;
	s3 =	sor.u32 s10, s3  }
0xc: {  	v29 =	vor.u32 $0x1C0, v1;
	v30 =	vor.u32 $0x1D0, v1;
	v31 =	vor.u32 $0x1E0, v1;
	s30 =	sshrl.u32 s2, $0x1;
	s4 =	sadd.s32 s8, s31;
	s7 =	smul.u32 $0x4F0, s3  }
0xd: {  	v32 =	vor.u32 $0x1F0, v1;
	v33 =	vor.u32 $0x200, v1;
	v34 =	vor.u32 $0x210, v1;
	s10 =	simm.s32 $0x1;
	s2 =	ssub.s32 s2, s30;
	s3 =	sadd.s32 s6, s31  }
0xe: {  	v35 =	vor.u32 $0x220, v1;
	v36 =	vor.u32 $0x230, v1;
	v37 =	vor.u32 $0x240, v1;
	s9 =	smax.u32 s2, $0x1;
	s0 =	sadd.s32 s7, s0;
	s6 =	sadd.s32 s6, s7  }
0xf: {  	v38 =	vor.u32 $0x250, v1;
	v39 =	vor.u32 $0x260, v1;
	v40 =	vor.u32 $0x270, v1;
	s7 =	sadd.s32 s8, s7;
	s5 =	sadd.s32 $0xC400, s0;
	s8 =	sadd.s32 $0x20000, s0  }
.LBB2_1:
0x10: {  	s0 =	simm.s32 $0x40;
	s2 =	simm.s32 $0x0  }
.LBB2_2:
0x11: {  	p1 =	sne.s32 s0, $0x9FC0;
	[tilespmem:s2+$0x9E00] =	vst v0;
	s11 =	smov.u32 s0;
	s0 =	sadd.s32 $0x40, s0  }
.Ltmp0:
0x12: {  	[tilespmem:s2+$0xC600] =	vst v0;
	(pc) =	sbr.rel @p1 .LBB2_2-.Ltmp0, $2  }
0x13: {  	_ =	sdelay $0x2  }
0x14: {  	s2 =	sshra.s32 s11, $0x2  }
0x15: {  	[tilespmem:s2+$0x9E00] =	vst v0  }
0x16: {  	[tilespmem:s2+$0xC600] =	vst v0  }
0x17: {  	[tilespmem:$0xEE00] =	vst v1  }
0x18: {  	[tilespmem:$0xEE10] =	vst v2  }
0x19: {  	[tilespmem:$0xEE20] =	vst v3  }
0x1a: {  	[tilespmem:$0xEE30] =	vst v4  }
0x1b: {  	[tilespmem:$0xEE40] =	vst v5  }
0x1c: {  	[tilespmem:$0xEE50] =	vst v6  }
0x1d: {  	[tilespmem:$0xEE60] =	vst v7  }
0x1e: {  	[tilespmem:$0xEE70] =	vst v8  }
0x1f: {  	[tilespmem:$0xEE80] =	vst v9  }
0x20: {  	[tilespmem:$0xEE90] =	vst v10  }
0x21: {  	[tilespmem:$0xEEA0] =	vst v11  }
0x22: {  	[tilespmem:$0xEEB0] =	vst v12  }
0x23: {  	[tilespmem:$0xEEC0] =	vst v13  }
0x24: {  	[tilespmem:$0xEED0] =	vst v14  }
0x25: {  	[tilespmem:$0xEEE0] =	vst v15  }
0x26: {  	[tilespmem:$0xEEF0] =	vst v16  }
0x27: {  	[tilespmem:$0xEF00] =	vst v17  }
0x28: {  	[tilespmem:$0xEF10] =	vst v18  }
0x29: {  	[tilespmem:$0xEF20] =	vst v19  }
0x2a: {  	[tilespmem:$0xEF30] =	vst v20  }
0x2b: {  	[tilespmem:$0xEF40] =	vst v21  }
0x2c: {  	[tilespmem:$0xEF50] =	vst v22  }
0x2d: {  	[tilespmem:$0xEF60] =	vst v23  }
0x2e: {  	[tilespmem:$0xEF70] =	vst v24  }
0x2f: {  	[tilespmem:$0xEF80] =	vst v25  }
0x30: {  	[tilespmem:$0xEF90] =	vst v26  }
0x31: {  	[tilespmem:$0xEFA0] =	vst v27  }
0x32: {  	[tilespmem:$0xEFB0] =	vst v28  }
0x33: {  	[tilespmem:$0xEFC0] =	vst v29  }
0x34: {  	[tilespmem:$0xEFD0] =	vst v30  }
0x35: {  	[tilespmem:$0xEFE0] =	vst v31  }
0x36: {  	[tilespmem:$0xEFF0] =	vst v32  }
0x37: {  	[tilespmem:$0xF000] =	vst v33  }
0x38: {  	[tilespmem:$0xF010] =	vst v34  }
0x39: {  	[tilespmem:$0xF020] =	vst v35  }
0x3a: {  	[tilespmem:$0xF030] =	vst v36  }
0x3b: {  	[tilespmem:$0xF040] =	vst v37  }
0x3c: {  	[tilespmem:$0xF050] =	vst v38  }
0x3d: {  	[tilespmem:$0xF060] =	vst v39  }
0x3e: {  	s0 =	simm.s32 @!p0 $0xC600;
	[tilespmem:$0xF070] =	vst v40  }
0x3f: {  	[spmem:s1] =	stream.linear.scatter @!p0 [tilespmem:s0], [sflag:$0x1], $0x2800, $0x38;
	[tilespmem:$0x19100] =	vst v63  }
0x40: {  	s0 =	simm.s32 @!p0 $0x1  }
0x41: {  	_ =	swait.ge @!p0 [sflag:s0], $0x2800  }
0x42: {  	[sflag:s0] =	ssyncset.done @!p0 $0x0  }
0x43: {  	[sflag:s0] =	ssyncadd.s32 @!p0 $0xFFFFD800  }
0x44: {  	s30 =	simm.s32 $0x0;
	[bflag:$0x0] =	sbarrier.arrive $0xFFFF  }
0x45: {  	[tilespmem:s30], [sflag:$0x1] =	stream.linear.gather [hbm4b:s3+s30], $0x4F00, $0x38;
	[tilespmem:$0x19100] =	vst v63  }
0x46: {  	_ =	swait.ge [sflag:s10], $0x4F00  }
0x47: {  	[sflag:s10] =	ssyncset.done $0x0  }
0x48: {  	s31 =	simm.s32 $0x4F00;
	[sflag:s10] =	ssyncadd.s32 $0xFFFFB100  }
0x49: {  	[tilespmem:s31], [sflag:$0x1] =	stream.linear.gather [hbm4b:s4+s30], $0x4F00, $0x38;
	[tilespmem:$0x19100] =	vst v63  }
0x4a: {  	_ =	swait.ge [sflag:s10], $0x4F00  }
0x4b: {  	[sflag:s10] =	ssyncset.done $0x0  }
0x4c: {  	s2 =	simm.s32 $0x0;
	s0 =	simm.s32 $0x40;
	[sflag:s10] =	ssyncadd.s32 $0xFFFFB100  }
.LBB2_4:
0x4d: {  	p1 =	sne.s32 s0, $0x13BC0;
	v41 =	vld [tilespmem:s2+$0x0];
	_ =	sdelay $0x2  }
0x4e: {  	v42 =	vld [tilespmem:s2+$0x4F00]  }
.Ltmp1:
0x4f: {  	(pc) =	sbr.rel @p1 .LBB2_4-.Ltmp1, $2  }
0x50: {  	_ =	sdelay $0x2  }
0x51: {  	s2 =	sshra.s32 s0, $0x2;
	s0 =	sadd.s32 $0x40, s0;
	[tilespmem:v41+s12+$0x0] =	vst.idx.add.f32.msk $0xffff, v42  }
0x52: {  	v41 =	vld [tilespmem:s2+$0x0];
	_ =	sdelay $0x2  }
0x53: {  	v42 =	vld [tilespmem:s2+$0x4F00];
	_ =	sdelay $0x4  }
0x54: {  	s0 =	simm.s32 $0x0;
	[tilespmem:v41+s12+$0x0] =	vst.idx.add.f32.msk $0xffff, v42  }
0x55: {  	s2 =	simm.s32 $0x40;
	v41 =	vld [tilespmem:s0+$0x9E00]  }
.LBB2_6:
0x56: {  	p1 =	sne.s32 s2, $0x9FC0  }
.Ltmp2:
0x57: {  	_ = 	snop;
	(pc) =	sbr.rel @p1 .LBB2_6-.Ltmp2, $3  }
0x58: {  	_ =	sdelay $0x1  }
0x59: {  	[tilespmem:s0+$0xC600] =	vst v41;
	s0 =	sshra.s32 s2, $0x2;
	s2 =	sadd.s32 $0x40, s2  }
0x5a: {  	v41 =	vld [tilespmem:s0+$0x9E00]  }
0x5b: {  	_ =	sdelay $0x3  }
0x5c: {  	s16 =	simm.s32 $0xEE00;
	[tilespmem:s0+$0xC600] =	vst v41  }
0x5d: {  	[spmem:s1] =	stream.indirect.scatter.add.f32 [tilespmem:s15], [sflag:$0x1], $0x10, s16, s13, $0xb8;
	[tilespmem:$0x19100] =	vst v63  }
0x5e: {  	_ =	swait.ge [sflag:s10], $0x800  }
0x5f: {  	[sflag:s10] =	ssyncset.done $0x0  }
0x60: {  	s17 =	simm.s32 $0xEE80;
	s2 =	simm.s32 $0xCE00;
	[sflag:s10] =	ssyncadd.s32 $0xFFFFF800  }
0x61: {  	[spmem:s1] =	stream.indirect.scatter.add.f32 [tilespmem:s2], [sflag:$0x1], $0x10, s17, s13, $0xb8;
	[tilespmem:$0x19100] =	vst v63  }
0x62: {  	_ =	swait.ge [sflag:s10], $0x800  }
0x63: {  	[sflag:s10] =	ssyncset.done $0x0  }
0x64: {  	[sflag:s10] =	ssyncadd.s32 $0xFFFFF800  }
0x65: {  	[spmem:s1] =	stream.indirect.scatter.add.f32 [tilespmem:s19], [sflag:$0x1], $0x10, s18, s13, $0xb8;
	[tilespmem:$0x19100] =	vst v63  }
0x66: {  	_ =	swait.ge [sflag:s10], $0x800  }
0x67: {  	[sflag:s10] =	ssyncset.done $0x0  }
0x68: {  	[sflag:s10] =	ssyncadd.s32 $0xFFFFF800  }
0x69: {  	[spmem:s1] =	stream.indirect.scatter.add.f32 [tilespmem:s21], [sflag:$0x1], $0x10, s20, s13, $0xb8;
	[tilespmem:$0x19100] =	vst v63  }
0x6a: {  	_ =	swait.ge [sflag:s10], $0x800  }
0x6b: {  	[sflag:s10] =	ssyncset.done $0x0  }
0x6c: {  	[sflag:s10] =	ssyncadd.s32 $0xFFFFF800  }
0x6d: {  	[spmem:s1] =	stream.indirect.scatter.add.f32 [tilespmem:s23], [sflag:$0x1], $0x10, s22, s13, $0xb8;
	[tilespmem:$0x19100] =	vst v63  }
0x6e: {  	_ =	swait.ge [sflag:s10], $0x800  }
0x6f: {  	[sflag:s10] =	ssyncset.done $0x0  }
0x70: {  	[sflag:s10] =	ssyncadd.s32 $0xFFFFF800  }
0x71: {  	[bflag:$0x0] =	sbarrier.arrive $0xFFFF  }
0x72: {  	[tilespmem:s15], [sflag:$0x1] =	stream.linear.gather [spmem:s1], $0x2800, $0x38;
	[tilespmem:$0x19100] =	vst v63  }
0x73: {  	_ =	swait.ge [sflag:s10], $0x2800  }
0x74: {  	[sflag:s10] =	ssyncset.done $0x0  }
0x75: {  	s31 =	simm.s32 $0x0;
	[sflag:s10] =	ssyncadd.s32 $0xFFFFD800  }
0x76: {  	v62 =	vld [tilespmem:s31+$0xC600];
	_ =	sdelay $0x3  }
0x77: {  	s30 =	simm.s32 $0x10  }
0x78: {  	v42 =	vld [tilespmem:s30+$0xC600];
	v41 =	vadd.f32 $9.999999960e-13, v62;
	_ =	sdelay $0x1  }
0x79: {  	v43 =	vshrl.u32 v41, $0x1;
	v44 =	vmul.f32 $5.000000000e-01, v41  }
0x7a: {  	v63 =	vsub.s32 $0x5F3759DF, v43  }
0x7b: {  	v43 =	vmul.f32 v63, v44  }
0x7c: {  	v42 =	vadd.f32 $9.999999960e-13, v42  }
0x7d: {  	s0 =	simm.s32 $0x20;
	v43 =	vmul.f32 v63, v43  }
0x7e: {  	v45 =	vld [tilespmem:s0+$0xC600];
	v46 =	vshrl.u32 v42, $0x1;
	v48 =	vmul.f32 $5.000000000e-01, v42  }
0x7f: {  	v52 =	vsub.s32 $0x5F3759DF, v46;
	v51 =	vsub.f32 $1.500000000e+00, v43  }
0x80: {  	v46 =	vmul.f32 v52, v48  }
0x81: {  	v42 =	vmul.f32 v63, v51  }
0x82: {  	s2 =	simm.s32 $0x30;
	v46 =	vmul.f32 v52, v46  }
0x83: {  	v54 =	vld [tilespmem:s2+$0xC600];
	v53 =	vadd.f32 $9.999999960e-13, v45;
	v47 =	vmul.f32 v42, v44  }
0x84: {  	v46 =	vsub.f32 $1.500000000e+00, v46  }
0x85: {  	v49 =	vshrl.u32 v53, $0x1;
	v41 =	vmul.f32 $5.000000000e-01, v53;
	v47 =	vmul.f32 v47, v42  }
0x86: {  	v49 =	vsub.s32 $0x5F3759DF, v49;
	v43 =	vmul.f32 v52, v46  }
0x87: {  	s11 =	simm.s32 $0x40;
	v50 =	vmul.f32 v49, v41;
	v55 =	vsub.f32 $1.500000000e+00, v47  }
0x88: {  	v56 =	vld [tilespmem:s11+$0xC600];
	v45 =	vadd.f32 $9.999999960e-13, v54;
	v51 =	vmul.f32 v43, v48  }
0x89: {  	v50 =	vmul.f32 v49, v50;
	v46 =	vmul.f32 v55, v42  }
0x8a: {  	v52 =	vshrl.u32 v45, $0x1;
	v58 =	vmul.f32 v51, v43;
	v42 =	vmul.f32 $5.000000000e-01, v45  }
0x8b: {  	v57 =	vsub.f32 $1.500000000e+00, v50;
	v53 =	vsub.s32 $0x5F3759DF, v52;
	v44 =	vmul.f32 v46, v44  }
0x8c: {  	v60 =	vsub.f32 $1.500000000e+00, v58;
	v59 =	vmul.f32 v53, v42  }
0x8d: {  	v47 =	vadd.f32 $9.999999960e-13, v56;
	v45 =	vmul.f32 v49, v57;
	v44 =	vmul.f32 v44, v46  }
0x8e: {  	s14 =	simm.s32 $0x50;
	v43 =	vmul.f32 v60, v43;
	v61 =	vmul.f32 v53, v59  }
0x8f: {  	v51 =	vld [tilespmem:s14+$0xC600];
	v63 =	vshrl.u32 v47, $0x1;
	v62 =	vmul.f32 v45, v41;
	v54 =	vsub.f32 $1.500000000e+00, v44  }
0x90: {  	v49 =	vmul.f32 v43, v48;
	v44 =	vmul.f32 $5.000000000e-01, v47;
	v55 =	vsub.f32 $1.500000000e+00, v61  }
0x91: {  	v50 =	vmul.f32 v62, v45;
	v47 =	vsub.s32 $0x5F3759DF, v63;
	v46 =	vmul.f32 v54, v46  }
0x92: {  	s16 =	simm.s32 $0x180;
	v52 =	vmul.f32 v47, v44;
	v48 =	vmul.f32 v53, v55  }
.LBB2_8:
0x93: {  	s17 =	sshra.s32 s16, $0x2  }
0x94: {  	v53 =	vadd.f32 $9.999999960e-13, v51;
	v50 =	vsub.f32 $1.500000000e+00, v50;
	v49 =	vmul.f32 v49, v43;
	[tilespmem:s31+$0x9E00] =	vst v46;
	s31 =	smov.u32 s30;
	s30 =	smov.u32 s0;
	p1 =	sne.s32 s16, $0x9FC0  }
.Ltmp3:
0x95: {  	s0 =	smov.u32 s2;
	s2 =	smov.u32 s11;
	v51 =	vld [tilespmem:s17+$0xC600];
	v46 =	vmul.f32 v47, v52;
	v52 =	vmul.f32 v48, v42;
	(pc) =	sbr.rel @p1 .LBB2_8-.Ltmp3, $4  }
0x96: {  	s16 =	sadd.s32 $0x40, s16;
	s11 =	smov.u32 s14;
	v54 =	vshrl.u32 v53, $0x1;
	v55 =	vmul.f32 v50, v45;
	v56 =	vsub.f32 $1.500000000e+00, v49;
	v45 =	vmovc v48  }
0x97: {  	s14 =	smov.u32 s17;
	v53 =	vmul.f32 $5.000000000e-01, v53;
	v48 =	vsub.f32 $1.500000000e+00, v46;
	v50 =	vmul.f32 v52, v45  }
0x98: {  	v54 =	vsub.s32 $0x5F3759DF, v54;
	v49 =	vmul.f32 v55, v41;
	v46 =	vmul.f32 v56, v43;
	v43 =	vmovc v55;
	v41 =	vmovc v42  }
0x99: {  	v52 =	vmul.f32 v54, v53;
	v42 =	vmovc v44;
	v44 =	vmovc v53;
	v48 =	vmul.f32 v47, v48;
	v47 =	vmov v54  }
0x9a: {  	v51 =	vadd.f32 $9.999999960e-13, v51;
	_ =	sdelay $0x1  }
0x9b: {  	v53 =	vshrl.u32 v51, $0x1;
	v51 =	vmul.f32 $5.000000000e-01, v51  }
0x9c: {  	v53 =	vsub.s32 $0x5F3759DF, v53  }
0x9d: {  	v54 =	vmul.f32 v53, v51  }
0x9e: {  	v52 =	vmul.f32 v47, v52  }
0x9f: {  	v54 =	vmul.f32 v53, v54  }
0xa0: {  	v52 =	vsub.f32 $1.500000000e+00, v52  }
0xa1: {  	v54 =	vsub.f32 $1.500000000e+00, v54  }
0xa2: {  	v58 =	vmul.f32 v47, v52  }
0xa3: {  	v59 =	vmul.f32 v48, v42;
	v53 =	vmul.f32 v53, v54  }
0xa4: {  	v60 =	vmul.f32 v58, v44  }
0xa5: {  	v52 =	vmul.f32 v59, v48;
	v55 =	vmul.f32 v53, v51  }
0xa6: {  	v50 =	vsub.f32 $1.500000000e+00, v50;
	v54 =	vmul.f32 v60, v58  }
0xa7: {  	v52 =	vsub.f32 $1.500000000e+00, v52;
	v55 =	vmul.f32 v55, v53  }
0xa8: {  	v45 =	vmul.f32 v50, v45;
	v61 =	vsub.f32 $1.500000000e+00, v54  }
0xa9: {  	v49 =	vmul.f32 v49, v43;
	v62 =	vmul.f32 v52, v48;
	v63 =	vsub.f32 $1.500000000e+00, v55  }
0xaa: {  	v41 =	vmul.f32 v45, v41;
	v47 =	vmul.f32 v61, v58  }
0xab: {  	v54 =	vmul.f32 v62, v42;
	v55 =	vmul.f32 v63, v53  }
0xac: {  	v41 =	vmul.f32 v41, v45;
	v56 =	vmul.f32 v47, v44  }
0xad: {  	v49 =	vsub.f32 $1.500000000e+00, v49;
	v42 =	vmul.f32 v54, v62;
	v51 =	vmul.f32 v55, v51  }
0xae: {  	v41 =	vsub.f32 $1.500000000e+00, v41;
	v44 =	vmul.f32 v56, v47  }
0xaf: {  	v57 =	vmul.f32 v49, v43;
	v42 =	vsub.f32 $1.500000000e+00, v42;
	v58 =	vmul.f32 v51, v55  }
0xb0: {  	[tilespmem:s31+$0x9E00] =	vst v46;
	v41 =	vmul.f32 v41, v45;
	v44 =	vsub.f32 $1.500000000e+00, v44  }
0xb1: {  	[tilespmem:s30+$0x9E00] =	vst v57;
	v42 =	vmul.f32 v42, v62;
	v59 =	vsub.f32 $1.500000000e+00, v58  }
0xb2: {  	[tilespmem:s0+$0x9E00] =	vst v41;
	v60 =	vmul.f32 v44, v47  }
0xb3: {  	[tilespmem:s2+$0x9E00] =	vst v42;
	v61 =	vmul.f32 v59, v55  }
0xb4: {  	[tilespmem:s11+$0x9E00] =	vst v60  }
0xb5: {  	s31 =	simm.s32 $0x0;
	[tilespmem:s14+$0x9E00] =	vst v61  }
0xb6: {  	[tilespmem:s24], [sflag:$0x1] =	stream.linear.gather [hbm4b:s5+s31], $0x2780, $0x38;
	[tilespmem:$0x19100] =	vst v63  }
0xb7: {  	_ =	swait.ge [sflag:s10], $0x2780  }
0xb8: {  	[sflag:s10] =	ssyncset.done $0x0  }
0xb9: {  	[sflag:s10] =	ssyncadd.s32 $0xFFFFD880  }
0xba: {  	[tilespmem:s25], [sflag:$0x1] =	stream.linear.gather [hbm4b:s6+s31], $0x2780, $0x38;
	[tilespmem:$0x19100] =	vst v63  }
0xbb: {  	_ =	swait.ge [sflag:s10], $0x2780  }
0xbc: {  	[sflag:s10] =	ssyncset.done $0x0  }
0xbd: {  	[sflag:s10] =	ssyncadd.s32 $0xFFFFD880  }
0xbe: {  	[tilespmem:s26], [sflag:$0x1] =	stream.linear.gather [hbm4b:s7+s31], $0x2780, $0x38;
	[tilespmem:$0x19100] =	vst v63  }
0xbf: {  	_ =	swait.ge [sflag:s10], $0x2780  }
0xc0: {  	[sflag:s10] =	ssyncset.done $0x0  }
0xc1: {  	s0 =	simm.s32 $0x0;
	[sflag:s10] =	ssyncadd.s32 $0xFFFFD880  }
0xc2: {  	v62 =	vld [tilespmem:s0+$0xF080]  }
0xc3: {  	v63 =	vld [tilespmem:s0+$0x11800];
	_ =	sdelay $0x5  }
0xc4: {  	v42 =	vld [tilespmem:s0+$0x13F80]  }
0xc5: {  	v41 =	vld.idx.msk [tilespmem:v62+s12+$0x0], $0xffff  }
0xc6: {  	s2 =	simm.s32 $0x10;
	s11 =	simm.s32 $0x80;
	v43 =	vld.idx.msk [tilespmem:v63+s12+$0x0], $0xffff  }
.LBB2_10:
0xc7: {  	p1 =	sne.s32 s11, $0x9DC0;
	v44 =	vld [tilespmem:s2+$0xF080];
	_ =	sdelay $0x1  }
0xc8: {  	v45 =	vld [tilespmem:s2+$0x11800]  }
0xc9: {  	v41 =	vmul.f32 v41, v42;
	_ =	sdelay $0x1  }
0xca: {  	v41 =	vmul.f32 v43, v41  }
.Ltmp4:
0xcb: {  	(pc) =	sbr.rel @p1 .LBB2_10-.Ltmp4, $4  }
0xcc: {  	[tilespmem:s0+$0x16700] =	vst v41;
	s0 =	smov.u32 s2  }
0xcd: {  	v41 =	vld.idx.msk [tilespmem:v44+s12+$0x0], $0xffff  }
0xce: {  	v42 =	vld [tilespmem:s0+$0x13F80]  }
0xcf: {  	s2 =	sshra.s32 s11, $0x2;
	s11 =	sadd.s32 $0x40, s11;
	v43 =	vld.idx.msk [tilespmem:v45+s12+$0x0], $0xffff  }
0xd0: {  	v44 =	vld [tilespmem:s2+$0xF080];
	_ =	sdelay $0x2  }
0xd1: {  	v45 =	vld [tilespmem:s2+$0x11800];
	v41 =	vmul.f32 v41, v42;
	_ =	sdelay $0x1  }
0xd2: {  	v41 =	vmul.f32 v43, v41;
	_ =	sdelay $0x1  }
0xd3: {  	[tilespmem:s0+$0x16700] =	vst v41  }
0xd4: {  	v41 =	vld.idx.msk [tilespmem:v44+s12+$0x0], $0xffff  }
0xd5: {  	v62 =	vld [tilespmem:s2+$0x13F80];
	_ =	sdelay $0x1  }
0xd6: {  	v63 =	vld.idx.msk [tilespmem:v45+s12+$0x0], $0xffff;
	_ =	sdelay $0x2  }
0xd7: {  	v41 =	vmul.f32 v41, v62;
	_ =	sdelay $0x1  }
0xd8: {  	s29 =	sadd.s32 $0x1, s29;
	v41 =	vmul.f32 v63, v41  }
0xd9: {  	p1 =	sne.s32 s29, s9  }
.Ltmp5:
0xda: {  	s31 =	simm.s32 $0x0;
	[tilespmem:s2+$0x16700] =	vst v41;
	(pc) =	sbr.rel @p1 .LBB2_1-.Ltmp5, $4  }
0xdb: {  	[hbm4b:s8+s31] =	stream.linear.scatter [tilespmem:s28], [sflag:$0x1], $0x2780, $0x38;
	[tilespmem:$0x19100] =	vst v63  }
0xdc: {  	_ =	swait.ge [sflag:s10], $0x2780  }
0xdd: {  	[sflag:s10] =	ssyncset.done $0x0  }
0xde: {  	[sflag:s10] =	ssyncadd.s32 $0xFFFFD880  }
0xdf: {  	_ =	sfence.sel $0x180000  }
0xe0: {  	[bflag:$0x0] =	sbarrier.arrive $0xFFFF  }
0xe1: {  	_ =	strace $0x90000047  }
0xe2: {  	[bflag:$0x2] =	sbarrier.arrive $0xFFFF  }
0xe3: {  	s0 =	rddreg [dreg:$0x2]  }
0xe4: {  	s0 =	sadd.s32 @!p0 $0x100000, s0  }
0xe5: {  	[sflag:s0] =	ssyncadd.tile.s32 @!p0 $0x1;
	_ =	shalt  }
.Lfunc_end2:
_tile_overlayer_lowered:
.L_overlay_start_2:
0xe6: {  	(tag) =	ssettag $0x2  }
0xe7: {  	s0 =	rddreg [dreg:$0x0];
	s2 =	stileid.u32  }
0xe8: {  	s1 =	rddreg [dreg:$0x1];
	p0 =	sne.s32 s2, $0x0  }
0xe9: {  	s3 =	rddreg [dreg:$0x2];
	[bflag:$0x3] =	sbarrier.arrive $0xFFFF;
	s2 =	simm.s32 @!p0 $0x1C01  }
0xea: {  	[timem:s3], [sflag:s2] =	dma.local @!p0 [hbm:s0], s1  }
0xeb: {  	s0 =	simm.s32 @!p0 $0x1  }
0xec: {  	_ =	swait.ge @!p0 [sflag:s0], s1  }
0xed: {  	s1 =	ssub.s32 @!p0 $0x0, s1;
	[sflag:s0] =	ssyncset.done @!p0 $0x0  }
0xee: {  	[sflag:s0] =	ssyncadd.s32 @!p0 s1  }
0xef: {  	[bflag:$0x3] =	sbarrier.arrive $0xFFFF  }
0xf0: {  	_ =	shalt  }

</sc_bundles>
